<compile_context>
chip_gen: v7x
topology: tpu7x:2x2x1
jax: 0.10.2.dev20260603
libtpu: 0.0.44.dev20260713+nightly
codegen_flags: <defaults>
</compile_context>

<pallas_src>
import jax
import jax.numpy as jnp
from jax import lax
from jax.experimental import pallas as pl
from jax.experimental.pallas import tpu as pltpu
from jax.experimental.pallas import tpu_sc as plsc

N = 10000
E = 320000
D = 128
H = 4
HD = D // H

NC = 2
NS = 16
NW = NC * NS
L = 16

EPW = E // NW
C = 80
NCHUNK = EPW // C

NPAD = 10240
STRIPE = NPAD // NS

_EPS = 1e-8

_SC_PARAMS = pltpu.CompilerParams(
    use_tc_tiling_on_sc=False, needs_layout_passes=False)


def _mesh():
    return plsc.VectorSubcoreMesh(core_axis_name="c", subcore_axis_name="s",
                                  num_cores=NC, num_subcores=NS)


def _qkv_body(emb_ref, q_ref, k_ref, v_ref, qn_ref, kn_ref, vn_ref):
    e = emb_ref[...]
    qn_ref[...] = jnp.dot(e, q_ref[...], preferred_element_type=jnp.float32)
    kn_ref[...] = jnp.dot(e, k_ref[...], preferred_element_type=jnp.float32)
    vn_ref[...] = jnp.dot(e, v_ref[...], preferred_element_type=jnp.float32)


def _qkv(emb_pad, qT, kT, vT):
    blk = 1024
    nd = jax.ShapeDtypeStruct((NPAD, D), jnp.float32)
    wspec = pl.BlockSpec((D, D), lambda i: (0, 0))
    nspec = pl.BlockSpec((blk, D), lambda i: (i, 0))
    return pl.pallas_call(
        _qkv_body,
        grid=(NPAD // blk,),
        in_specs=[nspec, wspec, wspec, wspec],
        out_specs=[nspec, nspec, nspec],
        out_shape=[nd, nd, nd],
    )(emb_pad, qT, kT, vT)


def _edge_body(qn, kn, rows, cols, expatt, normp,
               rv0, cv0, qe0, ke0, vatt0, rv1, cv1, qe1, ke1, vatt1,
               eaf, bflat, norm_sh, zbuf,
               sq0, sk0, st0, sq1, sk1, st1):
    cid = lax.axis_index("c")
    sid = lax.axis_index("s")
    wid = cid * NS + sid
    bufs = ((rv0, cv0, qe0, ke0, vatt0, sq0, sk0, st0),
            (rv1, cv1, qe1, ke1, vatt1, sq1, sk1, st1))

    zero16 = jnp.zeros((L,), jnp.float32)

    @pl.loop(0, STRIPE)
    def _zero(r):
        zbuf[r, pl.ds(0, L)] = zero16

    pltpu.sync_copy(zbuf, norm_sh.at[pl.ds(sid * STRIPE, STRIPE)])
    plsc.subcore_barrier()

    iota = lax.iota(jnp.int32, L)

    def start(b, c, first=False):
        rv, cv, qe, ke, vatt, sq, sk, st = bufs[b]
        if not first:
            pltpu.make_async_copy(vatt, norm_sh.at[rv], st).wait()
        base = wid * EPW + c * C
        pltpu.sync_copy(rows.at[pl.ds(base, C)], rv)
        pltpu.sync_copy(cols.at[pl.ds(base, C)], cv)
        pltpu.async_copy(qn.at[rv], qe, sq)
        pltpu.async_copy(kn.at[cv], ke, sk)

    def finish(b, c):
        rv, cv, qe, ke, vatt, sq, sk, st = bufs[b]
        pltpu.make_async_copy(qn.at[rv], qe, sq).wait()
        pltpu.make_async_copy(kn.at[cv], ke, sk).wait()

        @plsc.parallel_loop(0, C, unroll=8)
        def _edge(e):
            q = [qe[e, pl.ds(L * j, L)] for j in range(D // L)]
            k = [ke[e, pl.ds(L * j, L)] for j in range(D // L)]
            a = []
            for h in range(H):
                m = q[2 * h] * k[2 * h] + q[2 * h + 1] * k[2 * h + 1]
                s = jnp.sum(m)
                s = jnp.minimum(jnp.maximum(s, -10.0), 10.0)
                a.append(jnp.exp(jnp.full((L,), s, jnp.float32)))
            comb = jnp.where(iota == 0, a[0],
                             jnp.where(iota == 1, a[1],
                                       jnp.where(iota == 2, a[2], a[3])))
            vatt[e, pl.ds(0, L)] = comb
            plsc.store_scatter(eaf, [e * H + iota], comb, mask=iota < H)

        pltpu.async_copy(vatt, norm_sh.at[rv], st, add=True)
        base = wid * EPW + c * C
        pltpu.sync_copy(eaf, expatt.at[pl.ds(base * H, C * H)])

    start(0, 0, first=True)
    start(1, 1, first=True)

    @pl.loop(0, NCHUNK, step=2)
    def _chunk(i):
        finish(0, i)

        @pl.when(i + 2 < NCHUNK)
        def _s0():
            start(0, i + 2)

        @pl.when(i + 1 < NCHUNK)
        def _odd():
            finish(1, i + 1)

            @pl.when(i + 3 < NCHUNK)
            def _s1():
                start(1, i + 3)

    pltpu.make_async_copy(vatt0, norm_sh.at[rv0], st0).wait()
    pltpu.make_async_copy(vatt1, norm_sh.at[rv1], st1).wait()
    plsc.subcore_barrier()
    pltpu.sync_copy(norm_sh.at[pl.ds(sid * STRIPE, STRIPE)], zbuf)
    rsub = lax.shift_right_logical(iota, 2)
    csub = lax.bitwise_and(iota, 3)

    @pl.loop(0, STRIPE, step=4)
    def _repack(r):
        v = plsc.load_gather(zbuf, [r + rsub, csub])
        bflat[pl.ds(r * H, L)] = v

    out0 = cid * (NPAD * H) + sid * (STRIPE * H)
    pltpu.sync_copy(bflat, normp.at[pl.ds(out0, STRIPE * H)])


def _edge_pass(qn, kn, rows, cols):
    f = pl.kernel(
        _edge_body,
        out_type=[
            jax.ShapeDtypeStruct((E * H,), jnp.float32),
            jax.ShapeDtypeStruct((NC * NPAD * H,), jnp.float32),
        ],
        mesh=_mesh(),
        scratch_types=[
            pltpu.VMEM((C,), jnp.int32),
            pltpu.VMEM((C,), jnp.int32),
            pltpu.VMEM((C, D), jnp.float32),
            pltpu.VMEM((C, D), jnp.float32),
            pltpu.VMEM((C, L), jnp.float32),
            pltpu.VMEM((C,), jnp.int32),
            pltpu.VMEM((C,), jnp.int32),
            pltpu.VMEM((C, D), jnp.float32),
            pltpu.VMEM((C, D), jnp.float32),
            pltpu.VMEM((C, L), jnp.float32),
            pltpu.VMEM((C * H,), jnp.float32),
            pltpu.VMEM((STRIPE * H,), jnp.float32),
            pltpu.VMEM_SHARED((NPAD, L), jnp.float32),
            pltpu.VMEM((STRIPE, L), jnp.float32),
            pltpu.SemaphoreType.DMA,
            pltpu.SemaphoreType.DMA,
            pltpu.SemaphoreType.DMA,
            pltpu.SemaphoreType.DMA,
            pltpu.SemaphoreType.DMA,
            pltpu.SemaphoreType.DMA,
        ],
        compiler_params=_SC_PARAMS,
    )
    return f(qn, kn, rows, cols)


def _recip_body(n_ref, r_ref):
    half = NPAD * H // D
    r_ref[...] = 1.0 / (n_ref[:half] + n_ref[half:] + _EPS)


def _recip(normp):
    n2 = normp.reshape(NC * NPAD * H // D, D)
    out = pl.pallas_call(
        _recip_body,
        out_shape=jax.ShapeDtypeStruct((NPAD * H // D, D), jnp.float32),
    )(n2)
    return out.reshape(NPAD * H)


def _aggr_body(vn, rows, cols, expatt, recip, att, numerp,
               rv0, cv0, ve0, ea0, rv1, cv1, ve1, ea1,
               idx2, rcp, attb, val, numer_sh, zbuf,
               sv0, sv1, semr):
    cid = lax.axis_index("c")
    sid = lax.axis_index("s")
    wid = cid * NS + sid
    bufs = ((rv0, cv0, ve0, ea0, sv0), (rv1, cv1, ve1, ea1, sv1))

    zero16 = jnp.zeros((L,), jnp.float32)

    @pl.loop(0, STRIPE // 5)
    def _zero(r):
        for j in range(D // L):
            zbuf[r, pl.ds(L * j, L)] = zero16

    for p in range(5):
        pltpu.sync_copy(
            zbuf, numer_sh.at[pl.ds(sid * STRIPE + p * (STRIPE // 5),
                                    STRIPE // 5)])
    plsc.subcore_barrier()

    iota = lax.iota(jnp.int32, L)
    e_sub = lax.shift_right_logical(iota, 2)
    h_sub = lax.bitwise_and(iota, 3)

    def start(b, c):
        rv, cv, ve, ea, sv = bufs[b]
        base = wid * EPW + c * C
        pltpu.sync_copy(rows.at[pl.ds(base, C)], rv)
        pltpu.sync_copy(cols.at[pl.ds(base, C)], cv)
        pltpu.sync_copy(expatt.at[pl.ds(base * H, C * H)], ea)
        pltpu.async_copy(vn.at[cv], ve, sv)

    def finish(b, c):
        rv, cv, ve, ea, sv = bufs[b]

        @plsc.parallel_loop(0, C, step=4, unroll=4)
        def _idx16(e0):
            rvv = plsc.load_gather(rv, [e0 + e_sub])
            j = e0 // (C // H)
            u = e0 % (C // H)
            idx2[j, pl.ds(u * H, L)] = rvv * H + h_sub

        cps = [pltpu.async_copy(recip.at[idx2.at[j]],
                                rcp.at[pl.ds(C * j, C)], semr)
               for j in range(H)]
        for cp in cps:
            cp.wait()

        @plsc.parallel_loop(0, C * H // L, unroll=4)
        def _att16(u):
            attb[pl.ds(L * u, L)] = ea[pl.ds(L * u, L)] * rcp[pl.ds(L * u, L)]

        pltpu.make_async_copy(vn.at[cv], ve, sv).wait()

        @plsc.parallel_loop(0, C, unroll=4)
        def _edge(e):
            for h in range(H):
                sp = plsc.load_gather(attb, [jnp.full((L,), e * H + h,
                                                      jnp.int32)])
                o = 2 * h * L
                val[e, pl.ds(o, L)] = sp * ve[e, pl.ds(o, L)]
                val[e, pl.ds(o + L, L)] = sp * ve[e, pl.ds(o + L, L)]

        pltpu.sync_copy(val, numer_sh.at[rv], add=True)
        base = wid * EPW + c * C
        pltpu.sync_copy(attb, att.at[pl.ds(base * H, C * H)])

    start(0, 0)
    start(1, 1)

    @pl.loop(0, NCHUNK, step=2)
    def _chunk(i):
        finish(0, i)

        @pl.when(i + 2 < NCHUNK)
        def _s0():
            start(0, i + 2)

        @pl.when(i + 1 < NCHUNK)
        def _odd():
            finish(1, i + 1)

            @pl.when(i + 3 < NCHUNK)
            def _s1():
                start(1, i + 3)

    plsc.subcore_barrier()
    sl = pl.ds(sid * STRIPE, STRIPE)
    pltpu.sync_copy(numer_sh.at[sl], numerp.at[cid, sl])


def _aggr_pass(vn, rows, cols, expatt, recip):
    f = pl.kernel(
        _aggr_body,
        out_type=[
            jax.ShapeDtypeStruct((E * H,), jnp.float32),
            jax.ShapeDtypeStruct((NC, NPAD, D), jnp.float32),
        ],
        mesh=_mesh(),
        scratch_types=[
            pltpu.VMEM((C,), jnp.int32),
            pltpu.VMEM((C,), jnp.int32),
            pltpu.VMEM((C, D), jnp.float32),
            pltpu.VMEM((C * H,), jnp.float32),
            pltpu.VMEM((C,), jnp.int32),
            pltpu.VMEM((C,), jnp.int32),
            pltpu.VMEM((C, D), jnp.float32),
            pltpu.VMEM((C * H,), jnp.float32),
            pltpu.VMEM((H, C), jnp.int32),
            pltpu.VMEM((C * H,), jnp.float32),
            pltpu.VMEM((C * H,), jnp.float32),
            pltpu.VMEM((C, D), jnp.float32),
            pltpu.VMEM_SHARED((NPAD, D), jnp.float32),
            pltpu.VMEM((STRIPE // 5, D), jnp.float32),
            pltpu.SemaphoreType.DMA,
            pltpu.SemaphoreType.DMA,
            pltpu.SemaphoreType.DMA,
        ],
        compiler_params=_SC_PARAMS,
    )
    return f(vn, rows, cols, expatt, recip)


def _sum_body(n_ref, o_ref):
    o_ref[...] = n_ref[0] + n_ref[1]


def _psum(numerp):
    blk = 2048
    return pl.pallas_call(
        _sum_body,
        grid=(NPAD // blk,),
        in_specs=[pl.BlockSpec((NC, blk, D), lambda i: (0, i, 0))],
        out_specs=pl.BlockSpec((blk, D), lambda i: (i, 0)),
        out_shape=jax.ShapeDtypeStruct((NPAD, D), jnp.float32),
    )(numerp)


@jax.jit
def kernel(embeds, edge_index, qTrans, kTrans, vTrans):
    rows = edge_index[0, :].astype(jnp.int32)
    cols = edge_index[1, :].astype(jnp.int32)
    emb_pad = jnp.pad(embeds, ((0, NPAD - N), (0, 0)))

    qn, kn, vn = _qkv(emb_pad, qTrans, kTrans, vTrans)
    expatt, normp = _edge_pass(qn, kn, rows, cols)
    recip = _recip(normp)
    attf, numerp = _aggr_pass(vn, rows, cols, expatt, recip)
    res = _psum(numerp)[:N]
    att = attf.reshape(E, H)
    return res, att

# --- scband reference (transcript-rebuilt; emitter-appended) ---
"""Pipeline reference for scband-gtlayer-45621142618215 (READ-ONLY COPY).

The authoritative reference and input builder live on the scoring server;
editing this copy changes nothing except your own understanding.
"""

import jax, jax.numpy as jnp
import numpy as np

N = 10000
E = 320000
LATDIM = 128
HEAD = 4


def _xavier(key, shape):
    fan_in, fan_out = shape[0], shape[1]
    bound = float(np.sqrt(6.0 / (fan_in + fan_out)))
    return jax.random.uniform(key, shape, dtype=jnp.float32, minval=-bound, maxval=bound)


def setup_inputs(seed: int = 0) -> dict:
    key = jax.random.key(seed)
    k1, k2, k3, k4, k5 = jax.random.split(key, 5)
    embeds = jax.random.normal(k1, (N, LATDIM), dtype=jnp.float32)
    edge_index = jax.random.randint(k2, (2, E), 0, N, dtype=jnp.int64)
    qTrans = _xavier(k3, (LATDIM, LATDIM))
    kTrans = _xavier(k4, (LATDIM, LATDIM))
    vTrans = _xavier(k5, (LATDIM, LATDIM))
    return {"embeds": embeds, "edge_index": edge_index, "qTrans": qTrans, "kTrans": kTrans, "vTrans": vTrans}


def reference(embeds, edge_index, qTrans, kTrans, vTrans):
    rows = edge_index[0, :]
    cols = edge_index[1, :]
    rowEmbeds = jnp.take(embeds, rows, axis=0)
    colEmbeds = jnp.take(embeds, cols, axis=0)
    qEmbeds = (rowEmbeds @ qTrans).reshape(-1, HEAD, LATDIM // HEAD)
    kEmbeds = (colEmbeds @ kTrans).reshape(-1, HEAD, LATDIM // HEAD)
    vEmbeds = (colEmbeds @ vTrans).reshape(-1, HEAD, LATDIM // HEAD)
    att = jnp.einsum('ehd,ehd->eh', qEmbeds, kEmbeds)
    att = jnp.clip(att, -10.0, 10.0)
    expAtt = jnp.exp(att)
    attNorm = jax.ops.segment_sum(expAtt, rows, num_segments=N)
    attNorm = jnp.take(attNorm, rows, axis=0)
    att = expAtt / (attNorm + 1e-08)
    resEmbeds = jnp.einsum('eh,ehd->ehd', att, vEmbeds).reshape(-1, LATDIM)
    resEmbeds = jax.ops.segment_sum(resEmbeds, rows, num_segments=N)
    return (resEmbeds, att)

if __name__ == "__main__":
    import jax
    _d = setup_inputs()
    print(jax.jit(kernel)(*tuple(_d.values())))

</pallas_src>

<mosaic_0001>
#map = affine_map<(d0, d1) -> (0, 0)>
#map1 = affine_map<(d0, d1) -> (0)>
module attributes {stable_mosaic.version = 14 : i64} {
  func.func @_edge_body(%arg0: i32, %arg1: i32, %arg2: memref<10240x128xf32, #tpu.memory_space<hbm>>, %arg3: memref<10240x128xf32, #tpu.memory_space<hbm>>, %arg4: memref<320000xi32, #tpu.memory_space<hbm>>, %arg5: memref<320000xi32, #tpu.memory_space<hbm>>, %arg6: memref<1280000xf32, #tpu.memory_space<hbm>>, %arg7: memref<81920xf32, #tpu.memory_space<hbm>>, %arg8: memref<80xi32, #tpu.memory_space<vmem>>, %arg9: memref<80xi32, #tpu.memory_space<vmem>>, %arg10: memref<80x128xf32, #tpu.memory_space<vmem>>, %arg11: memref<80x128xf32, #tpu.memory_space<vmem>>, %arg12: memref<80x16xf32, #tpu.memory_space<vmem>>, %arg13: memref<80xi32, #tpu.memory_space<vmem>>, %arg14: memref<80xi32, #tpu.memory_space<vmem>>, %arg15: memref<80x128xf32, #tpu.memory_space<vmem>>, %arg16: memref<80x128xf32, #tpu.memory_space<vmem>>, %arg17: memref<80x16xf32, #tpu.memory_space<vmem>>, %arg18: memref<320xf32, #tpu.memory_space<vmem>>, %arg19: memref<2560xf32, #tpu.memory_space<vmem>>, %arg20: memref<10240x16xf32, #tpu.memory_space<vmem_shared>>, %arg21: memref<640x16xf32, #tpu.memory_space<vmem>>, %arg22: memref<!tpu.dma_semaphore, #tpu.memory_space<semaphore_mem>>, %arg23: memref<!tpu.dma_semaphore, #tpu.memory_space<semaphore_mem>>, %arg24: memref<!tpu.dma_semaphore, #tpu.memory_space<semaphore_mem>>, %arg25: memref<!tpu.dma_semaphore, #tpu.memory_space<semaphore_mem>>, %arg26: memref<!tpu.dma_semaphore, #tpu.memory_space<semaphore_mem>>, %arg27: memref<!tpu.dma_semaphore, #tpu.memory_space<semaphore_mem>>) attributes {dimension_semantics = [#tpu.dimension_semantics<core_parallel>, #tpu.dimension_semantics<subcore_parallel>], iteration_bounds = array<i64: 2, 16>, scalar_prefetch = 0 : i64, scratch_operands = 20 : i64, tpu.core_type = #tpu.core_type<sc_vector_subcore>, window_params = [{transform_indices = #map}, {transform_indices = #map}, {transform_indices = #map1}, {transform_indices = #map1}, {transform_indices = #map1}, {transform_indices = #map1}]} {
    %mul3A = arith.constant 16 : i32
    %mul3A_0 = arith.muli %arg0, %mul3A : i32
    %add3A = arith.addi %mul3A_0, %arg1 : i32
    %broadcast_in_dim3A = arith.constant 0.000000e+00 : f32
    %broadcast_in_dim3A_1 = vector.broadcast %broadcast_in_dim3A : f32 to vector<16xf32>
    %scan3A = arith.constant 0 : i32
    %scan3A_2 = arith.constant 640 : i32
    %scan3A_3 = arith.addi %scan3A, %scan3A_2 : i32
    %scan3A_4 = arith.constant 1 : i32
    scf.for %scan3A_54 = %scan3A to %scan3A_3 step %scan3A_4  : i32 {
      %mul3A_55 = arith.constant 1 : i32
      %mul3A_56 = arith.muli %scan3A_54, %mul3A_55 : i32
      %add3A_57 = arith.constant 0 : i32
      %add3A_58 = arith.addi %add3A_57, %mul3A_56 : i32
      %swap3A = arith.index_cast %add3A_58 : i32 to index
      %swap3A_59 = arith.constant 0 : index
      %swap3A_60 = tpu.vector_load %arg21[%swap3A, %swap3A_59] {strides = array<i32>} : memref<640x16xf32, #tpu.memory_space<vmem>>, vector<16xf32>,
      tpu.vector_store %arg21[%swap3A, %swap3A_59], %broadcast_in_dim3A_1 {strides = array<i32>} : memref<640x16xf32, #tpu.memory_space<vmem>>, vector<16xf32>,
    }
    %scan3A_5 = arith.constant 640 : i32
    %mul3A_6 = arith.constant 640 : i32
    %mul3A_7 = arith.muli %arg1, %mul3A_6 : i32
    "tpu.region"() ({
      %run_scoped3A = tpu.sem_alloc : memref<!tpu.dma_semaphore, #tpu.memory_space<semaphore_mem>>
      %dma_start3A_54 = arith.constant 0 : i32
      %dma_start3A_55 = tpu.memref_slice %arg20[%mul3A_7, %dma_start3A_54] : memref<10240x16xf32, #tpu.memory_space<vmem_shared>> -> memref<640x16xf32, #tpu.memory_space<vmem_shared>>
      %dma_start3A_56 = arith.constant 0 : i32
      %dma_start3A_57 = tpu.memref_slice %arg20[%mul3A_7, %dma_start3A_56] : memref<10240x16xf32, #tpu.memory_space<vmem_shared>> -> memref<640x16xf32, #tpu.memory_space<vmem_shared>>
      tpu.enqueue_dma source(%arg21 : memref<640x16xf32, #tpu.memory_space<vmem>>) target(%dma_start3A_57 : memref<640x16xf32, #tpu.memory_space<vmem_shared>>) target_semaphore(%run_scoped3A : memref<!tpu.dma_semaphore, #tpu.memory_space<semaphore_mem>>)
      %dma_wait3A_58 = arith.constant 0 : i32
      %dma_wait3A_59 = tpu.memref_slice %arg20[%mul3A_7, %dma_wait3A_58] : memref<10240x16xf32, #tpu.memory_space<vmem_shared>> -> memref<640x16xf32, #tpu.memory_space<vmem_shared>>
      %dma_wait3A_60 = arith.constant 0 : i32
      %dma_wait3A_61 = tpu.memref_slice %arg20[%mul3A_7, %dma_wait3A_60] : memref<10240x16xf32, #tpu.memory_space<vmem_shared>> -> memref<640x16xf32, #tpu.memory_space<vmem_shared>>
      tpu.wait_dma2 semaphore(%run_scoped3A : memref<!tpu.dma_semaphore, #tpu.memory_space<semaphore_mem>>) src(%arg21 : memref<640x16xf32, #tpu.memory_space<vmem>>) dst(%dma_wait3A_61 : memref<640x16xf32, #tpu.memory_space<vmem_shared>>)
      tpu.yield
    }) : () -> ()
    %barrier3A = arith.constant 0 : index
    tpu.barrier barrier_id(%barrier3A)
    %iota3A = tpu.iota {dimensions = array<i32: 0>} : vector<16xi32>
    %mul3A_8 = arith.constant 10000 : i32
    %mul3A_9 = arith.muli %add3A, %mul3A_8 : i32
    %add3A_10 = arith.constant 0 : i32
    %add3A_11 = arith.addi %mul3A_9, %add3A_10 : i32
    "tpu.region"() ({
      %run_scoped3A = tpu.sem_alloc : memref<!tpu.dma_semaphore, #tpu.memory_space<semaphore_mem>>
      %dma_start3A_54 = tpu.memref_slice %arg4[%add3A_11] : memref<320000xi32, #tpu.memory_space<hbm>> -> memref<80xi32, #tpu.memory_space<hbm>>
      %dma_start3A_55 = tpu.memref_slice %arg4[%add3A_11] : memref<320000xi32, #tpu.memory_space<hbm>> -> memref<80xi32, #tpu.memory_space<hbm>>
      tpu.enqueue_dma source(%dma_start3A_55 : memref<80xi32, #tpu.memory_space<hbm>>) target(%arg8 : memref<80xi32, #tpu.memory_space<vmem>>) target_semaphore(%run_scoped3A : memref<!tpu.dma_semaphore, #tpu.memory_space<semaphore_mem>>)
      %dma_wait3A_56 = tpu.memref_slice %arg4[%add3A_11] : memref<320000xi32, #tpu.memory_space<hbm>> -> memref<80xi32, #tpu.memory_space<hbm>>
      %dma_wait3A_57 = tpu.memref_slice %arg4[%add3A_11] : memref<320000xi32, #tpu.memory_space<hbm>> -> memref<80xi32, #tpu.memory_space<hbm>>
      tpu.wait_dma2 semaphore(%run_scoped3A : memref<!tpu.dma_semaphore, #tpu.memory_space<semaphore_mem>>) src(%dma_wait3A_57 : memref<80xi32, #tpu.memory_space<hbm>>) dst(%arg8 : memref<80xi32, #tpu.memory_space<vmem>>)
      tpu.yield
    }) : () -> ()
    "tpu.region"() ({
      %run_scoped3A = tpu.sem_alloc : memref<!tpu.dma_semaphore, #tpu.memory_space<semaphore_mem>>
      %dma_start3A_54 = tpu.memref_slice %arg5[%add3A_11] : memref<320000xi32, #tpu.memory_space<hbm>> -> memref<80xi32, #tpu.memory_space<hbm>>
      %dma_start3A_55 = tpu.memref_slice %arg5[%add3A_11] : memref<320000xi32, #tpu.memory_space<hbm>> -> memref<80xi32, #tpu.memory_space<hbm>>
      tpu.enqueue_dma source(%dma_start3A_55 : memref<80xi32, #tpu.memory_space<hbm>>) target(%arg9 : memref<80xi32, #tpu.memory_space<vmem>>) target_semaphore(%run_scoped3A : memref<!tpu.dma_semaphore, #tpu.memory_space<semaphore_mem>>)
      %dma_wait3A_56 = tpu.memref_slice %arg5[%add3A_11] : memref<320000xi32, #tpu.memory_space<hbm>> -> memref<80xi32, #tpu.memory_space<hbm>>
      %dma_wait3A_57 = tpu.memref_slice %arg5[%add3A_11] : memref<320000xi32, #tpu.memory_space<hbm>> -> memref<80xi32, #tpu.memory_space<hbm>>
      tpu.wait_dma2 semaphore(%run_scoped3A : memref<!tpu.dma_semaphore, #tpu.memory_space<semaphore_mem>>) src(%dma_wait3A_57 : memref<80xi32, #tpu.memory_space<hbm>>) dst(%arg9 : memref<80xi32, #tpu.memory_space<vmem>>)
      tpu.yield
    }) : () -> ()
    %dma_start3A = arith.constant 0 : i32
    %dma_start3A_12 = arith.constant 0 : i32
    %dma_start3A_13 = tpu.memref_slice %arg2[%dma_start3A, %dma_start3A_12] : memref<10240x128xf32, #tpu.memory_space<hbm>> -> memref<10240x128xf32, #tpu.memory_space<hbm>>
    tpu.enqueue_indirect_dma source(%dma_start3A_13 : memref<10240x128xf32, #tpu.memory_space<hbm>>) target(%arg10 : memref<80x128xf32, #tpu.memory_space<vmem>>) offsets(%arg8 : memref<80xi32, #tpu.memory_space<vmem>>) semaphore(%arg22 : memref<!tpu.dma_semaphore, #tpu.memory_space<semaphore_mem>>)
    %dma_start3A_14 = arith.constant 0 : i32
    %dma_start3A_15 = arith.constant 0 : i32
    %dma_start3A_16 = tpu.memref_slice %arg3[%dma_start3A_14, %dma_start3A_15] : memref<10240x128xf32, #tpu.memory_space<hbm>> -> memref<10240x128xf32, #tpu.memory_space<hbm>>
    tpu.enqueue_indirect_dma source(%dma_start3A_16 : memref<10240x128xf32, #tpu.memory_space<hbm>>) target(%arg11 : memref<80x128xf32, #tpu.memory_space<vmem>>) offsets(%arg9 : memref<80xi32, #tpu.memory_space<vmem>>) semaphore(%arg23 : memref<!tpu.dma_semaphore, #tpu.memory_space<semaphore_mem>>)
    %mul3A_17 = arith.constant 10000 : i32
    %mul3A_18 = arith.muli %add3A, %mul3A_17 : i32
    %add3A_19 = arith.constant 80 : i32
    %add3A_20 = arith.addi %mul3A_18, %add3A_19 : i32
    "tpu.region"() ({
      %run_scoped3A = tpu.sem_alloc : memref<!tpu.dma_semaphore, #tpu.memory_space<semaphore_mem>>
      %dma_start3A_54 = tpu.memref_slice %arg4[%add3A_20] : memref<320000xi32, #tpu.memory_space<hbm>> -> memref<80xi32, #tpu.memory_space<hbm>>
      %dma_start3A_55 = tpu.memref_slice %arg4[%add3A_20] : memref<320000xi32, #tpu.memory_space<hbm>> -> memref<80xi32, #tpu.memory_space<hbm>>
      tpu.enqueue_dma source(%dma_start3A_55 : memref<80xi32, #tpu.memory_space<hbm>>) target(%arg13 : memref<80xi32, #tpu.memory_space<vmem>>) target_semaphore(%run_scoped3A : memref<!tpu.dma_semaphore, #tpu.memory_space<semaphore_mem>>)
      %dma_wait3A_56 = tpu.memref_slice %arg4[%add3A_20] : memref<320000xi32, #tpu.memory_space<hbm>> -> memref<80xi32, #tpu.memory_space<hbm>>
      %dma_wait3A_57 = tpu.memref_slice %arg4[%add3A_20] : memref<320000xi32, #tpu.memory_space<hbm>> -> memref<80xi32, #tpu.memory_space<hbm>>
      tpu.wait_dma2 semaphore(%run_scoped3A : memref<!tpu.dma_semaphore, #tpu.memory_space<semaphore_mem>>) src(%dma_wait3A_57 : memref<80xi32, #tpu.memory_space<hbm>>) dst(%arg13 : memref<80xi32, #tpu.memory_space<vmem>>)
      tpu.yield
    }) : () -> ()
    "tpu.region"() ({
      %run_scoped3A = tpu.sem_alloc : memref<!tpu.dma_semaphore, #tpu.memory_space<semaphore_mem>>
      %dma_start3A_54 = tpu.memref_slice %arg5[%add3A_20] : memref<320000xi32, #tpu.memory_space<hbm>> -> memref<80xi32, #tpu.memory_space<hbm>>
      %dma_start3A_55 = tpu.memref_slice %arg5[%add3A_20] : memref<320000xi32, #tpu.memory_space<hbm>> -> memref<80xi32, #tpu.memory_space<hbm>>
      tpu.enqueue_dma source(%dma_start3A_55 : memref<80xi32, #tpu.memory_space<hbm>>) target(%arg14 : memref<80xi32, #tpu.memory_space<vmem>>) target_semaphore(%run_scoped3A : memref<!tpu.dma_semaphore, #tpu.memory_space<semaphore_mem>>)
      %dma_wait3A_56 = tpu.memref_slice %arg5[%add3A_20] : memref<320000xi32, #tpu.memory_space<hbm>> -> memref<80xi32, #tpu.memory_space<hbm>>
      %dma_wait3A_57 = tpu.memref_slice %arg5[%add3A_20] : memref<320000xi32, #tpu.memory_space<hbm>> -> memref<80xi32, #tpu.memory_space<hbm>>
      tpu.wait_dma2 semaphore(%run_scoped3A : memref<!tpu.dma_semaphore, #tpu.memory_space<semaphore_mem>>) src(%dma_wait3A_57 : memref<80xi32, #tpu.memory_space<hbm>>) dst(%arg14 : memref<80xi32, #tpu.memory_space<vmem>>)
      tpu.yield
    }) : () -> ()
    %dma_start3A_21 = arith.constant 0 : i32
    %dma_start3A_22 = arith.constant 0 : i32
    %dma_start3A_23 = tpu.memref_slice %arg2[%dma_start3A_21, %dma_start3A_22] : memref<10240x128xf32, #tpu.memory_space<hbm>> -> memref<10240x128xf32, #tpu.memory_space<hbm>>
    tpu.enqueue_indirect_dma source(%dma_start3A_23 : memref<10240x128xf32, #tpu.memory_space<hbm>>) target(%arg15 : memref<80x128xf32, #tpu.memory_space<vmem>>) offsets(%arg13 : memref<80xi32, #tpu.memory_space<vmem>>) semaphore(%arg25 : memref<!tpu.dma_semaphore, #tpu.memory_space<semaphore_mem>>)
    %dma_start3A_24 = arith.constant 0 : i32
    %dma_start3A_25 = arith.constant 0 : i32
    %dma_start3A_26 = tpu.memref_slice %arg3[%dma_start3A_24, %dma_start3A_25] : memref<10240x128xf32, #tpu.memory_space<hbm>> -> memref<10240x128xf32, #tpu.memory_space<hbm>>
    tpu.enqueue_indirect_dma source(%dma_start3A_26 : memref<10240x128xf32, #tpu.memory_space<hbm>>) target(%arg16 : memref<80x128xf32, #tpu.memory_space<vmem>>) offsets(%arg14 : memref<80xi32, #tpu.memory_space<vmem>>) semaphore(%arg26 : memref<!tpu.dma_semaphore, #tpu.memory_space<semaphore_mem>>)
    %scan3A_27 = arith.constant 0 : i32
    %scan3A_28 = arith.constant 63 : i32
    %scan3A_29 = arith.addi %scan3A_27, %scan3A_28 : i32
    %scan3A_30 = arith.constant 1 : i32
    scf.for %scan3A_54 = %scan3A_27 to %scan3A_29 step %scan3A_30  : i32 {
      %mul3A_55 = arith.constant 2 : i32
      %mul3A_56 = arith.muli %scan3A_54, %mul3A_55 : i32
      %add3A_57 = arith.constant 0 : i32
      %add3A_58 = arith.addi %add3A_57, %mul3A_56 : i32
      %dma_wait3A_59 = arith.constant 0 : i32
      %dma_wait3A_60 = arith.constant 0 : i32
      %dma_wait3A_61 = tpu.memref_slice %arg2[%dma_wait3A_59, %dma_wait3A_60] : memref<10240x128xf32, #tpu.memory_space<hbm>> -> memref<10240x128xf32, #tpu.memory_space<hbm>>
      tpu.wait_indirect_dma semaphore(%arg22 : memref<!tpu.dma_semaphore, #tpu.memory_space<semaphore_mem>>) src(%dma_wait3A_61 : memref<10240x128xf32, #tpu.memory_space<hbm>>) dst(%arg10 : memref<80x128xf32, #tpu.memory_space<vmem>>)
      %dma_wait3A_62 = arith.constant 0 : i32
      %dma_wait3A_63 = arith.constant 0 : i32
      %dma_wait3A_64 = tpu.memref_slice %arg3[%dma_wait3A_62, %dma_wait3A_63] : memref<10240x128xf32, #tpu.memory_space<hbm>> -> memref<10240x128xf32, #tpu.memory_space<hbm>>
      tpu.wait_indirect_dma semaphore(%arg23 : memref<!tpu.dma_semaphore, #tpu.memory_space<semaphore_mem>>) src(%dma_wait3A_64 : memref<10240x128xf32, #tpu.memory_space<hbm>>) dst(%arg11 : memref<80x128xf32, #tpu.memory_space<vmem>>)
      %parallel_loop3A = arith.constant 0 : i32
      %parallel_loop3A_65 = arith.constant 80 : i32
      %parallel_loop3A_66 = arith.constant 1 : i32
      scf.for %parallel_loop3A_88 = %parallel_loop3A to %parallel_loop3A_65 step %parallel_loop3A_66  : i32 {
        %parallel_loop3A_89 = arith.index_cast %parallel_loop3A_88 : i32 to index
        %parallel_loop3A_90 = arith.constant 0 : index
        %parallel_loop3A_91 = tpu.vector_load %arg10[%parallel_loop3A_89, %parallel_loop3A_90] {strides = array<i32>} : memref<80x128xf32, #tpu.memory_space<vmem>>, vector<16xf32>,
        %parallel_loop3A_92 = arith.index_cast %parallel_loop3A_88 : i32 to index
        %parallel_loop3A_93 = arith.constant 16 : index
        %parallel_loop3A_94 = tpu.vector_load %arg10[%parallel_loop3A_92, %parallel_loop3A_93] {strides = array<i32>} : memref<80x128xf32, #tpu.memory_space<vmem>>, vector<16xf32>,
        %parallel_loop3A_95 = arith.index_cast %parallel_loop3A_88 : i32 to index
        %parallel_loop3A_96 = arith.constant 32 : index
        %parallel_loop3A_97 = tpu.vector_load %arg10[%parallel_loop3A_95, %parallel_loop3A_96] {strides = array<i32>} : memref<80x128xf32, #tpu.memory_space<vmem>>, vector<16xf32>,
        %parallel_loop3A_98 = arith.index_cast %parallel_loop3A_88 : i32 to index
        %parallel_loop3A_99 = arith.constant 48 : index
        %parallel_loop3A_100 = tpu.vector_load %arg10[%parallel_loop3A_98, %parallel_loop3A_99] {strides = array<i32>} : memref<80x128xf32, #tpu.memory_space<vmem>>, vector<16xf32>,
        %parallel_loop3A_101 = arith.index_cast %parallel_loop3A_88 : i32 to index
        %parallel_loop3A_102 = arith.constant 64 : index
        %parallel_loop3A_103 = tpu.vector_load %arg10[%parallel_loop3A_101, %parallel_loop3A_102] {strides = array<i32>} : memref<80x128xf32, #tpu.memory_space<vmem>>, vector<16xf32>,
        %parallel_loop3A_104 = arith.index_cast %parallel_loop3A_88 : i32 to index
        %parallel_loop3A_105 = arith.constant 80 : index
        %parallel_loop3A_106 = tpu.vector_load %arg10[%parallel_loop3A_104, %parallel_loop3A_105] {strides = array<i32>} : memref<80x128xf32, #tpu.memory_space<vmem>>, vector<16xf32>,
        %parallel_loop3A_107 = arith.index_cast %parallel_loop3A_88 : i32 to index
        %parallel_loop3A_108 = arith.constant 96 : index
        %parallel_loop3A_109 = tpu.vector_load %arg10[%parallel_loop3A_107, %parallel_loop3A_108] {strides = array<i32>} : memref<80x128xf32, #tpu.memory_space<vmem>>, vector<16xf32>,
        %parallel_loop3A_110 = arith.index_cast %parallel_loop3A_88 : i32 to index
        %parallel_loop3A_111 = arith.constant 112 : index
        %parallel_loop3A_112 = tpu.vector_load %arg10[%parallel_loop3A_110, %parallel_loop3A_111] {strides = array<i32>} : memref<80x128xf32, #tpu.memory_space<vmem>>, vector<16xf32>,
        %parallel_loop3A_113 = arith.index_cast %parallel_loop3A_88 : i32 to index
        %parallel_loop3A_114 = arith.constant 0 : index
        %parallel_loop3A_115 = tpu.vector_load %arg11[%parallel_loop3A_113, %parallel_loop3A_114] {strides = array<i32>} : memref<80x128xf32, #tpu.memory_space<vmem>>, vector<16xf32>,
        %parallel_loop3A_116 = arith.index_cast %parallel_loop3A_88 : i32 to index
        %parallel_loop3A_117 = arith.constant 16 : index
        %parallel_loop3A_118 = tpu.vector_load %arg11[%parallel_loop3A_116, %parallel_loop3A_117] {strides = array<i32>} : memref<80x128xf32, #tpu.memory_space<vmem>>, vector<16xf32>,
        %parallel_loop3A_119 = arith.index_cast %parallel_loop3A_88 : i32 to index
        %parallel_loop3A_120 = arith.constant 32 : index
        %parallel_loop3A_121 = tpu.vector_load %arg11[%parallel_loop3A_119, %parallel_loop3A_120] {strides = array<i32>} : memref<80x128xf32, #tpu.memory_space<vmem>>, vector<16xf32>,
        %parallel_loop3A_122 = arith.index_cast %parallel_loop3A_88 : i32 to index
        %parallel_loop3A_123 = arith.constant 48 : index
        %parallel_loop3A_124 = tpu.vector_load %arg11[%parallel_loop3A_122, %parallel_loop3A_123] {strides = array<i32>} : memref<80x128xf32, #tpu.memory_space<vmem>>, vector<16xf32>,
        %parallel_loop3A_125 = arith.index_cast %parallel_loop3A_88 : i32 to index
        %parallel_loop3A_126 = arith.constant 64 : index
        %parallel_loop3A_127 = tpu.vector_load %arg11[%parallel_loop3A_125, %parallel_loop3A_126] {strides = array<i32>} : memref<80x128xf32, #tpu.memory_space<vmem>>, vector<16xf32>,
        %parallel_loop3A_128 = arith.index_cast %parallel_loop3A_88 : i32 to index
        %parallel_loop3A_129 = arith.constant 80 : index
        %parallel_loop3A_130 = tpu.vector_load %arg11[%parallel_loop3A_128, %parallel_loop3A_129] {strides = array<i32>} : memref<80x128xf32, #tpu.memory_space<vmem>>, vector<16xf32>,
        %parallel_loop3A_131 = arith.index_cast %parallel_loop3A_88 : i32 to index
        %parallel_loop3A_132 = arith.constant 96 : index
        %parallel_loop3A_133 = tpu.vector_load %arg11[%parallel_loop3A_131, %parallel_loop3A_132] {strides = array<i32>} : memref<80x128xf32, #tpu.memory_space<vmem>>, vector<16xf32>,
        %parallel_loop3A_134 = arith.index_cast %parallel_loop3A_88 : i32 to index
        %parallel_loop3A_135 = arith.constant 112 : index
        %parallel_loop3A_136 = tpu.vector_load %arg11[%parallel_loop3A_134, %parallel_loop3A_135] {strides = array<i32>} : memref<80x128xf32, #tpu.memory_space<vmem>>, vector<16xf32>,
        %parallel_loop3A_137 = arith.mulf %parallel_loop3A_91, %parallel_loop3A_115 : vector<16xf32>
        %parallel_loop3A_138 = arith.mulf %parallel_loop3A_94, %parallel_loop3A_118 : vector<16xf32>
        %parallel_loop3A_139 = arith.addf %parallel_loop3A_137, %parallel_loop3A_138 : vector<16xf32>
        %parallel_loop3A_140 = arith.constant true
        %parallel_loop3A_141 = vector.broadcast %parallel_loop3A_140 : i1 to vector<16xi1>
        %parallel_loop3A_142 = tpu.scan <sum>, %parallel_loop3A_139 masked %parallel_loop3A_141 : vector<16xf32>, vector<16xi1> -> vector<16xf32>
        %parallel_loop3A_143 = vector.extract %parallel_loop3A_142[15] : f32 from vector<16xf32>
        %parallel_loop3A_144 = arith.constant -1.000000e+01 : f32
        %parallel_loop3A_145 = arith.maximumf %parallel_loop3A_143, %parallel_loop3A_144 : f32
        %parallel_loop3A_146 = arith.constant 1.000000e+01 : f32
        %parallel_loop3A_147 = arith.minimumf %parallel_loop3A_145, %parallel_loop3A_146 : f32
        %parallel_loop3A_148 = vector.broadcast %parallel_loop3A_147 : f32 to vector<16xf32>
        %parallel_loop3A_149 = math.exp %parallel_loop3A_148 : vector<16xf32>
        %parallel_loop3A_150 = arith.mulf %parallel_loop3A_97, %parallel_loop3A_121 : vector<16xf32>
        %parallel_loop3A_151 = arith.mulf %parallel_loop3A_100, %parallel_loop3A_124 : vector<16xf32>
        %parallel_loop3A_152 = arith.addf %parallel_loop3A_150, %parallel_loop3A_151 : vector<16xf32>
        %parallel_loop3A_153 = arith.constant true
        %parallel_loop3A_154 = vector.broadcast %parallel_loop3A_153 : i1 to vector<16xi1>
        %parallel_loop3A_155 = tpu.scan <sum>, %parallel_loop3A_152 masked %parallel_loop3A_154 : vector<16xf32>, vector<16xi1> -> vector<16xf32>
        %parallel_loop3A_156 = vector.extract %parallel_loop3A_155[15] : f32 from vector<16xf32>
        %parallel_loop3A_157 = arith.constant -1.000000e+01 : f32
        %parallel_loop3A_158 = arith.maximumf %parallel_loop3A_156, %parallel_loop3A_157 : f32
        %parallel_loop3A_159 = arith.constant 1.000000e+01 : f32
        %parallel_loop3A_160 = arith.minimumf %parallel_loop3A_158, %parallel_loop3A_159 : f32
        %parallel_loop3A_161 = vector.broadcast %parallel_loop3A_160 : f32 to vector<16xf32>
        %parallel_loop3A_162 = math.exp %parallel_loop3A_161 : vector<16xf32>
        %parallel_loop3A_163 = arith.mulf %parallel_loop3A_103, %parallel_loop3A_127 : vector<16xf32>
        %parallel_loop3A_164 = arith.mulf %parallel_loop3A_106, %parallel_loop3A_130 : vector<16xf32>
        %parallel_loop3A_165 = arith.addf %parallel_loop3A_163, %parallel_loop3A_164 : vector<16xf32>
        %parallel_loop3A_166 = arith.constant true
        %parallel_loop3A_167 = vector.broadcast %parallel_loop3A_166 : i1 to vector<16xi1>
        %parallel_loop3A_168 = tpu.scan <sum>, %parallel_loop3A_165 masked %parallel_loop3A_167 : vector<16xf32>, vector<16xi1> -> vector<16xf32>
        %parallel_loop3A_169 = vector.extract %parallel_loop3A_168[15] : f32 from vector<16xf32>
        %parallel_loop3A_170 = arith.constant -1.000000e+01 : f32
        %parallel_loop3A_171 = arith.maximumf %parallel_loop3A_169, %parallel_loop3A_170 : f32
        %parallel_loop3A_172 = arith.constant 1.000000e+01 : f32
        %parallel_loop3A_173 = arith.minimumf %parallel_loop3A_171, %parallel_loop3A_172 : f32
        %parallel_loop3A_174 = vector.broadcast %parallel_loop3A_173 : f32 to vector<16xf32>
        %parallel_loop3A_175 = math.exp %parallel_loop3A_174 : vector<16xf32>
        %parallel_loop3A_176 = arith.mulf %parallel_loop3A_109, %parallel_loop3A_133 : vector<16xf32>
        %parallel_loop3A_177 = arith.mulf %parallel_loop3A_112, %parallel_loop3A_136 : vector<16xf32>
        %parallel_loop3A_178 = arith.addf %parallel_loop3A_176, %parallel_loop3A_177 : vector<16xf32>
        %parallel_loop3A_179 = arith.constant true
        %parallel_loop3A_180 = vector.broadcast %parallel_loop3A_179 : i1 to vector<16xi1>
        %parallel_loop3A_181 = tpu.scan <sum>, %parallel_loop3A_178 masked %parallel_loop3A_180 : vector<16xf32>, vector<16xi1> -> vector<16xf32>
        %parallel_loop3A_182 = vector.extract %parallel_loop3A_181[15] : f32 from vector<16xf32>
        %parallel_loop3A_183 = arith.constant -1.000000e+01 : f32
        %parallel_loop3A_184 = arith.maximumf %parallel_loop3A_182, %parallel_loop3A_183 : f32
        %parallel_loop3A_185 = arith.constant 1.000000e+01 : f32
        %parallel_loop3A_186 = arith.minimumf %parallel_loop3A_184, %parallel_loop3A_185 : f32
        %parallel_loop3A_187 = vector.broadcast %parallel_loop3A_186 : f32 to vector<16xf32>
        %parallel_loop3A_188 = math.exp %parallel_loop3A_187 : vector<16xf32>
        %parallel_loop3A_189 = arith.constant 0 : i32
        %parallel_loop3A_190 = vector.broadcast %parallel_loop3A_189 : i32 to vector<16xi32>
        %parallel_loop3A_191 = arith.cmpi eq, %iota3A, %parallel_loop3A_190 : vector<16xi32>
        %parallel_loop3A_192 = arith.constant 1 : i32
        %parallel_loop3A_193 = vector.broadcast %parallel_loop3A_192 : i32 to vector<16xi32>
        %parallel_loop3A_194 = arith.cmpi eq, %iota3A, %parallel_loop3A_193 : vector<16xi32>
        %parallel_loop3A_195 = arith.constant 2 : i32
        %parallel_loop3A_196 = vector.broadcast %parallel_loop3A_195 : i32 to vector<16xi32>
        %parallel_loop3A_197 = arith.cmpi eq, %iota3A, %parallel_loop3A_196 : vector<16xi32>
        %parallel_loop3A_198 = arith.select %parallel_loop3A_197, %parallel_loop3A_175, %parallel_loop3A_188 : vector<16xi1>, vector<16xf32>
        %parallel_loop3A_199 = arith.select %parallel_loop3A_194, %parallel_loop3A_162, %parallel_loop3A_198 : vector<16xi1>, vector<16xf32>
        %parallel_loop3A_200 = arith.select %parallel_loop3A_191, %parallel_loop3A_149, %parallel_loop3A_199 : vector<16xi1>, vector<16xf32>
        %parallel_loop3A_201 = arith.index_cast %parallel_loop3A_88 : i32 to index
        %parallel_loop3A_202 = arith.constant 0 : index
        %parallel_loop3A_203 = tpu.vector_load %arg12[%parallel_loop3A_201, %parallel_loop3A_202] {strides = array<i32>} : memref<80x16xf32, #tpu.memory_space<vmem>>, vector<16xf32>,
        tpu.vector_store %arg12[%parallel_loop3A_201, %parallel_loop3A_202], %parallel_loop3A_200 {strides = array<i32>} : memref<80x16xf32, #tpu.memory_space<vmem>>, vector<16xf32>,
        %parallel_loop3A_204 = arith.constant 4 : i32
        %parallel_loop3A_205 = arith.muli %parallel_loop3A_88, %parallel_loop3A_204 : i32
        %parallel_loop3A_206 = vector.broadcast %parallel_loop3A_205 : i32 to vector<16xi32>
        %parallel_loop3A_207 = arith.addi %parallel_loop3A_206, %iota3A : vector<16xi32>
        %parallel_loop3A_208 = arith.constant 4 : i32
        %parallel_loop3A_209 = vector.broadcast %parallel_loop3A_208 : i32 to vector<16xi32>
        %parallel_loop3A_210 = arith.cmpi slt, %iota3A, %parallel_loop3A_209 : vector<16xi32>
        tpu.vector_store_idx %arg18[%parallel_loop3A_207], %parallel_loop3A_200 masked %parallel_loop3A_210 : memref<320xf32, #tpu.memory_space<vmem>>[vector<16xi32>], vector<16xf32>, vector<16xi1>
      } {sc.loop_unroll_factor = 8 : i64, sc.parallel_access}
      %dma_start3A_67 = arith.constant 0 : i32
      %dma_start3A_68 = arith.constant 0 : i32
      %dma_start3A_69 = tpu.memref_slice %arg20[%dma_start3A_67, %dma_start3A_68] : memref<10240x16xf32, #tpu.memory_space<vmem_shared>> -> memref<10240x16xf32, #tpu.memory_space<vmem_shared>>
      tpu.enqueue_indirect_dma source(%arg12 : memref<80x16xf32, #tpu.memory_space<vmem>>) target(%dma_start3A_69 : memref<10240x16xf32, #tpu.memory_space<vmem_shared>>) offsets(%arg8 : memref<80xi32, #tpu.memory_space<vmem>>) semaphore(%arg24 : memref<!tpu.dma_semaphore, #tpu.memory_space<semaphore_mem>>) {add = true}
      %mul3A_70 = arith.constant 10000 : i32
      %mul3A_71 = arith.muli %add3A, %mul3A_70 : i32
      %mul3A_72 = arith.constant 80 : i32
      %mul3A_73 = arith.muli %add3A_58, %mul3A_72 : i32
      %add3A_74 = arith.addi %mul3A_71, %mul3A_73 : i32
      %mul3A_75 = arith.constant 4 : i32
      %mul3A_76 = arith.muli %add3A_74, %mul3A_75 : i32
      "tpu.region"() ({
        %run_scoped3A = tpu.sem_alloc : memref<!tpu.dma_semaphore, #tpu.memory_space<semaphore_mem>>
        %dma_start3A_88 = tpu.memref_slice %arg6[%mul3A_76] : memref<1280000xf32, #tpu.memory_space<hbm>> -> memref<320xf32, #tpu.memory_space<hbm>>
        %dma_start3A_89 = tpu.memref_slice %arg6[%mul3A_76] : memref<1280000xf32, #tpu.memory_space<hbm>> -> memref<320xf32, #tpu.memory_space<hbm>>
        tpu.enqueue_dma source(%arg18 : memref<320xf32, #tpu.memory_space<vmem>>) target(%dma_start3A_89 : memref<320xf32, #tpu.memory_space<hbm>>) target_semaphore(%run_scoped3A : memref<!tpu.dma_semaphore, #tpu.memory_space<semaphore_mem>>)
        %dma_wait3A_90 = tpu.memref_slice %arg6[%mul3A_76] : memref<1280000xf32, #tpu.memory_space<hbm>> -> memref<320xf32, #tpu.memory_space<hbm>>
        %dma_wait3A_91 = tpu.memref_slice %arg6[%mul3A_76] : memref<1280000xf32, #tpu.memory_space<hbm>> -> memref<320xf32, #tpu.memory_space<hbm>>
        tpu.wait_dma2 semaphore(%run_scoped3A : memref<!tpu.dma_semaphore, #tpu.memory_space<semaphore_mem>>) src(%arg18 : memref<320xf32, #tpu.memory_space<vmem>>) dst(%dma_wait3A_91 : memref<320xf32, #tpu.memory_space<hbm>>)
        tpu.yield
      }) : () -> ()
      %add3A_77 = arith.constant 2 : i32
      %add3A_78 = arith.addi %add3A_58, %add3A_77 : i32
      %lt3A = arith.constant 125 : i32
      %lt3A_79 = arith.cmpi slt, %add3A_78, %lt3A : i32
      %convert_element_type3A = arith.extui %lt3A_79 : i1 to i32
      %cond3A = arith.constant 0 : i32
      %cond3A_80 = arith.cmpi ne, %convert_element_type3A, %cond3A : i32
      scf.if %cond3A_80 {
        %add3A_88 = arith.constant 2 : i32
        %add3A_89 = arith.addi %add3A_58, %add3A_88 : i32
        %dma_wait3A_90 = arith.constant 0 : i32
        %dma_wait3A_91 = arith.constant 0 : i32
        %dma_wait3A_92 = tpu.memref_slice %arg20[%dma_wait3A_90, %dma_wait3A_91] : memref<10240x16xf32, #tpu.memory_space<vmem_shared>> -> memref<10240x16xf32, #tpu.memory_space<vmem_shared>>
        tpu.wait_indirect_dma semaphore(%arg24 : memref<!tpu.dma_semaphore, #tpu.memory_space<semaphore_mem>>) src(%arg12 : memref<80x16xf32, #tpu.memory_space<vmem>>) dst(%dma_wait3A_92 : memref<10240x16xf32, #tpu.memory_space<vmem_shared>>)
        %mul3A_93 = arith.constant 10000 : i32
        %mul3A_94 = arith.muli %add3A, %mul3A_93 : i32
        %mul3A_95 = arith.constant 80 : i32
        %mul3A_96 = arith.muli %add3A_89, %mul3A_95 : i32
        %add3A_97 = arith.addi %mul3A_94, %mul3A_96 : i32
        "tpu.region"() ({
          %run_scoped3A = tpu.sem_alloc : memref<!tpu.dma_semaphore, #tpu.memory_space<semaphore_mem>>
          %dma_start3A_104 = tpu.memref_slice %arg4[%add3A_97] : memref<320000xi32, #tpu.memory_space<hbm>> -> memref<80xi32, #tpu.memory_space<hbm>>
          %dma_start3A_105 = tpu.memref_slice %arg4[%add3A_97] : memref<320000xi32, #tpu.memory_space<hbm>> -> memref<80xi32, #tpu.memory_space<hbm>>
          tpu.enqueue_dma source(%dma_start3A_105 : memref<80xi32, #tpu.memory_space<hbm>>) target(%arg8 : memref<80xi32, #tpu.memory_space<vmem>>) target_semaphore(%run_scoped3A : memref<!tpu.dma_semaphore, #tpu.memory_space<semaphore_mem>>)
          %dma_wait3A_106 = tpu.memref_slice %arg4[%add3A_97] : memref<320000xi32, #tpu.memory_space<hbm>> -> memref<80xi32, #tpu.memory_space<hbm>>
          %dma_wait3A_107 = tpu.memref_slice %arg4[%add3A_97] : memref<320000xi32, #tpu.memory_space<hbm>> -> memref<80xi32, #tpu.memory_space<hbm>>
          tpu.wait_dma2 semaphore(%run_scoped3A : memref<!tpu.dma_semaphore, #tpu.memory_space<semaphore_mem>>) src(%dma_wait3A_107 : memref<80xi32, #tpu.memory_space<hbm>>) dst(%arg8 : memref<80xi32, #tpu.memory_space<vmem>>)
          tpu.yield
        }) : () -> ()
        "tpu.region"() ({
          %run_scoped3A = tpu.sem_alloc : memref<!tpu.dma_semaphore, #tpu.memory_space<semaphore_mem>>
          %dma_start3A_104 = tpu.memref_slice %arg5[%add3A_97] : memref<320000xi32, #tpu.memory_space<hbm>> -> memref<80xi32, #tpu.memory_space<hbm>>
          %dma_start3A_105 = tpu.memref_slice %arg5[%add3A_97] : memref<320000xi32, #tpu.memory_space<hbm>> -> memref<80xi32, #tpu.memory_space<hbm>>
          tpu.enqueue_dma source(%dma_start3A_105 : memref<80xi32, #tpu.memory_space<hbm>>) target(%arg9 : memref<80xi32, #tpu.memory_space<vmem>>) target_semaphore(%run_scoped3A : memref<!tpu.dma_semaphore, #tpu.memory_space<semaphore_mem>>)
          %dma_wait3A_106 = tpu.memref_slice %arg5[%add3A_97] : memref<320000xi32, #tpu.memory_space<hbm>> -> memref<80xi32, #tpu.memory_space<hbm>>
          %dma_wait3A_107 = tpu.memref_slice %arg5[%add3A_97] : memref<320000xi32, #tpu.memory_space<hbm>> -> memref<80xi32, #tpu.memory_space<hbm>>
          tpu.wait_dma2 semaphore(%run_scoped3A : memref<!tpu.dma_semaphore, #tpu.memory_space<semaphore_mem>>) src(%dma_wait3A_107 : memref<80xi32, #tpu.memory_space<hbm>>) dst(%arg9 : memref<80xi32, #tpu.memory_space<vmem>>)
          tpu.yield
        }) : () -> ()
        %dma_start3A_98 = arith.constant 0 : i32
        %dma_start3A_99 = arith.constant 0 : i32
        %dma_start3A_100 = tpu.memref_slice %arg2[%dma_start3A_98, %dma_start3A_99] : memref<10240x128xf32, #tpu.memory_space<hbm>> -> memref<10240x128xf32, #tpu.memory_space<hbm>>
        tpu.enqueue_indirect_dma source(%dma_start3A_100 : memref<10240x128xf32, #tpu.memory_space<hbm>>) target(%arg10 : memref<80x128xf32, #tpu.memory_space<vmem>>) offsets(%arg8 : memref<80xi32, #tpu.memory_space<vmem>>) semaphore(%arg22 : memref<!tpu.dma_semaphore, #tpu.memory_space<semaphore_mem>>)
        %dma_start3A_101 = arith.constant 0 : i32
        %dma_start3A_102 = arith.constant 0 : i32
        %dma_start3A_103 = tpu.memref_slice %arg3[%dma_start3A_101, %dma_start3A_102] : memref<10240x128xf32, #tpu.memory_space<hbm>> -> memref<10240x128xf32, #tpu.memory_space<hbm>>
        tpu.enqueue_indirect_dma source(%dma_start3A_103 : memref<10240x128xf32, #tpu.memory_space<hbm>>) target(%arg11 : memref<80x128xf32, #tpu.memory_space<vmem>>) offsets(%arg9 : memref<80xi32, #tpu.memory_space<vmem>>) semaphore(%arg23 : memref<!tpu.dma_semaphore, #tpu.memory_space<semaphore_mem>>)
      } else {
      }
      %add3A_81 = arith.constant 1 : i32
      %add3A_82 = arith.addi %add3A_58, %add3A_81 : i32
      %lt3A_83 = arith.constant 125 : i32
      %lt3A_84 = arith.cmpi slt, %add3A_82, %lt3A_83 : i32
      %convert_element_type3A_85 = arith.extui %lt3A_84 : i1 to i32
      %cond3A_86 = arith.constant 0 : i32
      %cond3A_87 = arith.cmpi ne, %convert_element_type3A_85, %cond3A_86 : i32
      scf.if %cond3A_87 {
        %add3A_88 = arith.constant 1 : i32
        %add3A_89 = arith.addi %add3A_58, %add3A_88 : i32
        %dma_wait3A_90 = arith.constant 0 : i32
        %dma_wait3A_91 = arith.constant 0 : i32
        %dma_wait3A_92 = tpu.memref_slice %arg2[%dma_wait3A_90, %dma_wait3A_91] : memref<10240x128xf32, #tpu.memory_space<hbm>> -> memref<10240x128xf32, #tpu.memory_space<hbm>>
        tpu.wait_indirect_dma semaphore(%arg25 : memref<!tpu.dma_semaphore, #tpu.memory_space<semaphore_mem>>) src(%dma_wait3A_92 : memref<10240x128xf32, #tpu.memory_space<hbm>>) dst(%arg15 : memref<80x128xf32, #tpu.memory_space<vmem>>)
        %dma_wait3A_93 = arith.constant 0 : i32
        %dma_wait3A_94 = arith.constant 0 : i32
        %dma_wait3A_95 = tpu.memref_slice %arg3[%dma_wait3A_93, %dma_wait3A_94] : memref<10240x128xf32, #tpu.memory_space<hbm>> -> memref<10240x128xf32, #tpu.memory_space<hbm>>
        tpu.wait_indirect_dma semaphore(%arg26 : memref<!tpu.dma_semaphore, #tpu.memory_space<semaphore_mem>>) src(%dma_wait3A_95 : memref<10240x128xf32, #tpu.memory_space<hbm>>) dst(%arg16 : memref<80x128xf32, #tpu.memory_space<vmem>>)
        %parallel_loop3A_96 = arith.constant 0 : i32
        %parallel_loop3A_97 = arith.constant 80 : i32
        %parallel_loop3A_98 = arith.constant 1 : i32
        scf.for %parallel_loop3A_116 = %parallel_loop3A_96 to %parallel_loop3A_97 step %parallel_loop3A_98  : i32 {
          %parallel_loop3A_117 = arith.index_cast %parallel_loop3A_116 : i32 to index
          %parallel_loop3A_118 = arith.constant 0 : index
          %parallel_loop3A_119 = tpu.vector_load %arg15[%parallel_loop3A_117, %parallel_loop3A_118] {strides = array<i32>} : memref<80x128xf32, #tpu.memory_space<vmem>>, vector<16xf32>,
          %parallel_loop3A_120 = arith.index_cast %parallel_loop3A_116 : i32 to index
          %parallel_loop3A_121 = arith.constant 16 : index
          %parallel_loop3A_122 = tpu.vector_load %arg15[%parallel_loop3A_120, %parallel_loop3A_121] {strides = array<i32>} : memref<80x128xf32, #tpu.memory_space<vmem>>, vector<16xf32>,
          %parallel_loop3A_123 = arith.index_cast %parallel_loop3A_116 : i32 to index
          %parallel_loop3A_124 = arith.constant 32 : index
          %parallel_loop3A_125 = tpu.vector_load %arg15[%parallel_loop3A_123, %parallel_loop3A_124] {strides = array<i32>} : memref<80x128xf32, #tpu.memory_space<vmem>>, vector<16xf32>,
          %parallel_loop3A_126 = arith.index_cast %parallel_loop3A_116 : i32 to index
          %parallel_loop3A_127 = arith.constant 48 : index
          %parallel_loop3A_128 = tpu.vector_load %arg15[%parallel_loop3A_126, %parallel_loop3A_127] {strides = array<i32>} : memref<80x128xf32, #tpu.memory_space<vmem>>, vector<16xf32>,
          %parallel_loop3A_129 = arith.index_cast %parallel_loop3A_116 : i32 to index
          %parallel_loop3A_130 = arith.constant 64 : index
          %parallel_loop3A_131 = tpu.vector_load %arg15[%parallel_loop3A_129, %parallel_loop3A_130] {strides = array<i32>} : memref<80x128xf32, #tpu.memory_space<vmem>>, vector<16xf32>,
          %parallel_loop3A_132 = arith.index_cast %parallel_loop3A_116 : i32 to index
          %parallel_loop3A_133 = arith.constant 80 : index
          %parallel_loop3A_134 = tpu.vector_load %arg15[%parallel_loop3A_132, %parallel_loop3A_133] {strides = array<i32>} : memref<80x128xf32, #tpu.memory_space<vmem>>, vector<16xf32>,
          %parallel_loop3A_135 = arith.index_cast %parallel_loop3A_116 : i32 to index
          %parallel_loop3A_136 = arith.constant 96 : index
          %parallel_loop3A_137 = tpu.vector_load %arg15[%parallel_loop3A_135, %parallel_loop3A_136] {strides = array<i32>} : memref<80x128xf32, #tpu.memory_space<vmem>>, vector<16xf32>,
          %parallel_loop3A_138 = arith.index_cast %parallel_loop3A_116 : i32 to index
          %parallel_loop3A_139 = arith.constant 112 : index
          %parallel_loop3A_140 = tpu.vector_load %arg15[%parallel_loop3A_138, %parallel_loop3A_139] {strides = array<i32>} : memref<80x128xf32, #tpu.memory_space<vmem>>, vector<16xf32>,
          %parallel_loop3A_141 = arith.index_cast %parallel_loop3A_116 : i32 to index
          %parallel_loop3A_142 = arith.constant 0 : index
          %parallel_loop3A_143 = tpu.vector_load %arg16[%parallel_loop3A_141, %parallel_loop3A_142] {strides = array<i32>} : memref<80x128xf32, #tpu.memory_space<vmem>>, vector<16xf32>,
          %parallel_loop3A_144 = arith.index_cast %parallel_loop3A_116 : i32 to index
          %parallel_loop3A_145 = arith.constant 16 : index
          %parallel_loop3A_146 = tpu.vector_load %arg16[%parallel_loop3A_144, %parallel_loop3A_145] {strides = array<i32>} : memref<80x128xf32, #tpu.memory_space<vmem>>, vector<16xf32>,
          %parallel_loop3A_147 = arith.index_cast %parallel_loop3A_116 : i32 to index
          %parallel_loop3A_148 = arith.constant 32 : index
          %parallel_loop3A_149 = tpu.vector_load %arg16[%parallel_loop3A_147, %parallel_loop3A_148] {strides = array<i32>} : memref<80x128xf32, #tpu.memory_space<vmem>>, vector<16xf32>,
          %parallel_loop3A_150 = arith.index_cast %parallel_loop3A_116 : i32 to index
          %parallel_loop3A_151 = arith.constant 48 : index
          %parallel_loop3A_152 = tpu.vector_load %arg16[%parallel_loop3A_150, %parallel_loop3A_151] {strides = array<i32>} : memref<80x128xf32, #tpu.memory_space<vmem>>, vector<16xf32>,
          %parallel_loop3A_153 = arith.index_cast %parallel_loop3A_116 : i32 to index
          %parallel_loop3A_154 = arith.constant 64 : index
          %parallel_loop3A_155 = tpu.vector_load %arg16[%parallel_loop3A_153, %parallel_loop3A_154] {strides = array<i32>} : memref<80x128xf32, #tpu.memory_space<vmem>>, vector<16xf32>,
          %parallel_loop3A_156 = arith.index_cast %parallel_loop3A_116 : i32 to index
          %parallel_loop3A_157 = arith.constant 80 : index
          %parallel_loop3A_158 = tpu.vector_load %arg16[%parallel_loop3A_156, %parallel_loop3A_157] {strides = array<i32>} : memref<80x128xf32, #tpu.memory_space<vmem>>, vector<16xf32>,
          %parallel_loop3A_159 = arith.index_cast %parallel_loop3A_116 : i32 to index
          %parallel_loop3A_160 = arith.constant 96 : index
          %parallel_loop3A_161 = tpu.vector_load %arg16[%parallel_loop3A_159, %parallel_loop3A_160] {strides = array<i32>} : memref<80x128xf32, #tpu.memory_space<vmem>>, vector<16xf32>,
          %parallel_loop3A_162 = arith.index_cast %parallel_loop3A_116 : i32 to index
          %parallel_loop3A_163 = arith.constant 112 : index
          %parallel_loop3A_164 = tpu.vector_load %arg16[%parallel_loop3A_162, %parallel_loop3A_163] {strides = array<i32>} : memref<80x128xf32, #tpu.memory_space<vmem>>, vector<16xf32>,
          %parallel_loop3A_165 = arith.mulf %parallel_loop3A_119, %parallel_loop3A_143 : vector<16xf32>
          %parallel_loop3A_166 = arith.mulf %parallel_loop3A_122, %parallel_loop3A_146 : vector<16xf32>
          %parallel_loop3A_167 = arith.addf %parallel_loop3A_165, %parallel_loop3A_166 : vector<16xf32>
          %parallel_loop3A_168 = arith.constant true
          %parallel_loop3A_169 = vector.broadcast %parallel_loop3A_168 : i1 to vector<16xi1>
          %parallel_loop3A_170 = tpu.scan <sum>, %parallel_loop3A_167 masked %parallel_loop3A_169 : vector<16xf32>, vector<16xi1> -> vector<16xf32>
          %parallel_loop3A_171 = vector.extract %parallel_loop3A_170[15] : f32 from vector<16xf32>
          %parallel_loop3A_172 = arith.constant -1.000000e+01 : f32
          %parallel_loop3A_173 = arith.maximumf %parallel_loop3A_171, %parallel_loop3A_172 : f32
          %parallel_loop3A_174 = arith.constant 1.000000e+01 : f32
          %parallel_loop3A_175 = arith.minimumf %parallel_loop3A_173, %parallel_loop3A_174 : f32
          %parallel_loop3A_176 = vector.broadcast %parallel_loop3A_175 : f32 to vector<16xf32>
          %parallel_loop3A_177 = math.exp %parallel_loop3A_176 : vector<16xf32>
          %parallel_loop3A_178 = arith.mulf %parallel_loop3A_125, %parallel_loop3A_149 : vector<16xf32>
          %parallel_loop3A_179 = arith.mulf %parallel_loop3A_128, %parallel_loop3A_152 : vector<16xf32>
          %parallel_loop3A_180 = arith.addf %parallel_loop3A_178, %parallel_loop3A_179 : vector<16xf32>
          %parallel_loop3A_181 = arith.constant true
          %parallel_loop3A_182 = vector.broadcast %parallel_loop3A_181 : i1 to vector<16xi1>
          %parallel_loop3A_183 = tpu.scan <sum>, %parallel_loop3A_180 masked %parallel_loop3A_182 : vector<16xf32>, vector<16xi1> -> vector<16xf32>
          %parallel_loop3A_184 = vector.extract %parallel_loop3A_183[15] : f32 from vector<16xf32>
          %parallel_loop3A_185 = arith.constant -1.000000e+01 : f32
          %parallel_loop3A_186 = arith.maximumf %parallel_loop3A_184, %parallel_loop3A_185 : f32
          %parallel_loop3A_187 = arith.constant 1.000000e+01 : f32
          %parallel_loop3A_188 = arith.minimumf %parallel_loop3A_186, %parallel_loop3A_187 : f32
          %parallel_loop3A_189 = vector.broadcast %parallel_loop3A_188 : f32 to vector<16xf32>
          %parallel_loop3A_190 = math.exp %parallel_loop3A_189 : vector<16xf32>
          %parallel_loop3A_191 = arith.mulf %parallel_loop3A_131, %parallel_loop3A_155 : vector<16xf32>
          %parallel_loop3A_192 = arith.mulf %parallel_loop3A_134, %parallel_loop3A_158 : vector<16xf32>
          %parallel_loop3A_193 = arith.addf %parallel_loop3A_191, %parallel_loop3A_192 : vector<16xf32>
          %parallel_loop3A_194 = arith.constant true
          %parallel_loop3A_195 = vector.broadcast %parallel_loop3A_194 : i1 to vector<16xi1>
          %parallel_loop3A_196 = tpu.scan <sum>, %parallel_loop3A_193 masked %parallel_loop3A_195 : vector<16xf32>, vector<16xi1> -> vector<16xf32>
          %parallel_loop3A_197 = vector.extract %parallel_loop3A_196[15] : f32 from vector<16xf32>
          %parallel_loop3A_198 = arith.constant -1.000000e+01 : f32
          %parallel_loop3A_199 = arith.maximumf %parallel_loop3A_197, %parallel_loop3A_198 : f32
          %parallel_loop3A_200 = arith.constant 1.000000e+01 : f32
          %parallel_loop3A_201 = arith.minimumf %parallel_loop3A_199, %parallel_loop3A_200 : f32
          %parallel_loop3A_202 = vector.broadcast %parallel_loop3A_201 : f32 to vector<16xf32>
          %parallel_loop3A_203 = math.exp %parallel_loop3A_202 : vector<16xf32>
          %parallel_loop3A_204 = arith.mulf %parallel_loop3A_137, %parallel_loop3A_161 : vector<16xf32>
          %parallel_loop3A_205 = arith.mulf %parallel_loop3A_140, %parallel_loop3A_164 : vector<16xf32>
          %parallel_loop3A_206 = arith.addf %parallel_loop3A_204, %parallel_loop3A_205 : vector<16xf32>
          %parallel_loop3A_207 = arith.constant true
          %parallel_loop3A_208 = vector.broadcast %parallel_loop3A_207 : i1 to vector<16xi1>
          %parallel_loop3A_209 = tpu.scan <sum>, %parallel_loop3A_206 masked %parallel_loop3A_208 : vector<16xf32>, vector<16xi1> -> vector<16xf32>
          %parallel_loop3A_210 = vector.extract %parallel_loop3A_209[15] : f32 from vector<16xf32>
          %parallel_loop3A_211 = arith.constant -1.000000e+01 : f32
          %parallel_loop3A_212 = arith.maximumf %parallel_loop3A_210, %parallel_loop3A_211 : f32
          %parallel_loop3A_213 = arith.constant 1.000000e+01 : f32
          %parallel_loop3A_214 = arith.minimumf %parallel_loop3A_212, %parallel_loop3A_213 : f32
          %parallel_loop3A_215 = vector.broadcast %parallel_loop3A_214 : f32 to vector<16xf32>
          %parallel_loop3A_216 = math.exp %parallel_loop3A_215 : vector<16xf32>
          %parallel_loop3A_217 = arith.constant 0 : i32
          %parallel_loop3A_218 = vector.broadcast %parallel_loop3A_217 : i32 to vector<16xi32>
          %parallel_loop3A_219 = arith.cmpi eq, %iota3A, %parallel_loop3A_218 : vector<16xi32>
          %parallel_loop3A_220 = arith.constant 1 : i32
          %parallel_loop3A_221 = vector.broadcast %parallel_loop3A_220 : i32 to vector<16xi32>
          %parallel_loop3A_222 = arith.cmpi eq, %iota3A, %parallel_loop3A_221 : vector<16xi32>
          %parallel_loop3A_223 = arith.constant 2 : i32
          %parallel_loop3A_224 = vector.broadcast %parallel_loop3A_223 : i32 to vector<16xi32>
          %parallel_loop3A_225 = arith.cmpi eq, %iota3A, %parallel_loop3A_224 : vector<16xi32>
          %parallel_loop3A_226 = arith.select %parallel_loop3A_225, %parallel_loop3A_203, %parallel_loop3A_216 : vector<16xi1>, vector<16xf32>
          %parallel_loop3A_227 = arith.select %parallel_loop3A_222, %parallel_loop3A_190, %parallel_loop3A_226 : vector<16xi1>, vector<16xf32>
          %parallel_loop3A_228 = arith.select %parallel_loop3A_219, %parallel_loop3A_177, %parallel_loop3A_227 : vector<16xi1>, vector<16xf32>
          %parallel_loop3A_229 = arith.index_cast %parallel_loop3A_116 : i32 to index
          %parallel_loop3A_230 = arith.constant 0 : index
          %parallel_loop3A_231 = tpu.vector_load %arg17[%parallel_loop3A_229, %parallel_loop3A_230] {strides = array<i32>} : memref<80x16xf32, #tpu.memory_space<vmem>>, vector<16xf32>,
          tpu.vector_store %arg17[%parallel_loop3A_229, %parallel_loop3A_230], %parallel_loop3A_228 {strides = array<i32>} : memref<80x16xf32, #tpu.memory_space<vmem>>, vector<16xf32>,
          %parallel_loop3A_232 = arith.constant 4 : i32
          %parallel_loop3A_233 = arith.muli %parallel_loop3A_116, %parallel_loop3A_232 : i32
          %parallel_loop3A_234 = vector.broadcast %parallel_loop3A_233 : i32 to vector<16xi32>
          %parallel_loop3A_235 = arith.addi %parallel_loop3A_234, %iota3A : vector<16xi32>
          %parallel_loop3A_236 = arith.constant 4 : i32
          %parallel_loop3A_237 = vector.broadcast %parallel_loop3A_236 : i32 to vector<16xi32>
          %parallel_loop3A_238 = arith.cmpi slt, %iota3A, %parallel_loop3A_237 : vector<16xi32>
          tpu.vector_store_idx %arg18[%parallel_loop3A_235], %parallel_loop3A_228 masked %parallel_loop3A_238 : memref<320xf32, #tpu.memory_space<vmem>>[vector<16xi32>], vector<16xf32>, vector<16xi1>
        } {sc.loop_unroll_factor = 8 : i64, sc.parallel_access}
        %dma_start3A_99 = arith.constant 0 : i32
        %dma_start3A_100 = arith.constant 0 : i32
        %dma_start3A_101 = tpu.memref_slice %arg20[%dma_start3A_99, %dma_start3A_100] : memref<10240x16xf32, #tpu.memory_space<vmem_shared>> -> memref<10240x16xf32, #tpu.memory_space<vmem_shared>>
        tpu.enqueue_indirect_dma source(%arg17 : memref<80x16xf32, #tpu.memory_space<vmem>>) target(%dma_start3A_101 : memref<10240x16xf32, #tpu.memory_space<vmem_shared>>) offsets(%arg13 : memref<80xi32, #tpu.memory_space<vmem>>) semaphore(%arg27 : memref<!tpu.dma_semaphore, #tpu.memory_space<semaphore_mem>>) {add = true}
        %mul3A_102 = arith.constant 10000 : i32
        %mul3A_103 = arith.muli %add3A, %mul3A_102 : i32
        %mul3A_104 = arith.constant 80 : i32
        %mul3A_105 = arith.muli %add3A_89, %mul3A_104 : i32
        %add3A_106 = arith.addi %mul3A_103, %mul3A_105 : i32
        %mul3A_107 = arith.constant 4 : i32
        %mul3A_108 = arith.muli %add3A_106, %mul3A_107 : i32
        "tpu.region"() ({
          %run_scoped3A = tpu.sem_alloc : memref<!tpu.dma_semaphore, #tpu.memory_space<semaphore_mem>>
          %dma_start3A_116 = tpu.memref_slice %arg6[%mul3A_108] : memref<1280000xf32, #tpu.memory_space<hbm>> -> memref<320xf32, #tpu.memory_space<hbm>>
          %dma_start3A_117 = tpu.memref_slice %arg6[%mul3A_108] : memref<1280000xf32, #tpu.memory_space<hbm>> -> memref<320xf32, #tpu.memory_space<hbm>>
          tpu.enqueue_dma source(%arg18 : memref<320xf32, #tpu.memory_space<vmem>>) target(%dma_start3A_117 : memref<320xf32, #tpu.memory_space<hbm>>) target_semaphore(%run_scoped3A : memref<!tpu.dma_semaphore, #tpu.memory_space<semaphore_mem>>)
          %dma_wait3A_118 = tpu.memref_slice %arg6[%mul3A_108] : memref<1280000xf32, #tpu.memory_space<hbm>> -> memref<320xf32, #tpu.memory_space<hbm>>
          %dma_wait3A_119 = tpu.memref_slice %arg6[%mul3A_108] : memref<1280000xf32, #tpu.memory_space<hbm>> -> memref<320xf32, #tpu.memory_space<hbm>>
          tpu.wait_dma2 semaphore(%run_scoped3A : memref<!tpu.dma_semaphore, #tpu.memory_space<semaphore_mem>>) src(%arg18 : memref<320xf32, #tpu.memory_space<vmem>>) dst(%dma_wait3A_119 : memref<320xf32, #tpu.memory_space<hbm>>)
          tpu.yield
        }) : () -> ()
        %add3A_109 = arith.constant 3 : i32
        %add3A_110 = arith.addi %add3A_58, %add3A_109 : i32
        %lt3A_111 = arith.constant 125 : i32
        %lt3A_112 = arith.cmpi slt, %add3A_110, %lt3A_111 : i32
        %convert_element_type3A_113 = arith.extui %lt3A_112 : i1 to i32
        %cond3A_114 = arith.constant 0 : i32
        %cond3A_115 = arith.cmpi ne, %convert_element_type3A_113, %cond3A_114 : i32
        scf.if %cond3A_115 {
          %add3A_116 = arith.constant 3 : i32
          %add3A_117 = arith.addi %add3A_58, %add3A_116 : i32
          %dma_wait3A_118 = arith.constant 0 : i32
          %dma_wait3A_119 = arith.constant 0 : i32
          %dma_wait3A_120 = tpu.memref_slice %arg20[%dma_wait3A_118, %dma_wait3A_119] : memref<10240x16xf32, #tpu.memory_space<vmem_shared>> -> memref<10240x16xf32, #tpu.memory_space<vmem_shared>>
          tpu.wait_indirect_dma semaphore(%arg27 : memref<!tpu.dma_semaphore, #tpu.memory_space<semaphore_mem>>) src(%arg17 : memref<80x16xf32, #tpu.memory_space<vmem>>) dst(%dma_wait3A_120 : memref<10240x16xf32, #tpu.memory_space<vmem_shared>>)
          %mul3A_121 = arith.constant 10000 : i32
          %mul3A_122 = arith.muli %add3A, %mul3A_121 : i32
          %mul3A_123 = arith.constant 80 : i32
          %mul3A_124 = arith.muli %add3A_117, %mul3A_123 : i32
          %add3A_125 = arith.addi %mul3A_122, %mul3A_124 : i32
          "tpu.region"() ({
            %run_scoped3A = tpu.sem_alloc : memref<!tpu.dma_semaphore, #tpu.memory_space<semaphore_mem>>
            %dma_start3A_132 = tpu.memref_slice %arg4[%add3A_125] : memref<320000xi32, #tpu.memory_space<hbm>> -> memref<80xi32, #tpu.memory_space<hbm>>
            %dma_start3A_133 = tpu.memref_slice %arg4[%add3A_125] : memref<320000xi32, #tpu.memory_space<hbm>> -> memref<80xi32, #tpu.memory_space<hbm>>
            tpu.enqueue_dma source(%dma_start3A_133 : memref<80xi32, #tpu.memory_space<hbm>>) target(%arg13 : memref<80xi32, #tpu.memory_space<vmem>>) target_semaphore(%run_scoped3A : memref<!tpu.dma_semaphore, #tpu.memory_space<semaphore_mem>>)
            %dma_wait3A_134 = tpu.memref_slice %arg4[%add3A_125] : memref<320000xi32, #tpu.memory_space<hbm>> -> memref<80xi32, #tpu.memory_space<hbm>>
            %dma_wait3A_135 = tpu.memref_slice %arg4[%add3A_125] : memref<320000xi32, #tpu.memory_space<hbm>> -> memref<80xi32, #tpu.memory_space<hbm>>
            tpu.wait_dma2 semaphore(%run_scoped3A : memref<!tpu.dma_semaphore, #tpu.memory_space<semaphore_mem>>) src(%dma_wait3A_135 : memref<80xi32, #tpu.memory_space<hbm>>) dst(%arg13 : memref<80xi32, #tpu.memory_space<vmem>>)
            tpu.yield
          }) : () -> ()
          "tpu.region"() ({
            %run_scoped3A = tpu.sem_alloc : memref<!tpu.dma_semaphore, #tpu.memory_space<semaphore_mem>>
            %dma_start3A_132 = tpu.memref_slice %arg5[%add3A_125] : memref<320000xi32, #tpu.memory_space<hbm>> -> memref<80xi32, #tpu.memory_space<hbm>>
            %dma_start3A_133 = tpu.memref_slice %arg5[%add3A_125] : memref<320000xi32, #tpu.memory_space<hbm>> -> memref<80xi32, #tpu.memory_space<hbm>>
            tpu.enqueue_dma source(%dma_start3A_133 : memref<80xi32, #tpu.memory_space<hbm>>) target(%arg14 : memref<80xi32, #tpu.memory_space<vmem>>) target_semaphore(%run_scoped3A : memref<!tpu.dma_semaphore, #tpu.memory_space<semaphore_mem>>)
            %dma_wait3A_134 = tpu.memref_slice %arg5[%add3A_125] : memref<320000xi32, #tpu.memory_space<hbm>> -> memref<80xi32, #tpu.memory_space<hbm>>
            %dma_wait3A_135 = tpu.memref_slice %arg5[%add3A_125] : memref<320000xi32, #tpu.memory_space<hbm>> -> memref<80xi32, #tpu.memory_space<hbm>>
            tpu.wait_dma2 semaphore(%run_scoped3A : memref<!tpu.dma_semaphore, #tpu.memory_space<semaphore_mem>>) src(%dma_wait3A_135 : memref<80xi32, #tpu.memory_space<hbm>>) dst(%arg14 : memref<80xi32, #tpu.memory_space<vmem>>)
            tpu.yield
          }) : () -> ()
          %dma_start3A_126 = arith.constant 0 : i32
          %dma_start3A_127 = arith.constant 0 : i32
          %dma_start3A_128 = tpu.memref_slice %arg2[%dma_start3A_126, %dma_start3A_127] : memref<10240x128xf32, #tpu.memory_space<hbm>> -> memref<10240x128xf32, #tpu.memory_space<hbm>>
          tpu.enqueue_indirect_dma source(%dma_start3A_128 : memref<10240x128xf32, #tpu.memory_space<hbm>>) target(%arg15 : memref<80x128xf32, #tpu.memory_space<vmem>>) offsets(%arg13 : memref<80xi32, #tpu.memory_space<vmem>>) semaphore(%arg25 : memref<!tpu.dma_semaphore, #tpu.memory_space<semaphore_mem>>)
          %dma_start3A_129 = arith.constant 0 : i32
          %dma_start3A_130 = arith.constant 0 : i32
          %dma_start3A_131 = tpu.memref_slice %arg3[%dma_start3A_129, %dma_start3A_130] : memref<10240x128xf32, #tpu.memory_space<hbm>> -> memref<10240x128xf32, #tpu.memory_space<hbm>>
          tpu.enqueue_indirect_dma source(%dma_start3A_131 : memref<10240x128xf32, #tpu.memory_space<hbm>>) target(%arg16 : memref<80x128xf32, #tpu.memory_space<vmem>>) offsets(%arg14 : memref<80xi32, #tpu.memory_space<vmem>>) semaphore(%arg26 : memref<!tpu.dma_semaphore, #tpu.memory_space<semaphore_mem>>)
        } else {
        }
      } else {
      }
    }
    %scan3A_31 = arith.constant 63 : i32
    %dma_wait3A = arith.constant 0 : i32
    %dma_wait3A_32 = arith.constant 0 : i32
    %dma_wait3A_33 = tpu.memref_slice %arg20[%dma_wait3A, %dma_wait3A_32] : memref<10240x16xf32, #tpu.memory_space<vmem_shared>> -> memref<10240x16xf32, #tpu.memory_space<vmem_shared>>
    tpu.wait_indirect_dma semaphore(%arg24 : memref<!tpu.dma_semaphore, #tpu.memory_space<semaphore_mem>>) src(%arg12 : memref<80x16xf32, #tpu.memory_space<vmem>>) dst(%dma_wait3A_33 : memref<10240x16xf32, #tpu.memory_space<vmem_shared>>)
    %dma_wait3A_34 = arith.constant 0 : i32
    %dma_wait3A_35 = arith.constant 0 : i32
    %dma_wait3A_36 = tpu.memref_slice %arg20[%dma_wait3A_34, %dma_wait3A_35] : memref<10240x16xf32, #tpu.memory_space<vmem_shared>> -> memref<10240x16xf32, #tpu.memory_space<vmem_shared>>
    tpu.wait_indirect_dma semaphore(%arg27 : memref<!tpu.dma_semaphore, #tpu.memory_space<semaphore_mem>>) src(%arg17 : memref<80x16xf32, #tpu.memory_space<vmem>>) dst(%dma_wait3A_36 : memref<10240x16xf32, #tpu.memory_space<vmem_shared>>)
    %barrier3A_37 = arith.constant 0 : index
    tpu.barrier barrier_id(%barrier3A_37)
    %mul3A_38 = arith.constant 640 : i32
    %mul3A_39 = arith.muli %arg1, %mul3A_38 : i32
    "tpu.region"() ({
      %run_scoped3A = tpu.sem_alloc : memref<!tpu.dma_semaphore, #tpu.memory_space<semaphore_mem>>
      %dma_start3A_54 = arith.constant 0 : i32
      %dma_start3A_55 = tpu.memref_slice %arg20[%mul3A_39, %dma_start3A_54] : memref<10240x16xf32, #tpu.memory_space<vmem_shared>> -> memref<640x16xf32, #tpu.memory_space<vmem_shared>>
      %dma_start3A_56 = arith.constant 0 : i32
      %dma_start3A_57 = tpu.memref_slice %arg20[%mul3A_39, %dma_start3A_56] : memref<10240x16xf32, #tpu.memory_space<vmem_shared>> -> memref<640x16xf32, #tpu.memory_space<vmem_shared>>
      tpu.enqueue_dma source(%dma_start3A_57 : memref<640x16xf32, #tpu.memory_space<vmem_shared>>) target(%arg21 : memref<640x16xf32, #tpu.memory_space<vmem>>) target_semaphore(%run_scoped3A : memref<!tpu.dma_semaphore, #tpu.memory_space<semaphore_mem>>)
      %dma_wait3A_58 = arith.constant 0 : i32
      %dma_wait3A_59 = tpu.memref_slice %arg20[%mul3A_39, %dma_wait3A_58] : memref<10240x16xf32, #tpu.memory_space<vmem_shared>> -> memref<640x16xf32, #tpu.memory_space<vmem_shared>>
      %dma_wait3A_60 = arith.constant 0 : i32
      %dma_wait3A_61 = tpu.memref_slice %arg20[%mul3A_39, %dma_wait3A_60] : memref<10240x16xf32, #tpu.memory_space<vmem_shared>> -> memref<640x16xf32, #tpu.memory_space<vmem_shared>>
      tpu.wait_dma2 semaphore(%run_scoped3A : memref<!tpu.dma_semaphore, #tpu.memory_space<semaphore_mem>>) src(%dma_wait3A_61 : memref<640x16xf32, #tpu.memory_space<vmem_shared>>) dst(%arg21 : memref<640x16xf32, #tpu.memory_space<vmem>>)
      tpu.yield
    }) : () -> ()
    %shift_right_logical3A = arith.constant 2 : i32
    %shift_right_logical3A_40 = vector.broadcast %shift_right_logical3A : i32 to vector<16xi32>
    %shift_right_logical3A_41 = arith.shrui %iota3A, %shift_right_logical3A_40 : vector<16xi32>
    %and3A = arith.constant 3 : i32
    %and3A_42 = vector.broadcast %and3A : i32 to vector<16xi32>
    %and3A_43 = arith.andi %iota3A, %and3A_42 : vector<16xi32>
    %scan3A_44 = arith.constant 0 : i32
    %scan3A_45 = arith.constant 160 : i32
    %scan3A_46 = arith.addi %scan3A_44, %scan3A_45 : i32
    %scan3A_47 = arith.constant 1 : i32
    scf.for %scan3A_54 = %scan3A_44 to %scan3A_46 step %scan3A_47  : i32 {
      %mul3A_55 = arith.constant 4 : i32
      %mul3A_56 = arith.muli %scan3A_54, %mul3A_55 : i32
      %add3A_57 = arith.constant 0 : i32
      %add3A_58 = arith.addi %add3A_57, %mul3A_56 : i32
      %add3A_59 = vector.broadcast %add3A_58 : i32 to vector<16xi32>
      %add3A_60 = arith.addi %add3A_59, %shift_right_logical3A_41 : vector<16xi32>
      %gather3A = tpu.vector_load_idx %arg21[%add3A_60, %and3A_43] : memref<640x16xf32, #tpu.memory_space<vmem>>[vector<16xi32>, vector<16xi32>], vector<16xf32>,
      %mul3A_61 = arith.constant 4 : i32
      %mul3A_62 = arith.muli %add3A_58, %mul3A_61 : i32
      %swap3A = arith.index_cast %mul3A_62 : i32 to index
      %swap3A_63 = tpu.vector_load %arg19[%swap3A] {strides = array<i32>} : memref<2560xf32, #tpu.memory_space<vmem>>, vector<16xf32>,
      tpu.vector_store %arg19[%swap3A], %gather3A {strides = array<i32>} : memref<2560xf32, #tpu.memory_space<vmem>>, vector<16xf32>,
    }
    %scan3A_48 = arith.constant 160 : i32
    %mul3A_49 = arith.constant 40960 : i32
    %mul3A_50 = arith.muli %arg0, %mul3A_49 : i32
    %mul3A_51 = arith.constant 2560 : i32
    %mul3A_52 = arith.muli %arg1, %mul3A_51 : i32
    %add3A_53 = arith.addi %mul3A_50, %mul3A_52 : i32
    "tpu.region"() ({
      %run_scoped3A = tpu.sem_alloc : memref<!tpu.dma_semaphore, #tpu.memory_space<semaphore_mem>>
      %dma_start3A_54 = tpu.memref_slice %arg7[%add3A_53] : memref<81920xf32, #tpu.memory_space<hbm>> -> memref<2560xf32, #tpu.memory_space<hbm>>
      %dma_start3A_55 = tpu.memref_slice %arg7[%add3A_53] : memref<81920xf32, #tpu.memory_space<hbm>> -> memref<2560xf32, #tpu.memory_space<hbm>>
      tpu.enqueue_dma source(%arg19 : memref<2560xf32, #tpu.memory_space<vmem>>) target(%dma_start3A_55 : memref<2560xf32, #tpu.memory_space<hbm>>) target_semaphore(%run_scoped3A : memref<!tpu.dma_semaphore, #tpu.memory_space<semaphore_mem>>)
      %dma_wait3A_56 = tpu.memref_slice %arg7[%add3A_53] : memref<81920xf32, #tpu.memory_space<hbm>> -> memref<2560xf32, #tpu.memory_space<hbm>>
      %dma_wait3A_57 = tpu.memref_slice %arg7[%add3A_53] : memref<81920xf32, #tpu.memory_space<hbm>> -> memref<2560xf32, #tpu.memory_space<hbm>>
      tpu.wait_dma2 semaphore(%run_scoped3A : memref<!tpu.dma_semaphore, #tpu.memory_space<semaphore_mem>>) src(%arg19 : memref<2560xf32, #tpu.memory_space<vmem>>) dst(%dma_wait3A_57 : memref<2560xf32, #tpu.memory_space<hbm>>)
      tpu.yield
    }) : () -> ()
    return
  }
}

#map = affine_map<(d0, d1) -> (0, 0)>
#map1 = affine_map<(d0, d1) -> (0)>
#map2 = affine_map<(d0, d1) -> (0, 0, 0)>
module attributes {stable_mosaic.version = 14 : i64} {
  func.func @_aggr_body(%arg0: i32, %arg1: i32, %arg2: memref<10240x128xf32, #tpu.memory_space<hbm>>, %arg3: memref<320000xi32, #tpu.memory_space<hbm>>, %arg4: memref<320000xi32, #tpu.memory_space<hbm>>, %arg5: memref<1280000xf32, #tpu.memory_space<hbm>>, %arg6: memref<40960xf32, #tpu.memory_space<hbm>>, %arg7: memref<1280000xf32, #tpu.memory_space<hbm>>, %arg8: memref<2x10240x128xf32, #tpu.memory_space<hbm>>, %arg9: memref<80xi32, #tpu.memory_space<vmem>>, %arg10: memref<80xi32, #tpu.memory_space<vmem>>, %arg11: memref<80x128xf32, #tpu.memory_space<vmem>>, %arg12: memref<320xf32, #tpu.memory_space<vmem>>, %arg13: memref<80xi32, #tpu.memory_space<vmem>>, %arg14: memref<80xi32, #tpu.memory_space<vmem>>, %arg15: memref<80x128xf32, #tpu.memory_space<vmem>>, %arg16: memref<320xf32, #tpu.memory_space<vmem>>, %arg17: memref<4x80xi32, #tpu.memory_space<vmem>>, %arg18: memref<320xf32, #tpu.memory_space<vmem>>, %arg19: memref<320xf32, #tpu.memory_space<vmem>>, %arg20: memref<80x128xf32, #tpu.memory_space<vmem>>, %arg21: memref<10240x128xf32, #tpu.memory_space<vmem_shared>>, %arg22: memref<128x128xf32, #tpu.memory_space<vmem>>, %arg23: memref<!tpu.dma_semaphore, #tpu.memory_space<semaphore_mem>>, %arg24: memref<!tpu.dma_semaphore, #tpu.memory_space<semaphore_mem>>, %arg25: memref<!tpu.dma_semaphore, #tpu.memory_space<semaphore_mem>>) attributes {dimension_semantics = [#tpu.dimension_semantics<core_parallel>, #tpu.dimension_semantics<subcore_parallel>], iteration_bounds = array<i64: 2, 16>, scalar_prefetch = 0 : i64, scratch_operands = 17 : i64, tpu.core_type = #tpu.core_type<sc_vector_subcore>, window_params = [{transform_indices = #map}, {transform_indices = #map1}, {transform_indices = #map1}, {transform_indices = #map1}, {transform_indices = #map1}, {transform_indices = #map1}, {transform_indices = #map2}]} {
    %mul3A = arith.constant 16 : i32
    %mul3A_0 = arith.muli %arg0, %mul3A : i32
    %add3A = arith.addi %mul3A_0, %arg1 : i32
    %broadcast_in_dim3A = arith.constant 0.000000e+00 : f32
    %broadcast_in_dim3A_1 = vector.broadcast %broadcast_in_dim3A : f32 to vector<16xf32>
    %scan3A = arith.constant 0 : i32
    %scan3A_2 = arith.constant 128 : i32
    %scan3A_3 = arith.addi %scan3A, %scan3A_2 : i32
    %scan3A_4 = arith.constant 1 : i32
    scf.for %scan3A_55 = %scan3A to %scan3A_3 step %scan3A_4  : i32 {
      %mul3A_56 = arith.constant 1 : i32
      %mul3A_57 = arith.muli %scan3A_55, %mul3A_56 : i32
      %add3A_58 = arith.constant 0 : i32
      %add3A_59 = arith.addi %add3A_58, %mul3A_57 : i32
      %swap3A = arith.index_cast %add3A_59 : i32 to index
      %swap3A_60 = arith.constant 0 : index
      %swap3A_61 = tpu.vector_load %arg22[%swap3A, %swap3A_60] {strides = array<i32>} : memref<128x128xf32, #tpu.memory_space<vmem>>, vector<16xf32>,
      tpu.vector_store %arg22[%swap3A, %swap3A_60], %broadcast_in_dim3A_1 {strides = array<i32>} : memref<128x128xf32, #tpu.memory_space<vmem>>, vector<16xf32>,
      %swap3A_62 = arith.index_cast %add3A_59 : i32 to index
      %swap3A_63 = arith.constant 16 : index
      %swap3A_64 = tpu.vector_load %arg22[%swap3A_62, %swap3A_63] {strides = array<i32>} : memref<128x128xf32, #tpu.memory_space<vmem>>, vector<16xf32>,
      tpu.vector_store %arg22[%swap3A_62, %swap3A_63], %broadcast_in_dim3A_1 {strides = array<i32>} : memref<128x128xf32, #tpu.memory_space<vmem>>, vector<16xf32>,
      %swap3A_65 = arith.index_cast %add3A_59 : i32 to index
      %swap3A_66 = arith.constant 32 : index
      %swap3A_67 = tpu.vector_load %arg22[%swap3A_65, %swap3A_66] {strides = array<i32>} : memref<128x128xf32, #tpu.memory_space<vmem>>, vector<16xf32>,
      tpu.vector_store %arg22[%swap3A_65, %swap3A_66], %broadcast_in_dim3A_1 {strides = array<i32>} : memref<128x128xf32, #tpu.memory_space<vmem>>, vector<16xf32>,
      %swap3A_68 = arith.index_cast %add3A_59 : i32 to index
      %swap3A_69 = arith.constant 48 : index
      %swap3A_70 = tpu.vector_load %arg22[%swap3A_68, %swap3A_69] {strides = array<i32>} : memref<128x128xf32, #tpu.memory_space<vmem>>, vector<16xf32>,
      tpu.vector_store %arg22[%swap3A_68, %swap3A_69], %broadcast_in_dim3A_1 {strides = array<i32>} : memref<128x128xf32, #tpu.memory_space<vmem>>, vector<16xf32>,
      %swap3A_71 = arith.index_cast %add3A_59 : i32 to index
      %swap3A_72 = arith.constant 64 : index
      %swap3A_73 = tpu.vector_load %arg22[%swap3A_71, %swap3A_72] {strides = array<i32>} : memref<128x128xf32, #tpu.memory_space<vmem>>, vector<16xf32>,
      tpu.vector_store %arg22[%swap3A_71, %swap3A_72], %broadcast_in_dim3A_1 {strides = array<i32>} : memref<128x128xf32, #tpu.memory_space<vmem>>, vector<16xf32>,
      %swap3A_74 = arith.index_cast %add3A_59 : i32 to index
      %swap3A_75 = arith.constant 80 : index
      %swap3A_76 = tpu.vector_load %arg22[%swap3A_74, %swap3A_75] {strides = array<i32>} : memref<128x128xf32, #tpu.memory_space<vmem>>, vector<16xf32>,
      tpu.vector_store %arg22[%swap3A_74, %swap3A_75], %broadcast_in_dim3A_1 {strides = array<i32>} : memref<128x128xf32, #tpu.memory_space<vmem>>, vector<16xf32>,
      %swap3A_77 = arith.index_cast %add3A_59 : i32 to index
      %swap3A_78 = arith.constant 96 : index
      %swap3A_79 = tpu.vector_load %arg22[%swap3A_77, %swap3A_78] {strides = array<i32>} : memref<128x128xf32, #tpu.memory_space<vmem>>, vector<16xf32>,
      tpu.vector_store %arg22[%swap3A_77, %swap3A_78], %broadcast_in_dim3A_1 {strides = array<i32>} : memref<128x128xf32, #tpu.memory_space<vmem>>, vector<16xf32>,
      %swap3A_80 = arith.index_cast %add3A_59 : i32 to index
      %swap3A_81 = arith.constant 112 : index
      %swap3A_82 = tpu.vector_load %arg22[%swap3A_80, %swap3A_81] {strides = array<i32>} : memref<128x128xf32, #tpu.memory_space<vmem>>, vector<16xf32>,
      tpu.vector_store %arg22[%swap3A_80, %swap3A_81], %broadcast_in_dim3A_1 {strides = array<i32>} : memref<128x128xf32, #tpu.memory_space<vmem>>, vector<16xf32>,
    }
    %scan3A_5 = arith.constant 128 : i32
    %mul3A_6 = arith.constant 640 : i32
    %mul3A_7 = arith.muli %arg1, %mul3A_6 : i32
    %add3A_8 = arith.constant 0 : i32
    %add3A_9 = arith.addi %mul3A_7, %add3A_8 : i32
    "tpu.region"() ({
      %run_scoped3A = tpu.sem_alloc : memref<!tpu.dma_semaphore, #tpu.memory_space<semaphore_mem>>
      %dma_start3A_55 = arith.constant 0 : i32
      %dma_start3A_56 = tpu.memref_slice %arg21[%add3A_9, %dma_start3A_55] : memref<10240x128xf32, #tpu.memory_space<vmem_shared>> -> memref<128x128xf32, #tpu.memory_space<vmem_shared>>
      %dma_start3A_57 = arith.constant 0 : i32
      %dma_start3A_58 = tpu.memref_slice %arg21[%add3A_9, %dma_start3A_57] : memref<10240x128xf32, #tpu.memory_space<vmem_shared>> -> memref<128x128xf32, #tpu.memory_space<vmem_shared>>
      tpu.enqueue_dma source(%arg22 : memref<128x128xf32, #tpu.memory_space<vmem>>) target(%dma_start3A_58 : memref<128x128xf32, #tpu.memory_space<vmem_shared>>) target_semaphore(%run_scoped3A : memref<!tpu.dma_semaphore, #tpu.memory_space<semaphore_mem>>)
      %dma_wait3A = arith.constant 0 : i32
      %dma_wait3A_59 = tpu.memref_slice %arg21[%add3A_9, %dma_wait3A] : memref<10240x128xf32, #tpu.memory_space<vmem_shared>> -> memref<128x128xf32, #tpu.memory_space<vmem_shared>>
      %dma_wait3A_60 = arith.constant 0 : i32
      %dma_wait3A_61 = tpu.memref_slice %arg21[%add3A_9, %dma_wait3A_60] : memref<10240x128xf32, #tpu.memory_space<vmem_shared>> -> memref<128x128xf32, #tpu.memory_space<vmem_shared>>
      tpu.wait_dma2 semaphore(%run_scoped3A : memref<!tpu.dma_semaphore, #tpu.memory_space<semaphore_mem>>) src(%arg22 : memref<128x128xf32, #tpu.memory_space<vmem>>) dst(%dma_wait3A_61 : memref<128x128xf32, #tpu.memory_space<vmem_shared>>)
      tpu.yield
    }) : () -> ()
    %mul3A_10 = arith.constant 640 : i32
    %mul3A_11 = arith.muli %arg1, %mul3A_10 : i32
    %add3A_12 = arith.constant 128 : i32
    %add3A_13 = arith.addi %mul3A_11, %add3A_12 : i32
    "tpu.region"() ({
      %run_scoped3A = tpu.sem_alloc : memref<!tpu.dma_semaphore, #tpu.memory_space<semaphore_mem>>
      %dma_start3A_55 = arith.constant 0 : i32
      %dma_start3A_56 = tpu.memref_slice %arg21[%add3A_13, %dma_start3A_55] : memref<10240x128xf32, #tpu.memory_space<vmem_shared>> -> memref<128x128xf32, #tpu.memory_space<vmem_shared>>
      %dma_start3A_57 = arith.constant 0 : i32
      %dma_start3A_58 = tpu.memref_slice %arg21[%add3A_13, %dma_start3A_57] : memref<10240x128xf32, #tpu.memory_space<vmem_shared>> -> memref<128x128xf32, #tpu.memory_space<vmem_shared>>
      tpu.enqueue_dma source(%arg22 : memref<128x128xf32, #tpu.memory_space<vmem>>) target(%dma_start3A_58 : memref<128x128xf32, #tpu.memory_space<vmem_shared>>) target_semaphore(%run_scoped3A : memref<!tpu.dma_semaphore, #tpu.memory_space<semaphore_mem>>)
      %dma_wait3A = arith.constant 0 : i32
      %dma_wait3A_59 = tpu.memref_slice %arg21[%add3A_13, %dma_wait3A] : memref<10240x128xf32, #tpu.memory_space<vmem_shared>> -> memref<128x128xf32, #tpu.memory_space<vmem_shared>>
      %dma_wait3A_60 = arith.constant 0 : i32
      %dma_wait3A_61 = tpu.memref_slice %arg21[%add3A_13, %dma_wait3A_60] : memref<10240x128xf32, #tpu.memory_space<vmem_shared>> -> memref<128x128xf32, #tpu.memory_space<vmem_shared>>
      tpu.wait_dma2 semaphore(%run_scoped3A : memref<!tpu.dma_semaphore, #tpu.memory_space<semaphore_mem>>) src(%arg22 : memref<128x128xf32, #tpu.memory_space<vmem>>) dst(%dma_wait3A_61 : memref<128x128xf32, #tpu.memory_space<vmem_shared>>)
      tpu.yield
    }) : () -> ()
    %mul3A_14 = arith.constant 640 : i32
    %mul3A_15 = arith.muli %arg1, %mul3A_14 : i32
    %add3A_16 = arith.constant 256 : i32
    %add3A_17 = arith.addi %mul3A_15, %add3A_16 : i32
    "tpu.region"() ({
      %run_scoped3A = tpu.sem_alloc : memref<!tpu.dma_semaphore, #tpu.memory_space<semaphore_mem>>
      %dma_start3A_55 = arith.constant 0 : i32
      %dma_start3A_56 = tpu.memref_slice %arg21[%add3A_17, %dma_start3A_55] : memref<10240x128xf32, #tpu.memory_space<vmem_shared>> -> memref<128x128xf32, #tpu.memory_space<vmem_shared>>
      %dma_start3A_57 = arith.constant 0 : i32
      %dma_start3A_58 = tpu.memref_slice %arg21[%add3A_17, %dma_start3A_57] : memref<10240x128xf32, #tpu.memory_space<vmem_shared>> -> memref<128x128xf32, #tpu.memory_space<vmem_shared>>
      tpu.enqueue_dma source(%arg22 : memref<128x128xf32, #tpu.memory_space<vmem>>) target(%dma_start3A_58 : memref<128x128xf32, #tpu.memory_space<vmem_shared>>) target_semaphore(%run_scoped3A : memref<!tpu.dma_semaphore, #tpu.memory_space<semaphore_mem>>)
      %dma_wait3A = arith.constant 0 : i32
      %dma_wait3A_59 = tpu.memref_slice %arg21[%add3A_17, %dma_wait3A] : memref<10240x128xf32, #tpu.memory_space<vmem_shared>> -> memref<128x128xf32, #tpu.memory_space<vmem_shared>>
      %dma_wait3A_60 = arith.constant 0 : i32
      %dma_wait3A_61 = tpu.memref_slice %arg21[%add3A_17, %dma_wait3A_60] : memref<10240x128xf32, #tpu.memory_space<vmem_shared>> -> memref<128x128xf32, #tpu.memory_space<vmem_shared>>
      tpu.wait_dma2 semaphore(%run_scoped3A : memref<!tpu.dma_semaphore, #tpu.memory_space<semaphore_mem>>) src(%arg22 : memref<128x128xf32, #tpu.memory_space<vmem>>) dst(%dma_wait3A_61 : memref<128x128xf32, #tpu.memory_space<vmem_shared>>)
      tpu.yield
    }) : () -> ()
    %mul3A_18 = arith.constant 640 : i32
    %mul3A_19 = arith.muli %arg1, %mul3A_18 : i32
    %add3A_20 = arith.constant 384 : i32
    %add3A_21 = arith.addi %mul3A_19, %add3A_20 : i32
    "tpu.region"() ({
      %run_scoped3A = tpu.sem_alloc : memref<!tpu.dma_semaphore, #tpu.memory_space<semaphore_mem>>
      %dma_start3A_55 = arith.constant 0 : i32
      %dma_start3A_56 = tpu.memref_slice %arg21[%add3A_21, %dma_start3A_55] : memref<10240x128xf32, #tpu.memory_space<vmem_shared>> -> memref<128x128xf32, #tpu.memory_space<vmem_shared>>
      %dma_start3A_57 = arith.constant 0 : i32
      %dma_start3A_58 = tpu.memref_slice %arg21[%add3A_21, %dma_start3A_57] : memref<10240x128xf32, #tpu.memory_space<vmem_shared>> -> memref<128x128xf32, #tpu.memory_space<vmem_shared>>
      tpu.enqueue_dma source(%arg22 : memref<128x128xf32, #tpu.memory_space<vmem>>) target(%dma_start3A_58 : memref<128x128xf32, #tpu.memory_space<vmem_shared>>) target_semaphore(%run_scoped3A : memref<!tpu.dma_semaphore, #tpu.memory_space<semaphore_mem>>)
      %dma_wait3A = arith.constant 0 : i32
      %dma_wait3A_59 = tpu.memref_slice %arg21[%add3A_21, %dma_wait3A] : memref<10240x128xf32, #tpu.memory_space<vmem_shared>> -> memref<128x128xf32, #tpu.memory_space<vmem_shared>>
      %dma_wait3A_60 = arith.constant 0 : i32
      %dma_wait3A_61 = tpu.memref_slice %arg21[%add3A_21, %dma_wait3A_60] : memref<10240x128xf32, #tpu.memory_space<vmem_shared>> -> memref<128x128xf32, #tpu.memory_space<vmem_shared>>
      tpu.wait_dma2 semaphore(%run_scoped3A : memref<!tpu.dma_semaphore, #tpu.memory_space<semaphore_mem>>) src(%arg22 : memref<128x128xf32, #tpu.memory_space<vmem>>) dst(%dma_wait3A_61 : memref<128x128xf32, #tpu.memory_space<vmem_shared>>)
      tpu.yield
    }) : () -> ()
    %mul3A_22 = arith.constant 640 : i32
    %mul3A_23 = arith.muli %arg1, %mul3A_22 : i32
    %add3A_24 = arith.constant 512 : i32
    %add3A_25 = arith.addi %mul3A_23, %add3A_24 : i32
    "tpu.region"() ({
      %run_scoped3A = tpu.sem_alloc : memref<!tpu.dma_semaphore, #tpu.memory_space<semaphore_mem>>
      %dma_start3A_55 = arith.constant 0 : i32
      %dma_start3A_56 = tpu.memref_slice %arg21[%add3A_25, %dma_start3A_55] : memref<10240x128xf32, #tpu.memory_space<vmem_shared>> -> memref<128x128xf32, #tpu.memory_space<vmem_shared>>
      %dma_start3A_57 = arith.constant 0 : i32
      %dma_start3A_58 = tpu.memref_slice %arg21[%add3A_25, %dma_start3A_57] : memref<10240x128xf32, #tpu.memory_space<vmem_shared>> -> memref<128x128xf32, #tpu.memory_space<vmem_shared>>
      tpu.enqueue_dma source(%arg22 : memref<128x128xf32, #tpu.memory_space<vmem>>) target(%dma_start3A_58 : memref<128x128xf32, #tpu.memory_space<vmem_shared>>) target_semaphore(%run_scoped3A : memref<!tpu.dma_semaphore, #tpu.memory_space<semaphore_mem>>)
      %dma_wait3A = arith.constant 0 : i32
      %dma_wait3A_59 = tpu.memref_slice %arg21[%add3A_25, %dma_wait3A] : memref<10240x128xf32, #tpu.memory_space<vmem_shared>> -> memref<128x128xf32, #tpu.memory_space<vmem_shared>>
      %dma_wait3A_60 = arith.constant 0 : i32
      %dma_wait3A_61 = tpu.memref_slice %arg21[%add3A_25, %dma_wait3A_60] : memref<10240x128xf32, #tpu.memory_space<vmem_shared>> -> memref<128x128xf32, #tpu.memory_space<vmem_shared>>
      tpu.wait_dma2 semaphore(%run_scoped3A : memref<!tpu.dma_semaphore, #tpu.memory_space<semaphore_mem>>) src(%arg22 : memref<128x128xf32, #tpu.memory_space<vmem>>) dst(%dma_wait3A_61 : memref<128x128xf32, #tpu.memory_space<vmem_shared>>)
      tpu.yield
    }) : () -> ()
    %barrier3A = arith.constant 0 : index
    tpu.barrier barrier_id(%barrier3A)
    %iota3A = tpu.iota {dimensions = array<i32: 0>} : vector<16xi32>
    %shift_right_logical3A = arith.constant 2 : i32
    %shift_right_logical3A_26 = vector.broadcast %shift_right_logical3A : i32 to vector<16xi32>
    %shift_right_logical3A_27 = arith.shrui %iota3A, %shift_right_logical3A_26 : vector<16xi32>
    %and3A = arith.constant 3 : i32
    %and3A_28 = vector.broadcast %and3A : i32 to vector<16xi32>
    %and3A_29 = arith.andi %iota3A, %and3A_28 : vector<16xi32>
    %mul3A_30 = arith.constant 10000 : i32
    %mul3A_31 = arith.muli %add3A, %mul3A_30 : i32
    %add3A_32 = arith.constant 0 : i32
    %add3A_33 = arith.addi %mul3A_31, %add3A_32 : i32
    "tpu.region"() ({
      %run_scoped3A = tpu.sem_alloc : memref<!tpu.dma_semaphore, #tpu.memory_space<semaphore_mem>>
      %dma_start3A_55 = tpu.memref_slice %arg3[%add3A_33] : memref<320000xi32, #tpu.memory_space<hbm>> -> memref<80xi32, #tpu.memory_space<hbm>>
      %dma_start3A_56 = tpu.memref_slice %arg3[%add3A_33] : memref<320000xi32, #tpu.memory_space<hbm>> -> memref<80xi32, #tpu.memory_space<hbm>>
      tpu.enqueue_dma source(%dma_start3A_56 : memref<80xi32, #tpu.memory_space<hbm>>) target(%arg9 : memref<80xi32, #tpu.memory_space<vmem>>) target_semaphore(%run_scoped3A : memref<!tpu.dma_semaphore, #tpu.memory_space<semaphore_mem>>)
      %dma_wait3A = tpu.memref_slice %arg3[%add3A_33] : memref<320000xi32, #tpu.memory_space<hbm>> -> memref<80xi32, #tpu.memory_space<hbm>>
      %dma_wait3A_57 = tpu.memref_slice %arg3[%add3A_33] : memref<320000xi32, #tpu.memory_space<hbm>> -> memref<80xi32, #tpu.memory_space<hbm>>
      tpu.wait_dma2 semaphore(%run_scoped3A : memref<!tpu.dma_semaphore, #tpu.memory_space<semaphore_mem>>) src(%dma_wait3A_57 : memref<80xi32, #tpu.memory_space<hbm>>) dst(%arg9 : memref<80xi32, #tpu.memory_space<vmem>>)
      tpu.yield
    }) : () -> ()
    "tpu.region"() ({
      %run_scoped3A = tpu.sem_alloc : memref<!tpu.dma_semaphore, #tpu.memory_space<semaphore_mem>>
      %dma_start3A_55 = tpu.memref_slice %arg4[%add3A_33] : memref<320000xi32, #tpu.memory_space<hbm>> -> memref<80xi32, #tpu.memory_space<hbm>>
      %dma_start3A_56 = tpu.memref_slice %arg4[%add3A_33] : memref<320000xi32, #tpu.memory_space<hbm>> -> memref<80xi32, #tpu.memory_space<hbm>>
      tpu.enqueue_dma source(%dma_start3A_56 : memref<80xi32, #tpu.memory_space<hbm>>) target(%arg10 : memref<80xi32, #tpu.memory_space<vmem>>) target_semaphore(%run_scoped3A : memref<!tpu.dma_semaphore, #tpu.memory_space<semaphore_mem>>)
      %dma_wait3A = tpu.memref_slice %arg4[%add3A_33] : memref<320000xi32, #tpu.memory_space<hbm>> -> memref<80xi32, #tpu.memory_space<hbm>>
      %dma_wait3A_57 = tpu.memref_slice %arg4[%add3A_33] : memref<320000xi32, #tpu.memory_space<hbm>> -> memref<80xi32, #tpu.memory_space<hbm>>
      tpu.wait_dma2 semaphore(%run_scoped3A : memref<!tpu.dma_semaphore, #tpu.memory_space<semaphore_mem>>) src(%dma_wait3A_57 : memref<80xi32, #tpu.memory_space<hbm>>) dst(%arg10 : memref<80xi32, #tpu.memory_space<vmem>>)
      tpu.yield
    }) : () -> ()
    %mul3A_34 = arith.constant 4 : i32
    %mul3A_35 = arith.muli %add3A_33, %mul3A_34 : i32
    "tpu.region"() ({
      %run_scoped3A = tpu.sem_alloc : memref<!tpu.dma_semaphore, #tpu.memory_space<semaphore_mem>>
      %dma_start3A_55 = tpu.memref_slice %arg5[%mul3A_35] : memref<1280000xf32, #tpu.memory_space<hbm>> -> memref<320xf32, #tpu.memory_space<hbm>>
      %dma_start3A_56 = tpu.memref_slice %arg5[%mul3A_35] : memref<1280000xf32, #tpu.memory_space<hbm>> -> memref<320xf32, #tpu.memory_space<hbm>>
      tpu.enqueue_dma source(%dma_start3A_56 : memref<320xf32, #tpu.memory_space<hbm>>) target(%arg12 : memref<320xf32, #tpu.memory_space<vmem>>) target_semaphore(%run_scoped3A : memref<!tpu.dma_semaphore, #tpu.memory_space<semaphore_mem>>)
      %dma_wait3A = tpu.memref_slice %arg5[%mul3A_35] : memref<1280000xf32, #tpu.memory_space<hbm>> -> memref<320xf32, #tpu.memory_space<hbm>>
      %dma_wait3A_57 = tpu.memref_slice %arg5[%mul3A_35] : memref<1280000xf32, #tpu.memory_space<hbm>> -> memref<320xf32, #tpu.memory_space<hbm>>
      tpu.wait_dma2 semaphore(%run_scoped3A : memref<!tpu.dma_semaphore, #tpu.memory_space<semaphore_mem>>) src(%dma_wait3A_57 : memref<320xf32, #tpu.memory_space<hbm>>) dst(%arg12 : memref<320xf32, #tpu.memory_space<vmem>>)
      tpu.yield
    }) : () -> ()
    %dma_start3A = arith.constant 0 : i32
    %dma_start3A_36 = arith.constant 0 : i32
    %dma_start3A_37 = tpu.memref_slice %arg2[%dma_start3A, %dma_start3A_36] : memref<10240x128xf32, #tpu.memory_space<hbm>> -> memref<10240x128xf32, #tpu.memory_space<hbm>>
    tpu.enqueue_indirect_dma source(%dma_start3A_37 : memref<10240x128xf32, #tpu.memory_space<hbm>>) target(%arg11 : memref<80x128xf32, #tpu.memory_space<vmem>>) offsets(%arg10 : memref<80xi32, #tpu.memory_space<vmem>>) semaphore(%arg23 : memref<!tpu.dma_semaphore, #tpu.memory_space<semaphore_mem>>)
    %mul3A_38 = arith.constant 10000 : i32
    %mul3A_39 = arith.muli %add3A, %mul3A_38 : i32
    %add3A_40 = arith.constant 80 : i32
    %add3A_41 = arith.addi %mul3A_39, %add3A_40 : i32
    "tpu.region"() ({
      %run_scoped3A = tpu.sem_alloc : memref<!tpu.dma_semaphore, #tpu.memory_space<semaphore_mem>>
      %dma_start3A_55 = tpu.memref_slice %arg3[%add3A_41] : memref<320000xi32, #tpu.memory_space<hbm>> -> memref<80xi32, #tpu.memory_space<hbm>>
      %dma_start3A_56 = tpu.memref_slice %arg3[%add3A_41] : memref<320000xi32, #tpu.memory_space<hbm>> -> memref<80xi32, #tpu.memory_space<hbm>>
      tpu.enqueue_dma source(%dma_start3A_56 : memref<80xi32, #tpu.memory_space<hbm>>) target(%arg13 : memref<80xi32, #tpu.memory_space<vmem>>) target_semaphore(%run_scoped3A : memref<!tpu.dma_semaphore, #tpu.memory_space<semaphore_mem>>)
      %dma_wait3A = tpu.memref_slice %arg3[%add3A_41] : memref<320000xi32, #tpu.memory_space<hbm>> -> memref<80xi32, #tpu.memory_space<hbm>>
      %dma_wait3A_57 = tpu.memref_slice %arg3[%add3A_41] : memref<320000xi32, #tpu.memory_space<hbm>> -> memref<80xi32, #tpu.memory_space<hbm>>
      tpu.wait_dma2 semaphore(%run_scoped3A : memref<!tpu.dma_semaphore, #tpu.memory_space<semaphore_mem>>) src(%dma_wait3A_57 : memref<80xi32, #tpu.memory_space<hbm>>) dst(%arg13 : memref<80xi32, #tpu.memory_space<vmem>>)
      tpu.yield
    }) : () -> ()
    "tpu.region"() ({
      %run_scoped3A = tpu.sem_alloc : memref<!tpu.dma_semaphore, #tpu.memory_space<semaphore_mem>>
      %dma_start3A_55 = tpu.memref_slice %arg4[%add3A_41] : memref<320000xi32, #tpu.memory_space<hbm>> -> memref<80xi32, #tpu.memory_space<hbm>>
      %dma_start3A_56 = tpu.memref_slice %arg4[%add3A_41] : memref<320000xi32, #tpu.memory_space<hbm>> -> memref<80xi32, #tpu.memory_space<hbm>>
      tpu.enqueue_dma source(%dma_start3A_56 : memref<80xi32, #tpu.memory_space<hbm>>) target(%arg14 : memref<80xi32, #tpu.memory_space<vmem>>) target_semaphore(%run_scoped3A : memref<!tpu.dma_semaphore, #tpu.memory_space<semaphore_mem>>)
      %dma_wait3A = tpu.memref_slice %arg4[%add3A_41] : memref<320000xi32, #tpu.memory_space<hbm>> -> memref<80xi32, #tpu.memory_space<hbm>>
      %dma_wait3A_57 = tpu.memref_slice %arg4[%add3A_41] : memref<320000xi32, #tpu.memory_space<hbm>> -> memref<80xi32, #tpu.memory_space<hbm>>
      tpu.wait_dma2 semaphore(%run_scoped3A : memref<!tpu.dma_semaphore, #tpu.memory_space<semaphore_mem>>) src(%dma_wait3A_57 : memref<80xi32, #tpu.memory_space<hbm>>) dst(%arg14 : memref<80xi32, #tpu.memory_space<vmem>>)
      tpu.yield
    }) : () -> ()
    %mul3A_42 = arith.constant 4 : i32
    %mul3A_43 = arith.muli %add3A_41, %mul3A_42 : i32
    "tpu.region"() ({
      %run_scoped3A = tpu.sem_alloc : memref<!tpu.dma_semaphore, #tpu.memory_space<semaphore_mem>>
      %dma_start3A_55 = tpu.memref_slice %arg5[%mul3A_43] : memref<1280000xf32, #tpu.memory_space<hbm>> -> memref<320xf32, #tpu.memory_space<hbm>>
      %dma_start3A_56 = tpu.memref_slice %arg5[%mul3A_43] : memref<1280000xf32, #tpu.memory_space<hbm>> -> memref<320xf32, #tpu.memory_space<hbm>>
      tpu.enqueue_dma source(%dma_start3A_56 : memref<320xf32, #tpu.memory_space<hbm>>) target(%arg16 : memref<320xf32, #tpu.memory_space<vmem>>) target_semaphore(%run_scoped3A : memref<!tpu.dma_semaphore, #tpu.memory_space<semaphore_mem>>)
      %dma_wait3A = tpu.memref_slice %arg5[%mul3A_43] : memref<1280000xf32, #tpu.memory_space<hbm>> -> memref<320xf32, #tpu.memory_space<hbm>>
      %dma_wait3A_57 = tpu.memref_slice %arg5[%mul3A_43] : memref<1280000xf32, #tpu.memory_space<hbm>> -> memref<320xf32, #tpu.memory_space<hbm>>
      tpu.wait_dma2 semaphore(%run_scoped3A : memref<!tpu.dma_semaphore, #tpu.memory_space<semaphore_mem>>) src(%dma_wait3A_57 : memref<320xf32, #tpu.memory_space<hbm>>) dst(%arg16 : memref<320xf32, #tpu.memory_space<vmem>>)
      tpu.yield
    }) : () -> ()
    %dma_start3A_44 = arith.constant 0 : i32
    %dma_start3A_45 = arith.constant 0 : i32
    %dma_start3A_46 = tpu.memref_slice %arg2[%dma_start3A_44, %dma_start3A_45] : memref<10240x128xf32, #tpu.memory_space<hbm>> -> memref<10240x128xf32, #tpu.memory_space<hbm>>
    tpu.enqueue_indirect_dma source(%dma_start3A_46 : memref<10240x128xf32, #tpu.memory_space<hbm>>) target(%arg15 : memref<80x128xf32, #tpu.memory_space<vmem>>) offsets(%arg14 : memref<80xi32, #tpu.memory_space<vmem>>) semaphore(%arg24 : memref<!tpu.dma_semaphore, #tpu.memory_space<semaphore_mem>>)
    %scan3A_47 = arith.constant 0 : i32
    %scan3A_48 = arith.constant 63 : i32
    %scan3A_49 = arith.addi %scan3A_47, %scan3A_48 : i32
    %scan3A_50 = arith.constant 1 : i32
    scf.for %scan3A_55 = %scan3A_47 to %scan3A_49 step %scan3A_50  : i32 {
      %mul3A_56 = arith.constant 2 : i32
      %mul3A_57 = arith.muli %scan3A_55, %mul3A_56 : i32
      %add3A_58 = arith.constant 0 : i32
      %add3A_59 = arith.addi %add3A_58, %mul3A_57 : i32
      %parallel_loop3A = arith.constant 0 : i32
      %parallel_loop3A_60 = arith.constant 80 : i32
      %parallel_loop3A_61 = arith.constant 4 : i32
      scf.for %parallel_loop3A_152 = %parallel_loop3A to %parallel_loop3A_60 step %parallel_loop3A_61  : i32 {
        %parallel_loop3A_153 = vector.broadcast %parallel_loop3A_152 : i32 to vector<16xi32>
        %parallel_loop3A_154 = arith.addi %parallel_loop3A_153, %shift_right_logical3A_27 : vector<16xi32>
        %parallel_loop3A_155 = tpu.vector_load_idx %arg9[%parallel_loop3A_154] : memref<80xi32, #tpu.memory_space<vmem>>[vector<16xi32>], vector<16xi32>,
        %parallel_loop3A_156 = arith.constant 20 : i32
        %parallel_loop3A_157 = arith.divsi %parallel_loop3A_152, %parallel_loop3A_156 : i32
        %parallel_loop3A_158 = arith.constant 0 : i32
        %parallel_loop3A_159 = arith.cmpi sgt, %parallel_loop3A_152, %parallel_loop3A_158 : i32
        %parallel_loop3A_160 = arith.extui %parallel_loop3A_159 : i1 to i32
        %parallel_loop3A_161 = arith.constant 0 : i32
        %parallel_loop3A_162 = arith.cmpi slt, %parallel_loop3A_152, %parallel_loop3A_161 : i32
        %parallel_loop3A_163 = arith.extui %parallel_loop3A_162 : i1 to i32
        %parallel_loop3A_164 = arith.subi %parallel_loop3A_160, %parallel_loop3A_163 : i32
        %parallel_loop3A_165 = arith.constant 0 : i32
        %parallel_loop3A_166 = arith.cmpi sgt, %parallel_loop3A_156, %parallel_loop3A_165 : i32
        %parallel_loop3A_167 = arith.extui %parallel_loop3A_166 : i1 to i32
        %parallel_loop3A_168 = arith.constant 0 : i32
        %parallel_loop3A_169 = arith.cmpi slt, %parallel_loop3A_156, %parallel_loop3A_168 : i32
        %parallel_loop3A_170 = arith.extui %parallel_loop3A_169 : i1 to i32
        %parallel_loop3A_171 = arith.subi %parallel_loop3A_167, %parallel_loop3A_170 : i32
        %parallel_loop3A_172 = arith.cmpi ne, %parallel_loop3A_164, %parallel_loop3A_171 : i32
        %parallel_loop3A_173 = arith.remsi %parallel_loop3A_152, %parallel_loop3A_156 : i32
        %parallel_loop3A_174 = arith.constant 0 : i32
        %parallel_loop3A_175 = arith.cmpi ne, %parallel_loop3A_173, %parallel_loop3A_174 : i32
        %parallel_loop3A_176 = arith.andi %parallel_loop3A_172, %parallel_loop3A_175 : i1
        %parallel_loop3A_177 = arith.constant 1 : i32
        %parallel_loop3A_178 = arith.subi %parallel_loop3A_157, %parallel_loop3A_177 : i32
        %parallel_loop3A_179 = arith.select %parallel_loop3A_176, %parallel_loop3A_178, %parallel_loop3A_157 : i32
        %parallel_loop3A_180 = arith.constant 20 : i32
        %parallel_loop3A_181 = arith.constant 0 : i32
        %parallel_loop3A_182 = arith.cmpi eq, %parallel_loop3A_180, %parallel_loop3A_181 : i32
        %parallel_loop3A_183 = arith.constant 1 : i32
        %parallel_loop3A_184 = arith.select %parallel_loop3A_182, %parallel_loop3A_183, %parallel_loop3A_180 : i32
        %parallel_loop3A_185 = arith.remsi %parallel_loop3A_152, %parallel_loop3A_184 : i32
        %parallel_loop3A_186 = arith.constant 0 : i32
        %parallel_loop3A_187 = arith.cmpi ne, %parallel_loop3A_185, %parallel_loop3A_186 : i32
        %parallel_loop3A_188 = arith.constant 0 : i32
        %parallel_loop3A_189 = arith.cmpi slt, %parallel_loop3A_185, %parallel_loop3A_188 : i32
        %parallel_loop3A_190 = arith.constant 0 : i32
        %parallel_loop3A_191 = arith.cmpi slt, %parallel_loop3A_184, %parallel_loop3A_190 : i32
        %parallel_loop3A_192 = arith.xori %parallel_loop3A_189, %parallel_loop3A_191 : i1
        %parallel_loop3A_193 = arith.andi %parallel_loop3A_192, %parallel_loop3A_187 : i1
        %parallel_loop3A_194 = arith.addi %parallel_loop3A_185, %parallel_loop3A_184 : i32
        %parallel_loop3A_195 = arith.select %parallel_loop3A_193, %parallel_loop3A_194, %parallel_loop3A_185 : i32
        %parallel_loop3A_196 = arith.constant 4 : i32
        %parallel_loop3A_197 = vector.broadcast %parallel_loop3A_196 : i32 to vector<16xi32>
        %parallel_loop3A_198 = arith.muli %parallel_loop3A_155, %parallel_loop3A_197 : vector<16xi32>
        %parallel_loop3A_199 = arith.addi %parallel_loop3A_198, %and3A_29 : vector<16xi32>
        %parallel_loop3A_200 = arith.constant 4 : i32
        %parallel_loop3A_201 = arith.muli %parallel_loop3A_195, %parallel_loop3A_200 : i32
        %parallel_loop3A_202 = arith.index_cast %parallel_loop3A_179 : i32 to index
        %parallel_loop3A_203 = arith.index_cast %parallel_loop3A_201 : i32 to index
        %parallel_loop3A_204 = tpu.vector_load %arg17[%parallel_loop3A_202, %parallel_loop3A_203] {strides = array<i32>} : memref<4x80xi32, #tpu.memory_space<vmem>>, vector<16xi32>,
        tpu.vector_store %arg17[%parallel_loop3A_202, %parallel_loop3A_203], %parallel_loop3A_199 {strides = array<i32>} : memref<4x80xi32, #tpu.memory_space<vmem>>, vector<16xi32>,
      } {sc.loop_unroll_factor = 4 : i64, sc.parallel_access}
      %dma_start3A_62 = arith.constant 0 : i32
      %dma_start3A_63 = arith.constant 0 : i32
      %dma_start3A_64 = tpu.memref_slice %arg18[%dma_start3A_63] : memref<320xf32, #tpu.memory_space<vmem>> -> memref<80xf32, #tpu.memory_space<vmem>>
      %dma_start3A_65 = arith.constant 0 : i32
      %dma_start3A_66 = tpu.memref_slice %arg17[%dma_start3A_62, %dma_start3A_65] : memref<4x80xi32, #tpu.memory_space<vmem>> -> memref<1x80xi32, #tpu.memory_space<vmem>>
      %dma_start3A_67 = tpu.memref_squeeze %dma_start3A_66 : memref<1x80xi32, #tpu.memory_space<vmem>> -> memref<80xi32, #tpu.memory_space<vmem>>
      %dma_start3A_68 = arith.constant 0 : i32
      %dma_start3A_69 = tpu.memref_slice %arg6[%dma_start3A_68] : memref<40960xf32, #tpu.memory_space<hbm>> -> memref<40960xf32, #tpu.memory_space<hbm>>
      tpu.enqueue_indirect_dma source(%dma_start3A_69 : memref<40960xf32, #tpu.memory_space<hbm>>) target(%dma_start3A_64 : memref<80xf32, #tpu.memory_space<vmem>>) offsets(%dma_start3A_67 : memref<80xi32, #tpu.memory_space<vmem>>) semaphore(%arg25 : memref<!tpu.dma_semaphore, #tpu.memory_space<semaphore_mem>>)
      %dma_start3A_70 = arith.constant 1 : i32
      %dma_start3A_71 = arith.constant 80 : i32
      %dma_start3A_72 = tpu.memref_slice %arg18[%dma_start3A_71] : memref<320xf32, #tpu.memory_space<vmem>> -> memref<80xf32, #tpu.memory_space<vmem>>
      %dma_start3A_73 = arith.constant 0 : i32
      %dma_start3A_74 = tpu.memref_slice %arg17[%dma_start3A_70, %dma_start3A_73] : memref<4x80xi32, #tpu.memory_space<vmem>> -> memref<1x80xi32, #tpu.memory_space<vmem>>
      %dma_start3A_75 = tpu.memref_squeeze %dma_start3A_74 : memref<1x80xi32, #tpu.memory_space<vmem>> -> memref<80xi32, #tpu.memory_space<vmem>>
      %dma_start3A_76 = arith.constant 0 : i32
      %dma_start3A_77 = tpu.memref_slice %arg6[%dma_start3A_76] : memref<40960xf32, #tpu.memory_space<hbm>> -> memref<40960xf32, #tpu.memory_space<hbm>>
      tpu.enqueue_indirect_dma source(%dma_start3A_77 : memref<40960xf32, #tpu.memory_space<hbm>>) target(%dma_start3A_72 : memref<80xf32, #tpu.memory_space<vmem>>) offsets(%dma_start3A_75 : memref<80xi32, #tpu.memory_space<vmem>>) semaphore(%arg25 : memref<!tpu.dma_semaphore, #tpu.memory_space<semaphore_mem>>)
      %dma_start3A_78 = arith.constant 2 : i32
      %dma_start3A_79 = arith.constant 160 : i32
      %dma_start3A_80 = tpu.memref_slice %arg18[%dma_start3A_79] : memref<320xf32, #tpu.memory_space<vmem>> -> memref<80xf32, #tpu.memory_space<vmem>>
      %dma_start3A_81 = arith.constant 0 : i32
      %dma_start3A_82 = tpu.memref_slice %arg17[%dma_start3A_78, %dma_start3A_81] : memref<4x80xi32, #tpu.memory_space<vmem>> -> memref<1x80xi32, #tpu.memory_space<vmem>>
      %dma_start3A_83 = tpu.memref_squeeze %dma_start3A_82 : memref<1x80xi32, #tpu.memory_space<vmem>> -> memref<80xi32, #tpu.memory_space<vmem>>
      %dma_start3A_84 = arith.constant 0 : i32
      %dma_start3A_85 = tpu.memref_slice %arg6[%dma_start3A_84] : memref<40960xf32, #tpu.memory_space<hbm>> -> memref<40960xf32, #tpu.memory_space<hbm>>
      tpu.enqueue_indirect_dma source(%dma_start3A_85 : memref<40960xf32, #tpu.memory_space<hbm>>) target(%dma_start3A_80 : memref<80xf32, #tpu.memory_space<vmem>>) offsets(%dma_start3A_83 : memref<80xi32, #tpu.memory_space<vmem>>) semaphore(%arg25 : memref<!tpu.dma_semaphore, #tpu.memory_space<semaphore_mem>>)
      %dma_start3A_86 = arith.constant 3 : i32
      %dma_start3A_87 = arith.constant 240 : i32
      %dma_start3A_88 = tpu.memref_slice %arg18[%dma_start3A_87] : memref<320xf32, #tpu.memory_space<vmem>> -> memref<80xf32, #tpu.memory_space<vmem>>
      %dma_start3A_89 = arith.constant 0 : i32
      %dma_start3A_90 = tpu.memref_slice %arg17[%dma_start3A_86, %dma_start3A_89] : memref<4x80xi32, #tpu.memory_space<vmem>> -> memref<1x80xi32, #tpu.memory_space<vmem>>
      %dma_start3A_91 = tpu.memref_squeeze %dma_start3A_90 : memref<1x80xi32, #tpu.memory_space<vmem>> -> memref<80xi32, #tpu.memory_space<vmem>>
      %dma_start3A_92 = arith.constant 0 : i32
      %dma_start3A_93 = tpu.memref_slice %arg6[%dma_start3A_92] : memref<40960xf32, #tpu.memory_space<hbm>> -> memref<40960xf32, #tpu.memory_space<hbm>>
      tpu.enqueue_indirect_dma source(%dma_start3A_93 : memref<40960xf32, #tpu.memory_space<hbm>>) target(%dma_start3A_88 : memref<80xf32, #tpu.memory_space<vmem>>) offsets(%dma_start3A_91 : memref<80xi32, #tpu.memory_space<vmem>>) semaphore(%arg25 : memref<!tpu.dma_semaphore, #tpu.memory_space<semaphore_mem>>)
      %dma_wait3A = arith.constant 0 : i32
      %dma_wait3A_94 = arith.constant 0 : i32
      %dma_wait3A_95 = tpu.memref_slice %arg18[%dma_wait3A_94] : memref<320xf32, #tpu.memory_space<vmem>> -> memref<80xf32, #tpu.memory_space<vmem>>
      %dma_wait3A_96 = arith.constant 0 : i32
      %dma_wait3A_97 = tpu.memref_slice %arg17[%dma_wait3A, %dma_wait3A_96] : memref<4x80xi32, #tpu.memory_space<vmem>> -> memref<1x80xi32, #tpu.memory_space<vmem>>
      %dma_wait3A_98 = tpu.memref_squeeze %dma_wait3A_97 : memref<1x80xi32, #tpu.memory_space<vmem>> -> memref<80xi32, #tpu.memory_space<vmem>>
      %dma_wait3A_99 = arith.constant 0 : i32
      %dma_wait3A_100 = tpu.memref_slice %arg6[%dma_wait3A_99] : memref<40960xf32, #tpu.memory_space<hbm>> -> memref<40960xf32, #tpu.memory_space<hbm>>
      tpu.wait_indirect_dma semaphore(%arg25 : memref<!tpu.dma_semaphore, #tpu.memory_space<semaphore_mem>>) src(%dma_wait3A_100 : memref<40960xf32, #tpu.memory_space<hbm>>) dst(%dma_wait3A_95 : memref<80xf32, #tpu.memory_space<vmem>>)
      %dma_wait3A_101 = arith.constant 1 : i32
      %dma_wait3A_102 = arith.constant 80 : i32
      %dma_wait3A_103 = tpu.memref_slice %arg18[%dma_wait3A_102] : memref<320xf32, #tpu.memory_space<vmem>> -> memref<80xf32, #tpu.memory_space<vmem>>
      %dma_wait3A_104 = arith.constant 0 : i32
      %dma_wait3A_105 = tpu.memref_slice %arg17[%dma_wait3A_101, %dma_wait3A_104] : memref<4x80xi32, #tpu.memory_space<vmem>> -> memref<1x80xi32, #tpu.memory_space<vmem>>
      %dma_wait3A_106 = tpu.memref_squeeze %dma_wait3A_105 : memref<1x80xi32, #tpu.memory_space<vmem>> -> memref<80xi32, #tpu.memory_space<vmem>>
      %dma_wait3A_107 = arith.constant 0 : i32
      %dma_wait3A_108 = tpu.memref_slice %arg6[%dma_wait3A_107] : memref<40960xf32, #tpu.memory_space<hbm>> -> memref<40960xf32, #tpu.memory_space<hbm>>
      tpu.wait_indirect_dma semaphore(%arg25 : memref<!tpu.dma_semaphore, #tpu.memory_space<semaphore_mem>>) src(%dma_wait3A_108 : memref<40960xf32, #tpu.memory_space<hbm>>) dst(%dma_wait3A_103 : memref<80xf32, #tpu.memory_space<vmem>>)
      %dma_wait3A_109 = arith.constant 2 : i32
      %dma_wait3A_110 = arith.constant 160 : i32
      %dma_wait3A_111 = tpu.memref_slice %arg18[%dma_wait3A_110] : memref<320xf32, #tpu.memory_space<vmem>> -> memref<80xf32, #tpu.memory_space<vmem>>
      %dma_wait3A_112 = arith.constant 0 : i32
      %dma_wait3A_113 = tpu.memref_slice %arg17[%dma_wait3A_109, %dma_wait3A_112] : memref<4x80xi32, #tpu.memory_space<vmem>> -> memref<1x80xi32, #tpu.memory_space<vmem>>
      %dma_wait3A_114 = tpu.memref_squeeze %dma_wait3A_113 : memref<1x80xi32, #tpu.memory_space<vmem>> -> memref<80xi32, #tpu.memory_space<vmem>>
      %dma_wait3A_115 = arith.constant 0 : i32
      %dma_wait3A_116 = tpu.memref_slice %arg6[%dma_wait3A_115] : memref<40960xf32, #tpu.memory_space<hbm>> -> memref<40960xf32, #tpu.memory_space<hbm>>
      tpu.wait_indirect_dma semaphore(%arg25 : memref<!tpu.dma_semaphore, #tpu.memory_space<semaphore_mem>>) src(%dma_wait3A_116 : memref<40960xf32, #tpu.memory_space<hbm>>) dst(%dma_wait3A_111 : memref<80xf32, #tpu.memory_space<vmem>>)
      %dma_wait3A_117 = arith.constant 3 : i32
      %dma_wait3A_118 = arith.constant 240 : i32
      %dma_wait3A_119 = tpu.memref_slice %arg18[%dma_wait3A_118] : memref<320xf32, #tpu.memory_space<vmem>> -> memref<80xf32, #tpu.memory_space<vmem>>
      %dma_wait3A_120 = arith.constant 0 : i32
      %dma_wait3A_121 = tpu.memref_slice %arg17[%dma_wait3A_117, %dma_wait3A_120] : memref<4x80xi32, #tpu.memory_space<vmem>> -> memref<1x80xi32, #tpu.memory_space<vmem>>
      %dma_wait3A_122 = tpu.memref_squeeze %dma_wait3A_121 : memref<1x80xi32, #tpu.memory_space<vmem>> -> memref<80xi32, #tpu.memory_space<vmem>>
      %dma_wait3A_123 = arith.constant 0 : i32
      %dma_wait3A_124 = tpu.memref_slice %arg6[%dma_wait3A_123] : memref<40960xf32, #tpu.memory_space<hbm>> -> memref<40960xf32, #tpu.memory_space<hbm>>
      tpu.wait_indirect_dma semaphore(%arg25 : memref<!tpu.dma_semaphore, #tpu.memory_space<semaphore_mem>>) src(%dma_wait3A_124 : memref<40960xf32, #tpu.memory_space<hbm>>) dst(%dma_wait3A_119 : memref<80xf32, #tpu.memory_space<vmem>>)
      %parallel_loop3A_125 = arith.constant 0 : i32
      %parallel_loop3A_126 = arith.constant 20 : i32
      %parallel_loop3A_127 = arith.constant 1 : i32
      scf.for %parallel_loop3A_152 = %parallel_loop3A_125 to %parallel_loop3A_126 step %parallel_loop3A_127  : i32 {
        %parallel_loop3A_153 = arith.constant 16 : i32
        %parallel_loop3A_154 = arith.muli %parallel_loop3A_153, %parallel_loop3A_152 : i32
        %parallel_loop3A_155 = arith.index_cast %parallel_loop3A_154 : i32 to index
        %parallel_loop3A_156 = tpu.vector_load %arg12[%parallel_loop3A_155] {strides = array<i32>} : memref<320xf32, #tpu.memory_space<vmem>>, vector<16xf32>,
        %parallel_loop3A_157 = arith.constant 16 : i32
        %parallel_loop3A_158 = arith.muli %parallel_loop3A_157, %parallel_loop3A_152 : i32
        %parallel_loop3A_159 = arith.index_cast %parallel_loop3A_158 : i32 to index
        %parallel_loop3A_160 = tpu.vector_load %arg18[%parallel_loop3A_159] {strides = array<i32>} : memref<320xf32, #tpu.memory_space<vmem>>, vector<16xf32>,
        %parallel_loop3A_161 = arith.mulf %parallel_loop3A_156, %parallel_loop3A_160 : vector<16xf32>
        %parallel_loop3A_162 = arith.constant 16 : i32
        %parallel_loop3A_163 = arith.muli %parallel_loop3A_162, %parallel_loop3A_152 : i32
        %parallel_loop3A_164 = arith.index_cast %parallel_loop3A_163 : i32 to index
        %parallel_loop3A_165 = tpu.vector_load %arg19[%parallel_loop3A_164] {strides = array<i32>} : memref<320xf32, #tpu.memory_space<vmem>>, vector<16xf32>,
        tpu.vector_store %arg19[%parallel_loop3A_164], %parallel_loop3A_161 {strides = array<i32>} : memref<320xf32, #tpu.memory_space<vmem>>, vector<16xf32>,
      } {sc.loop_unroll_factor = 4 : i64, sc.parallel_access}
      %dma_wait3A_128 = arith.constant 0 : i32
      %dma_wait3A_129 = arith.constant 0 : i32
      %dma_wait3A_130 = tpu.memref_slice %arg2[%dma_wait3A_128, %dma_wait3A_129] : memref<10240x128xf32, #tpu.memory_space<hbm>> -> memref<10240x128xf32, #tpu.memory_space<hbm>>
      tpu.wait_indirect_dma semaphore(%arg23 : memref<!tpu.dma_semaphore, #tpu.memory_space<semaphore_mem>>) src(%dma_wait3A_130 : memref<10240x128xf32, #tpu.memory_space<hbm>>) dst(%arg11 : memref<80x128xf32, #tpu.memory_space<vmem>>)
      %parallel_loop3A_131 = arith.constant 0 : i32
      %parallel_loop3A_132 = arith.constant 80 : i32
      %parallel_loop3A_133 = arith.constant 1 : i32
      scf.for %parallel_loop3A_152 = %parallel_loop3A_131 to %parallel_loop3A_132 step %parallel_loop3A_133  : i32 {
        %parallel_loop3A_153 = arith.constant 4 : i32
        %parallel_loop3A_154 = arith.muli %parallel_loop3A_152, %parallel_loop3A_153 : i32
        %parallel_loop3A_155 = arith.constant 0 : i32
        %parallel_loop3A_156 = arith.addi %parallel_loop3A_154, %parallel_loop3A_155 : i32
        %parallel_loop3A_157 = vector.broadcast %parallel_loop3A_156 : i32 to vector<16xi32>
        %parallel_loop3A_158 = tpu.vector_load_idx %arg19[%parallel_loop3A_157] : memref<320xf32, #tpu.memory_space<vmem>>[vector<16xi32>], vector<16xf32>,
        %parallel_loop3A_159 = arith.index_cast %parallel_loop3A_152 : i32 to index
        %parallel_loop3A_160 = arith.constant 0 : index
        %parallel_loop3A_161 = tpu.vector_load %arg11[%parallel_loop3A_159, %parallel_loop3A_160] {strides = array<i32>} : memref<80x128xf32, #tpu.memory_space<vmem>>, vector<16xf32>,
        %parallel_loop3A_162 = arith.mulf %parallel_loop3A_158, %parallel_loop3A_161 : vector<16xf32>
        %parallel_loop3A_163 = arith.index_cast %parallel_loop3A_152 : i32 to index
        %parallel_loop3A_164 = arith.constant 0 : index
        %parallel_loop3A_165 = tpu.vector_load %arg20[%parallel_loop3A_163, %parallel_loop3A_164] {strides = array<i32>} : memref<80x128xf32, #tpu.memory_space<vmem>>, vector<16xf32>,
        tpu.vector_store %arg20[%parallel_loop3A_163, %parallel_loop3A_164], %parallel_loop3A_162 {strides = array<i32>} : memref<80x128xf32, #tpu.memory_space<vmem>>, vector<16xf32>,
        %parallel_loop3A_166 = arith.index_cast %parallel_loop3A_152 : i32 to index
        %parallel_loop3A_167 = arith.constant 16 : index
        %parallel_loop3A_168 = tpu.vector_load %arg11[%parallel_loop3A_166, %parallel_loop3A_167] {strides = array<i32>} : memref<80x128xf32, #tpu.memory_space<vmem>>, vector<16xf32>,
        %parallel_loop3A_169 = arith.mulf %parallel_loop3A_158, %parallel_loop3A_168 : vector<16xf32>
        %parallel_loop3A_170 = arith.index_cast %parallel_loop3A_152 : i32 to index
        %parallel_loop3A_171 = arith.constant 16 : index
        %parallel_loop3A_172 = tpu.vector_load %arg20[%parallel_loop3A_170, %parallel_loop3A_171] {strides = array<i32>} : memref<80x128xf32, #tpu.memory_space<vmem>>, vector<16xf32>,
        tpu.vector_store %arg20[%parallel_loop3A_170, %parallel_loop3A_171], %parallel_loop3A_169 {strides = array<i32>} : memref<80x128xf32, #tpu.memory_space<vmem>>, vector<16xf32>,
        %parallel_loop3A_173 = arith.constant 4 : i32
        %parallel_loop3A_174 = arith.muli %parallel_loop3A_152, %parallel_loop3A_173 : i32
        %parallel_loop3A_175 = arith.constant 1 : i32
        %parallel_loop3A_176 = arith.addi %parallel_loop3A_174, %parallel_loop3A_175 : i32
        %parallel_loop3A_177 = vector.broadcast %parallel_loop3A_176 : i32 to vector<16xi32>
        %parallel_loop3A_178 = tpu.vector_load_idx %arg19[%parallel_loop3A_177] : memref<320xf32, #tpu.memory_space<vmem>>[vector<16xi32>], vector<16xf32>,
        %parallel_loop3A_179 = arith.index_cast %parallel_loop3A_152 : i32 to index
        %parallel_loop3A_180 = arith.constant 32 : index
        %parallel_loop3A_181 = tpu.vector_load %arg11[%parallel_loop3A_179, %parallel_loop3A_180] {strides = array<i32>} : memref<80x128xf32, #tpu.memory_space<vmem>>, vector<16xf32>,
        %parallel_loop3A_182 = arith.mulf %parallel_loop3A_178, %parallel_loop3A_181 : vector<16xf32>
        %parallel_loop3A_183 = arith.index_cast %parallel_loop3A_152 : i32 to index
        %parallel_loop3A_184 = arith.constant 32 : index
        %parallel_loop3A_185 = tpu.vector_load %arg20[%parallel_loop3A_183, %parallel_loop3A_184] {strides = array<i32>} : memref<80x128xf32, #tpu.memory_space<vmem>>, vector<16xf32>,
        tpu.vector_store %arg20[%parallel_loop3A_183, %parallel_loop3A_184], %parallel_loop3A_182 {strides = array<i32>} : memref<80x128xf32, #tpu.memory_space<vmem>>, vector<16xf32>,
        %parallel_loop3A_186 = arith.index_cast %parallel_loop3A_152 : i32 to index
        %parallel_loop3A_187 = arith.constant 48 : index
        %parallel_loop3A_188 = tpu.vector_load %arg11[%parallel_loop3A_186, %parallel_loop3A_187] {strides = array<i32>} : memref<80x128xf32, #tpu.memory_space<vmem>>, vector<16xf32>,
        %parallel_loop3A_189 = arith.mulf %parallel_loop3A_178, %parallel_loop3A_188 : vector<16xf32>
        %parallel_loop3A_190 = arith.index_cast %parallel_loop3A_152 : i32 to index
        %parallel_loop3A_191 = arith.constant 48 : index
        %parallel_loop3A_192 = tpu.vector_load %arg20[%parallel_loop3A_190, %parallel_loop3A_191] {strides = array<i32>} : memref<80x128xf32, #tpu.memory_space<vmem>>, vector<16xf32>,
        tpu.vector_store %arg20[%parallel_loop3A_190, %parallel_loop3A_191], %parallel_loop3A_189 {strides = array<i32>} : memref<80x128xf32, #tpu.memory_space<vmem>>, vector<16xf32>,
        %parallel_loop3A_193 = arith.constant 4 : i32
        %parallel_loop3A_194 = arith.muli %parallel_loop3A_152, %parallel_loop3A_193 : i32
        %parallel_loop3A_195 = arith.constant 2 : i32
        %parallel_loop3A_196 = arith.addi %parallel_loop3A_194, %parallel_loop3A_195 : i32
        %parallel_loop3A_197 = vector.broadcast %parallel_loop3A_196 : i32 to vector<16xi32>
        %parallel_loop3A_198 = tpu.vector_load_idx %arg19[%parallel_loop3A_197] : memref<320xf32, #tpu.memory_space<vmem>>[vector<16xi32>], vector<16xf32>,
        %parallel_loop3A_199 = arith.index_cast %parallel_loop3A_152 : i32 to index
        %parallel_loop3A_200 = arith.constant 64 : index
        %parallel_loop3A_201 = tpu.vector_load %arg11[%parallel_loop3A_199, %parallel_loop3A_200] {strides = array<i32>} : memref<80x128xf32, #tpu.memory_space<vmem>>, vector<16xf32>,
        %parallel_loop3A_202 = arith.mulf %parallel_loop3A_198, %parallel_loop3A_201 : vector<16xf32>
        %parallel_loop3A_203 = arith.index_cast %parallel_loop3A_152 : i32 to index
        %parallel_loop3A_204 = arith.constant 64 : index
        %parallel_loop3A_205 = tpu.vector_load %arg20[%parallel_loop3A_203, %parallel_loop3A_204] {strides = array<i32>} : memref<80x128xf32, #tpu.memory_space<vmem>>, vector<16xf32>,
        tpu.vector_store %arg20[%parallel_loop3A_203, %parallel_loop3A_204], %parallel_loop3A_202 {strides = array<i32>} : memref<80x128xf32, #tpu.memory_space<vmem>>, vector<16xf32>,
        %parallel_loop3A_206 = arith.index_cast %parallel_loop3A_152 : i32 to index
        %parallel_loop3A_207 = arith.constant 80 : index
        %parallel_loop3A_208 = tpu.vector_load %arg11[%parallel_loop3A_206, %parallel_loop3A_207] {strides = array<i32>} : memref<80x128xf32, #tpu.memory_space<vmem>>, vector<16xf32>,
        %parallel_loop3A_209 = arith.mulf %parallel_loop3A_198, %parallel_loop3A_208 : vector<16xf32>
        %parallel_loop3A_210 = arith.index_cast %parallel_loop3A_152 : i32 to index
        %parallel_loop3A_211 = arith.constant 80 : index
        %parallel_loop3A_212 = tpu.vector_load %arg20[%parallel_loop3A_210, %parallel_loop3A_211] {strides = array<i32>} : memref<80x128xf32, #tpu.memory_space<vmem>>, vector<16xf32>,
        tpu.vector_store %arg20[%parallel_loop3A_210, %parallel_loop3A_211], %parallel_loop3A_209 {strides = array<i32>} : memref<80x128xf32, #tpu.memory_space<vmem>>, vector<16xf32>,
        %parallel_loop3A_213 = arith.constant 4 : i32
        %parallel_loop3A_214 = arith.muli %parallel_loop3A_152, %parallel_loop3A_213 : i32
        %parallel_loop3A_215 = arith.constant 3 : i32
        %parallel_loop3A_216 = arith.addi %parallel_loop3A_214, %parallel_loop3A_215 : i32
        %parallel_loop3A_217 = vector.broadcast %parallel_loop3A_216 : i32 to vector<16xi32>
        %parallel_loop3A_218 = tpu.vector_load_idx %arg19[%parallel_loop3A_217] : memref<320xf32, #tpu.memory_space<vmem>>[vector<16xi32>], vector<16xf32>,
        %parallel_loop3A_219 = arith.index_cast %parallel_loop3A_152 : i32 to index
        %parallel_loop3A_220 = arith.constant 96 : index
        %parallel_loop3A_221 = tpu.vector_load %arg11[%parallel_loop3A_219, %parallel_loop3A_220] {strides = array<i32>} : memref<80x128xf32, #tpu.memory_space<vmem>>, vector<16xf32>,
        %parallel_loop3A_222 = arith.mulf %parallel_loop3A_218, %parallel_loop3A_221 : vector<16xf32>
        %parallel_loop3A_223 = arith.index_cast %parallel_loop3A_152 : i32 to index
        %parallel_loop3A_224 = arith.constant 96 : index
        %parallel_loop3A_225 = tpu.vector_load %arg20[%parallel_loop3A_223, %parallel_loop3A_224] {strides = array<i32>} : memref<80x128xf32, #tpu.memory_space<vmem>>, vector<16xf32>,
        tpu.vector_store %arg20[%parallel_loop3A_223, %parallel_loop3A_224], %parallel_loop3A_222 {strides = array<i32>} : memref<80x128xf32, #tpu.memory_space<vmem>>, vector<16xf32>,
        %parallel_loop3A_226 = arith.index_cast %parallel_loop3A_152 : i32 to index
        %parallel_loop3A_227 = arith.constant 112 : index
        %parallel_loop3A_228 = tpu.vector_load %arg11[%parallel_loop3A_226, %parallel_loop3A_227] {strides = array<i32>} : memref<80x128xf32, #tpu.memory_space<vmem>>, vector<16xf32>,
        %parallel_loop3A_229 = arith.mulf %parallel_loop3A_218, %parallel_loop3A_228 : vector<16xf32>
        %parallel_loop3A_230 = arith.index_cast %parallel_loop3A_152 : i32 to index
        %parallel_loop3A_231 = arith.constant 112 : index
        %parallel_loop3A_232 = tpu.vector_load %arg20[%parallel_loop3A_230, %parallel_loop3A_231] {strides = array<i32>} : memref<80x128xf32, #tpu.memory_space<vmem>>, vector<16xf32>,
        tpu.vector_store %arg20[%parallel_loop3A_230, %parallel_loop3A_231], %parallel_loop3A_229 {strides = array<i32>} : memref<80x128xf32, #tpu.memory_space<vmem>>, vector<16xf32>,
      } {sc.loop_unroll_factor = 4 : i64, sc.parallel_access}
      "tpu.region"() ({
        %run_scoped3A = tpu.sem_alloc : memref<!tpu.dma_semaphore, #tpu.memory_space<semaphore_mem>>
        %dma_start3A_152 = arith.constant 0 : i32
        %dma_start3A_153 = arith.constant 0 : i32
        %dma_start3A_154 = tpu.memref_slice %arg21[%dma_start3A_152, %dma_start3A_153] : memref<10240x128xf32, #tpu.memory_space<vmem_shared>> -> memref<10240x128xf32, #tpu.memory_space<vmem_shared>>
        tpu.enqueue_indirect_dma source(%arg20 : memref<80x128xf32, #tpu.memory_space<vmem>>) target(%dma_start3A_154 : memref<10240x128xf32, #tpu.memory_space<vmem_shared>>) offsets(%arg9 : memref<80xi32, #tpu.memory_space<vmem>>) semaphore(%run_scoped3A : memref<!tpu.dma_semaphore, #tpu.memory_space<semaphore_mem>>) {add = true}
        %dma_wait3A_155 = arith.constant 0 : i32
        %dma_wait3A_156 = arith.constant 0 : i32
        %dma_wait3A_157 = tpu.memref_slice %arg21[%dma_wait3A_155, %dma_wait3A_156] : memref<10240x128xf32, #tpu.memory_space<vmem_shared>> -> memref<10240x128xf32, #tpu.memory_space<vmem_shared>>
        tpu.wait_indirect_dma semaphore(%run_scoped3A : memref<!tpu.dma_semaphore, #tpu.memory_space<semaphore_mem>>) src(%arg20 : memref<80x128xf32, #tpu.memory_space<vmem>>) dst(%dma_wait3A_157 : memref<10240x128xf32, #tpu.memory_space<vmem_shared>>)
        tpu.yield
      }) : () -> ()
      %mul3A_134 = arith.constant 10000 : i32
      %mul3A_135 = arith.muli %add3A, %mul3A_134 : i32
      %mul3A_136 = arith.constant 80 : i32
      %mul3A_137 = arith.muli %add3A_59, %mul3A_136 : i32
      %add3A_138 = arith.addi %mul3A_135, %mul3A_137 : i32
      %mul3A_139 = arith.constant 4 : i32
      %mul3A_140 = arith.muli %add3A_138, %mul3A_139 : i32
      "tpu.region"() ({
        %run_scoped3A = tpu.sem_alloc : memref<!tpu.dma_semaphore, #tpu.memory_space<semaphore_mem>>
        %dma_start3A_152 = tpu.memref_slice %arg7[%mul3A_140] : memref<1280000xf32, #tpu.memory_space<hbm>> -> memref<320xf32, #tpu.memory_space<hbm>>
        %dma_start3A_153 = tpu.memref_slice %arg7[%mul3A_140] : memref<1280000xf32, #tpu.memory_space<hbm>> -> memref<320xf32, #tpu.memory_space<hbm>>
        tpu.enqueue_dma source(%arg19 : memref<320xf32, #tpu.memory_space<vmem>>) target(%dma_start3A_153 : memref<320xf32, #tpu.memory_space<hbm>>) target_semaphore(%run_scoped3A : memref<!tpu.dma_semaphore, #tpu.memory_space<semaphore_mem>>)
        %dma_wait3A_154 = tpu.memref_slice %arg7[%mul3A_140] : memref<1280000xf32, #tpu.memory_space<hbm>> -> memref<320xf32, #tpu.memory_space<hbm>>
        %dma_wait3A_155 = tpu.memref_slice %arg7[%mul3A_140] : memref<1280000xf32, #tpu.memory_space<hbm>> -> memref<320xf32, #tpu.memory_space<hbm>>
        tpu.wait_dma2 semaphore(%run_scoped3A : memref<!tpu.dma_semaphore, #tpu.memory_space<semaphore_mem>>) src(%arg19 : memref<320xf32, #tpu.memory_space<vmem>>) dst(%dma_wait3A_155 : memref<320xf32, #tpu.memory_space<hbm>>)
        tpu.yield
      }) : () -> ()
      %add3A_141 = arith.constant 2 : i32
      %add3A_142 = arith.addi %add3A_59, %add3A_141 : i32
      %lt3A = arith.constant 125 : i32
      %lt3A_143 = arith.cmpi slt, %add3A_142, %lt3A : i32
      %convert_element_type3A = arith.extui %lt3A_143 : i1 to i32
      %cond3A = arith.constant 0 : i32
      %cond3A_144 = arith.cmpi ne, %convert_element_type3A, %cond3A : i32
      scf.if %cond3A_144 {
        %add3A_152 = arith.constant 2 : i32
        %add3A_153 = arith.addi %add3A_59, %add3A_152 : i32
        %mul3A_154 = arith.constant 10000 : i32
        %mul3A_155 = arith.muli %add3A, %mul3A_154 : i32
        %mul3A_156 = arith.constant 80 : i32
        %mul3A_157 = arith.muli %add3A_153, %mul3A_156 : i32
        %add3A_158 = arith.addi %mul3A_155, %mul3A_157 : i32
        "tpu.region"() ({
          %run_scoped3A = tpu.sem_alloc : memref<!tpu.dma_semaphore, #tpu.memory_space<semaphore_mem>>
          %dma_start3A_164 = tpu.memref_slice %arg3[%add3A_158] : memref<320000xi32, #tpu.memory_space<hbm>> -> memref<80xi32, #tpu.memory_space<hbm>>
          %dma_start3A_165 = tpu.memref_slice %arg3[%add3A_158] : memref<320000xi32, #tpu.memory_space<hbm>> -> memref<80xi32, #tpu.memory_space<hbm>>
          tpu.enqueue_dma source(%dma_start3A_165 : memref<80xi32, #tpu.memory_space<hbm>>) target(%arg9 : memref<80xi32, #tpu.memory_space<vmem>>) target_semaphore(%run_scoped3A : memref<!tpu.dma_semaphore, #tpu.memory_space<semaphore_mem>>)
          %dma_wait3A_166 = tpu.memref_slice %arg3[%add3A_158] : memref<320000xi32, #tpu.memory_space<hbm>> -> memref<80xi32, #tpu.memory_space<hbm>>
          %dma_wait3A_167 = tpu.memref_slice %arg3[%add3A_158] : memref<320000xi32, #tpu.memory_space<hbm>> -> memref<80xi32, #tpu.memory_space<hbm>>
          tpu.wait_dma2 semaphore(%run_scoped3A : memref<!tpu.dma_semaphore, #tpu.memory_space<semaphore_mem>>) src(%dma_wait3A_167 : memref<80xi32, #tpu.memory_space<hbm>>) dst(%arg9 : memref<80xi32, #tpu.memory_space<vmem>>)
          tpu.yield
        }) : () -> ()
        "tpu.region"() ({
          %run_scoped3A = tpu.sem_alloc : memref<!tpu.dma_semaphore, #tpu.memory_space<semaphore_mem>>
          %dma_start3A_164 = tpu.memref_slice %arg4[%add3A_158] : memref<320000xi32, #tpu.memory_space<hbm>> -> memref<80xi32, #tpu.memory_space<hbm>>
          %dma_start3A_165 = tpu.memref_slice %arg4[%add3A_158] : memref<320000xi32, #tpu.memory_space<hbm>> -> memref<80xi32, #tpu.memory_space<hbm>>
          tpu.enqueue_dma source(%dma_start3A_165 : memref<80xi32, #tpu.memory_space<hbm>>) target(%arg10 : memref<80xi32, #tpu.memory_space<vmem>>) target_semaphore(%run_scoped3A : memref<!tpu.dma_semaphore, #tpu.memory_space<semaphore_mem>>)
          %dma_wait3A_166 = tpu.memref_slice %arg4[%add3A_158] : memref<320000xi32, #tpu.memory_space<hbm>> -> memref<80xi32, #tpu.memory_space<hbm>>
          %dma_wait3A_167 = tpu.memref_slice %arg4[%add3A_158] : memref<320000xi32, #tpu.memory_space<hbm>> -> memref<80xi32, #tpu.memory_space<hbm>>
          tpu.wait_dma2 semaphore(%run_scoped3A : memref<!tpu.dma_semaphore, #tpu.memory_space<semaphore_mem>>) src(%dma_wait3A_167 : memref<80xi32, #tpu.memory_space<hbm>>) dst(%arg10 : memref<80xi32, #tpu.memory_space<vmem>>)
          tpu.yield
        }) : () -> ()
        %mul3A_159 = arith.constant 4 : i32
        %mul3A_160 = arith.muli %add3A_158, %mul3A_159 : i32
        "tpu.region"() ({
          %run_scoped3A = tpu.sem_alloc : memref<!tpu.dma_semaphore, #tpu.memory_space<semaphore_mem>>
          %dma_start3A_164 = tpu.memref_slice %arg5[%mul3A_160] : memref<1280000xf32, #tpu.memory_space<hbm>> -> memref<320xf32, #tpu.memory_space<hbm>>
          %dma_start3A_165 = tpu.memref_slice %arg5[%mul3A_160] : memref<1280000xf32, #tpu.memory_space<hbm>> -> memref<320xf32, #tpu.memory_space<hbm>>
          tpu.enqueue_dma source(%dma_start3A_165 : memref<320xf32, #tpu.memory_space<hbm>>) target(%arg12 : memref<320xf32, #tpu.memory_space<vmem>>) target_semaphore(%run_scoped3A : memref<!tpu.dma_semaphore, #tpu.memory_space<semaphore_mem>>)
          %dma_wait3A_166 = tpu.memref_slice %arg5[%mul3A_160] : memref<1280000xf32, #tpu.memory_space<hbm>> -> memref<320xf32, #tpu.memory_space<hbm>>
          %dma_wait3A_167 = tpu.memref_slice %arg5[%mul3A_160] : memref<1280000xf32, #tpu.memory_space<hbm>> -> memref<320xf32, #tpu.memory_space<hbm>>
          tpu.wait_dma2 semaphore(%run_scoped3A : memref<!tpu.dma_semaphore, #tpu.memory_space<semaphore_mem>>) src(%dma_wait3A_167 : memref<320xf32, #tpu.memory_space<hbm>>) dst(%arg12 : memref<320xf32, #tpu.memory_space<vmem>>)
          tpu.yield
        }) : () -> ()
        %dma_start3A_161 = arith.constant 0 : i32
        %dma_start3A_162 = arith.constant 0 : i32
        %dma_start3A_163 = tpu.memref_slice %arg2[%dma_start3A_161, %dma_start3A_162] : memref<10240x128xf32, #tpu.memory_space<hbm>> -> memref<10240x128xf32, #tpu.memory_space<hbm>>
        tpu.enqueue_indirect_dma source(%dma_start3A_163 : memref<10240x128xf32, #tpu.memory_space<hbm>>) target(%arg11 : memref<80x128xf32, #tpu.memory_space<vmem>>) offsets(%arg10 : memref<80xi32, #tpu.memory_space<vmem>>) semaphore(%arg23 : memref<!tpu.dma_semaphore, #tpu.memory_space<semaphore_mem>>)
      } else {
      }
      %add3A_145 = arith.constant 1 : i32
      %add3A_146 = arith.addi %add3A_59, %add3A_145 : i32
      %lt3A_147 = arith.constant 125 : i32
      %lt3A_148 = arith.cmpi slt, %add3A_146, %lt3A_147 : i32
      %convert_element_type3A_149 = arith.extui %lt3A_148 : i1 to i32
      %cond3A_150 = arith.constant 0 : i32
      %cond3A_151 = arith.cmpi ne, %convert_element_type3A_149, %cond3A_150 : i32
      scf.if %cond3A_151 {
        %add3A_152 = arith.constant 1 : i32
        %add3A_153 = arith.addi %add3A_59, %add3A_152 : i32
        %parallel_loop3A_154 = arith.constant 0 : i32
        %parallel_loop3A_155 = arith.constant 80 : i32
        %parallel_loop3A_156 = arith.constant 4 : i32
        scf.for %parallel_loop3A_244 = %parallel_loop3A_154 to %parallel_loop3A_155 step %parallel_loop3A_156  : i32 {
          %parallel_loop3A_245 = vector.broadcast %parallel_loop3A_244 : i32 to vector<16xi32>
          %parallel_loop3A_246 = arith.addi %parallel_loop3A_245, %shift_right_logical3A_27 : vector<16xi32>
          %parallel_loop3A_247 = tpu.vector_load_idx %arg13[%parallel_loop3A_246] : memref<80xi32, #tpu.memory_space<vmem>>[vector<16xi32>], vector<16xi32>,
          %parallel_loop3A_248 = arith.constant 20 : i32
          %parallel_loop3A_249 = arith.divsi %parallel_loop3A_244, %parallel_loop3A_248 : i32
          %parallel_loop3A_250 = arith.constant 0 : i32
          %parallel_loop3A_251 = arith.cmpi sgt, %parallel_loop3A_244, %parallel_loop3A_250 : i32
          %parallel_loop3A_252 = arith.extui %parallel_loop3A_251 : i1 to i32
          %parallel_loop3A_253 = arith.constant 0 : i32
          %parallel_loop3A_254 = arith.cmpi slt, %parallel_loop3A_244, %parallel_loop3A_253 : i32
          %parallel_loop3A_255 = arith.extui %parallel_loop3A_254 : i1 to i32
          %parallel_loop3A_256 = arith.subi %parallel_loop3A_252, %parallel_loop3A_255 : i32
          %parallel_loop3A_257 = arith.constant 0 : i32
          %parallel_loop3A_258 = arith.cmpi sgt, %parallel_loop3A_248, %parallel_loop3A_257 : i32
          %parallel_loop3A_259 = arith.extui %parallel_loop3A_258 : i1 to i32
          %parallel_loop3A_260 = arith.constant 0 : i32
          %parallel_loop3A_261 = arith.cmpi slt, %parallel_loop3A_248, %parallel_loop3A_260 : i32
          %parallel_loop3A_262 = arith.extui %parallel_loop3A_261 : i1 to i32
          %parallel_loop3A_263 = arith.subi %parallel_loop3A_259, %parallel_loop3A_262 : i32
          %parallel_loop3A_264 = arith.cmpi ne, %parallel_loop3A_256, %parallel_loop3A_263 : i32
          %parallel_loop3A_265 = arith.remsi %parallel_loop3A_244, %parallel_loop3A_248 : i32
          %parallel_loop3A_266 = arith.constant 0 : i32
          %parallel_loop3A_267 = arith.cmpi ne, %parallel_loop3A_265, %parallel_loop3A_266 : i32
          %parallel_loop3A_268 = arith.andi %parallel_loop3A_264, %parallel_loop3A_267 : i1
          %parallel_loop3A_269 = arith.constant 1 : i32
          %parallel_loop3A_270 = arith.subi %parallel_loop3A_249, %parallel_loop3A_269 : i32
          %parallel_loop3A_271 = arith.select %parallel_loop3A_268, %parallel_loop3A_270, %parallel_loop3A_249 : i32
          %parallel_loop3A_272 = arith.constant 20 : i32
          %parallel_loop3A_273 = arith.constant 0 : i32
          %parallel_loop3A_274 = arith.cmpi eq, %parallel_loop3A_272, %parallel_loop3A_273 : i32
          %parallel_loop3A_275 = arith.constant 1 : i32
          %parallel_loop3A_276 = arith.select %parallel_loop3A_274, %parallel_loop3A_275, %parallel_loop3A_272 : i32
          %parallel_loop3A_277 = arith.remsi %parallel_loop3A_244, %parallel_loop3A_276 : i32
          %parallel_loop3A_278 = arith.constant 0 : i32
          %parallel_loop3A_279 = arith.cmpi ne, %parallel_loop3A_277, %parallel_loop3A_278 : i32
          %parallel_loop3A_280 = arith.constant 0 : i32
          %parallel_loop3A_281 = arith.cmpi slt, %parallel_loop3A_277, %parallel_loop3A_280 : i32
          %parallel_loop3A_282 = arith.constant 0 : i32
          %parallel_loop3A_283 = arith.cmpi slt, %parallel_loop3A_276, %parallel_loop3A_282 : i32
          %parallel_loop3A_284 = arith.xori %parallel_loop3A_281, %parallel_loop3A_283 : i1
          %parallel_loop3A_285 = arith.andi %parallel_loop3A_284, %parallel_loop3A_279 : i1
          %parallel_loop3A_286 = arith.addi %parallel_loop3A_277, %parallel_loop3A_276 : i32
          %parallel_loop3A_287 = arith.select %parallel_loop3A_285, %parallel_loop3A_286, %parallel_loop3A_277 : i32
          %parallel_loop3A_288 = arith.constant 4 : i32
          %parallel_loop3A_289 = vector.broadcast %parallel_loop3A_288 : i32 to vector<16xi32>
          %parallel_loop3A_290 = arith.muli %parallel_loop3A_247, %parallel_loop3A_289 : vector<16xi32>
          %parallel_loop3A_291 = arith.addi %parallel_loop3A_290, %and3A_29 : vector<16xi32>
          %parallel_loop3A_292 = arith.constant 4 : i32
          %parallel_loop3A_293 = arith.muli %parallel_loop3A_287, %parallel_loop3A_292 : i32
          %parallel_loop3A_294 = arith.index_cast %parallel_loop3A_271 : i32 to index
          %parallel_loop3A_295 = arith.index_cast %parallel_loop3A_293 : i32 to index
          %parallel_loop3A_296 = tpu.vector_load %arg17[%parallel_loop3A_294, %parallel_loop3A_295] {strides = array<i32>} : memref<4x80xi32, #tpu.memory_space<vmem>>, vector<16xi32>,
          tpu.vector_store %arg17[%parallel_loop3A_294, %parallel_loop3A_295], %parallel_loop3A_291 {strides = array<i32>} : memref<4x80xi32, #tpu.memory_space<vmem>>, vector<16xi32>,
        } {sc.loop_unroll_factor = 4 : i64, sc.parallel_access}
        %dma_start3A_157 = arith.constant 0 : i32
        %dma_start3A_158 = arith.constant 0 : i32
        %dma_start3A_159 = tpu.memref_slice %arg18[%dma_start3A_158] : memref<320xf32, #tpu.memory_space<vmem>> -> memref<80xf32, #tpu.memory_space<vmem>>
        %dma_start3A_160 = arith.constant 0 : i32
        %dma_start3A_161 = tpu.memref_slice %arg17[%dma_start3A_157, %dma_start3A_160] : memref<4x80xi32, #tpu.memory_space<vmem>> -> memref<1x80xi32, #tpu.memory_space<vmem>>
        %dma_start3A_162 = tpu.memref_squeeze %dma_start3A_161 : memref<1x80xi32, #tpu.memory_space<vmem>> -> memref<80xi32, #tpu.memory_space<vmem>>
        %dma_start3A_163 = arith.constant 0 : i32
        %dma_start3A_164 = tpu.memref_slice %arg6[%dma_start3A_163] : memref<40960xf32, #tpu.memory_space<hbm>> -> memref<40960xf32, #tpu.memory_space<hbm>>
        tpu.enqueue_indirect_dma source(%dma_start3A_164 : memref<40960xf32, #tpu.memory_space<hbm>>) target(%dma_start3A_159 : memref<80xf32, #tpu.memory_space<vmem>>) offsets(%dma_start3A_162 : memref<80xi32, #tpu.memory_space<vmem>>) semaphore(%arg25 : memref<!tpu.dma_semaphore, #tpu.memory_space<semaphore_mem>>)
        %dma_start3A_165 = arith.constant 1 : i32
        %dma_start3A_166 = arith.constant 80 : i32
        %dma_start3A_167 = tpu.memref_slice %arg18[%dma_start3A_166] : memref<320xf32, #tpu.memory_space<vmem>> -> memref<80xf32, #tpu.memory_space<vmem>>
        %dma_start3A_168 = arith.constant 0 : i32
        %dma_start3A_169 = tpu.memref_slice %arg17[%dma_start3A_165, %dma_start3A_168] : memref<4x80xi32, #tpu.memory_space<vmem>> -> memref<1x80xi32, #tpu.memory_space<vmem>>
        %dma_start3A_170 = tpu.memref_squeeze %dma_start3A_169 : memref<1x80xi32, #tpu.memory_space<vmem>> -> memref<80xi32, #tpu.memory_space<vmem>>
        %dma_start3A_171 = arith.constant 0 : i32
        %dma_start3A_172 = tpu.memref_slice %arg6[%dma_start3A_171] : memref<40960xf32, #tpu.memory_space<hbm>> -> memref<40960xf32, #tpu.memory_space<hbm>>
        tpu.enqueue_indirect_dma source(%dma_start3A_172 : memref<40960xf32, #tpu.memory_space<hbm>>) target(%dma_start3A_167 : memref<80xf32, #tpu.memory_space<vmem>>) offsets(%dma_start3A_170 : memref<80xi32, #tpu.memory_space<vmem>>) semaphore(%arg25 : memref<!tpu.dma_semaphore, #tpu.memory_space<semaphore_mem>>)
        %dma_start3A_173 = arith.constant 2 : i32
        %dma_start3A_174 = arith.constant 160 : i32
        %dma_start3A_175 = tpu.memref_slice %arg18[%dma_start3A_174] : memref<320xf32, #tpu.memory_space<vmem>> -> memref<80xf32, #tpu.memory_space<vmem>>
        %dma_start3A_176 = arith.constant 0 : i32
        %dma_start3A_177 = tpu.memref_slice %arg17[%dma_start3A_173, %dma_start3A_176] : memref<4x80xi32, #tpu.memory_space<vmem>> -> memref<1x80xi32, #tpu.memory_space<vmem>>
        %dma_start3A_178 = tpu.memref_squeeze %dma_start3A_177 : memref<1x80xi32, #tpu.memory_space<vmem>> -> memref<80xi32, #tpu.memory_space<vmem>>
        %dma_start3A_179 = arith.constant 0 : i32
        %dma_start3A_180 = tpu.memref_slice %arg6[%dma_start3A_179] : memref<40960xf32, #tpu.memory_space<hbm>> -> memref<40960xf32, #tpu.memory_space<hbm>>
        tpu.enqueue_indirect_dma source(%dma_start3A_180 : memref<40960xf32, #tpu.memory_space<hbm>>) target(%dma_start3A_175 : memref<80xf32, #tpu.memory_space<vmem>>) offsets(%dma_start3A_178 : memref<80xi32, #tpu.memory_space<vmem>>) semaphore(%arg25 : memref<!tpu.dma_semaphore, #tpu.memory_space<semaphore_mem>>)
        %dma_start3A_181 = arith.constant 3 : i32
        %dma_start3A_182 = arith.constant 240 : i32
        %dma_start3A_183 = tpu.memref_slice %arg18[%dma_start3A_182] : memref<320xf32, #tpu.memory_space<vmem>> -> memref<80xf32, #tpu.memory_space<vmem>>
        %dma_start3A_184 = arith.constant 0 : i32
        %dma_start3A_185 = tpu.memref_slice %arg17[%dma_start3A_181, %dma_start3A_184] : memref<4x80xi32, #tpu.memory_space<vmem>> -> memref<1x80xi32, #tpu.memory_space<vmem>>
        %dma_start3A_186 = tpu.memref_squeeze %dma_start3A_185 : memref<1x80xi32, #tpu.memory_space<vmem>> -> memref<80xi32, #tpu.memory_space<vmem>>
        %dma_start3A_187 = arith.constant 0 : i32
        %dma_start3A_188 = tpu.memref_slice %arg6[%dma_start3A_187] : memref<40960xf32, #tpu.memory_space<hbm>> -> memref<40960xf32, #tpu.memory_space<hbm>>
        tpu.enqueue_indirect_dma source(%dma_start3A_188 : memref<40960xf32, #tpu.memory_space<hbm>>) target(%dma_start3A_183 : memref<80xf32, #tpu.memory_space<vmem>>) offsets(%dma_start3A_186 : memref<80xi32, #tpu.memory_space<vmem>>) semaphore(%arg25 : memref<!tpu.dma_semaphore, #tpu.memory_space<semaphore_mem>>)
        %dma_wait3A_189 = arith.constant 0 : i32
        %dma_wait3A_190 = arith.constant 0 : i32
        %dma_wait3A_191 = tpu.memref_slice %arg18[%dma_wait3A_190] : memref<320xf32, #tpu.memory_space<vmem>> -> memref<80xf32, #tpu.memory_space<vmem>>
        %dma_wait3A_192 = arith.constant 0 : i32
        %dma_wait3A_193 = tpu.memref_slice %arg17[%dma_wait3A_189, %dma_wait3A_192] : memref<4x80xi32, #tpu.memory_space<vmem>> -> memref<1x80xi32, #tpu.memory_space<vmem>>
        %dma_wait3A_194 = tpu.memref_squeeze %dma_wait3A_193 : memref<1x80xi32, #tpu.memory_space<vmem>> -> memref<80xi32, #tpu.memory_space<vmem>>
        %dma_wait3A_195 = arith.constant 0 : i32
        %dma_wait3A_196 = tpu.memref_slice %arg6[%dma_wait3A_195] : memref<40960xf32, #tpu.memory_space<hbm>> -> memref<40960xf32, #tpu.memory_space<hbm>>
        tpu.wait_indirect_dma semaphore(%arg25 : memref<!tpu.dma_semaphore, #tpu.memory_space<semaphore_mem>>) src(%dma_wait3A_196 : memref<40960xf32, #tpu.memory_space<hbm>>) dst(%dma_wait3A_191 : memref<80xf32, #tpu.memory_space<vmem>>)
        %dma_wait3A_197 = arith.constant 1 : i32
        %dma_wait3A_198 = arith.constant 80 : i32
        %dma_wait3A_199 = tpu.memref_slice %arg18[%dma_wait3A_198] : memref<320xf32, #tpu.memory_space<vmem>> -> memref<80xf32, #tpu.memory_space<vmem>>
        %dma_wait3A_200 = arith.constant 0 : i32
        %dma_wait3A_201 = tpu.memref_slice %arg17[%dma_wait3A_197, %dma_wait3A_200] : memref<4x80xi32, #tpu.memory_space<vmem>> -> memref<1x80xi32, #tpu.memory_space<vmem>>
        %dma_wait3A_202 = tpu.memref_squeeze %dma_wait3A_201 : memref<1x80xi32, #tpu.memory_space<vmem>> -> memref<80xi32, #tpu.memory_space<vmem>>
        %dma_wait3A_203 = arith.constant 0 : i32
        %dma_wait3A_204 = tpu.memref_slice %arg6[%dma_wait3A_203] : memref<40960xf32, #tpu.memory_space<hbm>> -> memref<40960xf32, #tpu.memory_space<hbm>>
        tpu.wait_indirect_dma semaphore(%arg25 : memref<!tpu.dma_semaphore, #tpu.memory_space<semaphore_mem>>) src(%dma_wait3A_204 : memref<40960xf32, #tpu.memory_space<hbm>>) dst(%dma_wait3A_199 : memref<80xf32, #tpu.memory_space<vmem>>)
        %dma_wait3A_205 = arith.constant 2 : i32
        %dma_wait3A_206 = arith.constant 160 : i32
        %dma_wait3A_207 = tpu.memref_slice %arg18[%dma_wait3A_206] : memref<320xf32, #tpu.memory_space<vmem>> -> memref<80xf32, #tpu.memory_space<vmem>>
        %dma_wait3A_208 = arith.constant 0 : i32
        %dma_wait3A_209 = tpu.memref_slice %arg17[%dma_wait3A_205, %dma_wait3A_208] : memref<4x80xi32, #tpu.memory_space<vmem>> -> memref<1x80xi32, #tpu.memory_space<vmem>>
        %dma_wait3A_210 = tpu.memref_squeeze %dma_wait3A_209 : memref<1x80xi32, #tpu.memory_space<vmem>> -> memref<80xi32, #tpu.memory_space<vmem>>
        %dma_wait3A_211 = arith.constant 0 : i32
        %dma_wait3A_212 = tpu.memref_slice %arg6[%dma_wait3A_211] : memref<40960xf32, #tpu.memory_space<hbm>> -> memref<40960xf32, #tpu.memory_space<hbm>>
        tpu.wait_indirect_dma semaphore(%arg25 : memref<!tpu.dma_semaphore, #tpu.memory_space<semaphore_mem>>) src(%dma_wait3A_212 : memref<40960xf32, #tpu.memory_space<hbm>>) dst(%dma_wait3A_207 : memref<80xf32, #tpu.memory_space<vmem>>)
        %dma_wait3A_213 = arith.constant 3 : i32
        %dma_wait3A_214 = arith.constant 240 : i32
        %dma_wait3A_215 = tpu.memref_slice %arg18[%dma_wait3A_214] : memref<320xf32, #tpu.memory_space<vmem>> -> memref<80xf32, #tpu.memory_space<vmem>>
        %dma_wait3A_216 = arith.constant 0 : i32
        %dma_wait3A_217 = tpu.memref_slice %arg17[%dma_wait3A_213, %dma_wait3A_216] : memref<4x80xi32, #tpu.memory_space<vmem>> -> memref<1x80xi32, #tpu.memory_space<vmem>>
        %dma_wait3A_218 = tpu.memref_squeeze %dma_wait3A_217 : memref<1x80xi32, #tpu.memory_space<vmem>> -> memref<80xi32, #tpu.memory_space<vmem>>
        %dma_wait3A_219 = arith.constant 0 : i32
        %dma_wait3A_220 = tpu.memref_slice %arg6[%dma_wait3A_219] : memref<40960xf32, #tpu.memory_space<hbm>> -> memref<40960xf32, #tpu.memory_space<hbm>>
        tpu.wait_indirect_dma semaphore(%arg25 : memref<!tpu.dma_semaphore, #tpu.memory_space<semaphore_mem>>) src(%dma_wait3A_220 : memref<40960xf32, #tpu.memory_space<hbm>>) dst(%dma_wait3A_215 : memref<80xf32, #tpu.memory_space<vmem>>)
        %parallel_loop3A_221 = arith.constant 0 : i32
        %parallel_loop3A_222 = arith.constant 20 : i32
        %parallel_loop3A_223 = arith.constant 1 : i32
        scf.for %parallel_loop3A_244 = %parallel_loop3A_221 to %parallel_loop3A_222 step %parallel_loop3A_223  : i32 {
          %parallel_loop3A_245 = arith.constant 16 : i32
          %parallel_loop3A_246 = arith.muli %parallel_loop3A_245, %parallel_loop3A_244 : i32
          %parallel_loop3A_247 = arith.index_cast %parallel_loop3A_246 : i32 to index
          %parallel_loop3A_248 = tpu.vector_load %arg16[%parallel_loop3A_247] {strides = array<i32>} : memref<320xf32, #tpu.memory_space<vmem>>, vector<16xf32>,
          %parallel_loop3A_249 = arith.constant 16 : i32
          %parallel_loop3A_250 = arith.muli %parallel_loop3A_249, %parallel_loop3A_244 : i32
          %parallel_loop3A_251 = arith.index_cast %parallel_loop3A_250 : i32 to index
          %parallel_loop3A_252 = tpu.vector_load %arg18[%parallel_loop3A_251] {strides = array<i32>} : memref<320xf32, #tpu.memory_space<vmem>>, vector<16xf32>,
          %parallel_loop3A_253 = arith.mulf %parallel_loop3A_248, %parallel_loop3A_252 : vector<16xf32>
          %parallel_loop3A_254 = arith.constant 16 : i32
          %parallel_loop3A_255 = arith.muli %parallel_loop3A_254, %parallel_loop3A_244 : i32
          %parallel_loop3A_256 = arith.index_cast %parallel_loop3A_255 : i32 to index
          %parallel_loop3A_257 = tpu.vector_load %arg19[%parallel_loop3A_256] {strides = array<i32>} : memref<320xf32, #tpu.memory_space<vmem>>, vector<16xf32>,
          tpu.vector_store %arg19[%parallel_loop3A_256], %parallel_loop3A_253 {strides = array<i32>} : memref<320xf32, #tpu.memory_space<vmem>>, vector<16xf32>,
        } {sc.loop_unroll_factor = 4 : i64, sc.parallel_access}
        %dma_wait3A_224 = arith.constant 0 : i32
        %dma_wait3A_225 = arith.constant 0 : i32
        %dma_wait3A_226 = tpu.memref_slice %arg2[%dma_wait3A_224, %dma_wait3A_225] : memref<10240x128xf32, #tpu.memory_space<hbm>> -> memref<10240x128xf32, #tpu.memory_space<hbm>>
        tpu.wait_indirect_dma semaphore(%arg24 : memref<!tpu.dma_semaphore, #tpu.memory_space<semaphore_mem>>) src(%dma_wait3A_226 : memref<10240x128xf32, #tpu.memory_space<hbm>>) dst(%arg15 : memref<80x128xf32, #tpu.memory_space<vmem>>)
        %parallel_loop3A_227 = arith.constant 0 : i32
        %parallel_loop3A_228 = arith.constant 80 : i32
        %parallel_loop3A_229 = arith.constant 1 : i32
        scf.for %parallel_loop3A_244 = %parallel_loop3A_227 to %parallel_loop3A_228 step %parallel_loop3A_229  : i32 {
          %parallel_loop3A_245 = arith.constant 4 : i32
          %parallel_loop3A_246 = arith.muli %parallel_loop3A_244, %parallel_loop3A_245 : i32
          %parallel_loop3A_247 = arith.constant 0 : i32
          %parallel_loop3A_248 = arith.addi %parallel_loop3A_246, %parallel_loop3A_247 : i32
          %parallel_loop3A_249 = vector.broadcast %parallel_loop3A_248 : i32 to vector<16xi32>
          %parallel_loop3A_250 = tpu.vector_load_idx %arg19[%parallel_loop3A_249] : memref<320xf32, #tpu.memory_space<vmem>>[vector<16xi32>], vector<16xf32>,
          %parallel_loop3A_251 = arith.index_cast %parallel_loop3A_244 : i32 to index
          %parallel_loop3A_252 = arith.constant 0 : index
          %parallel_loop3A_253 = tpu.vector_load %arg15[%parallel_loop3A_251, %parallel_loop3A_252] {strides = array<i32>} : memref<80x128xf32, #tpu.memory_space<vmem>>, vector<16xf32>,
          %parallel_loop3A_254 = arith.mulf %parallel_loop3A_250, %parallel_loop3A_253 : vector<16xf32>
          %parallel_loop3A_255 = arith.index_cast %parallel_loop3A_244 : i32 to index
          %parallel_loop3A_256 = arith.constant 0 : index
          %parallel_loop3A_257 = tpu.vector_load %arg20[%parallel_loop3A_255, %parallel_loop3A_256] {strides = array<i32>} : memref<80x128xf32, #tpu.memory_space<vmem>>, vector<16xf32>,
          tpu.vector_store %arg20[%parallel_loop3A_255, %parallel_loop3A_256], %parallel_loop3A_254 {strides = array<i32>} : memref<80x128xf32, #tpu.memory_space<vmem>>, vector<16xf32>,
          %parallel_loop3A_258 = arith.index_cast %parallel_loop3A_244 : i32 to index
          %parallel_loop3A_259 = arith.constant 16 : index
          %parallel_loop3A_260 = tpu.vector_load %arg15[%parallel_loop3A_258, %parallel_loop3A_259] {strides = array<i32>} : memref<80x128xf32, #tpu.memory_space<vmem>>, vector<16xf32>,
          %parallel_loop3A_261 = arith.mulf %parallel_loop3A_250, %parallel_loop3A_260 : vector<16xf32>
          %parallel_loop3A_262 = arith.index_cast %parallel_loop3A_244 : i32 to index
          %parallel_loop3A_263 = arith.constant 16 : index
          %parallel_loop3A_264 = tpu.vector_load %arg20[%parallel_loop3A_262, %parallel_loop3A_263] {strides = array<i32>} : memref<80x128xf32, #tpu.memory_space<vmem>>, vector<16xf32>,
          tpu.vector_store %arg20[%parallel_loop3A_262, %parallel_loop3A_263], %parallel_loop3A_261 {strides = array<i32>} : memref<80x128xf32, #tpu.memory_space<vmem>>, vector<16xf32>,
          %parallel_loop3A_265 = arith.constant 4 : i32
          %parallel_loop3A_266 = arith.muli %parallel_loop3A_244, %parallel_loop3A_265 : i32
          %parallel_loop3A_267 = arith.constant 1 : i32
          %parallel_loop3A_268 = arith.addi %parallel_loop3A_266, %parallel_loop3A_267 : i32
          %parallel_loop3A_269 = vector.broadcast %parallel_loop3A_268 : i32 to vector<16xi32>
          %parallel_loop3A_270 = tpu.vector_load_idx %arg19[%parallel_loop3A_269] : memref<320xf32, #tpu.memory_space<vmem>>[vector<16xi32>], vector<16xf32>,
          %parallel_loop3A_271 = arith.index_cast %parallel_loop3A_244 : i32 to index
          %parallel_loop3A_272 = arith.constant 32 : index
          %parallel_loop3A_273 = tpu.vector_load %arg15[%parallel_loop3A_271, %parallel_loop3A_272] {strides = array<i32>} : memref<80x128xf32, #tpu.memory_space<vmem>>, vector<16xf32>,
          %parallel_loop3A_274 = arith.mulf %parallel_loop3A_270, %parallel_loop3A_273 : vector<16xf32>
          %parallel_loop3A_275 = arith.index_cast %parallel_loop3A_244 : i32 to index
          %parallel_loop3A_276 = arith.constant 32 : index
          %parallel_loop3A_277 = tpu.vector_load %arg20[%parallel_loop3A_275, %parallel_loop3A_276] {strides = array<i32>} : memref<80x128xf32, #tpu.memory_space<vmem>>, vector<16xf32>,
          tpu.vector_store %arg20[%parallel_loop3A_275, %parallel_loop3A_276], %parallel_loop3A_274 {strides = array<i32>} : memref<80x128xf32, #tpu.memory_space<vmem>>, vector<16xf32>,
          %parallel_loop3A_278 = arith.index_cast %parallel_loop3A_244 : i32 to index
          %parallel_loop3A_279 = arith.constant 48 : index
          %parallel_loop3A_280 = tpu.vector_load %arg15[%parallel_loop3A_278, %parallel_loop3A_279] {strides = array<i32>} : memref<80x128xf32, #tpu.memory_space<vmem>>, vector<16xf32>,
          %parallel_loop3A_281 = arith.mulf %parallel_loop3A_270, %parallel_loop3A_280 : vector<16xf32>
          %parallel_loop3A_282 = arith.index_cast %parallel_loop3A_244 : i32 to index
          %parallel_loop3A_283 = arith.constant 48 : index
          %parallel_loop3A_284 = tpu.vector_load %arg20[%parallel_loop3A_282, %parallel_loop3A_283] {strides = array<i32>} : memref<80x128xf32, #tpu.memory_space<vmem>>, vector<16xf32>,
          tpu.vector_store %arg20[%parallel_loop3A_282, %parallel_loop3A_283], %parallel_loop3A_281 {strides = array<i32>} : memref<80x128xf32, #tpu.memory_space<vmem>>, vector<16xf32>,
          %parallel_loop3A_285 = arith.constant 4 : i32
          %parallel_loop3A_286 = arith.muli %parallel_loop3A_244, %parallel_loop3A_285 : i32
          %parallel_loop3A_287 = arith.constant 2 : i32
          %parallel_loop3A_288 = arith.addi %parallel_loop3A_286, %parallel_loop3A_287 : i32
          %parallel_loop3A_289 = vector.broadcast %parallel_loop3A_288 : i32 to vector<16xi32>
          %parallel_loop3A_290 = tpu.vector_load_idx %arg19[%parallel_loop3A_289] : memref<320xf32, #tpu.memory_space<vmem>>[vector<16xi32>], vector<16xf32>,
          %parallel_loop3A_291 = arith.index_cast %parallel_loop3A_244 : i32 to index
          %parallel_loop3A_292 = arith.constant 64 : index
          %parallel_loop3A_293 = tpu.vector_load %arg15[%parallel_loop3A_291, %parallel_loop3A_292] {strides = array<i32>} : memref<80x128xf32, #tpu.memory_space<vmem>>, vector<16xf32>,
          %parallel_loop3A_294 = arith.mulf %parallel_loop3A_290, %parallel_loop3A_293 : vector<16xf32>
          %parallel_loop3A_295 = arith.index_cast %parallel_loop3A_244 : i32 to index
          %parallel_loop3A_296 = arith.constant 64 : index
          %parallel_loop3A_297 = tpu.vector_load %arg20[%parallel_loop3A_295, %parallel_loop3A_296] {strides = array<i32>} : memref<80x128xf32, #tpu.memory_space<vmem>>, vector<16xf32>,
          tpu.vector_store %arg20[%parallel_loop3A_295, %parallel_loop3A_296], %parallel_loop3A_294 {strides = array<i32>} : memref<80x128xf32, #tpu.memory_space<vmem>>, vector<16xf32>,
          %parallel_loop3A_298 = arith.index_cast %parallel_loop3A_244 : i32 to index
          %parallel_loop3A_299 = arith.constant 80 : index
          %parallel_loop3A_300 = tpu.vector_load %arg15[%parallel_loop3A_298, %parallel_loop3A_299] {strides = array<i32>} : memref<80x128xf32, #tpu.memory_space<vmem>>, vector<16xf32>,
          %parallel_loop3A_301 = arith.mulf %parallel_loop3A_290, %parallel_loop3A_300 : vector<16xf32>
          %parallel_loop3A_302 = arith.index_cast %parallel_loop3A_244 : i32 to index
          %parallel_loop3A_303 = arith.constant 80 : index
          %parallel_loop3A_304 = tpu.vector_load %arg20[%parallel_loop3A_302, %parallel_loop3A_303] {strides = array<i32>} : memref<80x128xf32, #tpu.memory_space<vmem>>, vector<16xf32>,
          tpu.vector_store %arg20[%parallel_loop3A_302, %parallel_loop3A_303], %parallel_loop3A_301 {strides = array<i32>} : memref<80x128xf32, #tpu.memory_space<vmem>>, vector<16xf32>,
          %parallel_loop3A_305 = arith.constant 4 : i32
          %parallel_loop3A_306 = arith.muli %parallel_loop3A_244, %parallel_loop3A_305 : i32
          %parallel_loop3A_307 = arith.constant 3 : i32
          %parallel_loop3A_308 = arith.addi %parallel_loop3A_306, %parallel_loop3A_307 : i32
          %parallel_loop3A_309 = vector.broadcast %parallel_loop3A_308 : i32 to vector<16xi32>
          %parallel_loop3A_310 = tpu.vector_load_idx %arg19[%parallel_loop3A_309] : memref<320xf32, #tpu.memory_space<vmem>>[vector<16xi32>], vector<16xf32>,
          %parallel_loop3A_311 = arith.index_cast %parallel_loop3A_244 : i32 to index
          %parallel_loop3A_312 = arith.constant 96 : index
          %parallel_loop3A_313 = tpu.vector_load %arg15[%parallel_loop3A_311, %parallel_loop3A_312] {strides = array<i32>} : memref<80x128xf32, #tpu.memory_space<vmem>>, vector<16xf32>,
          %parallel_loop3A_314 = arith.mulf %parallel_loop3A_310, %parallel_loop3A_313 : vector<16xf32>
          %parallel_loop3A_315 = arith.index_cast %parallel_loop3A_244 : i32 to index
          %parallel_loop3A_316 = arith.constant 96 : index
          %parallel_loop3A_317 = tpu.vector_load %arg20[%parallel_loop3A_315, %parallel_loop3A_316] {strides = array<i32>} : memref<80x128xf32, #tpu.memory_space<vmem>>, vector<16xf32>,
          tpu.vector_store %arg20[%parallel_loop3A_315, %parallel_loop3A_316], %parallel_loop3A_314 {strides = array<i32>} : memref<80x128xf32, #tpu.memory_space<vmem>>, vector<16xf32>,
          %parallel_loop3A_318 = arith.index_cast %parallel_loop3A_244 : i32 to index
          %parallel_loop3A_319 = arith.constant 112 : index
          %parallel_loop3A_320 = tpu.vector_load %arg15[%parallel_loop3A_318, %parallel_loop3A_319] {strides = array<i32>} : memref<80x128xf32, #tpu.memory_space<vmem>>, vector<16xf32>,
          %parallel_loop3A_321 = arith.mulf %parallel_loop3A_310, %parallel_loop3A_320 : vector<16xf32>
          %parallel_loop3A_322 = arith.index_cast %parallel_loop3A_244 : i32 to index
          %parallel_loop3A_323 = arith.constant 112 : index
          %parallel_loop3A_324 = tpu.vector_load %arg20[%parallel_loop3A_322, %parallel_loop3A_323] {strides = array<i32>} : memref<80x128xf32, #tpu.memory_space<vmem>>, vector<16xf32>,
          tpu.vector_store %arg20[%parallel_loop3A_322, %parallel_loop3A_323], %parallel_loop3A_321 {strides = array<i32>} : memref<80x128xf32, #tpu.memory_space<vmem>>, vector<16xf32>,
        } {sc.loop_unroll_factor = 4 : i64, sc.parallel_access}
        "tpu.region"() ({
          %run_scoped3A = tpu.sem_alloc : memref<!tpu.dma_semaphore, #tpu.memory_space<semaphore_mem>>
          %dma_start3A_244 = arith.constant 0 : i32
          %dma_start3A_245 = arith.constant 0 : i32
          %dma_start3A_246 = tpu.memref_slice %arg21[%dma_start3A_244, %dma_start3A_245] : memref<10240x128xf32, #tpu.memory_space<vmem_shared>> -> memref<10240x128xf32, #tpu.memory_space<vmem_shared>>
          tpu.enqueue_indirect_dma source(%arg20 : memref<80x128xf32, #tpu.memory_space<vmem>>) target(%dma_start3A_246 : memref<10240x128xf32, #tpu.memory_space<vmem_shared>>) offsets(%arg13 : memref<80xi32, #tpu.memory_space<vmem>>) semaphore(%run_scoped3A : memref<!tpu.dma_semaphore, #tpu.memory_space<semaphore_mem>>) {add = true}
          %dma_wait3A_247 = arith.constant 0 : i32
          %dma_wait3A_248 = arith.constant 0 : i32
          %dma_wait3A_249 = tpu.memref_slice %arg21[%dma_wait3A_247, %dma_wait3A_248] : memref<10240x128xf32, #tpu.memory_space<vmem_shared>> -> memref<10240x128xf32, #tpu.memory_space<vmem_shared>>
          tpu.wait_indirect_dma semaphore(%run_scoped3A : memref<!tpu.dma_semaphore, #tpu.memory_space<semaphore_mem>>) src(%arg20 : memref<80x128xf32, #tpu.memory_space<vmem>>) dst(%dma_wait3A_249 : memref<10240x128xf32, #tpu.memory_space<vmem_shared>>)
          tpu.yield
        }) : () -> ()
        %mul3A_230 = arith.constant 10000 : i32
        %mul3A_231 = arith.muli %add3A, %mul3A_230 : i32
        %mul3A_232 = arith.constant 80 : i32
        %mul3A_233 = arith.muli %add3A_153, %mul3A_232 : i32
        %add3A_234 = arith.addi %mul3A_231, %mul3A_233 : i32
        %mul3A_235 = arith.constant 4 : i32
        %mul3A_236 = arith.muli %add3A_234, %mul3A_235 : i32
        "tpu.region"() ({
          %run_scoped3A = tpu.sem_alloc : memref<!tpu.dma_semaphore, #tpu.memory_space<semaphore_mem>>
          %dma_start3A_244 = tpu.memref_slice %arg7[%mul3A_236] : memref<1280000xf32, #tpu.memory_space<hbm>> -> memref<320xf32, #tpu.memory_space<hbm>>
          %dma_start3A_245 = tpu.memref_slice %arg7[%mul3A_236] : memref<1280000xf32, #tpu.memory_space<hbm>> -> memref<320xf32, #tpu.memory_space<hbm>>
          tpu.enqueue_dma source(%arg19 : memref<320xf32, #tpu.memory_space<vmem>>) target(%dma_start3A_245 : memref<320xf32, #tpu.memory_space<hbm>>) target_semaphore(%run_scoped3A : memref<!tpu.dma_semaphore, #tpu.memory_space<semaphore_mem>>)
          %dma_wait3A_246 = tpu.memref_slice %arg7[%mul3A_236] : memref<1280000xf32, #tpu.memory_space<hbm>> -> memref<320xf32, #tpu.memory_space<hbm>>
          %dma_wait3A_247 = tpu.memref_slice %arg7[%mul3A_236] : memref<1280000xf32, #tpu.memory_space<hbm>> -> memref<320xf32, #tpu.memory_space<hbm>>
          tpu.wait_dma2 semaphore(%run_scoped3A : memref<!tpu.dma_semaphore, #tpu.memory_space<semaphore_mem>>) src(%arg19 : memref<320xf32, #tpu.memory_space<vmem>>) dst(%dma_wait3A_247 : memref<320xf32, #tpu.memory_space<hbm>>)
          tpu.yield
        }) : () -> ()
        %add3A_237 = arith.constant 3 : i32
        %add3A_238 = arith.addi %add3A_59, %add3A_237 : i32
        %lt3A_239 = arith.constant 125 : i32
        %lt3A_240 = arith.cmpi slt, %add3A_238, %lt3A_239 : i32
        %convert_element_type3A_241 = arith.extui %lt3A_240 : i1 to i32
        %cond3A_242 = arith.constant 0 : i32
        %cond3A_243 = arith.cmpi ne, %convert_element_type3A_241, %cond3A_242 : i32
        scf.if %cond3A_243 {
          %add3A_244 = arith.constant 3 : i32
          %add3A_245 = arith.addi %add3A_59, %add3A_244 : i32
          %mul3A_246 = arith.constant 10000 : i32
          %mul3A_247 = arith.muli %add3A, %mul3A_246 : i32
          %mul3A_248 = arith.constant 80 : i32
          %mul3A_249 = arith.muli %add3A_245, %mul3A_248 : i32
          %add3A_250 = arith.addi %mul3A_247, %mul3A_249 : i32
          "tpu.region"() ({
            %run_scoped3A = tpu.sem_alloc : memref<!tpu.dma_semaphore, #tpu.memory_space<semaphore_mem>>
            %dma_start3A_256 = tpu.memref_slice %arg3[%add3A_250] : memref<320000xi32, #tpu.memory_space<hbm>> -> memref<80xi32, #tpu.memory_space<hbm>>
            %dma_start3A_257 = tpu.memref_slice %arg3[%add3A_250] : memref<320000xi32, #tpu.memory_space<hbm>> -> memref<80xi32, #tpu.memory_space<hbm>>
            tpu.enqueue_dma source(%dma_start3A_257 : memref<80xi32, #tpu.memory_space<hbm>>) target(%arg13 : memref<80xi32, #tpu.memory_space<vmem>>) target_semaphore(%run_scoped3A : memref<!tpu.dma_semaphore, #tpu.memory_space<semaphore_mem>>)
            %dma_wait3A_258 = tpu.memref_slice %arg3[%add3A_250] : memref<320000xi32, #tpu.memory_space<hbm>> -> memref<80xi32, #tpu.memory_space<hbm>>
            %dma_wait3A_259 = tpu.memref_slice %arg3[%add3A_250] : memref<320000xi32, #tpu.memory_space<hbm>> -> memref<80xi32, #tpu.memory_space<hbm>>
            tpu.wait_dma2 semaphore(%run_scoped3A : memref<!tpu.dma_semaphore, #tpu.memory_space<semaphore_mem>>) src(%dma_wait3A_259 : memref<80xi32, #tpu.memory_space<hbm>>) dst(%arg13 : memref<80xi32, #tpu.memory_space<vmem>>)
            tpu.yield
          }) : () -> ()
          "tpu.region"() ({
            %run_scoped3A = tpu.sem_alloc : memref<!tpu.dma_semaphore, #tpu.memory_space<semaphore_mem>>
            %dma_start3A_256 = tpu.memref_slice %arg4[%add3A_250] : memref<320000xi32, #tpu.memory_space<hbm>> -> memref<80xi32, #tpu.memory_space<hbm>>
            %dma_start3A_257 = tpu.memref_slice %arg4[%add3A_250] : memref<320000xi32, #tpu.memory_space<hbm>> -> memref<80xi32, #tpu.memory_space<hbm>>
            tpu.enqueue_dma source(%dma_start3A_257 : memref<80xi32, #tpu.memory_space<hbm>>) target(%arg14 : memref<80xi32, #tpu.memory_space<vmem>>) target_semaphore(%run_scoped3A : memref<!tpu.dma_semaphore, #tpu.memory_space<semaphore_mem>>)
            %dma_wait3A_258 = tpu.memref_slice %arg4[%add3A_250] : memref<320000xi32, #tpu.memory_space<hbm>> -> memref<80xi32, #tpu.memory_space<hbm>>
            %dma_wait3A_259 = tpu.memref_slice %arg4[%add3A_250] : memref<320000xi32, #tpu.memory_space<hbm>> -> memref<80xi32, #tpu.memory_space<hbm>>
            tpu.wait_dma2 semaphore(%run_scoped3A : memref<!tpu.dma_semaphore, #tpu.memory_space<semaphore_mem>>) src(%dma_wait3A_259 : memref<80xi32, #tpu.memory_space<hbm>>) dst(%arg14 : memref<80xi32, #tpu.memory_space<vmem>>)
            tpu.yield
          }) : () -> ()
          %mul3A_251 = arith.constant 4 : i32
          %mul3A_252 = arith.muli %add3A_250, %mul3A_251 : i32
          "tpu.region"() ({
            %run_scoped3A = tpu.sem_alloc : memref<!tpu.dma_semaphore, #tpu.memory_space<semaphore_mem>>
            %dma_start3A_256 = tpu.memref_slice %arg5[%mul3A_252] : memref<1280000xf32, #tpu.memory_space<hbm>> -> memref<320xf32, #tpu.memory_space<hbm>>
            %dma_start3A_257 = tpu.memref_slice %arg5[%mul3A_252] : memref<1280000xf32, #tpu.memory_space<hbm>> -> memref<320xf32, #tpu.memory_space<hbm>>
            tpu.enqueue_dma source(%dma_start3A_257 : memref<320xf32, #tpu.memory_space<hbm>>) target(%arg16 : memref<320xf32, #tpu.memory_space<vmem>>) target_semaphore(%run_scoped3A : memref<!tpu.dma_semaphore, #tpu.memory_space<semaphore_mem>>)
            %dma_wait3A_258 = tpu.memref_slice %arg5[%mul3A_252] : memref<1280000xf32, #tpu.memory_space<hbm>> -> memref<320xf32, #tpu.memory_space<hbm>>
            %dma_wait3A_259 = tpu.memref_slice %arg5[%mul3A_252] : memref<1280000xf32, #tpu.memory_space<hbm>> -> memref<320xf32, #tpu.memory_space<hbm>>
            tpu.wait_dma2 semaphore(%run_scoped3A : memref<!tpu.dma_semaphore, #tpu.memory_space<semaphore_mem>>) src(%dma_wait3A_259 : memref<320xf32, #tpu.memory_space<hbm>>) dst(%arg16 : memref<320xf32, #tpu.memory_space<vmem>>)
            tpu.yield
          }) : () -> ()
          %dma_start3A_253 = arith.constant 0 : i32
          %dma_start3A_254 = arith.constant 0 : i32
          %dma_start3A_255 = tpu.memref_slice %arg2[%dma_start3A_253, %dma_start3A_254] : memref<10240x128xf32, #tpu.memory_space<hbm>> -> memref<10240x128xf32, #tpu.memory_space<hbm>>
          tpu.enqueue_indirect_dma source(%dma_start3A_255 : memref<10240x128xf32, #tpu.memory_space<hbm>>) target(%arg15 : memref<80x128xf32, #tpu.memory_space<vmem>>) offsets(%arg14 : memref<80xi32, #tpu.memory_space<vmem>>) semaphore(%arg24 : memref<!tpu.dma_semaphore, #tpu.memory_space<semaphore_mem>>)
        } else {
        }
      } else {
      }
    }
    %scan3A_51 = arith.constant 63 : i32
    %barrier3A_52 = arith.constant 0 : index
    tpu.barrier barrier_id(%barrier3A_52)
    %mul3A_53 = arith.constant 640 : i32
    %mul3A_54 = arith.muli %arg1, %mul3A_53 : i32
    "tpu.region"() ({
      %run_scoped3A = tpu.sem_alloc : memref<!tpu.dma_semaphore, #tpu.memory_space<semaphore_mem>>
      %dma_start3A_55 = arith.constant 0 : i32
      %dma_start3A_56 = tpu.memref_slice %arg8[%arg0, %mul3A_54, %dma_start3A_55] : memref<2x10240x128xf32, #tpu.memory_space<hbm>> -> memref<1x640x128xf32, #tpu.memory_space<hbm>>
      %dma_start3A_57 = tpu.memref_squeeze %dma_start3A_56 : memref<1x640x128xf32, #tpu.memory_space<hbm>> -> memref<640x128xf32, #tpu.memory_space<hbm>>
      %dma_start3A_58 = arith.constant 0 : i32
      %dma_start3A_59 = tpu.memref_slice %arg21[%mul3A_54, %dma_start3A_58] : memref<10240x128xf32, #tpu.memory_space<vmem_shared>> -> memref<640x128xf32, #tpu.memory_space<vmem_shared>>
      tpu.enqueue_dma source(%dma_start3A_59 : memref<640x128xf32, #tpu.memory_space<vmem_shared>>) target(%dma_start3A_57 : memref<640x128xf32, #tpu.memory_space<hbm>>) target_semaphore(%run_scoped3A : memref<!tpu.dma_semaphore, #tpu.memory_space<semaphore_mem>>)
      %dma_wait3A = arith.constant 0 : i32
      %dma_wait3A_60 = tpu.memref_slice %arg8[%arg0, %mul3A_54, %dma_wait3A] : memref<2x10240x128xf32, #tpu.memory_space<hbm>> -> memref<1x640x128xf32, #tpu.memory_space<hbm>>
      %dma_wait3A_61 = tpu.memref_squeeze %dma_wait3A_60 : memref<1x640x128xf32, #tpu.memory_space<hbm>> -> memref<640x128xf32, #tpu.memory_space<hbm>>
      %dma_wait3A_62 = arith.constant 0 : i32
      %dma_wait3A_63 = tpu.memref_slice %arg21[%mul3A_54, %dma_wait3A_62] : memref<10240x128xf32, #tpu.memory_space<vmem_shared>> -> memref<640x128xf32, #tpu.memory_space<vmem_shared>>
      tpu.wait_dma2 semaphore(%run_scoped3A : memref<!tpu.dma_semaphore, #tpu.memory_space<semaphore_mem>>) src(%dma_wait3A_63 : memref<640x128xf32, #tpu.memory_space<vmem_shared>>) dst(%dma_wait3A_61 : memref<640x128xf32, #tpu.memory_space<hbm>>)
      tpu.yield
    }) : () -> ()
    return
  }
}

module attributes {stable_mosaic.version = 14 : i64} {
  func.func @_qkv_body(%arg0: i32, %arg1: memref<1024x128xf32, #tpu.memory_space<vmem>>, %arg2: memref<128x128xf32, #tpu.memory_space<vmem>>, %arg3: memref<128x128xf32, #tpu.memory_space<vmem>>, %arg4: memref<128x128xf32, #tpu.memory_space<vmem>>, %arg5: memref<1024x128xf32, #tpu.memory_space<vmem>>, %arg6: memref<1024x128xf32, #tpu.memory_space<vmem>>, %arg7: memref<1024x128xf32, #tpu.memory_space<vmem>>) attributes {dimension_semantics = [#tpu.dimension_semantics<arbitrary>], iteration_bounds = array<i64: 10>, scalar_prefetch = 0 : i64, scratch_operands = 0 : i64, tpu.core_type = #tpu.core_type<tc>, window_params = [{transform_indices = @transform_0, window_bounds = array<i64: 1024, 128>}, {pipeline_mode = #tpu.pipeline_mode<synchronous>, transform_indices = @transform_1, window_bounds = array<i64: 128, 128>}, {pipeline_mode = #tpu.pipeline_mode<synchronous>, transform_indices = @transform_2, window_bounds = array<i64: 128, 128>}, {pipeline_mode = #tpu.pipeline_mode<synchronous>, transform_indices = @transform_3, window_bounds = array<i64: 128, 128>}, {transform_indices = @transform_4, window_bounds = array<i64: 1024, 128>}, {transform_indices = @transform_5, window_bounds = array<i64: 1024, 128>}, {transform_indices = @transform_6, window_bounds = array<i64: 1024, 128>}]} {
    %get3A = arith.constant 0 : index
    %get3A_0 = arith.constant 0 : index
    %get3A_1 = vector.load %arg1[%get3A, %get3A_0] : memref<1024x128xf32, #tpu.memory_space<vmem>>, vector<1024x128xf32>
    %get3A_2 = arith.constant 0 : index
    %get3A_3 = arith.constant 0 : index
    %get3A_4 = vector.load %arg2[%get3A_2, %get3A_3] : memref<128x128xf32, #tpu.memory_space<vmem>>, vector<128x128xf32>
    %dot_general3A = arith.constant dense<0.000000e+00> : vector<1024x128xf32>
    %dot_general3A_5 = tpu.matmul %get3A_1, %get3A_4, %dot_general3A {dimension_numbers = #tpu.dot_dimension_numbers<[1], [0], [0], [1], [0, 0, 1, 1], [], []>, transpose_lhs_hint = false} : vector<1024x128xf32>, vector<128x128xf32>, vector<1024x128xf32> -> vector<1024x128xf32>
    %swap3A = arith.constant 0 : index
    %swap3A_6 = arith.constant 0 : index
    %swap3A_7 = vector.load %arg5[%swap3A, %swap3A_6] : memref<1024x128xf32, #tpu.memory_space<vmem>>, vector<1024x128xf32>
    tpu.vector_store %arg5[%swap3A, %swap3A_6], %dot_general3A_5 {strides = array<i32>} : memref<1024x128xf32, #tpu.memory_space<vmem>>, vector<1024x128xf32>,
    %get3A_8 = arith.constant 0 : index
    %get3A_9 = arith.constant 0 : index
    %get3A_10 = vector.load %arg3[%get3A_8, %get3A_9] : memref<128x128xf32, #tpu.memory_space<vmem>>, vector<128x128xf32>
    %dot_general3A_11 = arith.constant dense<0.000000e+00> : vector<1024x128xf32>
    %dot_general3A_12 = tpu.matmul %get3A_1, %get3A_10, %dot_general3A_11 {dimension_numbers = #tpu.dot_dimension_numbers<[1], [0], [0], [1], [0, 0, 1, 1], [], []>, transpose_lhs_hint = false} : vector<1024x128xf32>, vector<128x128xf32>, vector<1024x128xf32> -> vector<1024x128xf32>
    %swap3A_13 = arith.constant 0 : index
    %swap3A_14 = arith.constant 0 : index
    %swap3A_15 = vector.load %arg6[%swap3A_13, %swap3A_14] : memref<1024x128xf32, #tpu.memory_space<vmem>>, vector<1024x128xf32>
    tpu.vector_store %arg6[%swap3A_13, %swap3A_14], %dot_general3A_12 {strides = array<i32>} : memref<1024x128xf32, #tpu.memory_space<vmem>>, vector<1024x128xf32>,
    %get3A_16 = arith.constant 0 : index
    %get3A_17 = arith.constant 0 : index
    %get3A_18 = vector.load %arg4[%get3A_16, %get3A_17] : memref<128x128xf32, #tpu.memory_space<vmem>>, vector<128x128xf32>
    %dot_general3A_19 = arith.constant dense<0.000000e+00> : vector<1024x128xf32>
    %dot_general3A_20 = tpu.matmul %get3A_1, %get3A_18, %dot_general3A_19 {dimension_numbers = #tpu.dot_dimension_numbers<[1], [0], [0], [1], [0, 0, 1, 1], [], []>, transpose_lhs_hint = false} : vector<1024x128xf32>, vector<128x128xf32>, vector<1024x128xf32> -> vector<1024x128xf32>
    %swap3A_21 = arith.constant 0 : index
    %swap3A_22 = arith.constant 0 : index
    %swap3A_23 = vector.load %arg7[%swap3A_21, %swap3A_22] : memref<1024x128xf32, #tpu.memory_space<vmem>>, vector<1024x128xf32>
    tpu.vector_store %arg7[%swap3A_21, %swap3A_22], %dot_general3A_20 {strides = array<i32>} : memref<1024x128xf32, #tpu.memory_space<vmem>>, vector<1024x128xf32>,
    return
  }
  func.func @transform_0(%arg0: i32) -> (i32, i32) {
    %c0_i32 = arith.constant 0 : i32
    %c0_i32_0 = arith.constant 0 : i32
    return %arg0, %c0_i32 : i32, i32
  }
  func.func @transform_1(%arg0: i32) -> (i32, i32) {
    %c0_i32 = arith.constant 0 : i32
    %c0_i32_0 = arith.constant 0 : i32
    %c0_i32_1 = arith.constant 0 : i32
    return %c0_i32, %c0_i32_0 : i32, i32
  }
  func.func @transform_2(%arg0: i32) -> (i32, i32) {
    %c0_i32 = arith.constant 0 : i32
    %c0_i32_0 = arith.constant 0 : i32
    %c0_i32_1 = arith.constant 0 : i32
    return %c0_i32, %c0_i32_0 : i32, i32
  }
  func.func @transform_3(%arg0: i32) -> (i32, i32) {
    %c0_i32 = arith.constant 0 : i32
    %c0_i32_0 = arith.constant 0 : i32
    %c0_i32_1 = arith.constant 0 : i32
    return %c0_i32, %c0_i32_0 : i32, i32
  }
  func.func @transform_4(%arg0: i32) -> (i32, i32) {
    %c0_i32 = arith.constant 0 : i32
    %c0_i32_0 = arith.constant 0 : i32
    return %arg0, %c0_i32 : i32, i32
  }
  func.func @transform_5(%arg0: i32) -> (i32, i32) {
    %c0_i32 = arith.constant 0 : i32
    %c0_i32_0 = arith.constant 0 : i32
    return %arg0, %c0_i32 : i32, i32
  }
  func.func @transform_6(%arg0: i32) -> (i32, i32) {
    %c0_i32 = arith.constant 0 : i32
    %c0_i32_0 = arith.constant 0 : i32
    return %arg0, %c0_i32 : i32, i32
  }
}

module attributes {stable_mosaic.version = 14 : i64} {
  func.func @_recip_body(%arg0: memref<640x128xf32, #tpu.memory_space<vmem>>, %arg1: memref<320x128xf32, #tpu.memory_space<vmem>>) attributes {dimension_semantics = [], scalar_prefetch = 0 : i64, scratch_operands = 0 : i64, tpu.core_type = #tpu.core_type<tc>} {
    %get3A = arith.constant 0 : index
    %get3A_0 = arith.constant 0 : index
    %get3A_1 = vector.load %arg0[%get3A, %get3A_0] : memref<640x128xf32, #tpu.memory_space<vmem>>, vector<320x128xf32>
    %get3A_2 = arith.constant 320 : index
    %get3A_3 = arith.constant 0 : index
    %get3A_4 = vector.load %arg0[%get3A_2, %get3A_3] : memref<640x128xf32, #tpu.memory_space<vmem>>, vector<320x128xf32>
    %add3A = arith.addf %get3A_1, %get3A_4 : vector<320x128xf32>
    %add3A_5 = arith.constant 9.99999993E-9 : f32
    %add3A_6 = vector.broadcast %add3A_5 : f32 to vector<320x128xf32>
    %add3A_7 = arith.addf %add3A, %add3A_6 : vector<320x128xf32>
    %div3A = arith.constant 1.000000e+00 : f32
    %div3A_8 = vector.broadcast %div3A : f32 to vector<320x128xf32>
    %div3A_9 = arith.divf %div3A_8, %add3A_7 : vector<320x128xf32>
    %swap3A = arith.constant 0 : index
    %swap3A_10 = arith.constant 0 : index
    %swap3A_11 = vector.load %arg1[%swap3A, %swap3A_10] : memref<320x128xf32, #tpu.memory_space<vmem>>, vector<320x128xf32>
    tpu.vector_store %arg1[%swap3A, %swap3A_10], %div3A_9 {strides = array<i32>} : memref<320x128xf32, #tpu.memory_space<vmem>>, vector<320x128xf32>,
    return
  }
}

module attributes {stable_mosaic.version = 14 : i64} {
  func.func @_sum_body(%arg0: i32, %arg1: memref<2x2048x128xf32, #tpu.memory_space<vmem>>, %arg2: memref<2048x128xf32, #tpu.memory_space<vmem>>) attributes {dimension_semantics = [#tpu.dimension_semantics<arbitrary>], iteration_bounds = array<i64: 5>, scalar_prefetch = 0 : i64, scratch_operands = 0 : i64, tpu.core_type = #tpu.core_type<tc>, window_params = [{transform_indices = @transform_0, window_bounds = array<i64: 2, 2048, 128>}, {transform_indices = @transform_1, window_bounds = array<i64: 2048, 128>}]} {
    %get3A = arith.constant 0 : index
    %get3A_0 = arith.constant 0 : index
    %get3A_1 = arith.constant 0 : index
    %get3A_2 = vector.load %arg1[%get3A, %get3A_0, %get3A_1] : memref<2x2048x128xf32, #tpu.memory_space<vmem>>, vector<1x2048x128xf32>
    %get3A_3 = vector.shape_cast %get3A_2 : vector<1x2048x128xf32> to vector<2048x128xf32>
    %get3A_4 = arith.constant 1 : index
    %get3A_5 = arith.constant 0 : index
    %get3A_6 = arith.constant 0 : index
    %get3A_7 = vector.load %arg1[%get3A_4, %get3A_5, %get3A_6] : memref<2x2048x128xf32, #tpu.memory_space<vmem>>, vector<1x2048x128xf32>
    %get3A_8 = vector.shape_cast %get3A_7 : vector<1x2048x128xf32> to vector<2048x128xf32>
    %add3A = arith.addf %get3A_3, %get3A_8 : vector<2048x128xf32>
    %swap3A = arith.constant 0 : index
    %swap3A_9 = arith.constant 0 : index
    %swap3A_10 = vector.load %arg2[%swap3A, %swap3A_9] : memref<2048x128xf32, #tpu.memory_space<vmem>>, vector<2048x128xf32>
    tpu.vector_store %arg2[%swap3A, %swap3A_9], %add3A {strides = array<i32>} : memref<2048x128xf32, #tpu.memory_space<vmem>>, vector<2048x128xf32>,
    return
  }
  func.func @transform_0(%arg0: i32) -> (i32, i32, i32) {
    %c0_i32 = arith.constant 0 : i32
    %c0_i32_0 = arith.constant 0 : i32
    %c0_i32_1 = arith.constant 0 : i32
    return %c0_i32, %arg0, %c0_i32_0 : i32, i32, i32
  }
  func.func @transform_1(%arg0: i32) -> (i32, i32) {
    %c0_i32 = arith.constant 0 : i32
    %c0_i32_0 = arith.constant 0 : i32
    return %arg0, %c0_i32 : i32, i32
  }
}

</mosaic_0001>

<sc_bundles>
// kernel: kernel.10.cloned.1.call-start
scs
__scs_entry_jumppad:
0x0: {  	(pc) =	sbr.rel $0x88, $3  }
0x1: {  	(tag) =	ssettag $0x0;
	lr =	simm.s32 $0x1  }
0x2: {  	[smem:$0x3F9C] =	sst lr;
	_ =	strace $0xD0000000  }
0x3: {  	_ = 	snop  }
0x4: {  	_ = 	snop  }
0x5: {  	_ = 	snop  }
0x6: {  	_ = 	snop  }
0x7: {  	_ = 	snop  }
__scs_overlays_trampoline_lowered:
0x8: {  	[smem:$0x3FAB] =	sst s0  }
0x9: {  	[smem:$0x3FAC] =	sst s1  }
0xa: {  	[smem:$0x3FAD] =	sst s2  }
0xb: {  	[smem:$0x3FAE] =	sst s3  }
0xc: {  	[smem:$0x3FAF] =	sst s4  }
0xd: {  	[smem:$0x3FB0] =	sst s5  }
0xe: {  	[smem:$0x3FB1] =	sst s6  }
0xf: {  	[smem:$0x3FB2] =	sst s7  }
0x10: {  	[smem:$0x3FB3] =	sst s8  }
0x11: {  	[smem:$0x3FB4] =	sst s9;
	s0 =	simm.s32 @!p0 $0x0  }
0x12: {  	s1 =	sld [smem:$0x3F9A];
	s0 =	simm.s32 @p0 $0x1  }
0x13: {  	[smem:$0x3FB5] =	sst s0;
	s0 =	simm.s32 @!p1 $0x0  }
0x14: {  	s2 =	sld [smem:$0x3F99];
	s0 =	simm.s32 @p1 $0x1  }
0x15: {  	[smem:$0x3FB6] =	sst s0;
	s0 =	simm.s32 @!p2 $0x0  }
0x16: {  	s3 =	sld [smem:$0x3FDB];
	s0 =	simm.s32 @p2 $0x1  }
0x17: {  	s4 =	simm.s32 $0x1BF5;
	[smem:$0x3FB8] =	sst s0  }
0x18: {  	s0 =	sld [smem:$0x3F9B];
	_ =	swait.ge [sflag:s4], $0x0  }
0x19: {  	s7 =	sld [smem:$0x3F9C]  }
0x1a: {  	s8 =	sadd.s32 $0xFFFFE003, lr  }
0x1b: {  	s9 =	sadd.s32 $0xFFFFFEF7, lr;
	s5 =	simm.s32 $0xFFFFFFFF;
	p2 =	slt.u32 s8, $0xFFFFF086  }
0x1c: {  	p1 =	slt.u32 s9, $0xF7A;
	s5 =	simm.s32 @!p2 $0x0  }
0x1d: {  	s5 =	simm.s32 @p1 $0x1;
	p0 =	seq.s32 s7, s2  }
0x1e: {  	s7 =	smul.u32 @!p0 $0xF7A, s2;
	p2 =	seq.s32 @!p0 s5, $0x0  }
0x1f: {  	s9 =	smul.u32 $0xF7A, s1;
	s8 =	simm.s32 @!p0 $0x1BF5;
	p2 =	por !p2, p0  }
0x20: {  	[sflag:s8] =	ssyncset.s32 @!p0 $0xFFFFF086;
	s6 =	sadd.s32 @!p0 s3, s7;
	s7 =	simm.s32 @!p0 $0x108  }
0x21: {  	s3 =	sadd.s32 s3, s9;
	s6 =	sadd.s32 @!p0 $0x88, s6;
	s7 =	simm.s32 @p2 $0x1082  }
0x22: {  	[simem:s7], [sflag:s8] =	dma.local @!p0 [hbm:s6], $0xF7A  }
0x23: {  	s9 =	sor.u32 $0xD0000000, s2;
	s6 =	simm.s32 $0x108;
	_ =	swait.ge @!p0 [sflag:s8], $0x0  }
0x24: {  	s3 =	sadd.s32 $0x88, s3;
	s6 =	simm.s32 @!p1 $0x1082;
	[sflag:s4] =	ssyncset.s32 $0xFFFFF086  }
0x25: {  	[simem:s6], [sflag:s4] =	dma.local [hbm:s3], $0xF7A  }
0x26: {  	[smem:$0x3F9C] =	sst s1;
	(tag) =	ssettag s2;
	_ =	strace s9  }
0x27: {  	s1 =	sld [smem:$0x3FAC]  }
0x28: {  	s2 =	sld [smem:$0x3FAD]  }
0x29: {  	s4 =	sld [smem:$0x3FAF]  }
0x2a: {  	p0 =	seq.s32 s5, $0x0;
	s5 =	sld [smem:$0x3FB0]  }
0x2b: {  	s6 =	sld [smem:$0x3FB1]  }
0x2c: {  	s7 =	sld [smem:$0x3FB2]  }
0x2d: {  	s3 =	simm.s32 $0x108;
	s8 =	sld [smem:$0x3FB3]  }
0x2e: {  	s3 =	simm.s32 @!p0 $0x1082;
	s9 =	sld [smem:$0x3FB4]  }
0x2f: {  	lr =	sadd.s32 s0, s3;
	s0 =	sld [smem:$0x3FAB]  }
0x30: {  	s3 =	sld [smem:$0x3FAE]  }
0x31: {  	[smem:$0x3FB7] =	sst s10  }
0x32: {  	s10 =	sld [smem:$0x3FB5];
	_ =	sdelay $0x3  }
0x33: {  	p0 =	seq.s32 s10, $0x1;
	s10 =	sld [smem:$0x3FB7];
	_ =	sdelay $0x3  }
0x34: {  	[smem:$0x3FB7] =	sst s10  }
0x35: {  	s10 =	sld [smem:$0x3FB6];
	_ =	sdelay $0x3  }
0x36: {  	p1 =	seq.s32 s10, $0x1;
	s10 =	sld [smem:$0x3FB7];
	_ =	sdelay $0x3  }
0x37: {  	[smem:$0x3FB7] =	sst s10  }
0x38: {  	s10 =	sld [smem:$0x3FB8]  }
0x39: {  	_ = 	snop;
	(pc) =	sbr.ind lr, $3  }
0x3a: {  	_ = 	snop  }
0x3b: {  	_ = 	snop  }
0x3c: {  	p2 =	seq.s32 s10, $0x1;
	s10 =	sld [smem:$0x3FB7]  }
0x3d: {  	_ =	shalt  }
0x3e: {  	_ =	shalt  }
0x3f: {  	_ =	shalt  }
0x40: {  	_ =	shalt  }
0x41: {  	_ =	shalt  }
0x42: {  	_ =	shalt  }
0x43: {  	_ =	shalt  }
0x44: {  	_ =	shalt  }
0x45: {  	_ =	shalt  }
0x46: {  	_ =	shalt  }
0x47: {  	_ =	shalt  }
0x48: {  	_ =	shalt  }
0x49: {  	_ =	shalt  }
0x4a: {  	_ =	shalt  }
0x4b: {  	_ =	shalt  }
0x4c: {  	_ =	shalt  }
0x4d: {  	_ =	shalt  }
0x4e: {  	_ =	shalt  }
0x4f: {  	_ =	shalt  }
0x50: {  	_ =	shalt  }
0x51: {  	_ =	shalt  }
0x52: {  	_ =	shalt  }
0x53: {  	_ =	shalt  }
0x54: {  	_ =	shalt  }
0x55: {  	_ =	shalt  }
0x56: {  	_ =	shalt  }
0x57: {  	_ =	shalt  }
0x58: {  	_ =	shalt  }
0x59: {  	_ =	shalt  }
0x5a: {  	_ =	shalt  }
0x5b: {  	_ =	shalt  }
0x5c: {  	_ =	shalt  }
0x5d: {  	_ =	shalt  }
0x5e: {  	_ =	shalt  }
0x5f: {  	_ =	shalt  }
0x60: {  	_ =	shalt  }
0x61: {  	_ =	shalt  }
0x62: {  	_ =	shalt  }
0x63: {  	_ =	shalt  }
0x64: {  	_ =	shalt  }
0x65: {  	_ =	shalt  }
0x66: {  	_ =	shalt  }
0x67: {  	_ =	shalt  }
0x68: {  	_ =	shalt  }
0x69: {  	_ =	shalt  }
0x6a: {  	_ =	shalt  }
0x6b: {  	_ =	shalt  }
0x6c: {  	_ =	shalt  }
0x6d: {  	_ =	shalt  }
0x6e: {  	_ =	shalt  }
0x6f: {  	_ =	shalt  }
0x70: {  	_ =	shalt  }
0x71: {  	_ =	shalt  }
0x72: {  	_ =	shalt  }
0x73: {  	_ =	shalt  }
0x74: {  	_ =	shalt  }
0x75: {  	_ =	shalt  }
0x76: {  	_ =	shalt  }
0x77: {  	_ =	shalt  }
0x78: {  	_ =	shalt  }
0x79: {  	_ =	shalt  }
0x7a: {  	_ =	shalt  }
0x7b: {  	_ =	shalt  }
0x7c: {  	_ =	shalt  }
0x7d: {  	_ =	shalt  }
0x7e: {  	_ =	shalt  }
0x7f: {  	_ =	shalt  }
0x80: {  	_ =	shalt  }
0x81: {  	_ =	shalt  }
0x82: {  	_ =	shalt  }
0x83: {  	_ =	shalt  }
0x84: {  	_ =	shalt  }
0x85: {  	_ =	shalt  }
0x86: {  	_ =	shalt  }
0x87: {  	_ =	shalt  }
.Lfunc_end0:
.L_simem_size_0:
called_computation.1_lowered:
.L_overlay_start_0:
0x88: {  	s2 =	sld [smem:$0x3FD9]  }
0x89: {  	s3 =	sld [smem:$0x3FFE];
	_ =	sdelay $0x1  }
0x8a: {  	s1 =	srdreg.scid  }
0x8b: {  	s0 =	sand.u32 $0x1, s1  }
0x8c: {  	s14 =	sshll.u32 s0, $0xA;
	s2 =	sadd.s32 s3, s2  }
0x8d: {  	s2 =	sadd.s32 s2, s14  }
0x8e: {  	[smem:$0x3FC3] =	sst s2  }
0x8f: {  	_ = 	snop  }
0x90: {  	s2 =	sld [smem:$0x3FD0];
	_ =	sdelay $0x2  }
0x91: {  	s15 =	simm.s32 $0xA;
	s4 =	simm.s32 $0x10  }
0x92: {  	[smem:s4], [sflag:s15] =	dma.local [hbm:s2], $0x1  }
0x93: {  	_ =	swait.eq [sflag:s15], $0x1  }
0x94: {  	[sflag:s15] =	ssyncset.done $0x0  }
0x95: {  	s16 =	sld [smem:$0x10];
	[sflag:s15] =	ssyncadd.s32 $0xFFFFFFFF  }
0x96: {  	s17 =	sld [smem:$0x11];
	(tm) =	ssettm $0x1  }
0x97: {  	s18 =	sld [smem:$0x3FFB];
	_ =	sdelay $0x3  }
0x98: {  	_ =	strace s18  }
0x99: {  	s4 =	sld [smem:$0x3FFC];
	_ =	sdelay $0x3  }
0x9a: {  	_ =	strace s4  }
0x9b: {  	s4 =	sld [smem:$0x3FFD];
	_ =	sdelay $0x3  }
0x9c: {  	_ =	strace s4  }
0x9d: {  	_ =	strace $0x8FFFFFFF  }
0x9e: {  	s19 =	sld [smem:$0x3FDB];
	_ =	sdelay $0x1  }
0x9f: {  	s5 =	simm.s32 $_scs_section_size  }
0xa0: {  	s6 =	simm.s32 $_size__tile_overlayer_lowered;
	s7 =	simm.s32 $_tile_overlayer_lowered  }
0xa1: {  	s22 =	simm.s32 $0x1BFF;
	s21 =	sshll.u32 s7, $0x1;
	s4 =	sadd.s32 s5, s19  }
0xa2: {  	s8 =	simm.s32 $0x0;
	s20 =	sshll.u32 s6, $0x1;
	s6 =	sadd.s32 s21, s4  }
0xa3: {  	[timem:s8], [sflag:s22] =	dma.local [hbm:s6], s20  }
0xa4: {  	_ =	swait.ge [sflag:s22], s20  }
0xa5: {  	s5 =	ssub.s32 $0x0, s20;
	[sflag:s22] =	ssyncset.done $0x0  }
0xa6: {  	[sflag:s22] =	ssyncadd.s32 s5;
	_ =	sdelay $0x1  }
0xa7: {  	s23 =	simm.s32 $0x1B8B  }
0xa8: {  	_ =	swait.ge [sflag:s23], $0x1  }
0xa9: {  	[sflag:s23] =	ssyncset.done $0x0  }
0xaa: {  	s25 =	simm.s32 $0x1B8E;
	s24 =	sld [smem:$0x3FFE];
	[sflag:s23] =	ssyncadd.s32 $0xFFFFFFFF  }
0xab: {  	s26 =	simm.s32 $execute0_lowered;
	[smem:$0x3FD2] =	sst s25  }
0xac: {  	s6 =	sshll.u32 s26, $0x1;
	_ =	strace $0x80000049;
	[dreg:$0x1] =	wrdreg $0xFFFFFFFF  }
0xad: {  	s28 =	simm.s32 $_size_execute0_lowered;
	s4 =	sadd.s32 s4, s6;
	[dreg:$0x0] =	wrdreg $0x0  }
0xae: {  	s6 =	sshll.u32 s28, $0x1;
	[dreg:$0x2] =	wrdreg s4  }
0xaf: {  	[dreg:$0x3] =	wrdreg s6  }
0xb0: {  	[dreg:$0x4] =	wrdreg $0xC0  }
0xb1: {  	_ =	task [dreg:s8], $0x5FFFF  }
0xb2: {  	[dreg:$0x1] =	wrdreg $0xFFFFFFFF  }
0xb3: {  	[dreg:$0x0] =	wrdreg $0x60  }
0xb4: {  	[dreg:$0x2] =	wrdreg s24  }
0xb5: {  	[dreg:$0x3] =	wrdreg s16  }
0xb6: {  	[dreg:$0x4] =	wrdreg s17  }
0xb7: {  	[dreg:$0x5] =	wrdreg $0x7F800  }
0xb8: {  	[dreg:$0x6] =	wrdreg $0x9  }
0xb9: {  	_ =	task.clear_ibuf [dreg:s8], $0x7FFFF;
	_ =	strace $0x90000049  }
0xba: {  	s29 =	simm.s32 $0x9;
	_ =	strace $0x8000004B  }
0xbb: {  	_ =	swait.ge [sflag:s29], $0x1  }
0xbc: {  	[sflag:s29] =	ssyncadd.s32 $0xFFFFFFFF  }
0xbd: {  	_ =	strace $0x9000004B  }
0xbe: {  	_ =	sfence  }
0xbf: {  	s30 =	sld [smem:$0x0];
	_ =	sdelay $0x2  }
0xc0: {  	s31 =	sshll.u32 s1, $0xD;
	s1 =	sshrl.u32 s1, $0x2  }
0xc1: {  	s3 =	sand.u32 $0x4000, s31;
	s1 =	sadd.s32 s1, s30  }
0xc2: {  	s0 =	sor.u32 s3, s0;
	s1 =	sshll.u32 s1, $0x11  }
0xc3: {  	s0 =	sor.u32 s1, s0  }
0xc4: {  	s0 =	sadd.s32 $0x8F2B, s0  }
0xc5: {  	[sflag:s0] =	ssyncadd.remote.s32 $0x1  }
0xc6: {  	_ =	sfence.sel $0xFFFF  }
0xc7: {  	[dreg:$0x0] =	wrdreg $0xFFFFFFFF;
	(pc) =	sbr.abs _section_cstart, $3  }
0xc8: {  	[dreg:$0x1] =	wrdreg $0xFFFFFFFF  }
0xc9: {  	_ =	task.clear_ibuf [dreg:s8], $0x2FFFF;
	_ =	strace $0x9FFFFFFF  }
0xca: {  	(tm) =	ssettm $0x7FFFFFFF  }
0xcb: {  	_ =	shalt  }
tec
execute0_lowered:
.L_overlay_start_1:
0x0: {  	(tag) =	ssettag $0x1  }
0x1: {  	s0 =	rddreg [dreg:$0x0]  }
0x2: {  	s17 =	rddreg [dreg:$0x1]  }
0x3: {  	s18 =	rddreg [dreg:$0x2]  }
0x4: {  	s22 =	rddreg [dreg:$0x3];
	s1 =	srdreg.scid  }
0x5: {  	s11 =	stileid.u32;
	s5 =	simm.s32 $0x0;
	s1 =	sand.u32 $0x1, s1  }
0x6: {  	s2 =	smul.u32 $0x14000, s11;
	[smem:$0x7FF] =	sst s5;
	s20 =	sadd.s32 $0x65C00, s0  }
0x7: {  	s7 =	sadd.s32 $0xBE00, s0;
	s8 =	sadd.s32 $0x2000, s0;
	s10 =	smul.u32 $0x50000, s11  }
0x8: {  	s9 =	sadd.s32 $0x15C00, s0;
	s3 =	smul.u32 $0x140000, s1;
	s4 =	ssub.s32 $0x2, s1  }
0x9: {  	_ =	strace $0x8000004A;
	s1 =	sshll.u32 s1, $0x4;
	s6 =	sshrl.u32 s4, $0x1  }
0xa: {  	s1 =	sor.u32 s11, s1;
	s12 =	sshrl.u32 s10, $0x2;
	s10 =	sadd.s32 s2, s22  }
0xb: {  	s3 =	sadd.s32 s2, s3;
	s13 =	sadd.s32 s12, s22;
	s24 =	smul.u32 $0x2710, s1  }
0xc: {  	s1 =	smul.u32 $0x1388, s1;
	[dreg:$0x5] =	wrdreg s10;
	s14 =	sadd.s32 $0x8000, s13  }
0xd: {  	s3 =	sshrl.u32 s3, $0x3;
	s15 =	sadd.s32 $0xC000, s13;
	[dreg:$0x7] =	wrdreg s14  }
0xe: {  	s2 =	sadd.s32 $0x10000, s13;
	s0 =	sadd.s32 s3, s0;
	[dreg:$0x8] =	wrdreg s15  }
0xf: {  	s3 =	ssub.s32 s4, s6;
	s4 =	sadd.s32 $0x4000, s13;
	[dreg:$0x9] =	wrdreg s2  }
0x10: {  	s28 =	simm.s32 $0x4;
	s1 =	sadd.s32 s17, s1;
	[dreg:$0x6] =	wrdreg s4  }
0x11: {  	s29 =	simm.s32 $0x50;
	s30 =	sadd.s32 $0xF0, s24;
	[dreg:$0xc] =	wrdreg s1  }
0x12: {  	s16 =	sshrl.u32 s24, $0x3;
	s11 =	sadd.s32 $0xA0, s24;
	[dreg:$0x11] =	wrdreg s30  }
0x13: {  	s21 =	sadd.s32 $0x50, s24;
	s19 =	sadd.s32 s7, s16;
	[dreg:$0x10] =	wrdreg s11  }
0x14: {  	s6 =	simm.s32 $0x28A0;
	s2 =	sadd.s32 s8, s16;
	[dreg:$0xa] =	wrdreg s19  }
0x15: {  	s23 =	sshrl.u32 s21, $0x3;
	s0 =	sadd.s32 $0x8DC00, s0;
	[dreg:$0xb] =	wrdreg s2  }
.Ltmp0:
0x16: {  	s31 =	smax.u32 s3, $0x1;
	[dreg:$0x12] =	wrdreg s0;
	(pc) =	sbr.rel .LBB2_1-.Ltmp0, $4  }
0x17: {  	s2 =	sshrl.u32 s21, $0x1;
	s25 =	sadd.s32 s7, s23;
	[dreg:$0x13] =	wrdreg s31  }
0x18: {  	v0 =	vimm.f32 $0.0e+00;
	v3 =	vlaneseq.u32;
	s1 =	sadd.s32 s8, s23;
	s0 =	simm.s32 $0x29E0;
	[dreg:$0xd] =	wrdreg s25  }
0x19: {  	v2 =	vimm.s32 $0x0;
	vm0 =	vcmask $0x300;
	v1 =	vshrl.u32 v3, $0x2;
	s19 =	simm.s32 $0x3;
	[dreg:$0xe] =	wrdreg s1;
	s26 =	sadd.s32 s17, s2  }
0x1a: {  	v2 =	vsel vm0, $0x3, v2;
	v3 =	vand.u32 $0x3, v3;
	v4 =	vor.u32 $0x4, v1;
	s21 =	simm.s32 $0x5640;
	s2 =	simm.s32 $0x0;
	[dreg:$0xf] =	wrdreg s26  }
.LBB2_20:
0x1b: {  	s1 =	stileid.u32;
	[bflag:$0x0] =	sbarrier.arrive $0xFFFF  }
0x1c: {  	s1 =	sshll.u32 s1, $0x6;
	s10 =	rddreg [dreg:$0x5]  }
0x1d: {  	s3 =	rddreg [dreg:$0x12];
	s1 =	sor.u32 $0x1C04, s1;
	s2 =	sshrl.u32 s10, $0x3  }
0x1e: {  	[hbm:s3], [sflag:s1] =	dma.local [spmem:s2], $0x2800  }
0x1f: {  	_ =	swait.ge [sflag:s28], $0x2800  }
0x20: {  	s30 =	rddreg [dreg:$0x14]  }
0x21: {  	s31 =	rddreg [dreg:$0x13];
	s2 =	sadd.s32 $0x1, s30  }
0x22: {  	p0 =	sne.s32 s2, s31  }
.Ltmp1:
0x23: {  	_ = 	snop;
	(pc) =	sbr.rel @!p0 .LBB2_21-.Ltmp1, $3  }
0x24: {  	_ =	sdelay $0x1  }
0x25: {  	[sflag:s28] =	ssyncset.done $0x0  }
0x26: {  	[sflag:s28] =	ssyncadd.s32 $0xFFFFD800  }
.LBB2_1:
0x27: {  	[dreg:$0x14] =	wrdreg s2;
	s1 =	simm.s32 $0x0;
	s2 =	simm.s32 $0x200  }
.LBB2_2:
0x28: {  	p0 =	sne.s32 s2, $0xFE00;
	[tilespmem:s1+$0x1BFF0] =	vst v0  }
0x29: {  	[tilespmem:s1+$0x1BF80] =	vst v0  }
0x2a: {  	[tilespmem:s1+$0x1BF90] =	vst v0  }
.Ltmp2:
0x2b: {  	[tilespmem:s1+$0x1BFA0] =	vst v0;
	(pc) =	sbr.rel @p0 .LBB2_2-.Ltmp2, $4  }
0x2c: {  	[tilespmem:s1+$0x1BFB0] =	vst v0  }
0x2d: {  	[tilespmem:s1+$0x1BFC0] =	vst v0  }
0x2e: {  	[tilespmem:s1+$0x1BFD0] =	vst v0  }
0x2f: {  	[tilespmem:s1+$0x1BFE0] =	vst v0;
	s1 =	sshra.s32 s2, $0x2;
	s2 =	sadd.s32 $0x200, s2  }
0x30: {  	[tilespmem:s1+$0x1BFF0] =	vst v0  }
0x31: {  	[tilespmem:s1+$0x1BF80] =	vst v0  }
0x32: {  	[tilespmem:s1+$0x1BF90] =	vst v0  }
0x33: {  	[tilespmem:s1+$0x1BFA0] =	vst v0  }
0x34: {  	[tilespmem:s1+$0x1BFB0] =	vst v0  }
0x35: {  	[tilespmem:s1+$0x1BFC0] =	vst v0  }
0x36: {  	[tilespmem:s1+$0x1BFD0] =	vst v0  }
0x37: {  	[tilespmem:s1+$0x1BFE0] =	vst v0;
	s2 =	simm.s32 $0x1BF80  }
0x38: {  	[spmem:s10] =	stream.linear.scatter [tilespmem:s2], [sflag:$0x4], $0x4000, $0x38;
	[tilespmem:$0x1FF80] =	vst v63  }
0x39: {  	_ =	swait.ge [sflag:s28], $0x4000  }
0x3a: {  	[sflag:s28] =	ssyncset.done $0x0  }
0x3b: {  	s31 =	rddreg [dreg:$0x6];
	[sflag:s28] =	ssyncadd.s32 $0xFFFFC000  }
0x3c: {  	[spmem:s31] =	stream.linear.scatter [tilespmem:s2], [sflag:$0x4], $0x4000, $0x38;
	[tilespmem:$0x1FF80] =	vst v63  }
0x3d: {  	_ =	swait.ge [sflag:s28], $0x4000  }
0x3e: {  	[sflag:s28] =	ssyncset.done $0x0  }
0x3f: {  	s3 =	rddreg [dreg:$0x7];
	[sflag:s28] =	ssyncadd.s32 $0xFFFFC000  }
0x40: {  	[spmem:s3] =	stream.linear.scatter [tilespmem:s2], [sflag:$0x4], $0x4000, $0x38;
	[tilespmem:$0x1FF80] =	vst v63  }
0x41: {  	_ =	swait.ge [sflag:s28], $0x4000  }
0x42: {  	[sflag:s28] =	ssyncset.done $0x0  }
0x43: {  	s4 =	rddreg [dreg:$0x8];
	[sflag:s28] =	ssyncadd.s32 $0xFFFFC000  }
0x44: {  	[spmem:s4] =	stream.linear.scatter [tilespmem:s2], [sflag:$0x4], $0x4000, $0x38;
	[tilespmem:$0x1FF80] =	vst v63  }
0x45: {  	_ =	swait.ge [sflag:s28], $0x4000  }
0x46: {  	[sflag:s28] =	ssyncset.done $0x0  }
0x47: {  	s10 =	rddreg [dreg:$0x9];
	[sflag:s28] =	ssyncadd.s32 $0xFFFFC000  }
0x48: {  	[spmem:s10] =	stream.linear.scatter [tilespmem:s2], [sflag:$0x4], $0x4000, $0x38;
	[tilespmem:$0x1FF80] =	vst v63  }
0x49: {  	_ =	swait.ge [sflag:s28], $0x4000  }
0x4a: {  	[sflag:s28] =	ssyncset.done $0x0  }
0x4b: {  	[sflag:s28] =	ssyncadd.s32 $0xFFFFC000  }
0x4c: {  	[bflag:$0x0] =	sbarrier.arrive $0xFFFF  }
0x4d: {  	s26 =	simm.s32 $0x0;
	s12 =	rddreg [dreg:$0xa]  }
0x4e: {  	[tilespmem:s26], [sflag:$0x4] =	stream.linear.gather [hbm4b:s12+s26], $0x50, $0x38;
	[tilespmem:$0x1FF80] =	vst v63  }
0x4f: {  	_ =	swait.ge [sflag:s28], $0x50  }
0x50: {  	[sflag:s28] =	ssyncset.done $0x0  }
0x51: {  	s13 =	rddreg [dreg:$0xb];
	[sflag:s28] =	ssyncadd.s32 $0xFFFFFFB0  }
0x52: {  	[tilespmem:s29], [sflag:$0x4] =	stream.linear.gather [hbm4b:s13+s26], $0x50, $0x38;
	[tilespmem:$0x1FF80] =	vst v63  }
0x53: {  	_ =	swait.ge [sflag:s28], $0x50  }
0x54: {  	[sflag:s28] =	ssyncset.done $0x0  }
0x55: {  	s14 =	rddreg [dreg:$0xc];
	[sflag:s28] =	ssyncadd.s32 $0xFFFFFFB0  }
0x56: {  	[tilespmem:s6], [sflag:$0x4] =	stream.linear.gather [hbm4b:s14+s26], $0x140, $0x38;
	[tilespmem:$0x1FF80] =	vst v63  }
0x57: {  	_ =	swait.ge [sflag:s28], $0x140  }
0x58: {  	[sflag:s28] =	ssyncset.done $0x0  }
0x59: {  	s15 =	simm.s32 $0xA0;
	[sflag:s28] =	ssyncadd.s32 $0xFFFFFEC0  }
0x5a: {  	[tilespmem:s15], [sflag:$0x1] =	stream.indirect.gather [hbm4b:s20+s29], $0x80, s29, s29, $0xb8;
	[tilespmem:$0x1FF80] =	vst v63  }
0x5b: {  	s16 =	rddreg [dreg:$0xd]  }
0x5c: {  	[tilespmem:s0], [sflag:$0x4] =	stream.linear.gather [hbm4b:s16+s26], $0x50, $0x38;
	[tilespmem:$0x1FF80] =	vst v63  }
0x5d: {  	_ =	swait.ge [sflag:s28], $0x50  }
0x5e: {  	[sflag:s28] =	ssyncset.done $0x0  }
0x5f: {  	s25 =	simm.s32 $0x2A30;
	s23 =	rddreg [dreg:$0xe];
	[sflag:s28] =	ssyncadd.s32 $0xFFFFFFB0  }
0x60: {  	[tilespmem:s25], [sflag:$0x4] =	stream.linear.gather [hbm4b:s23+s26], $0x50, $0x38;
	[tilespmem:$0x1FF80] =	vst v63  }
0x61: {  	_ =	swait.ge [sflag:s28], $0x50  }
0x62: {  	[sflag:s28] =	ssyncset.done $0x0  }
0x63: {  	s3 =	simm.s32 $0x5280;
	s30 =	rddreg [dreg:$0xf];
	[sflag:s28] =	ssyncadd.s32 $0xFFFFFFB0  }
0x64: {  	[tilespmem:s3], [sflag:$0x4] =	stream.linear.gather [hbm4b:s30+s26], $0x140, $0x38;
	[tilespmem:$0x1FF80] =	vst v63  }
.Ltmp3:
0x65: {  	_ = 	snop;
	(pc) =	sbr.rel .LBB2_4-.Ltmp3, $4  }
0x66: {  	_ =	swait.ge [sflag:s28], $0x140  }
0x67: {  	[sflag:s28] =	ssyncset.done $0x0  }
0x68: {  	s31 =	simm.s32 $0x2A80;
	[sflag:s28] =	ssyncadd.s32 $0xFFFFFEC0  }
0x69: {  	[tilespmem:s31], [sflag:$0x2] =	stream.indirect.gather [hbm4b:s20+s29], $0x80, s25, s29, $0xb8;
	[tilespmem:$0x1FF80] =	vst v63  }
.LBB2_19:
0x6a: {  	s26 =	sadd.s32 $0x1, s26  }
0x6b: {  	p0 =	sne.s32 s26, $0x3F  }
.Ltmp4:
0x6c: {  	_ = 	snop;
	(pc) =	sbr.rel @!p0 .LBB2_20-.Ltmp4, $1  }
0x6d: {  	_ =	sdelay $0x3  }
.LBB2_4:
0x6e: {  	s2 =	simm.s32 $0x8  }
0x6f: {  	s3 =	simm.s32 $0xC;
	s1 =	simm.s32 $0x0;
	v5 =	vmov s2  }
0x70: {  	s23 =	simm.s32 $0x4;
	v6 =	vmov s3;
	v7 =	vmov s1;
	v5 =	vshrl.u32 v5, $0x3  }
0x71: {  	v8 =	vmov s23;
	s25 =	smul.u32 $0xCD, s3;
	v7 =	vshrl.u32 v7, $0x3;
	v5 =	vshll.u32 v5, v2  }
0x72: {  	v8 =	vshrl.u32 v8, $0x3;
	v7 =	vshll.u32 v7, v2;
	v5 =	vbroadcast v5, $0x0  }
0x73: {  	v6 =	vshrl.u32 v6, $0x3;
	v8 =	vshll.u32 v8, v2;
	s4 =	sadd.s32 $0xFFFFFCCC, s25;
	v7 =	vbroadcast v7, $0x0  }
0x74: {  	v6 =	vshll.u32 v6, v2;
	s10 =	sadd.s32 $0xFFFFF998, s25;
	v8 =	vbroadcast v8, $0x0;
	s4 =	sshrl.u32 s4, $0xC;
	v5 =	vor.u32 v1, v5  }
0x75: {  	v6 =	vbroadcast v6, $0x0;
	s10 =	sshrl.u32 s10, $0xC;
	s14 =	sand.u32 $0xF, s4;
	v7 =	vor.u32 v1, v7  }
0x76: {  	s12 =	sadd.s32 $0xFFFFF664, s25;
	s4 =	sand.u32 $0xF, s10;
	v9 =	vor.u32 v4, v8;
	s15 =	smul.u32 $0x14, s14  }
0x77: {  	p0 =	por $0x1, $0x1;
	s12 =	sshrl.u32 s12, $0xC;
	v10 =	vor.u32 v4, v6;
	s23 =	smul.u32 $0x14, s4  }
.Ltmp5:
0x78: {  	s12 =	sand.u32 $0xF, s12;
	(pc) =	sbr.rel @!p0 .LBB2_6-.Ltmp5, $4  }
0x79: {  	s2 =	sshrl.u32 s25, $0xC;
	s13 =	smul.u32 $0x14, s12;
	v8 =	vld.idx.msk [tilespmem:v5+s5+$0x0], $0xffff  }
0x7a: {  	s10 =	sand.u32 $0xF, s2;
	s30 =	smul.u32 $0x140, s14;
	s31 =	ssub.s32 $0xC, s15;
	v7 =	vld.idx.msk [tilespmem:v7+s5+$0x0], $0xffff  }
0x7b: {  	s25 =	smul.u32 $0x14, s10;
	s2 =	sadd.s32 $0xFFFFFFFC, s31;
	v6 =	vld.idx.msk [tilespmem:v9+s5+$0x0], $0xffff  }
0x7c: {  	s23 =	ssub.s32 $0xC, s23;
	s14 =	sand.u32 $0xFF, s2;
	s2 =	simm.s32 $0x1C;
	v5 =	vld.idx.msk [tilespmem:v10+s5+$0x0], $0xffff  }
.LBB2_5:
0x7d: {  	s15 =	sadd.s32 $0xFFFFFFFC, s2;
	s30 =	sshrl.u32 s30, $0x2  }
0x7e: {  	v9 =	vmov s2;
	v8 =	vshll.u32 v8, $0x2;
	s14 =	sshll.u32 s14, $0x2;
	s31 =	sadd.s32 $0xFFFFFFF4, s2;
	s16 =	sadd.s32 $0xFFFFFFF8, s2  }
0x7f: {  	s1 =	ssub.s32 s1, s13;
	s12 =	smul.u32 $0x140, s12;
	v10 =	vmov s15;
	v9 =	vshrl.u32 v9, $0x3;
	v8 =	vor.u32 v3, v8;
	s14 =	sadd.s32 s14, s30  }
0x80: {  	s13 =	sadd.s32 $0xFFFFFFF8, s23;
	s4 =	smul.u32 $0x140, s4;
	v11 =	vmov s31;
	v12 =	vmov s16;
	s3 =	ssub.s32 s3, s25;
	v10 =	vshrl.u32 v10, $0x3;
	[tilespmem:s14+$0x53C0] =	vst v8  }
0x81: {  	s10 =	smul.u32 $0x140, s10;
	s1 =	sand.u32 $0xFF, s1;
	s13 =	sand.u32 $0xFF, s13;
	v8 =	vshrl.u32 v11, $0x3;
	v11 =	vshrl.u32 v12, $0x3;
	v10 =	vshll.u32 v10, v2  }
0x82: {  	p0 =	slt.u32 s31, $0x40;
	s13 =	sshll.u32 s13, $0x2;
	s3 =	sand.u32 $0xFF, s3;
	v8 =	vshll.u32 v8, v2;
	v11 =	vshll.u32 v11, v2;
	v10 =	vbroadcast v10, $0x0  }
0x83: {  	v9 =	vshll.u32 v9, v2;
	s1 =	sshll.u32 s1, $0x2;
	s12 =	sshrl.u32 s12, $0x2;
	s3 =	sshll.u32 s3, $0x2;
	v8 =	vbroadcast v8, $0x0;
	v11 =	vbroadcast v11, $0x0  }
0x84: {  	v7 =	vshll.u32 v7, $0x2;
	s4 =	sshrl.u32 s4, $0x2;
	s14 =	smul.u32 $0xCD, s2;
	s10 =	sshrl.u32 s10, $0x2;
	v9 =	vbroadcast v9, $0x0;
	v10 =	vor.u32 v1, v10  }
0x85: {  	v6 =	vshll.u32 v6, $0x2;
	s4 =	sadd.s32 s13, s4;
	s12 =	sadd.s32 s1, s12;
	s1 =	smov.u32 s31;
	v12 =	vor.u32 v1, v8;
	v11 =	vor.u32 v4, v11  }
0x86: {  	v7 =	vor.u32 v3, v7;
	v5 =	vshll.u32 v5, $0x2;
	s3 =	sadd.s32 s3, s10;
	s13 =	sadd.s32 $0xFFFFF998, s14;
	s15 =	sadd.s32 $0xFFFFFCCC, s14;
	v9 =	vor.u32 v4, v9  }
0x87: {  	v6 =	vor.u32 v3, v6;
	v5 =	vor.u32 v3, v5;
	s10 =	sadd.s32 $0xFFFFF664, s14;
	[tilespmem:s12+$0x53C0] =	vst v7;
	s12 =	sshrl.u32 s13, $0xC;
	s13 =	sshrl.u32 s15, $0xC  }
0x88: {  	s10 =	sshrl.u32 s10, $0xC;
	[tilespmem:s4+$0x53C0] =	vst v6;
	s15 =	sand.u32 $0xF, s13  }
0x89: {  	s4 =	sand.u32 $0xF, s12;
	s13 =	sshrl.u32 s14, $0xC;
	v8 =	vld.idx.msk [tilespmem:v10+s5+$0x0], $0xffff;
	[tilespmem:s3+$0x53C0] =	vst v5;
	s14 =	smul.u32 $0x14, s15  }
.Ltmp6:
0x8a: {  	s12 =	sand.u32 $0xF, s10;
	s10 =	sand.u32 $0xF, s13;
	v7 =	vld.idx.msk [tilespmem:v12+s5+$0x0], $0xffff;
	(pc) =	sbr.rel @p0 .LBB2_5-.Ltmp6, $4  }
0x8b: {  	s16 =	smul.u32 $0x14, s4;
	s3 =	smov.u32 s2;
	v6 =	vld.idx.msk [tilespmem:v11+s5+$0x0], $0xffff  }
0x8c: {  	s13 =	smul.u32 $0x14, s12;
	s14 =	ssub.s32 s2, s14;
	v5 =	vld.idx.msk [tilespmem:v9+s5+$0x0], $0xffff  }
0x8d: {  	s30 =	smul.u32 $0x140, s15;
	s23 =	ssub.s32 s2, s16;
	s14 =	sadd.s32 $0xFFFFFFFC, s14  }
0x8e: {  	s25 =	smul.u32 $0x14, s10;
	s2 =	sadd.s32 $0x10, s2;
	s14 =	sand.u32 $0xFF, s14  }
.LBB2_6:
0x8f: {  	s2 =	sshrl.u32 s30, $0x2;
	s12 =	smul.u32 $0x140, s12  }
0x90: {  	s14 =	sshll.u32 s14, $0x2;
	s1 =	ssub.s32 s1, s13;
	s4 =	smul.u32 $0x140, s4  }
0x91: {  	s23 =	sadd.s32 $0xFFFFFFF8, s23;
	s10 =	smul.u32 $0x140, s10;
	s2 =	sadd.s32 s14, s2  }
0x92: {  	s3 =	ssub.s32 s3, s25;
	s13 =	sand.u32 $0xFF, s23;
	v8 =	vshll.u32 v8, $0x2;
	s1 =	sand.u32 $0xFF, s1  }
0x93: {  	s13 =	sshll.u32 s13, $0x2;
	v8 =	vor.u32 v3, v8;
	s1 =	sshll.u32 s1, $0x2;
	v7 =	vshll.u32 v7, $0x2;
	s12 =	sshrl.u32 s12, $0x2  }
0x94: {  	s25 =	sand.u32 $0xFF, s3;
	s30 =	sshrl.u32 s4, $0x2;
	[tilespmem:s2+$0x53C0] =	vst v8;
	v6 =	vshll.u32 v6, $0x2;
	v7 =	vor.u32 v3, v7;
	s1 =	sadd.s32 s1, s12  }
0x95: {  	s31 =	sshrl.u32 s10, $0x2;
	s2 =	sshll.u32 s25, $0x2;
	s3 =	sadd.s32 s13, s30;
	v5 =	vshll.u32 v5, $0x2;
	[tilespmem:s1+$0x53C0] =	vst v7;
	v6 =	vor.u32 v3, v6  }
0x96: {  	s10 =	sadd.s32 s2, s31;
	v5 =	vor.u32 v3, v5;
	[tilespmem:s3+$0x53C0] =	vst v6  }
0x97: {  	s12 =	simm.s32 $0x53C0;
	s13 =	simm.s32 $0x5500;
	[tilespmem:s10+$0x53C0] =	vst v5  }
0x98: {  	[tilespmem:s13], [sflag:$0x3] =	stream.indirect.gather [hbm4b:s9+s29], $0x1, s12, s29, $0xb8;
	[tilespmem:$0x1FF80] =	vst v63  }
0x99: {  	s15 =	simm.s32 $0x5550;
	s14 =	simm.s32 $0x5410  }
0x9a: {  	[tilespmem:s15], [sflag:$0x3] =	stream.indirect.gather [hbm4b:s9+s29], $0x1, s14, s29, $0xb8;
	[tilespmem:$0x1FF80] =	vst v63  }
0x9b: {  	s16 =	simm.s32 $0x5460;
	s23 =	simm.s32 $0x55A0  }
0x9c: {  	[tilespmem:s23], [sflag:$0x3] =	stream.indirect.gather [hbm4b:s9+s29], $0x1, s16, s29, $0xb8;
	[tilespmem:$0x1FF80] =	vst v63  }
0x9d: {  	s25 =	simm.s32 $0x54B0;
	s30 =	simm.s32 $0x55F0  }
0x9e: {  	[tilespmem:s30], [sflag:$0x3] =	stream.indirect.gather [hbm4b:s9+s29], $0x1, s25, s29, $0xb8;
	[tilespmem:$0x1FF80] =	vst v63  }
0x9f: {  	_ =	swait.ge [sflag:s19], $0x50  }
0xa0: {  	[sflag:s19] =	ssyncset.done $0x0  }
0xa1: {  	[sflag:s19] =	ssyncadd.s32 $0xFFFFFFB0  }
0xa2: {  	_ =	swait.ge [sflag:s19], $0x50  }
0xa3: {  	[sflag:s19] =	ssyncset.done $0x0  }
0xa4: {  	[sflag:s19] =	ssyncadd.s32 $0xFFFFFFB0  }
0xa5: {  	_ =	swait.ge [sflag:s19], $0x50  }
0xa6: {  	[sflag:s19] =	ssyncset.done $0x0  }
0xa7: {  	[sflag:s19] =	ssyncadd.s32 $0xFFFFFFB0  }
0xa8: {  	_ =	swait.ge [sflag:s19], $0x50  }
0xa9: {  	[sflag:s19] =	ssyncset.done $0x0  }
0xaa: {  	s31 =	simm.s32 $0x28C0;
	[sflag:s19] =	ssyncadd.s32 $0xFFFFFFB0  }
0xab: {  	s2 =	simm.s32 $0x5520;
	v10 =	vld [tilespmem:s31+$0x10]  }
0xac: {  	v11 =	vld [tilespmem:s2+$0x10]  }
0xad: {  	v6 =	vld [tilespmem:s2+$0xFFFFFFE0]  }
0xae: {  	v7 =	vld [tilespmem:s31+$0xFFFFFFF0]  }
0xaf: {  	v9 =	vld [tilespmem:s2+$0xFFFFFFF0]  }
0xb0: {  	v5 =	vld [tilespmem:s31+$0x0]  }
0xb1: {  	v8 =	vld [tilespmem:s2+$0x0];
	v11 =	vmul.f32 v11, v10  }
0xb2: {  	s4 =	simm.s32 $0x2900;
	s1 =	simm.s32 $0x5660;
	s3 =	simm.s32 $0x0;
	v10 =	vld [tilespmem:s31+$0xFFFFFFE0]  }
.LBB2_7:
0xb3: {  	v12 =	vld [tilespmem:s4+$0x10];
	[tilespmem:s1+$0x10] =	vst v11;
	s2 =	sadd.s32 $0x40, s2  }
0xb4: {  	s3 =	sadd.s32 $0x4, s3;
	v11 =	vld [tilespmem:s2+$0x10];
	v9 =	vmul.f32 v9, v7  }
0xb5: {  	p0 =	slt.u32 s3, $0x10;
	v13 =	vld [tilespmem:s2+$0xFFFFFFE0]  }
.Ltmp7:
0xb6: {  	v7 =	vld [tilespmem:s4+$0xFFFFFFF0];
	[tilespmem:s1+$0xFFFFFFF0] =	vst v9;
	v8 =	vmul.f32 v8, v5;
	(pc) =	sbr.rel @p0 .LBB2_7-.Ltmp7, $4  }
0xb7: {  	v9 =	vld [tilespmem:s2+$0xFFFFFFF0];
	v14 =	vmul.f32 v6, v10  }
0xb8: {  	v5 =	vld [tilespmem:s4+$0x0];
	[tilespmem:s1+$0x0] =	vst v8  }
0xb9: {  	v8 =	vld [tilespmem:s2+$0x0];
	v11 =	vmul.f32 v11, v12;
	[tilespmem:s1+$0xFFFFFFE0] =	vst v14  }
0xba: {  	s1 =	sadd.s32 $0x40, s1;
	v10 =	vld [tilespmem:s4+$0xFFFFFFE0];
	s4 =	sadd.s32 $0x40, s4;
	v6 =	vmov v13  }
0xbb: {  	s2 =	simm.s32 $0xC  }
0xbc: {  	v12 =	vmov s2  }
0xbd: {  	v7 =	vmul.f32 v9, v7;
	v12 =	vshrl.u32 v12, $0x3  }
0xbe: {  	[tilespmem:s1+$0x10] =	vst v11;
	v12 =	vshll.u32 v12, v2;
	v5 =	vmul.f32 v8, v5  }
0xbf: {  	[tilespmem:s1+$0xFFFFFFF0] =	vst v7;
	v8 =	vadd.s32 $0x4, v12;
	v6 =	vmul.f32 v6, v10  }
0xc0: {  	v7 =	vbroadcast v8, $0x0;
	[tilespmem:s1+$0x0] =	vst v5  }
0xc1: {  	s31 =	simm.s32 $0x1;
	[tilespmem:s1+$0xFFFFFFE0] =	vst v6  }
0xc2: {  	_ =	swait.ge [sflag:s31], $0x2800  }
0xc3: {  	[sflag:s31] =	ssyncset.done $0x0  }
0xc4: {  	s23 =	simm.s32 $0x1A0;
	[sflag:s31] =	ssyncadd.s32 $0xFFFFD800  }
0xc5: {  	v5 =	vld [tilespmem:s23+$0x80]  }
0xc6: {  	v7 =	vld.idx.msk [tilespmem:v7+s21+$0x0], $0xffff;
	_ =	sdelay $0x3  }
0xc7: {  	s2 =	simm.s32 $0x4  }
0xc8: {  	v6 =	vmov s2;
	v8 =	vmul.f32 v5, v7  }
0xc9: {  	s10 =	simm.s32 $0x5880;
	v5 =	vshrl.u32 v6, $0x3  }
0xca: {  	v5 =	vshll.u32 v5, v2;
	[tilespmem:s10+$0x80] =	vst v8  }
0xcb: {  	v6 =	vadd.s32 $0x4, v5;
	v8 =	vld [tilespmem:s23+$0x90]  }
0xcc: {  	s3 =	simm.s32 $0x0;
	v10 =	vbroadcast v6, $0x0;
	v6 =	vadd.s32 $0x5, v12  }
0xcd: {  	v9 =	vmov s3;
	v11 =	vbroadcast v6, $0x0  }
0xce: {  	v9 =	vshrl.u32 v9, $0x3  }
0xcf: {  	s4 =	simm.s32 $0x8;
	v6 =	vshll.u32 v9, v2  }
0xd0: {  	v9 =	vmov s4;
	v13 =	vbroadcast v6, $0x0;
	v8 =	vmul.f32 v8, v7  }
0xd1: {  	v9 =	vshrl.u32 v9, $0x3  }
0xd2: {  	v14 =	vld [tilespmem:s23+$0xFFFFFF00];
	v7 =	vshll.u32 v9, v2;
	[tilespmem:s10+$0x90] =	vst v8  }
0xd3: {  	v9 =	vbroadcast v7, $0x0;
	v8 =	vld.idx.msk [tilespmem:v11+s21+$0x0], $0xffff  }
0xd4: {  	v11 =	vld [tilespmem:s23+$0xA0]  }
0xd5: {  	v15 =	vld [tilespmem:s23+$0xFFFFFF80]  }
0xd6: {  	v13 =	vld.idx.msk [tilespmem:v13+s21+$0x0], $0xffff  }
0xd7: {  	v10 =	vld.idx.msk [tilespmem:v10+s21+$0x0], $0xffff  }
0xd8: {  	v16 =	vld [tilespmem:s23+$0x0]  }
0xd9: {  	v9 =	vld.idx.msk [tilespmem:v9+s21+$0x0], $0xffff;
	v11 =	vmul.f32 v11, v8;
	_ =	sdelay $0x1  }
0xda: {  	v14 =	vmul.f32 v14, v13;
	[tilespmem:s10+$0xA0] =	vst v11  }
0xdb: {  	v11 =	vmul.f32 v15, v10;
	v15 =	vld [tilespmem:s23+$0xB0]  }
0xdc: {  	[tilespmem:s10+$0xFFFFFF00] =	vst v14;
	v14 =	vadd.s32 $0x6, v12  }
0xdd: {  	v17 =	vld [tilespmem:s23+$0xFFFFFF10];
	v14 =	vbroadcast v14, $0x0;
	[tilespmem:s10+$0xFFFFFF80] =	vst v11;
	v11 =	vmul.f32 v16, v9  }
0xde: {  	v16 =	vadd.s32 $0x1, v6;
	v18 =	vld [tilespmem:s23+$0xFFFFFF90]  }
0xdf: {  	v19 =	vadd.s32 $0x5, v5;
	v16 =	vbroadcast v16, $0x0;
	[tilespmem:s10+$0x0] =	vst v11  }
0xe0: {  	v11 =	vbroadcast v19, $0x0;
	v19 =	vld [tilespmem:s23+$0x10];
	v8 =	vmul.f32 v15, v8  }
0xe1: {  	v15 =	vadd.s32 $0x1, v7  }
0xe2: {  	v13 =	vmul.f32 v17, v13;
	v15 =	vbroadcast v15, $0x0;
	[tilespmem:s10+$0xB0] =	vst v8  }
0xe3: {  	s12 =	simm.s32 $0x1C;
	v8 =	vmul.f32 v18, v10;
	v14 =	vld.idx.msk [tilespmem:v14+s21+$0x0], $0xffff  }
0xe4: {  	[tilespmem:s10+$0xFFFFFF10] =	vst v13;
	v13 =	vmov s12;
	v10 =	vld [tilespmem:s23+$0xC0]  }
0xe5: {  	v16 =	vld.idx.msk [tilespmem:v16+s21+$0x0], $0xffff;
	[tilespmem:s10+$0xFFFFFF90] =	vst v8;
	v8 =	vmul.f32 v19, v9;
	v9 =	vshrl.u32 v13, $0x3  }
0xe6: {  	v17 =	vld.idx.msk [tilespmem:v11+s21+$0x0], $0xffff;
	v13 =	vshll.u32 v9, v2  }
0xe7: {  	v11 =	vld [tilespmem:s23+$0xFFFFFFA0];
	[tilespmem:s10+$0x10] =	vst v8;
	v8 =	vadd.s32 $0x4, v13  }
0xe8: {  	s13 =	simm.s32 $0x14;
	v15 =	vld.idx.msk [tilespmem:v15+s21+$0x0], $0xffff;
	v8 =	vbroadcast v8, $0x0  }
0xe9: {  	v9 =	vmov s13;
	v18 =	vld [tilespmem:s23+$0x20]  }
0xea: {  	v19 =	vld [tilespmem:s23+$0xFFFFFF20];
	v9 =	vshrl.u32 v9, $0x3;
	v10 =	vmul.f32 v10, v14  }
0xeb: {  	v9 =	vshll.u32 v9, v2  }
0xec: {  	s14 =	simm.s32 $0x18;
	[tilespmem:s10+$0xC0] =	vst v10;
	v10 =	vmul.f32 v11, v17;
	v11 =	vadd.s32 $0x4, v9  }
0xed: {  	v21 =	vmov s14;
	v20 =	vld [tilespmem:s23+$0xD0];
	v22 =	vbroadcast v11, $0x0;
	v11 =	vadd.s32 $0x7, v12  }
0xee: {  	s15 =	simm.s32 $0x10;
	s30 =	simm.s32 $0x3A0;
	v12 =	vmul.f32 v18, v15;
	v18 =	vshrl.u32 v21, $0x3;
	v21 =	vbroadcast v11, $0x0;
	v8 =	vld.idx.msk [tilespmem:v8+s21+$0x0], $0xffff  }
0xef: {  	[tilespmem:s10+$0xFFFFFFA0] =	vst v10;
	v10 =	vmul.f32 v19, v16;
	v19 =	vmov s15;
	v11 =	vshll.u32 v18, v2;
	v18 =	vld [tilespmem:s30+$0x80]  }
0xf0: {  	v28 =	vld [tilespmem:s30+$0xFFFFFF80];
	[tilespmem:s10+$0x20] =	vst v12;
	v12 =	vshrl.u32 v19, $0x3  }
0xf1: {  	v23 =	vld [tilespmem:s23+$0xFFFFFFB0];
	[tilespmem:s10+$0xFFFFFF20] =	vst v10;
	v10 =	vshll.u32 v12, v2  }
0xf2: {  	v24 =	vld [tilespmem:s23+$0x30];
	v12 =	vmul.f32 v20, v14;
	v14 =	vbroadcast v10, $0x0  }
0xf3: {  	v20 =	vld [tilespmem:s23+$0xFFFFFF30]  }
0xf4: {  	v19 =	vbroadcast v11, $0x0;
	v22 =	vld.idx.msk [tilespmem:v22+s21+$0x0], $0xffff;
	[tilespmem:s10+$0xD0] =	vst v12;
	v18 =	vmul.f32 v18, v8  }
0xf5: {  	s1 =	simm.s32 $0x5A80;
	v12 =	vld.idx.msk [tilespmem:v21+s21+$0x0], $0xffff  }
0xf6: {  	v21 =	vadd.s32 $0x6, v5;
	v25 =	vld [tilespmem:s23+$0xE0];
	[tilespmem:s1+$0x80] =	vst v18  }
0xf7: {  	v21 =	vbroadcast v21, $0x0;
	v18 =	vld [tilespmem:s30+$0x90]  }
0xf8: {  	v26 =	vld.idx.msk [tilespmem:v14+s21+$0x0], $0xffff;
	v14 =	vadd.s32 $0x5, v13  }
0xf9: {  	v17 =	vmul.f32 v23, v17;
	v23 =	vld [tilespmem:s30+$0xFFFFFF00];
	v27 =	vbroadcast v14, $0x0  }
0xfa: {  	v19 =	vld.idx.msk [tilespmem:v19+s21+$0x0], $0xffff  }
0xfb: {  	[tilespmem:s10+$0xFFFFFFB0] =	vst v17;
	v17 =	vld [tilespmem:s30+$0x0];
	v14 =	vmul.f32 v25, v12  }
0xfc: {  	v29 =	vld [tilespmem:s23+$0xFFFFFFC0];
	v8 =	vmul.f32 v18, v8  }
0xfd: {  	v15 =	vmul.f32 v24, v15;
	v25 =	vadd.s32 $0x2, v7;
	v21 =	vld.idx.msk [tilespmem:v21+s21+$0x0], $0xffff;
	[tilespmem:s10+$0xE0] =	vst v14  }
0xfe: {  	v18 =	vbroadcast v25, $0x0;
	v25 =	vadd.s32 $0x2, v6;
	v14 =	vld [tilespmem:s23+$0xF0];
	v23 =	vmul.f32 v23, v26;
	[tilespmem:s1+$0x90] =	vst v8  }
0xff: {  	[tilespmem:s10+$0x30] =	vst v15;
	v8 =	vbroadcast v25, $0x0;
	v25 =	vmul.f32 v28, v22;
	v27 =	vld.idx.msk [tilespmem:v27+s21+$0x0], $0xffff  }
0x100: {  	v17 =	vmul.f32 v17, v19;
	[tilespmem:s1+$0xFFFFFF00] =	vst v23;
	v23 =	vld [tilespmem:s30+$0xA0]  }
0x101: {  	v16 =	vmul.f32 v20, v16;
	v24 =	vld [tilespmem:s30+$0xFFFFFF10];
	[tilespmem:s1+$0xFFFFFF80] =	vst v25  }
0x102: {  	[tilespmem:s1+$0x0] =	vst v17;
	v25 =	vadd.s32 $0x1, v10;
	v15 =	vld [tilespmem:s30+$0xFFFFFF90]  }
0x103: {  	v20 =	vadd.s32 $0x5, v9;
	[tilespmem:s10+$0xFFFFFF30] =	vst v16;
	v16 =	vld [tilespmem:s30+$0x10];
	v25 =	vbroadcast v25, $0x0  }
0x104: {  	v17 =	vbroadcast v20, $0x0;
	v18 =	vld.idx.msk [tilespmem:v18+s21+$0x0], $0xffff  }
0x105: {  	v20 =	vadd.s32 $0x1, v11;
	v28 =	vld.idx.msk [tilespmem:v8+s21+$0x0], $0xffff;
	v8 =	vmul.f32 v23, v27  }
0x106: {  	v20 =	vbroadcast v20, $0x0;
	v23 =	vmul.f32 v24, v26;
	v24 =	vld [tilespmem:s23+$0x40]  }
0x107: {  	v15 =	vmul.f32 v15, v22;
	v22 =	vld [tilespmem:s23+$0xFFFFFF40];
	[tilespmem:s1+$0xA0] =	vst v8  }
0x108: {  	[tilespmem:s1+$0xFFFFFF10] =	vst v23;
	v8 =	vld [tilespmem:s30+$0xB0]  }
0x109: {  	v23 =	vld.idx.msk [tilespmem:v25+s21+$0x0], $0xffff;
	[tilespmem:s1+$0xFFFFFF90] =	vst v15;
	v15 =	vmul.f32 v16, v19  }
0x10a: {  	v16 =	vadd.s32 $0x6, v13;
	v17 =	vld.idx.msk [tilespmem:v17+s21+$0x0], $0xffff  }
0x10b: {  	v16 =	vbroadcast v16, $0x0;
	v19 =	vld [tilespmem:s30+$0xFFFFFFA0];
	[tilespmem:s1+$0x10] =	vst v15  }
0x10c: {  	v15 =	vmul.f32 v29, v21;
	v20 =	vld.idx.msk [tilespmem:v20+s21+$0x0], $0xffff  }
0x10d: {  	v24 =	vmul.f32 v24, v18;
	v25 =	vld [tilespmem:s30+$0x20]  }
0x10e: {  	v8 =	vmul.f32 v8, v27;
	[tilespmem:s10+$0xFFFFFFC0] =	vst v15;
	v15 =	vld [tilespmem:s30+$0xFFFFFF20]  }
0x10f: {  	[tilespmem:s10+$0x40] =	vst v24;
	v26 =	vld [tilespmem:s23+$0xFFFFFFD0]  }
0x110: {  	v5 =	vadd.s32 $0x7, v5;
	v24 =	vld [tilespmem:s23+$0x50];
	[tilespmem:s1+$0xB0] =	vst v8;
	v8 =	vmul.f32 v22, v28  }
0x111: {  	v5 =	vbroadcast v5, $0x0;
	v19 =	vmul.f32 v19, v17;
	v16 =	vld.idx.msk [tilespmem:v16+s21+$0x0], $0xffff  }
0x112: {  	v7 =	vadd.s32 $0x3, v7;
	v22 =	vld [tilespmem:s30+$0xC0];
	[tilespmem:s10+$0xFFFFFF40] =	vst v8;
	v8 =	vmul.f32 v25, v20  }
0x113: {  	s16 =	simm.s32 $0x2C;
	v7 =	vbroadcast v7, $0x0;
	[tilespmem:s1+$0xFFFFFFA0] =	vst v19;
	v19 =	vld [tilespmem:s23+$0xFFFFFF50];
	v15 =	vmul.f32 v15, v23  }
0x114: {  	v25 =	vld [tilespmem:s30+$0xFFFFFFB0];
	[tilespmem:s1+$0x20] =	vst v8;
	v8 =	vmul.f32 v26, v21;
	v21 =	vmov s16  }
0x115: {  	v6 =	vadd.s32 $0x3, v6;
	[tilespmem:s1+$0xFFFFFF20] =	vst v15;
	v15 =	vld [tilespmem:s30+$0x30];
	v21 =	vshrl.u32 v21, $0x3  }
0x116: {  	s25 =	simm.s32 $0x24;
	v6 =	vbroadcast v6, $0x0;
	v18 =	vmul.f32 v24, v18;
	v26 =	vld [tilespmem:s30+$0xFFFFFF30];
	[tilespmem:s10+$0xFFFFFFD0] =	vst v8;
	v8 =	vshll.u32 v21, v2  }
0x117: {  	v27 =	vmov s25;
	v21 =	vmul.f32 v22, v16;
	v5 =	vld.idx.msk [tilespmem:v5+s21+$0x0], $0xffff;
	v24 =	vadd.s32 $0x4, v8  }
0x118: {  	v22 =	vshrl.u32 v27, $0x3;
	[tilespmem:s10+$0x50] =	vst v18;
	v27 =	vld [tilespmem:s23+$0xFFFFFFE0];
	v24 =	vbroadcast v24, $0x0  }
0x119: {  	v7 =	vld.idx.msk [tilespmem:v7+s21+$0x0], $0xffff;
	v19 =	vmul.f32 v19, v28;
	[tilespmem:s1+$0xC0] =	vst v21  }
0x11a: {  	s31 =	simm.s32 $0x28;
	v21 =	vld [tilespmem:s30+$0xD0]  }
0x11b: {  	s3 =	simm.s32 $0x20;
	v13 =	vadd.s32 $0x7, v13;
	v29 =	vld [tilespmem:s23+$0x60];
	v28 =	vmov s31;
	[tilespmem:s10+$0xFFFFFF50] =	vst v19  }
0x11c: {  	v13 =	vbroadcast v13, $0x0;
	v28 =	vshrl.u32 v28, $0x3;
	v19 =	vmov s3;
	v6 =	vld.idx.msk [tilespmem:v6+s21+$0x0], $0xffff  }
0x11d: {  	v28 =	vshll.u32 v28, v2;
	v19 =	vshrl.u32 v19, $0x3;
	v31 =	vld [tilespmem:s23+$0xFFFFFF60]  }
0x11e: {  	v22 =	vshll.u32 v22, v2;
	s3 =	simm.s32 $0x5A0;
	v30 =	vshll.u32 v19, v2;
	v19 =	vbroadcast v28, $0x0;
	v24 =	vld.idx.msk [tilespmem:v24+s21+$0x0], $0xffff  }
0x11f: {  	v18 =	vadd.s32 $0x4, v22;
	v32 =	vbroadcast v30, $0x0;
	v16 =	vmul.f32 v21, v16;
	v21 =	vld [tilespmem:s3+$0x80]  }
0x120: {  	v18 =	vbroadcast v18, $0x0;
	v35 =	vld [tilespmem:s3+$0xFFFFFF00]  }
0x121: {  	v17 =	vmul.f32 v25, v17;
	v25 =	vld [tilespmem:s3+$0xFFFFFF80];
	[tilespmem:s1+$0xD0] =	vst v16  }
0x122: {  	v16 =	vld.idx.msk [tilespmem:v13+s21+$0x0], $0xffff  }
0x123: {  	v13 =	vadd.s32 $0x6, v9;
	v33 =	vld [tilespmem:s30+$0xE0]  }
0x124: {  	v13 =	vbroadcast v13, $0x0;
	v34 =	vld.idx.msk [tilespmem:v19+s21+$0x0], $0xffff;
	v21 =	vmul.f32 v21, v24  }
0x125: {  	s4 =	simm.s32 $0x5C80;
	[tilespmem:s1+$0xFFFFFFB0] =	vst v17;
	v15 =	vmul.f32 v15, v20;
	v19 =	vld.idx.msk [tilespmem:v32+s21+$0x0], $0xffff  }
0x126: {  	v23 =	vmul.f32 v26, v23;
	v18 =	vld.idx.msk [tilespmem:v18+s21+$0x0], $0xffff;
	[tilespmem:s4+$0x80] =	vst v21  }
0x127: {  	v12 =	vmul.f32 v14, v12;
	v36 =	vadd.s32 $0x5, v8;
	[tilespmem:s1+$0x30] =	vst v15;
	v21 =	vld [tilespmem:s3+$0x90]  }
0x128: {  	v20 =	vbroadcast v36, $0x0;
	v17 =	vld [tilespmem:s3+$0x0];
	[tilespmem:s1+$0xFFFFFF30] =	vst v23;
	v23 =	vadd.s32 $0x1, v28  }
0x129: {  	[tilespmem:s10+$0xF0] =	vst v12;
	v12 =	vbroadcast v23, $0x0;
	v23 =	vld [tilespmem:s30+$0x40];
	v33 =	vmul.f32 v33, v16  }
0x12a: {  	v61 =	vld.idx.msk [tilespmem:v13+s21+$0x0], $0xffff;
	v13 =	vmul.f32 v35, v19  }
0x12b: {  	v60 =	vadd.s32 $0x2, v11;
	v15 =	vmul.f32 v25, v18;
	v25 =	vld [tilespmem:s30+$0xFFFFFFC0];
	[tilespmem:s1+$0xE0] =	vst v33  }
0x12c: {  	v62 =	vadd.s32 $0x2, v10;
	v32 =	vbroadcast v60, $0x0;
	v33 =	vld [tilespmem:s30+$0xF0];
	[tilespmem:s4+$0xFFFFFF00] =	vst v13;
	v13 =	vmul.f32 v21, v24  }
0x12d: {  	[tilespmem:s4+$0xFFFFFF80] =	vst v15;
	v35 =	vbroadcast v62, $0x0;
	v21 =	vld [tilespmem:s3+$0xFFFFFF10]  }
0x12e: {  	v15 =	vadd.s32 $0x1, v30;
	v17 =	vmul.f32 v17, v34;
	v24 =	vld [tilespmem:s3+$0xFFFFFF90];
	[tilespmem:s4+$0x90] =	vst v13  }
0x12f: {  	v15 =	vbroadcast v15, $0x0;
	v13 =	vadd.s32 $0x5, v22;
	v26 =	vld.idx.msk [tilespmem:v20+s21+$0x0], $0xffff  }
0x130: {  	[tilespmem:s4+$0x0] =	vst v17;
	v13 =	vbroadcast v13, $0x0;
	v17 =	vld [tilespmem:s3+$0xA0]  }
0x131: {  	v14 =	vld [tilespmem:s3+$0x10]  }
0x132: {  	v32 =	vld.idx.msk [tilespmem:v32+s21+$0x0], $0xffff;
	v19 =	vmul.f32 v21, v19  }
0x133: {  	v20 =	vld.idx.msk [tilespmem:v35+s21+$0x0], $0xffff;
	v21 =	vmul.f32 v24, v18  }
0x134: {  	v24 =	vmul.f32 v27, v5;
	v27 =	vld [tilespmem:s30+$0xFFFFFF40];
	[tilespmem:s4+$0xFFFFFF10] =	vst v19  }
0x135: {  	[tilespmem:s4+$0xFFFFFF90] =	vst v21;
	v18 =	vld.idx.msk [tilespmem:v15+s21+$0x0], $0xffff;
	v15 =	vmul.f32 v17, v26  }
0x136: {  	[tilespmem:s10+$0xFFFFFFE0] =	vst v24;
	v19 =	vld.idx.msk [tilespmem:v13+s21+$0x0], $0xffff;
	v13 =	vmul.f32 v14, v34  }
0x137: {  	v9 =	vadd.s32 $0x7, v9;
	v17 =	vld [tilespmem:s3+$0xFFFFFFA0];
	v14 =	vmul.f32 v29, v7;
	[tilespmem:s4+$0xA0] =	vst v15  }
0x138: {  	v24 =	vmul.f32 v31, v6;
	v15 =	vadd.s32 $0x3, v11;
	v11 =	vbroadcast v9, $0x0;
	[tilespmem:s4+$0x10] =	vst v13;
	v13 =	vld [tilespmem:s3+$0xB0]  }
0x139: {  	v9 =	vbroadcast v15, $0x0;
	[tilespmem:s10+$0x60] =	vst v14;
	v14 =	vmul.f32 v25, v61;
	v21 =	vld.idx.msk [tilespmem:v12+s21+$0x0], $0xffff;
	v12 =	vadd.s32 $0x6, v8  }
0x13a: {  	v10 =	vadd.s32 $0x3, v10;
	[tilespmem:s10+$0xFFFFFF60] =	vst v24;
	v15 =	vmul.f32 v23, v32;
	v25 =	vld [tilespmem:s3+$0x20];
	v29 =	vbroadcast v12, $0x0  }
0x13b: {  	v10 =	vbroadcast v10, $0x0;
	[tilespmem:s1+$0xFFFFFFC0] =	vst v14;
	v14 =	vmul.f32 v27, v20;
	v27 =	vld [tilespmem:s3+$0xFFFFFF20]  }
0x13c: {  	v16 =	vmul.f32 v33, v16;
	[tilespmem:s1+$0x40] =	vst v15;
	v15 =	vmul.f32 v17, v19;
	v31 =	vld [tilespmem:s30+$0xFFFFFFD0]  }
0x13d: {  	v23 =	vadd.s32 $0x2, v28;
	v12 =	vadd.s32 $0x6, v22;
	v63 =	vld [tilespmem:s30+$0x50];
	[tilespmem:s1+$0xFFFFFF40] =	vst v14;
	v26 =	vmul.f32 v13, v26  }
0x13e: {  	v17 =	vadd.s32 $0x2, v30;
	v12 =	vbroadcast v12, $0x0;
	v13 =	vbroadcast v23, $0x0;
	[tilespmem:s4+$0xFFFFFFA0] =	vst v15;
	v23 =	vld [tilespmem:s30+$0xFFFFFF50]  }
0x13f: {  	v22 =	vadd.s32 $0x7, v22;
	v14 =	vbroadcast v17, $0x0;
	v24 =	vld [tilespmem:s3+$0xFFFFFFB0];
	v25 =	vmul.f32 v25, v21;
	[tilespmem:s4+$0xB0] =	vst v26  }
0x140: {  	[tilespmem:s1+$0xF0] =	vst v16;
	v30 =	vadd.s32 $0x3, v30;
	v17 =	vbroadcast v22, $0x0;
	v27 =	vmul.f32 v27, v18;
	v22 =	vld.idx.msk [tilespmem:v29+s21+$0x0], $0xffff  }
0x141: {  	v16 =	vbroadcast v30, $0x0;
	v15 =	vadd.s32 $0x3, v28;
	[tilespmem:s4+$0x20] =	vst v25;
	v26 =	vld [tilespmem:s3+$0xC0];
	v28 =	vmul.f32 v31, v61  }
0x142: {  	s2 =	simm.s32 $0x8;
	s12 =	simm.s32 $0x30;
	s25 =	simm.s32 $0x5C80;
	v15 =	vbroadcast v15, $0x0;
	[tilespmem:s4+$0xFFFFFF20] =	vst v27;
	v25 =	vld [tilespmem:s3+$0x30];
	v27 =	vmul.f32 v63, v32  }
.LBB2_9:
0x143: {  	v29 =	vmov s12;
	s13 =	sadd.s32 $0x4, s12;
	s14 =	sadd.s32 $0xC, s12;
	s2 =	sadd.s32 $0x4, s2;
	v30 =	vld [tilespmem:s3+$0xFFFFFF30];
	v20 =	vmul.f32 v23, v20;
	[tilespmem:s1+$0xFFFFFFD0] =	vst v28  }
0x144: {  	v23 =	vshrl.u32 v29, $0x3;
	v28 =	vmov s13;
	s13 =	sadd.s32 $0x8, s12;
	v29 =	vmov s14;
	p0 =	slt.u32 s2, $0x4C;
	v31 =	vld.idx.msk [tilespmem:v11+s21+$0x0], $0xffff;
	[tilespmem:s1+$0x50] =	vst v27;
	v11 =	vmovc v17  }
0x145: {  	v17 =	vshrl.u32 v28, $0x3;
	v27 =	vmov s13;
	v28 =	vshrl.u32 v29, $0x3;
	[tilespmem:s1+$0xFFFFFF50] =	vst v20;
	v20 =	vld [tilespmem:s30+$0xFFFFFFE0]  }
0x146: {  	v17 =	vshll.u32 v17, v2;
	v28 =	vshll.u32 v28, v2;
	v26 =	vmul.f32 v26, v22;
	v29 =	vld.idx.msk [tilespmem:v9+s21+$0x0], $0xffff  }
0x147: {  	v27 =	vshrl.u32 v27, $0x3;
	v9 =	vmovc v15;
	v32 =	vadd.s32 $0x4, v17;
	v33 =	vadd.s32 $0x4, v28;
	v34 =	vld.idx.msk [tilespmem:v10+s21+$0x0], $0xffff;
	v10 =	vmovc v16  }
0x148: {  	v15 =	vshll.u32 v23, v2;
	v16 =	vshll.u32 v27, v2;
	v27 =	vbroadcast v33, $0x0;
	[tilespmem:s4+$0xC0] =	vst v26;
	v26 =	vld [tilespmem:s30+$0x60]  }
0x149: {  	v23 =	vadd.s32 $0x5, v17;
	v32 =	vbroadcast v32, $0x0;
	v33 =	vbroadcast v16, $0x0;
	v35 =	vld [tilespmem:s3+$0xD0]  }
0x14a: {  	v38 =	vadd.s32 $0x7, v8;
	v36 =	vbroadcast v15, $0x0;
	v8 =	vmovc v28;
	v37 =	vadd.s32 $0x1, v16;
	v39 =	vld [tilespmem:s30+$0xFFFFFF60]  }
0x14b: {  	v38 =	vbroadcast v38, $0x0;
	v28 =	vadd.s32 $0x1, v15;
	v40 =	vbroadcast v23, $0x0;
	v41 =	vld [tilespmem:s23+$0xFFFFFFF0]  }
0x14c: {  	v42 =	vadd.s32 $0x6, v17;
	v28 =	vbroadcast v28, $0x0;
	v23 =	vbroadcast v37, $0x0;
	v37 =	vld [tilespmem:s23+$0x70]  }
0x14d: {  	v19 =	vmul.f32 v24, v19;
	v21 =	vmul.f32 v25, v21;
	v43 =	vadd.s32 $0x2, v16;
	v24 =	vld [tilespmem:s23+$0xFFFFFF70];
	s23 =	smov.u32 s30;
	s30 =	smov.u32 s3  }
0x14e: {  	v25 =	vadd.s32 $0x2, v15;
	v18 =	vmul.f32 v30, v18;
	s3 =	sadd.s32 $0x200, s3;
	v27 =	vld.idx.msk [tilespmem:v27+s21+$0x0], $0xffff;
	v22 =	vmul.f32 v35, v22  }
0x14f: {  	v17 =	vadd.s32 $0x7, v17;
	v30 =	vbroadcast v42, $0x0;
	v35 =	vbroadcast v43, $0x0;
	v42 =	vld [tilespmem:s3+$0x80];
	[tilespmem:s4+$0xFFFFFFB0] =	vst v19  }
0x150: {  	v19 =	vbroadcast v25, $0x0;
	v25 =	vadd.s32 $0x3, v15;
	v15 =	vadd.s32 $0x3, v16;
	v32 =	vld.idx.msk [tilespmem:v32+s21+$0x0], $0xffff;
	[tilespmem:s4+$0xD0] =	vst v22  }
0x151: {  	v17 =	vbroadcast v17, $0x0;
	v15 =	vbroadcast v15, $0x0;
	[tilespmem:s4+$0x30] =	vst v21;
	v21 =	vld.idx.msk [tilespmem:v38+s21+$0x0], $0xffff  }
0x152: {  	v20 =	vmul.f32 v20, v31;
	v16 =	vbroadcast v25, $0x0;
	[tilespmem:s4+$0xFFFFFF30] =	vst v18;
	v18 =	vld [tilespmem:s30+$0xE0]  }
0x153: {  	v26 =	vmul.f32 v26, v29;
	v25 =	vmul.f32 v39, v34;
	v22 =	vld.idx.msk [tilespmem:v33+s21+$0x0], $0xffff  }
0x154: {  	v33 =	vld.idx.msk [tilespmem:v36+s21+$0x0], $0xffff;
	v36 =	vmul.f32 v42, v27;
	[tilespmem:s1+$0xFFFFFFE0] =	vst v20;
	v20 =	vmul.f32 v41, v5;
	v5 =	vmov v31  }
0x155: {  	s4 =	sadd.s32 $0x200, s4;
	v24 =	vmul.f32 v24, v6;
	v6 =	vmovc v34;
	v31 =	vld [tilespmem:s3+$0xFFFFFF00];
	[tilespmem:s1+$0x60] =	vst v26;
	v26 =	vmul.f32 v37, v7;
	v7 =	vmov v29  }
0x156: {  	v29 =	vld [tilespmem:s3+$0xFFFFFF80];
	[tilespmem:s4+$0x80] =	vst v36  }
0x157: {  	v34 =	vld [tilespmem:s3+$0x90];
	v18 =	vmul.f32 v18, v21;
	[tilespmem:s1+$0xFFFFFF60] =	vst v25  }
0x158: {  	v36 =	vadd.s32 $0x5, v8;
	v25 =	vld [tilespmem:s3+$0x0];
	[tilespmem:s10+$0xFFFFFFF0] =	vst v20  }
0x159: {  	v20 =	vbroadcast v36, $0x0;
	v36 =	vld.idx.msk [tilespmem:v12+s21+$0x0], $0xffff;
	[tilespmem:s25+$0xE0] =	vst v18;
	v12 =	vmov v30  }
0x15a: {  	v18 =	vmul.f32 v31, v33;
	v30 =	vld [tilespmem:s30+$0xF0];
	[tilespmem:s10+$0x70] =	vst v26  }
0x15b: {  	v26 =	vmul.f32 v29, v32;
	v29 =	vld [tilespmem:s30+$0xFFFFFFC0];
	[tilespmem:s10+$0xFFFFFF70] =	vst v24;
	s10 =	smov.u32 s1;
	s1 =	smov.u32 s25;
	s25 =	smov.u32 s4  }
0x15c: {  	[tilespmem:s4+$0xFFFFFF00] =	vst v18;
	v18 =	vmul.f32 v34, v27;
	v27 =	vld.idx.msk [tilespmem:v13+s21+$0x0], $0xffff;
	v13 =	vmov v35  }
0x15d: {  	v24 =	vld [tilespmem:s3+$0xFFFFFF10];
	[tilespmem:s4+$0xFFFFFF80] =	vst v26;
	v25 =	vmul.f32 v25, v22  }
0x15e: {  	v26 =	vld [tilespmem:s3+$0xFFFFFF90];
	[tilespmem:s4+$0x90] =	vst v18  }
0x15f: {  	[tilespmem:s4+$0x0] =	vst v25;
	v25 =	vld.idx.msk [tilespmem:v20+s21+$0x0], $0xffff;
	v18 =	vmul.f32 v30, v21  }
0x160: {  	v21 =	vld [tilespmem:s3+$0xA0];
	v29 =	vmul.f32 v29, v36  }
0x161: {  	v30 =	vld [tilespmem:s3+$0x10];
	[tilespmem:s1+$0xF0] =	vst v18  }
0x162: {  	v18 =	vmul.f32 v24, v33;
	v20 =	vld.idx.msk [tilespmem:v14+s21+$0x0], $0xffff;
	[tilespmem:s1+$0xFFFFFFC0] =	vst v29;
	v14 =	vmov v19  }
0x163: {  	v19 =	vmul.f32 v26, v32;
	v24 =	vld [tilespmem:s30+$0x40]  }
0x164: {  	[tilespmem:s4+$0xFFFFFF10] =	vst v18;
	v26 =	vld [tilespmem:s30+$0xFFFFFF40]  }
0x165: {  	v18 =	vld.idx.msk [tilespmem:v28+s21+$0x0], $0xffff;
	[tilespmem:s4+$0xFFFFFF90] =	vst v19;
	v21 =	vmul.f32 v21, v25  }
0x166: {  	v19 =	vld.idx.msk [tilespmem:v40+s21+$0x0], $0xffff;
	v22 =	vmul.f32 v30, v22  }
0x167: {  	v28 =	vld [tilespmem:s3+$0xFFFFFFA0];
	[tilespmem:s4+$0xA0] =	vst v21  }
0x168: {  	[tilespmem:s4+$0x10] =	vst v22;
	v22 =	vld [tilespmem:s3+$0xB0];
	v24 =	vmul.f32 v24, v27  }
0x169: {  	v21 =	vld.idx.msk [tilespmem:v23+s21+$0x0], $0xffff;
	v23 =	vadd.s32 $0x6, v8;
	v26 =	vmul.f32 v26, v20  }
0x16a: {  	v29 =	vld [tilespmem:s3+$0x20];
	v30 =	vbroadcast v23, $0x0;
	[tilespmem:s1+$0x40] =	vst v24  }
0x16b: {  	v31 =	vld [tilespmem:s3+$0xFFFFFF20];
	[tilespmem:s1+$0xFFFFFF40] =	vst v26  }
0x16c: {  	v23 =	vmul.f32 v28, v19;
	v28 =	vld [tilespmem:s30+$0xFFFFFFD0]  }
0x16d: {  	v22 =	vmul.f32 v22, v25;
	v32 =	vld [tilespmem:s30+$0x50]  }
.Ltmp8:
0x16e: {  	[tilespmem:s4+$0xFFFFFFA0] =	vst v23;
	v23 =	vld [tilespmem:s30+$0xFFFFFF50];
	(pc) =	sbr.rel @p0 .LBB2_9-.Ltmp8, $4  }
0x16f: {  	v24 =	vld [tilespmem:s3+$0xFFFFFFB0];
	v25 =	vmul.f32 v29, v21;
	[tilespmem:s4+$0xB0] =	vst v22  }
0x170: {  	v29 =	vmul.f32 v31, v18;
	v22 =	vld.idx.msk [tilespmem:v30+s21+$0x0], $0xffff  }
0x171: {  	[tilespmem:s4+$0x20] =	vst v25;
	v26 =	vld [tilespmem:s3+$0xC0];
	v28 =	vmul.f32 v28, v36  }
0x172: {  	s12 =	sadd.s32 $0x10, s12;
	[tilespmem:s4+$0xFFFFFF20] =	vst v29;
	v25 =	vld [tilespmem:s3+$0x30];
	v27 =	vmul.f32 v32, v27  }
0x173: {  	_ = 	snop  }
0x174: {  	v29 =	vld [tilespmem:s3+$0xFFFFFF30]  }
0x175: {  	v49 =	vld [tilespmem:s23+$0xFFFFFFF0];
	v19 =	vmul.f32 v24, v19  }
0x176: {  	[tilespmem:s1+$0xFFFFFFD0] =	vst v28;
	v50 =	vld [tilespmem:s23+$0x70]  }
0x177: {  	v11 =	vld.idx.msk [tilespmem:v11+s21+$0x0], $0xffff;
	[tilespmem:s4+$0xFFFFFFB0] =	vst v19;
	v21 =	vmul.f32 v25, v21  }
0x178: {  	v12 =	vld.idx.msk [tilespmem:v12+s21+$0x0], $0xffff  }
0x179: {  	v19 =	vld [tilespmem:s3+$0xFFFFFFC0];
	v18 =	vmul.f32 v29, v18;
	[tilespmem:s4+$0x30] =	vst v21  }
0x17a: {  	v13 =	vld.idx.msk [tilespmem:v13+s21+$0x0], $0xffff  }
0x17b: {  	[tilespmem:s4+$0xFFFFFF30] =	vst v18;
	v39 =	vld [tilespmem:s3+$0x40]  }
0x17c: {  	v40 =	vmul.f32 v26, v22;
	v14 =	vld.idx.msk [tilespmem:v14+s21+$0x0], $0xffff  }
0x17d: {  	v41 =	vld [tilespmem:s3+$0xFFFFFF40]  }
0x17e: {  	v37 =	vld [tilespmem:s30+$0xFFFFFFE0];
	[tilespmem:s4+$0xC0] =	vst v40;
	v42 =	vmul.f32 v19, v12  }
0x17f: {  	[tilespmem:s1+$0x50] =	vst v27;
	v43 =	vld [tilespmem:s3+$0xD0]  }
0x180: {  	v8 =	vadd.s32 $0x7, v8;
	v9 =	vld.idx.msk [tilespmem:v9+s21+$0x0], $0xffff;
	[tilespmem:s25+$0xFFFFFFC0] =	vst v42;
	v45 =	vmul.f32 v39, v13  }
0x181: {  	v38 =	vmul.f32 v23, v20;
	v8 =	vbroadcast v8, $0x0;
	v47 =	vld [tilespmem:s3+$0xFFFFFFD0]  }
0x182: {  	v44 =	vld [tilespmem:s30+$0x60];
	v46 =	vmul.f32 v41, v14;
	[tilespmem:s25+$0x40] =	vst v45  }
0x183: {  	[tilespmem:s1+$0xFFFFFF50] =	vst v38;
	v18 =	vld [tilespmem:s3+$0x50]  }
0x184: {  	v10 =	vld.idx.msk [tilespmem:v10+s21+$0x0], $0xffff;
	v19 =	vmul.f32 v43, v22;
	[tilespmem:s25+$0xFFFFFF40] =	vst v46  }
0x185: {  	v20 =	vld [tilespmem:s3+$0xFFFFFF50]  }
0x186: {  	v48 =	vld [tilespmem:s30+$0xFFFFFF60];
	[tilespmem:s4+$0xD0] =	vst v19;
	v12 =	vmul.f32 v47, v12  }
0x187: {  	v8 =	vld.idx.msk [tilespmem:v8+s21+$0x0], $0xffff  }
0x188: {  	v19 =	vld [tilespmem:s3+$0xE0];
	[tilespmem:s25+$0xFFFFFFD0] =	vst v12;
	v13 =	vmul.f32 v18, v13  }
0x189: {  	v52 =	vld.idx.msk [tilespmem:v17+s21+$0x0], $0xffff  }
0x18a: {  	v53 =	vld [tilespmem:s3+$0xFFFFFFE0];
	v51 =	vmul.f32 v20, v14;
	[tilespmem:s25+$0x50] =	vst v13  }
0x18b: {  	v5 =	vmul.f32 v49, v5;
	v55 =	vld.idx.msk [tilespmem:v15+s21+$0x0], $0xffff  }
0x18c: {  	v7 =	vmul.f32 v50, v7;
	[tilespmem:s25+$0xFFFFFF50] =	vst v51;
	v58 =	vld [tilespmem:s3+$0x60]  }
0x18d: {  	v54 =	vmul.f32 v37, v11;
	[tilespmem:s10+$0xFFFFFFF0] =	vst v5;
	v16 =	vld.idx.msk [tilespmem:v16+s21+$0x0], $0xffff  }
0x18e: {  	v56 =	vmul.f32 v44, v9;
	[tilespmem:s10+$0x70] =	vst v7;
	v60 =	vld [tilespmem:s3+$0xFFFFFF60]  }
0x18f: {  	v61 =	vld [tilespmem:s23+$0xFFFFFF70];
	[tilespmem:s1+$0xFFFFFFE0] =	vst v54;
	v59 =	vmul.f32 v48, v10  }
0x190: {  	[tilespmem:s1+$0x60] =	vst v56;
	v5 =	vld [tilespmem:s30+$0xFFFFFFF0];
	v57 =	vmul.f32 v19, v8  }
0x191: {  	[tilespmem:s1+$0xFFFFFF60] =	vst v59;
	v7 =	vld [tilespmem:s30+$0x70];
	v13 =	vmul.f32 v53, v52  }
0x192: {  	v19 =	vld [tilespmem:s30+$0xFFFFFF70];
	[tilespmem:s25+$0xE0] =	vst v57;
	v18 =	vmul.f32 v58, v55  }
0x193: {  	v17 =	vld [tilespmem:s3+$0xF0];
	[tilespmem:s25+$0xFFFFFFE0] =	vst v13;
	v15 =	vmul.f32 v60, v16  }
0x194: {  	v6 =	vmul.f32 v61, v6;
	v13 =	vld [tilespmem:s3+$0xFFFFFFF0];
	[tilespmem:s25+$0x60] =	vst v18  }
0x195: {  	v5 =	vmul.f32 v5, v11;
	[tilespmem:s25+$0xFFFFFF60] =	vst v15;
	v62 =	vld [tilespmem:s3+$0x70]  }
0x196: {  	[tilespmem:s10+$0xFFFFFF70] =	vst v6;
	v7 =	vmul.f32 v7, v9;
	v6 =	vld [tilespmem:s3+$0xFFFFFF70]  }
0x197: {  	[tilespmem:s1+$0xFFFFFFF0] =	vst v5;
	v63 =	vmul.f32 v19, v10  }
0x198: {  	[tilespmem:s1+$0x70] =	vst v7;
	v8 =	vmul.f32 v17, v8  }
0x199: {  	[tilespmem:s1+$0xFFFFFF70] =	vst v63;
	v5 =	vmul.f32 v13, v52  }
0x19a: {  	[tilespmem:s25+$0xF0] =	vst v8;
	v7 =	vmul.f32 v62, v55  }
0x19b: {  	[tilespmem:s25+$0xFFFFFFF0] =	vst v5;
	v6 =	vmul.f32 v6, v16  }
0x19c: {  	[tilespmem:s25+$0x70] =	vst v7  }
0x19d: {  	s10 =	smul.u32 $0xA0, s26;
	s30 =	simm.s32 $0x5780;
	[tilespmem:s25+$0xFFFFFF70] =	vst v6  }
0x19e: {  	[spmem:s22] =	stream.indirect.scatter.add.f32 [tilespmem:s30], [sflag:$0x4], $0x80, s5, s29, $0xb8;
	[tilespmem:$0x1FF80] =	vst v63  }
0x19f: {  	s31 =	sadd.s32 s24, s10;
	_ =	swait.ge [sflag:s28], $0x2800  }
0x1a0: {  	p0 =	seq.s32 s26, $0x3E;
	s1 =	sshrl.u32 s31, $0x1;
	[sflag:s28] =	ssyncset.done $0x0  }
.Ltmp9:
0x1a1: {  	s1 =	sadd.s32 s18, s1;
	[sflag:s28] =	ssyncadd.s32 $0xFFFFD800;
	(pc) =	sbr.rel @p0 .LBB2_20-.Ltmp9, $4  }
0x1a2: {  	[hbm4b:s1+s5] =	stream.linear.scatter [tilespmem:s21], [sflag:$0x4], $0x140, $0x38;
	[tilespmem:$0x1FF80] =	vst v63  }
0x1a3: {  	_ =	swait.ge [sflag:s28], $0x140  }
0x1a4: {  	[sflag:s28] =	ssyncset.done $0x0  }
0x1a5: {  	[sflag:s28] =	ssyncadd.s32 $0xFFFFFEC0  }
0x1a6: {  	s1 =	sadd.s32 s10, s11  }
0x1a7: {  	s2 =	sshrl.u32 s1, $0x3  }
0x1a8: {  	s3 =	sadd.s32 s7, s2  }
0x1a9: {  	[tilespmem:s5], [sflag:$0x4] =	stream.linear.gather [hbm4b:s3+s5], $0x50, $0x38;
	[tilespmem:$0x1FF80] =	vst v63  }
0x1aa: {  	_ =	swait.ge [sflag:s28], $0x50  }
0x1ab: {  	[sflag:s28] =	ssyncset.done $0x0  }
0x1ac: {  	s2 =	sadd.s32 s8, s2;
	[sflag:s28] =	ssyncadd.s32 $0xFFFFFFB0  }
0x1ad: {  	[tilespmem:s29], [sflag:$0x4] =	stream.linear.gather [hbm4b:s2+s5], $0x50, $0x38;
	[tilespmem:$0x1FF80] =	vst v63  }
0x1ae: {  	s1 =	sshrl.u32 s1, $0x1;
	_ =	swait.ge [sflag:s28], $0x50  }
0x1af: {  	s23 =	sshllo.u32 s26, $0x1;
	s1 =	sand.u32 $0x1FFFFFF8, s1;
	[sflag:s28] =	ssyncset.done $0x0  }
0x1b0: {  	p0 =	sgt.u32 s23, $0x7C;
	s1 =	sadd.s32 s17, s1;
	[sflag:s28] =	ssyncadd.s32 $0xFFFFFFB0  }
0x1b1: {  	[tilespmem:s6], [sflag:$0x4] =	stream.linear.gather [hbm4b:s1+s5], $0x140, $0x38;
	[tilespmem:$0x1FF80] =	vst v63  }
.Ltmp10:
0x1b2: {  	_ = 	snop;
	(pc) =	sbr.rel @p0 .LBB2_19-.Ltmp10, $4  }
0x1b3: {  	_ =	swait.ge [sflag:s28], $0x140  }
0x1b4: {  	[sflag:s28] =	ssyncset.done $0x0  }
0x1b5: {  	s31 =	simm.s32 $0xA0;
	s3 =	simm.s32 $0xC;
	[sflag:s28] =	ssyncadd.s32 $0xFFFFFEC0  }
0x1b6: {  	[tilespmem:s31], [sflag:$0x1] =	stream.indirect.gather [hbm4b:s20+s29], $0x80, s29, s29, $0xb8;
	[tilespmem:$0x1FF80] =	vst v63  }
0x1b7: {  	s2 =	simm.s32 $0x8  }
0x1b8: {  	s1 =	simm.s32 $0x0;
	v5 =	vmov s2  }
0x1b9: {  	s6 =	smov.u32 s20;
	v6 =	vmov s3;
	s16 =	simm.s32 $0x4;
	v7 =	vmov s1;
	v5 =	vshrl.u32 v5, $0x3  }
0x1ba: {  	s20 =	smov.u32 s24;
	s24 =	smov.u32 s17;
	s17 =	smul.u32 $0xCD, s3;
	v8 =	vmov s16;
	v7 =	vshrl.u32 v7, $0x3;
	v5 =	vshll.u32 v5, v2  }
0x1bb: {  	v8 =	vshrl.u32 v8, $0x3;
	v7 =	vshll.u32 v7, v2;
	v5 =	vbroadcast v5, $0x0  }
0x1bc: {  	v6 =	vshrl.u32 v6, $0x3;
	s4 =	sadd.s32 $0xFFFFFCCC, s17;
	v8 =	vshll.u32 v8, v2;
	v7 =	vbroadcast v7, $0x0  }
0x1bd: {  	s11 =	smov.u32 s8;
	v6 =	vshll.u32 v6, v2;
	s12 =	sadd.s32 $0xFFFFF998, s17;
	s4 =	sshrl.u32 s4, $0xC;
	v8 =	vbroadcast v8, $0x0;
	v5 =	vor.u32 v1, v5  }
0x1be: {  	s8 =	smov.u32 s7;
	v6 =	vbroadcast v6, $0x0;
	s12 =	sshrl.u32 s12, $0xC;
	s14 =	sand.u32 $0xF, s4;
	v7 =	vor.u32 v1, v7  }
0x1bf: {  	s13 =	sadd.s32 $0xFFFFF664, s17;
	s4 =	sand.u32 $0xF, s12;
	s15 =	smul.u32 $0x14, s14;
	v9 =	vor.u32 v4, v8  }
0x1c0: {  	p0 =	por $0x1, $0x1;
	s13 =	sshrl.u32 s13, $0xC;
	v10 =	vor.u32 v4, v6;
	s16 =	smul.u32 $0x14, s4  }
.Ltmp11:
0x1c1: {  	s7 =	smov.u32 s22;
	s13 =	sand.u32 $0xF, s13;
	(pc) =	sbr.rel @!p0 .LBB2_14-.Ltmp11, $4  }
0x1c2: {  	s22 =	smov.u32 s18;
	s2 =	sshrl.u32 s17, $0xC;
	s25 =	smul.u32 $0x14, s13;
	v8 =	vld.idx.msk [tilespmem:v5+s0+$0x0], $0xffff  }
0x1c3: {  	s12 =	sand.u32 $0xF, s2;
	s14 =	smul.u32 $0x140, s14;
	s18 =	ssub.s32 $0xC, s15;
	v7 =	vld.idx.msk [tilespmem:v7+s0+$0x0], $0xffff  }
0x1c4: {  	s31 =	smul.u32 $0x14, s12;
	s2 =	sadd.s32 $0xFFFFFFFC, s18;
	v6 =	vld.idx.msk [tilespmem:v9+s0+$0x0], $0xffff  }
0x1c5: {  	s30 =	ssub.s32 $0xC, s16;
	s15 =	sand.u32 $0xFF, s2;
	s2 =	simm.s32 $0x1C;
	v5 =	vld.idx.msk [tilespmem:v10+s0+$0x0], $0xffff  }
.LBB2_13:
0x1c6: {  	s16 =	sadd.s32 $0xFFFFFFFC, s2;
	s14 =	sshrl.u32 s14, $0x2  }
0x1c7: {  	v9 =	vmov s2;
	v8 =	vshll.u32 v8, $0x2;
	s15 =	sshll.u32 s15, $0x2;
	s17 =	sadd.s32 $0xFFFFFFF4, s2;
	s18 =	sadd.s32 $0xFFFFFFF8, s2  }
0x1c8: {  	s1 =	ssub.s32 s1, s25;
	s13 =	smul.u32 $0x140, s13;
	v10 =	vmov s16;
	v9 =	vshrl.u32 v9, $0x3;
	v8 =	vor.u32 v3, v8;
	s14 =	sadd.s32 s15, s14  }
0x1c9: {  	s4 =	smul.u32 $0x140, s4;
	v11 =	vmov s17;
	v12 =	vmov s18;
	s15 =	sadd.s32 $0xFFFFFFF8, s30;
	s3 =	ssub.s32 s3, s31;
	v10 =	vshrl.u32 v10, $0x3;
	[tilespmem:s14+$0x53C0] =	vst v8  }
0x1ca: {  	s12 =	smul.u32 $0x140, s12;
	s1 =	sand.u32 $0xFF, s1;
	v8 =	vshrl.u32 v11, $0x3;
	v11 =	vshrl.u32 v12, $0x3;
	s14 =	sand.u32 $0xFF, s15;
	v10 =	vshll.u32 v10, v2  }
0x1cb: {  	p0 =	slt.u32 s17, $0x40;
	s3 =	sand.u32 $0xFF, s3;
	v8 =	vshll.u32 v8, v2;
	v11 =	vshll.u32 v11, v2;
	s14 =	sshll.u32 s14, $0x2;
	v10 =	vbroadcast v10, $0x0  }
0x1cc: {  	v9 =	vshll.u32 v9, v2;
	s1 =	sshll.u32 s1, $0x2;
	s13 =	sshrl.u32 s13, $0x2;
	s3 =	sshll.u32 s3, $0x2;
	v8 =	vbroadcast v8, $0x0;
	v11 =	vbroadcast v11, $0x0  }
0x1cd: {  	v7 =	vshll.u32 v7, $0x2;
	s4 =	sshrl.u32 s4, $0x2;
	s15 =	smul.u32 $0xCD, s2;
	s12 =	sshrl.u32 s12, $0x2;
	v9 =	vbroadcast v9, $0x0;
	v10 =	vor.u32 v1, v10  }
0x1ce: {  	v6 =	vshll.u32 v6, $0x2;
	s13 =	sadd.s32 s1, s13;
	s1 =	smov.u32 s17;
	s4 =	sadd.s32 s14, s4;
	v12 =	vor.u32 v1, v8;
	v11 =	vor.u32 v4, v11  }
0x1cf: {  	v7 =	vor.u32 v3, v7;
	v5 =	vshll.u32 v5, $0x2;
	s3 =	sadd.s32 s3, s12;
	s14 =	sadd.s32 $0xFFFFF998, s15;
	s16 =	sadd.s32 $0xFFFFFCCC, s15;
	v9 =	vor.u32 v4, v9  }
0x1d0: {  	v6 =	vor.u32 v3, v6;
	v5 =	vor.u32 v3, v5;
	s12 =	sadd.s32 $0xFFFFF664, s15;
	[tilespmem:s13+$0x53C0] =	vst v7;
	s13 =	sshrl.u32 s14, $0xC;
	s14 =	sshrl.u32 s16, $0xC  }
0x1d1: {  	s12 =	sshrl.u32 s12, $0xC;
	[tilespmem:s4+$0x53C0] =	vst v6;
	s14 =	sand.u32 $0xF, s14  }
0x1d2: {  	s15 =	sshrl.u32 s15, $0xC;
	s4 =	sand.u32 $0xF, s13;
	v8 =	vld.idx.msk [tilespmem:v10+s0+$0x0], $0xffff;
	[tilespmem:s3+$0x53C0] =	vst v5;
	s16 =	smul.u32 $0x14, s14  }
.Ltmp12:
0x1d3: {  	s13 =	sand.u32 $0xF, s12;
	s12 =	sand.u32 $0xF, s15;
	v7 =	vld.idx.msk [tilespmem:v12+s0+$0x0], $0xffff;
	(pc) =	sbr.rel @p0 .LBB2_13-.Ltmp12, $4  }
0x1d4: {  	s15 =	smul.u32 $0x14, s4;
	s3 =	smov.u32 s2;
	v6 =	vld.idx.msk [tilespmem:v11+s0+$0x0], $0xffff  }
0x1d5: {  	s25 =	smul.u32 $0x14, s13;
	s16 =	ssub.s32 s2, s16;
	v5 =	vld.idx.msk [tilespmem:v9+s0+$0x0], $0xffff  }
0x1d6: {  	s14 =	smul.u32 $0x140, s14;
	s30 =	ssub.s32 s2, s15;
	s15 =	sadd.s32 $0xFFFFFFFC, s16  }
0x1d7: {  	s31 =	smul.u32 $0x14, s12;
	s2 =	sadd.s32 $0x10, s2;
	s15 =	sand.u32 $0xFF, s15  }
.LBB2_14:
0x1d8: {  	s2 =	sshrl.u32 s14, $0x2;
	s13 =	smul.u32 $0x140, s13  }
0x1d9: {  	s17 =	sshll.u32 s15, $0x2;
	s1 =	ssub.s32 s1, s25;
	s4 =	smul.u32 $0x140, s4  }
0x1da: {  	s18 =	sadd.s32 $0xFFFFFFF8, s30;
	s12 =	smul.u32 $0x140, s12;
	s2 =	sadd.s32 s17, s2  }
0x1db: {  	s3 =	ssub.s32 s3, s31;
	s14 =	sand.u32 $0xFF, s18;
	v8 =	vshll.u32 v8, $0x2;
	s1 =	sand.u32 $0xFF, s1  }
0x1dc: {  	s14 =	sshll.u32 s14, $0x2;
	v8 =	vor.u32 v3, v8;
	s1 =	sshll.u32 s1, $0x2;
	v7 =	vshll.u32 v7, $0x2;
	s13 =	sshrl.u32 s13, $0x2  }
0x1dd: {  	s25 =	sand.u32 $0xFF, s3;
	s30 =	sshrl.u32 s4, $0x2;
	[tilespmem:s2+$0x53C0] =	vst v8;
	v6 =	vshll.u32 v6, $0x2;
	v7 =	vor.u32 v3, v7;
	s1 =	sadd.s32 s1, s13  }
0x1de: {  	s31 =	sshrl.u32 s12, $0x2;
	s2 =	sshll.u32 s25, $0x2;
	s3 =	sadd.s32 s14, s30;
	v5 =	vshll.u32 v5, $0x2;
	[tilespmem:s1+$0x53C0] =	vst v7;
	v6 =	vor.u32 v3, v6  }
0x1df: {  	s12 =	sadd.s32 s2, s31;
	v5 =	vor.u32 v3, v5;
	[tilespmem:s3+$0x53C0] =	vst v6  }
0x1e0: {  	s13 =	simm.s32 $0x53C0;
	s14 =	simm.s32 $0x5500;
	[tilespmem:s12+$0x53C0] =	vst v5  }
0x1e1: {  	[tilespmem:s14], [sflag:$0x3] =	stream.indirect.gather [hbm4b:s9+s29], $0x1, s13, s29, $0xb8;
	[tilespmem:$0x1FF80] =	vst v63  }
0x1e2: {  	s15 =	simm.s32 $0x5410;
	s16 =	simm.s32 $0x5550  }
0x1e3: {  	[tilespmem:s16], [sflag:$0x3] =	stream.indirect.gather [hbm4b:s9+s29], $0x1, s15, s29, $0xb8;
	[tilespmem:$0x1FF80] =	vst v63  }
0x1e4: {  	s17 =	simm.s32 $0x5460;
	s18 =	simm.s32 $0x55A0  }
0x1e5: {  	[tilespmem:s18], [sflag:$0x3] =	stream.indirect.gather [hbm4b:s9+s29], $0x1, s17, s29, $0xb8;
	[tilespmem:$0x1FF80] =	vst v63  }
0x1e6: {  	s25 =	simm.s32 $0x54B0;
	s30 =	simm.s32 $0x55F0  }
0x1e7: {  	[tilespmem:s30], [sflag:$0x3] =	stream.indirect.gather [hbm4b:s9+s29], $0x1, s25, s29, $0xb8;
	[tilespmem:$0x1FF80] =	vst v63  }
0x1e8: {  	_ =	swait.ge [sflag:s19], $0x50  }
0x1e9: {  	[sflag:s19] =	ssyncset.done $0x0  }
0x1ea: {  	[sflag:s19] =	ssyncadd.s32 $0xFFFFFFB0  }
0x1eb: {  	_ =	swait.ge [sflag:s19], $0x50  }
0x1ec: {  	[sflag:s19] =	ssyncset.done $0x0  }
0x1ed: {  	[sflag:s19] =	ssyncadd.s32 $0xFFFFFFB0  }
0x1ee: {  	_ =	swait.ge [sflag:s19], $0x50  }
0x1ef: {  	[sflag:s19] =	ssyncset.done $0x0  }
0x1f0: {  	[sflag:s19] =	ssyncadd.s32 $0xFFFFFFB0  }
0x1f1: {  	_ =	swait.ge [sflag:s19], $0x50  }
0x1f2: {  	[sflag:s19] =	ssyncset.done $0x0  }
0x1f3: {  	s31 =	simm.s32 $0x52A0;
	[sflag:s19] =	ssyncadd.s32 $0xFFFFFFB0  }
0x1f4: {  	s2 =	simm.s32 $0x5520;
	v10 =	vld [tilespmem:s31+$0x10]  }
0x1f5: {  	v11 =	vld [tilespmem:s2+$0x10]  }
0x1f6: {  	v6 =	vld [tilespmem:s2+$0xFFFFFFE0]  }
0x1f7: {  	v7 =	vld [tilespmem:s31+$0xFFFFFFF0]  }
0x1f8: {  	v9 =	vld [tilespmem:s2+$0xFFFFFFF0]  }
0x1f9: {  	v5 =	vld [tilespmem:s31+$0x0]  }
0x1fa: {  	v8 =	vld [tilespmem:s2+$0x0];
	v11 =	vmul.f32 v11, v10  }
0x1fb: {  	s4 =	simm.s32 $0x52E0;
	s1 =	simm.s32 $0x5660;
	s3 =	simm.s32 $0x0;
	v10 =	vld [tilespmem:s31+$0xFFFFFFE0]  }
.LBB2_15:
0x1fc: {  	v12 =	vld [tilespmem:s4+$0x10];
	[tilespmem:s1+$0x10] =	vst v11;
	s2 =	sadd.s32 $0x40, s2  }
0x1fd: {  	s3 =	sadd.s32 $0x4, s3;
	v11 =	vld [tilespmem:s2+$0x10];
	v9 =	vmul.f32 v9, v7  }
0x1fe: {  	p0 =	slt.u32 s3, $0x10;
	v13 =	vld [tilespmem:s2+$0xFFFFFFE0]  }
.Ltmp13:
0x1ff: {  	v7 =	vld [tilespmem:s4+$0xFFFFFFF0];
	[tilespmem:s1+$0xFFFFFFF0] =	vst v9;
	v8 =	vmul.f32 v8, v5;
	(pc) =	sbr.rel @p0 .LBB2_15-.Ltmp13, $4  }
0x200: {  	v9 =	vld [tilespmem:s2+$0xFFFFFFF0];
	v14 =	vmul.f32 v6, v10  }
0x201: {  	v5 =	vld [tilespmem:s4+$0x0];
	[tilespmem:s1+$0x0] =	vst v8  }
0x202: {  	v8 =	vld [tilespmem:s2+$0x0];
	v11 =	vmul.f32 v11, v12;
	[tilespmem:s1+$0xFFFFFFE0] =	vst v14  }
0x203: {  	s1 =	sadd.s32 $0x40, s1;
	v10 =	vld [tilespmem:s4+$0xFFFFFFE0];
	s4 =	sadd.s32 $0x40, s4;
	v6 =	vmov v13  }
0x204: {  	s2 =	simm.s32 $0xC  }
0x205: {  	v12 =	vmov s2  }
0x206: {  	v7 =	vmul.f32 v9, v7;
	v12 =	vshrl.u32 v12, $0x3  }
0x207: {  	[tilespmem:s1+$0x10] =	vst v11;
	v12 =	vshll.u32 v12, v2;
	v5 =	vmul.f32 v8, v5  }
0x208: {  	[tilespmem:s1+$0xFFFFFFF0] =	vst v7;
	v8 =	vadd.s32 $0x4, v12;
	v6 =	vmul.f32 v6, v10  }
0x209: {  	v7 =	vbroadcast v8, $0x0;
	[tilespmem:s1+$0x0] =	vst v5  }
0x20a: {  	s2 =	simm.s32 $0x2;
	[tilespmem:s1+$0xFFFFFFE0] =	vst v6  }
0x20b: {  	_ =	swait.ge [sflag:s2], $0x2800  }
0x20c: {  	[sflag:s2] =	ssyncset.done $0x0  }
0x20d: {  	s31 =	simm.s32 $0x2B80;
	[sflag:s2] =	ssyncadd.s32 $0xFFFFD800  }
0x20e: {  	v5 =	vld [tilespmem:s31+$0x80]  }
0x20f: {  	v7 =	vld.idx.msk [tilespmem:v7+s21+$0x0], $0xffff;
	_ =	sdelay $0x3  }
0x210: {  	s3 =	simm.s32 $0x4  }
0x211: {  	v6 =	vmov s3;
	v8 =	vmul.f32 v5, v7  }
0x212: {  	s30 =	simm.s32 $0x5880;
	v5 =	vshrl.u32 v6, $0x3  }
0x213: {  	v5 =	vshll.u32 v5, v2;
	[tilespmem:s30+$0x80] =	vst v8  }
0x214: {  	v6 =	vadd.s32 $0x4, v5;
	v8 =	vld [tilespmem:s31+$0x90]  }
0x215: {  	s4 =	simm.s32 $0x0;
	v10 =	vbroadcast v6, $0x0;
	v6 =	vadd.s32 $0x5, v12  }
0x216: {  	v9 =	vmov s4;
	v11 =	vbroadcast v6, $0x0  }
0x217: {  	v9 =	vshrl.u32 v9, $0x3  }
0x218: {  	s12 =	simm.s32 $0x8;
	v6 =	vshll.u32 v9, v2  }
0x219: {  	v9 =	vmov s12;
	v13 =	vbroadcast v6, $0x0;
	v8 =	vmul.f32 v8, v7  }
0x21a: {  	v9 =	vshrl.u32 v9, $0x3  }
0x21b: {  	v14 =	vld [tilespmem:s31+$0xFFFFFF00];
	v7 =	vshll.u32 v9, v2;
	[tilespmem:s30+$0x90] =	vst v8  }
0x21c: {  	v9 =	vbroadcast v7, $0x0;
	v8 =	vld.idx.msk [tilespmem:v11+s21+$0x0], $0xffff  }
0x21d: {  	v11 =	vld [tilespmem:s31+$0xA0]  }
0x21e: {  	v15 =	vld [tilespmem:s31+$0xFFFFFF80]  }
0x21f: {  	v13 =	vld.idx.msk [tilespmem:v13+s21+$0x0], $0xffff  }
0x220: {  	v10 =	vld.idx.msk [tilespmem:v10+s21+$0x0], $0xffff  }
0x221: {  	v16 =	vld [tilespmem:s31+$0x0]  }
0x222: {  	v9 =	vld.idx.msk [tilespmem:v9+s21+$0x0], $0xffff;
	v11 =	vmul.f32 v11, v8;
	_ =	sdelay $0x1  }
0x223: {  	v14 =	vmul.f32 v14, v13;
	[tilespmem:s30+$0xA0] =	vst v11  }
0x224: {  	v11 =	vmul.f32 v15, v10;
	v15 =	vld [tilespmem:s31+$0xB0]  }
0x225: {  	[tilespmem:s30+$0xFFFFFF00] =	vst v14;
	v14 =	vadd.s32 $0x6, v12  }
0x226: {  	v17 =	vld [tilespmem:s31+$0xFFFFFF10];
	v14 =	vbroadcast v14, $0x0;
	[tilespmem:s30+$0xFFFFFF80] =	vst v11;
	v11 =	vmul.f32 v16, v9  }
0x227: {  	v16 =	vadd.s32 $0x1, v6;
	v18 =	vld [tilespmem:s31+$0xFFFFFF90]  }
0x228: {  	v19 =	vadd.s32 $0x5, v5;
	v16 =	vbroadcast v16, $0x0;
	[tilespmem:s30+$0x0] =	vst v11  }
0x229: {  	v11 =	vbroadcast v19, $0x0;
	v19 =	vld [tilespmem:s31+$0x10];
	v8 =	vmul.f32 v15, v8  }
0x22a: {  	v15 =	vadd.s32 $0x1, v7  }
0x22b: {  	v13 =	vmul.f32 v17, v13;
	v15 =	vbroadcast v15, $0x0;
	[tilespmem:s30+$0xB0] =	vst v8  }
0x22c: {  	s13 =	simm.s32 $0x1C;
	v8 =	vmul.f32 v18, v10;
	v14 =	vld.idx.msk [tilespmem:v14+s21+$0x0], $0xffff  }
0x22d: {  	[tilespmem:s30+$0xFFFFFF10] =	vst v13;
	v13 =	vmov s13;
	v10 =	vld [tilespmem:s31+$0xC0]  }
0x22e: {  	v16 =	vld.idx.msk [tilespmem:v16+s21+$0x0], $0xffff;
	[tilespmem:s30+$0xFFFFFF90] =	vst v8;
	v8 =	vmul.f32 v19, v9;
	v9 =	vshrl.u32 v13, $0x3  }
0x22f: {  	v17 =	vld.idx.msk [tilespmem:v11+s21+$0x0], $0xffff;
	v13 =	vshll.u32 v9, v2  }
0x230: {  	v11 =	vld [tilespmem:s31+$0xFFFFFFA0];
	[tilespmem:s30+$0x10] =	vst v8;
	v8 =	vadd.s32 $0x4, v13  }
0x231: {  	s14 =	simm.s32 $0x14;
	v15 =	vld.idx.msk [tilespmem:v15+s21+$0x0], $0xffff;
	v8 =	vbroadcast v8, $0x0  }
0x232: {  	v9 =	vmov s14;
	v18 =	vld [tilespmem:s31+$0x20]  }
0x233: {  	v19 =	vld [tilespmem:s31+$0xFFFFFF20];
	v9 =	vshrl.u32 v9, $0x3;
	v10 =	vmul.f32 v10, v14  }
0x234: {  	v9 =	vshll.u32 v9, v2  }
0x235: {  	s15 =	simm.s32 $0x18;
	[tilespmem:s30+$0xC0] =	vst v10;
	v10 =	vmul.f32 v11, v17;
	v11 =	vadd.s32 $0x4, v9  }
0x236: {  	v21 =	vmov s15;
	v20 =	vld [tilespmem:s31+$0xD0];
	v22 =	vbroadcast v11, $0x0;
	v11 =	vadd.s32 $0x7, v12  }
0x237: {  	s16 =	simm.s32 $0x10;
	s1 =	simm.s32 $0x2D80;
	v12 =	vmul.f32 v18, v15;
	v18 =	vshrl.u32 v21, $0x3;
	v21 =	vbroadcast v11, $0x0;
	v8 =	vld.idx.msk [tilespmem:v8+s21+$0x0], $0xffff  }
0x238: {  	[tilespmem:s30+$0xFFFFFFA0] =	vst v10;
	v10 =	vmul.f32 v19, v16;
	v19 =	vmov s16;
	v11 =	vshll.u32 v18, v2;
	v18 =	vld [tilespmem:s1+$0x80]  }
0x239: {  	v28 =	vld [tilespmem:s1+$0xFFFFFF80];
	[tilespmem:s30+$0x20] =	vst v12;
	v12 =	vshrl.u32 v19, $0x3  }
0x23a: {  	v23 =	vld [tilespmem:s31+$0xFFFFFFB0];
	[tilespmem:s30+$0xFFFFFF20] =	vst v10;
	v10 =	vshll.u32 v12, v2  }
0x23b: {  	v24 =	vld [tilespmem:s31+$0x30];
	v12 =	vmul.f32 v20, v14;
	v14 =	vbroadcast v10, $0x0  }
0x23c: {  	v20 =	vld [tilespmem:s31+$0xFFFFFF30]  }
0x23d: {  	v19 =	vbroadcast v11, $0x0;
	v22 =	vld.idx.msk [tilespmem:v22+s21+$0x0], $0xffff;
	[tilespmem:s30+$0xD0] =	vst v12;
	v18 =	vmul.f32 v18, v8  }
0x23e: {  	s3 =	simm.s32 $0x5A80;
	v12 =	vld.idx.msk [tilespmem:v21+s21+$0x0], $0xffff  }
0x23f: {  	v21 =	vadd.s32 $0x6, v5;
	v25 =	vld [tilespmem:s31+$0xE0];
	[tilespmem:s3+$0x80] =	vst v18  }
0x240: {  	v21 =	vbroadcast v21, $0x0;
	v18 =	vld [tilespmem:s1+$0x90]  }
0x241: {  	v26 =	vld.idx.msk [tilespmem:v14+s21+$0x0], $0xffff;
	v14 =	vadd.s32 $0x5, v13  }
0x242: {  	v17 =	vmul.f32 v23, v17;
	v23 =	vld [tilespmem:s1+$0xFFFFFF00];
	v27 =	vbroadcast v14, $0x0  }
0x243: {  	v19 =	vld.idx.msk [tilespmem:v19+s21+$0x0], $0xffff  }
0x244: {  	[tilespmem:s30+$0xFFFFFFB0] =	vst v17;
	v17 =	vld [tilespmem:s1+$0x0];
	v14 =	vmul.f32 v25, v12  }
0x245: {  	v29 =	vld [tilespmem:s31+$0xFFFFFFC0];
	v8 =	vmul.f32 v18, v8  }
0x246: {  	v15 =	vmul.f32 v24, v15;
	v25 =	vadd.s32 $0x2, v7;
	v21 =	vld.idx.msk [tilespmem:v21+s21+$0x0], $0xffff;
	[tilespmem:s30+$0xE0] =	vst v14  }
0x247: {  	v18 =	vbroadcast v25, $0x0;
	v25 =	vadd.s32 $0x2, v6;
	v14 =	vld [tilespmem:s31+$0xF0];
	v23 =	vmul.f32 v23, v26;
	[tilespmem:s3+$0x90] =	vst v8  }
0x248: {  	[tilespmem:s30+$0x30] =	vst v15;
	v8 =	vbroadcast v25, $0x0;
	v25 =	vmul.f32 v28, v22;
	v27 =	vld.idx.msk [tilespmem:v27+s21+$0x0], $0xffff  }
0x249: {  	v17 =	vmul.f32 v17, v19;
	[tilespmem:s3+$0xFFFFFF00] =	vst v23;
	v23 =	vld [tilespmem:s1+$0xA0]  }
0x24a: {  	v16 =	vmul.f32 v20, v16;
	v24 =	vld [tilespmem:s1+$0xFFFFFF10];
	[tilespmem:s3+$0xFFFFFF80] =	vst v25  }
0x24b: {  	[tilespmem:s3+$0x0] =	vst v17;
	v25 =	vadd.s32 $0x1, v10;
	v15 =	vld [tilespmem:s1+$0xFFFFFF90]  }
0x24c: {  	v20 =	vadd.s32 $0x5, v9;
	[tilespmem:s30+$0xFFFFFF30] =	vst v16;
	v16 =	vld [tilespmem:s1+$0x10];
	v25 =	vbroadcast v25, $0x0  }
0x24d: {  	v17 =	vbroadcast v20, $0x0;
	v18 =	vld.idx.msk [tilespmem:v18+s21+$0x0], $0xffff  }
0x24e: {  	v20 =	vadd.s32 $0x1, v11;
	v28 =	vld.idx.msk [tilespmem:v8+s21+$0x0], $0xffff;
	v8 =	vmul.f32 v23, v27  }
0x24f: {  	v20 =	vbroadcast v20, $0x0;
	v23 =	vmul.f32 v24, v26;
	v24 =	vld [tilespmem:s31+$0x40]  }
0x250: {  	v15 =	vmul.f32 v15, v22;
	v22 =	vld [tilespmem:s31+$0xFFFFFF40];
	[tilespmem:s3+$0xA0] =	vst v8  }
0x251: {  	[tilespmem:s3+$0xFFFFFF10] =	vst v23;
	v8 =	vld [tilespmem:s1+$0xB0]  }
0x252: {  	v23 =	vld.idx.msk [tilespmem:v25+s21+$0x0], $0xffff;
	[tilespmem:s3+$0xFFFFFF90] =	vst v15;
	v15 =	vmul.f32 v16, v19  }
0x253: {  	v16 =	vadd.s32 $0x6, v13;
	v17 =	vld.idx.msk [tilespmem:v17+s21+$0x0], $0xffff  }
0x254: {  	v16 =	vbroadcast v16, $0x0;
	v19 =	vld [tilespmem:s1+$0xFFFFFFA0];
	[tilespmem:s3+$0x10] =	vst v15  }
0x255: {  	v15 =	vmul.f32 v29, v21;
	v20 =	vld.idx.msk [tilespmem:v20+s21+$0x0], $0xffff  }
0x256: {  	v24 =	vmul.f32 v24, v18;
	v25 =	vld [tilespmem:s1+$0x20]  }
0x257: {  	v8 =	vmul.f32 v8, v27;
	[tilespmem:s30+$0xFFFFFFC0] =	vst v15;
	v15 =	vld [tilespmem:s1+$0xFFFFFF20]  }
0x258: {  	[tilespmem:s30+$0x40] =	vst v24;
	v26 =	vld [tilespmem:s31+$0xFFFFFFD0]  }
0x259: {  	v5 =	vadd.s32 $0x7, v5;
	v24 =	vld [tilespmem:s31+$0x50];
	[tilespmem:s3+$0xB0] =	vst v8;
	v8 =	vmul.f32 v22, v28  }
0x25a: {  	v5 =	vbroadcast v5, $0x0;
	v19 =	vmul.f32 v19, v17;
	v16 =	vld.idx.msk [tilespmem:v16+s21+$0x0], $0xffff  }
0x25b: {  	v7 =	vadd.s32 $0x3, v7;
	v22 =	vld [tilespmem:s1+$0xC0];
	[tilespmem:s30+$0xFFFFFF40] =	vst v8;
	v8 =	vmul.f32 v25, v20  }
0x25c: {  	s17 =	simm.s32 $0x2C;
	v7 =	vbroadcast v7, $0x0;
	[tilespmem:s3+$0xFFFFFFA0] =	vst v19;
	v19 =	vld [tilespmem:s31+$0xFFFFFF50];
	v15 =	vmul.f32 v15, v23  }
0x25d: {  	v25 =	vld [tilespmem:s1+$0xFFFFFFB0];
	[tilespmem:s3+$0x20] =	vst v8;
	v8 =	vmul.f32 v26, v21;
	v21 =	vmov s17  }
0x25e: {  	v6 =	vadd.s32 $0x3, v6;
	[tilespmem:s3+$0xFFFFFF20] =	vst v15;
	v15 =	vld [tilespmem:s1+$0x30];
	v21 =	vshrl.u32 v21, $0x3  }
0x25f: {  	s18 =	simm.s32 $0x24;
	v6 =	vbroadcast v6, $0x0;
	v18 =	vmul.f32 v24, v18;
	v26 =	vld [tilespmem:s1+$0xFFFFFF30];
	[tilespmem:s30+$0xFFFFFFD0] =	vst v8;
	v8 =	vshll.u32 v21, v2  }
0x260: {  	v27 =	vmov s18;
	v21 =	vmul.f32 v22, v16;
	v5 =	vld.idx.msk [tilespmem:v5+s21+$0x0], $0xffff;
	v24 =	vadd.s32 $0x4, v8  }
0x261: {  	v22 =	vshrl.u32 v27, $0x3;
	[tilespmem:s30+$0x50] =	vst v18;
	v27 =	vld [tilespmem:s31+$0xFFFFFFE0];
	v24 =	vbroadcast v24, $0x0  }
0x262: {  	v7 =	vld.idx.msk [tilespmem:v7+s21+$0x0], $0xffff;
	v19 =	vmul.f32 v19, v28;
	[tilespmem:s3+$0xC0] =	vst v21  }
0x263: {  	s25 =	simm.s32 $0x28;
	v21 =	vld [tilespmem:s1+$0xD0]  }
0x264: {  	s4 =	simm.s32 $0x20;
	v13 =	vadd.s32 $0x7, v13;
	v29 =	vld [tilespmem:s31+$0x60];
	v28 =	vmov s25;
	[tilespmem:s30+$0xFFFFFF50] =	vst v19  }
0x265: {  	v13 =	vbroadcast v13, $0x0;
	v28 =	vshrl.u32 v28, $0x3;
	v19 =	vmov s4;
	v6 =	vld.idx.msk [tilespmem:v6+s21+$0x0], $0xffff  }
0x266: {  	v28 =	vshll.u32 v28, v2;
	v19 =	vshrl.u32 v19, $0x3;
	v31 =	vld [tilespmem:s31+$0xFFFFFF60]  }
0x267: {  	v22 =	vshll.u32 v22, v2;
	s4 =	simm.s32 $0x2F80;
	v30 =	vshll.u32 v19, v2;
	v19 =	vbroadcast v28, $0x0;
	v24 =	vld.idx.msk [tilespmem:v24+s21+$0x0], $0xffff  }
0x268: {  	v18 =	vadd.s32 $0x4, v22;
	v32 =	vbroadcast v30, $0x0;
	v16 =	vmul.f32 v21, v16;
	v21 =	vld [tilespmem:s4+$0x80]  }
0x269: {  	v18 =	vbroadcast v18, $0x0;
	v35 =	vld [tilespmem:s4+$0xFFFFFF00]  }
0x26a: {  	v17 =	vmul.f32 v25, v17;
	v25 =	vld [tilespmem:s4+$0xFFFFFF80];
	[tilespmem:s3+$0xD0] =	vst v16  }
0x26b: {  	v16 =	vld.idx.msk [tilespmem:v13+s21+$0x0], $0xffff  }
0x26c: {  	v13 =	vadd.s32 $0x6, v9;
	v33 =	vld [tilespmem:s1+$0xE0]  }
0x26d: {  	v13 =	vbroadcast v13, $0x0;
	v34 =	vld.idx.msk [tilespmem:v19+s21+$0x0], $0xffff;
	v21 =	vmul.f32 v21, v24  }
0x26e: {  	s25 =	simm.s32 $0x5C80;
	[tilespmem:s3+$0xFFFFFFB0] =	vst v17;
	v15 =	vmul.f32 v15, v20;
	v19 =	vld.idx.msk [tilespmem:v32+s21+$0x0], $0xffff  }
0x26f: {  	v23 =	vmul.f32 v26, v23;
	v18 =	vld.idx.msk [tilespmem:v18+s21+$0x0], $0xffff;
	[tilespmem:s25+$0x80] =	vst v21  }
0x270: {  	v12 =	vmul.f32 v14, v12;
	v36 =	vadd.s32 $0x5, v8;
	[tilespmem:s3+$0x30] =	vst v15;
	v21 =	vld [tilespmem:s4+$0x90]  }
0x271: {  	v20 =	vbroadcast v36, $0x0;
	v17 =	vld [tilespmem:s4+$0x0];
	[tilespmem:s3+$0xFFFFFF30] =	vst v23;
	v23 =	vadd.s32 $0x1, v28  }
0x272: {  	[tilespmem:s30+$0xF0] =	vst v12;
	v12 =	vbroadcast v23, $0x0;
	v23 =	vld [tilespmem:s1+$0x40];
	v33 =	vmul.f32 v33, v16  }
0x273: {  	v61 =	vld.idx.msk [tilespmem:v13+s21+$0x0], $0xffff;
	v13 =	vmul.f32 v35, v19  }
0x274: {  	v60 =	vadd.s32 $0x2, v11;
	v15 =	vmul.f32 v25, v18;
	v25 =	vld [tilespmem:s1+$0xFFFFFFC0];
	[tilespmem:s3+$0xE0] =	vst v33  }
0x275: {  	v62 =	vadd.s32 $0x2, v10;
	v32 =	vbroadcast v60, $0x0;
	v33 =	vld [tilespmem:s1+$0xF0];
	[tilespmem:s25+$0xFFFFFF00] =	vst v13;
	v13 =	vmul.f32 v21, v24  }
0x276: {  	[tilespmem:s25+$0xFFFFFF80] =	vst v15;
	v35 =	vbroadcast v62, $0x0;
	v21 =	vld [tilespmem:s4+$0xFFFFFF10]  }
0x277: {  	v15 =	vadd.s32 $0x1, v30;
	v17 =	vmul.f32 v17, v34;
	v24 =	vld [tilespmem:s4+$0xFFFFFF90];
	[tilespmem:s25+$0x90] =	vst v13  }
0x278: {  	v15 =	vbroadcast v15, $0x0;
	v13 =	vadd.s32 $0x5, v22;
	v26 =	vld.idx.msk [tilespmem:v20+s21+$0x0], $0xffff  }
0x279: {  	[tilespmem:s25+$0x0] =	vst v17;
	v13 =	vbroadcast v13, $0x0;
	v17 =	vld [tilespmem:s4+$0xA0]  }
0x27a: {  	v14 =	vld [tilespmem:s4+$0x10]  }
0x27b: {  	v32 =	vld.idx.msk [tilespmem:v32+s21+$0x0], $0xffff;
	v19 =	vmul.f32 v21, v19  }
0x27c: {  	v20 =	vld.idx.msk [tilespmem:v35+s21+$0x0], $0xffff;
	v21 =	vmul.f32 v24, v18  }
0x27d: {  	v24 =	vmul.f32 v27, v5;
	v27 =	vld [tilespmem:s1+$0xFFFFFF40];
	[tilespmem:s25+$0xFFFFFF10] =	vst v19  }
0x27e: {  	[tilespmem:s25+$0xFFFFFF90] =	vst v21;
	v18 =	vld.idx.msk [tilespmem:v15+s21+$0x0], $0xffff;
	v15 =	vmul.f32 v17, v26  }
0x27f: {  	[tilespmem:s30+$0xFFFFFFE0] =	vst v24;
	v19 =	vld.idx.msk [tilespmem:v13+s21+$0x0], $0xffff;
	v13 =	vmul.f32 v14, v34  }
0x280: {  	v9 =	vadd.s32 $0x7, v9;
	v17 =	vld [tilespmem:s4+$0xFFFFFFA0];
	v14 =	vmul.f32 v29, v7;
	[tilespmem:s25+$0xA0] =	vst v15  }
0x281: {  	v24 =	vmul.f32 v31, v6;
	v15 =	vadd.s32 $0x3, v11;
	v11 =	vbroadcast v9, $0x0;
	[tilespmem:s25+$0x10] =	vst v13;
	v13 =	vld [tilespmem:s4+$0xB0]  }
0x282: {  	v9 =	vbroadcast v15, $0x0;
	[tilespmem:s30+$0x60] =	vst v14;
	v14 =	vmul.f32 v25, v61;
	v21 =	vld.idx.msk [tilespmem:v12+s21+$0x0], $0xffff;
	v12 =	vadd.s32 $0x6, v8  }
0x283: {  	v10 =	vadd.s32 $0x3, v10;
	[tilespmem:s30+$0xFFFFFF60] =	vst v24;
	v15 =	vmul.f32 v23, v32;
	v25 =	vld [tilespmem:s4+$0x20];
	v29 =	vbroadcast v12, $0x0  }
0x284: {  	v10 =	vbroadcast v10, $0x0;
	[tilespmem:s3+$0xFFFFFFC0] =	vst v14;
	v14 =	vmul.f32 v27, v20;
	v27 =	vld [tilespmem:s4+$0xFFFFFF20]  }
0x285: {  	v16 =	vmul.f32 v33, v16;
	[tilespmem:s3+$0x40] =	vst v15;
	v15 =	vmul.f32 v17, v19;
	v31 =	vld [tilespmem:s1+$0xFFFFFFD0]  }
0x286: {  	v23 =	vadd.s32 $0x2, v28;
	v12 =	vadd.s32 $0x6, v22;
	v63 =	vld [tilespmem:s1+$0x50];
	[tilespmem:s3+$0xFFFFFF40] =	vst v14;
	v26 =	vmul.f32 v13, v26  }
0x287: {  	v17 =	vadd.s32 $0x2, v30;
	v12 =	vbroadcast v12, $0x0;
	v13 =	vbroadcast v23, $0x0;
	[tilespmem:s25+$0xFFFFFFA0] =	vst v15;
	v23 =	vld [tilespmem:s1+$0xFFFFFF50]  }
0x288: {  	v22 =	vadd.s32 $0x7, v22;
	v14 =	vbroadcast v17, $0x0;
	v24 =	vld [tilespmem:s4+$0xFFFFFFB0];
	v25 =	vmul.f32 v25, v21;
	[tilespmem:s25+$0xB0] =	vst v26  }
0x289: {  	[tilespmem:s3+$0xF0] =	vst v16;
	v30 =	vadd.s32 $0x3, v30;
	v17 =	vbroadcast v22, $0x0;
	v27 =	vmul.f32 v27, v18;
	v22 =	vld.idx.msk [tilespmem:v29+s21+$0x0], $0xffff  }
0x28a: {  	s2 =	simm.s32 $0x5C80;
	s12 =	simm.s32 $0x8;
	v16 =	vbroadcast v30, $0x0;
	v15 =	vadd.s32 $0x3, v28;
	[tilespmem:s25+$0x20] =	vst v25;
	v26 =	vld [tilespmem:s4+$0xC0];
	v28 =	vmul.f32 v31, v61  }
0x28b: {  	s13 =	simm.s32 $0x30;
	s18 =	smov.u32 s22;
	s17 =	smov.u32 s24;
	v15 =	vbroadcast v15, $0x0;
	[tilespmem:s25+$0xFFFFFF20] =	vst v27;
	v25 =	vld [tilespmem:s4+$0x30];
	v27 =	vmul.f32 v63, v32  }
.LBB2_17:
0x28c: {  	v29 =	vmov s13;
	s14 =	sadd.s32 $0x4, s13;
	s15 =	sadd.s32 $0xC, s13;
	s12 =	sadd.s32 $0x4, s12;
	v30 =	vld [tilespmem:s4+$0xFFFFFF30];
	v20 =	vmul.f32 v23, v20;
	[tilespmem:s3+$0xFFFFFFD0] =	vst v28  }
0x28d: {  	v23 =	vshrl.u32 v29, $0x3;
	v28 =	vmov s14;
	s14 =	sadd.s32 $0x8, s13;
	v29 =	vmov s15;
	p0 =	slt.u32 s12, $0x4C;
	v31 =	vld.idx.msk [tilespmem:v11+s21+$0x0], $0xffff;
	[tilespmem:s3+$0x50] =	vst v27;
	v11 =	vmovc v17  }
0x28e: {  	v17 =	vshrl.u32 v28, $0x3;
	v27 =	vmov s14;
	v28 =	vshrl.u32 v29, $0x3;
	[tilespmem:s3+$0xFFFFFF50] =	vst v20;
	v20 =	vld [tilespmem:s1+$0xFFFFFFE0]  }
0x28f: {  	v17 =	vshll.u32 v17, v2;
	v28 =	vshll.u32 v28, v2;
	v26 =	vmul.f32 v26, v22;
	v29 =	vld.idx.msk [tilespmem:v9+s21+$0x0], $0xffff  }
0x290: {  	v27 =	vshrl.u32 v27, $0x3;
	v9 =	vmovc v15;
	v32 =	vadd.s32 $0x4, v17;
	v33 =	vadd.s32 $0x4, v28;
	v34 =	vld.idx.msk [tilespmem:v10+s21+$0x0], $0xffff;
	v10 =	vmovc v16  }
0x291: {  	v15 =	vshll.u32 v23, v2;
	v16 =	vshll.u32 v27, v2;
	v27 =	vbroadcast v33, $0x0;
	[tilespmem:s25+$0xC0] =	vst v26;
	v26 =	vld [tilespmem:s1+$0x60]  }
0x292: {  	v23 =	vadd.s32 $0x5, v17;
	v32 =	vbroadcast v32, $0x0;
	v33 =	vbroadcast v16, $0x0;
	v35 =	vld [tilespmem:s4+$0xD0]  }
0x293: {  	v38 =	vadd.s32 $0x7, v8;
	v36 =	vbroadcast v15, $0x0;
	v8 =	vmovc v28;
	v37 =	vadd.s32 $0x1, v16;
	v39 =	vld [tilespmem:s1+$0xFFFFFF60]  }
0x294: {  	v38 =	vbroadcast v38, $0x0;
	v28 =	vadd.s32 $0x1, v15;
	v40 =	vbroadcast v23, $0x0;
	v41 =	vld [tilespmem:s31+$0xFFFFFFF0]  }
0x295: {  	v42 =	vadd.s32 $0x6, v17;
	v28 =	vbroadcast v28, $0x0;
	v23 =	vbroadcast v37, $0x0;
	v37 =	vld [tilespmem:s31+$0x70]  }
0x296: {  	v19 =	vmul.f32 v24, v19;
	v21 =	vmul.f32 v25, v21;
	v43 =	vadd.s32 $0x2, v16;
	v24 =	vld [tilespmem:s31+$0xFFFFFF70];
	s31 =	smov.u32 s1;
	s1 =	smov.u32 s4  }
0x297: {  	v25 =	vadd.s32 $0x2, v15;
	v18 =	vmul.f32 v30, v18;
	s4 =	sadd.s32 $0x200, s4;
	v27 =	vld.idx.msk [tilespmem:v27+s21+$0x0], $0xffff;
	v22 =	vmul.f32 v35, v22  }
0x298: {  	v17 =	vadd.s32 $0x7, v17;
	v30 =	vbroadcast v42, $0x0;
	v35 =	vbroadcast v43, $0x0;
	v42 =	vld [tilespmem:s4+$0x80];
	[tilespmem:s25+$0xFFFFFFB0] =	vst v19  }
0x299: {  	v19 =	vbroadcast v25, $0x0;
	v25 =	vadd.s32 $0x3, v15;
	v15 =	vadd.s32 $0x3, v16;
	v32 =	vld.idx.msk [tilespmem:v32+s21+$0x0], $0xffff;
	[tilespmem:s25+$0xD0] =	vst v22  }
0x29a: {  	v17 =	vbroadcast v17, $0x0;
	v15 =	vbroadcast v15, $0x0;
	[tilespmem:s25+$0x30] =	vst v21;
	v21 =	vld.idx.msk [tilespmem:v38+s21+$0x0], $0xffff  }
0x29b: {  	v20 =	vmul.f32 v20, v31;
	v16 =	vbroadcast v25, $0x0;
	[tilespmem:s25+$0xFFFFFF30] =	vst v18;
	v18 =	vld [tilespmem:s1+$0xE0]  }
0x29c: {  	v26 =	vmul.f32 v26, v29;
	v25 =	vmul.f32 v39, v34;
	v22 =	vld.idx.msk [tilespmem:v33+s21+$0x0], $0xffff  }
0x29d: {  	v33 =	vld.idx.msk [tilespmem:v36+s21+$0x0], $0xffff;
	v36 =	vmul.f32 v42, v27;
	[tilespmem:s3+$0xFFFFFFE0] =	vst v20;
	v20 =	vmul.f32 v41, v5;
	v5 =	vmov v31  }
0x29e: {  	s25 =	sadd.s32 $0x200, s25;
	v24 =	vmul.f32 v24, v6;
	v6 =	vmovc v34;
	v31 =	vld [tilespmem:s4+$0xFFFFFF00];
	[tilespmem:s3+$0x60] =	vst v26;
	v26 =	vmul.f32 v37, v7;
	v7 =	vmov v29  }
0x29f: {  	v29 =	vld [tilespmem:s4+$0xFFFFFF80];
	[tilespmem:s25+$0x80] =	vst v36  }
0x2a0: {  	v34 =	vld [tilespmem:s4+$0x90];
	v18 =	vmul.f32 v18, v21;
	[tilespmem:s3+$0xFFFFFF60] =	vst v25  }
0x2a1: {  	v36 =	vadd.s32 $0x5, v8;
	v25 =	vld [tilespmem:s4+$0x0];
	[tilespmem:s30+$0xFFFFFFF0] =	vst v20  }
0x2a2: {  	v20 =	vbroadcast v36, $0x0;
	v36 =	vld.idx.msk [tilespmem:v12+s21+$0x0], $0xffff;
	[tilespmem:s2+$0xE0] =	vst v18;
	v12 =	vmov v30  }
0x2a3: {  	v18 =	vmul.f32 v31, v33;
	v30 =	vld [tilespmem:s1+$0xF0];
	[tilespmem:s30+$0x70] =	vst v26  }
0x2a4: {  	v26 =	vmul.f32 v29, v32;
	v29 =	vld [tilespmem:s1+$0xFFFFFFC0];
	[tilespmem:s30+$0xFFFFFF70] =	vst v24;
	s30 =	smov.u32 s3;
	s3 =	smov.u32 s2;
	s2 =	smov.u32 s25  }
0x2a5: {  	[tilespmem:s25+$0xFFFFFF00] =	vst v18;
	v18 =	vmul.f32 v34, v27;
	v27 =	vld.idx.msk [tilespmem:v13+s21+$0x0], $0xffff;
	v13 =	vmov v35  }
0x2a6: {  	v24 =	vld [tilespmem:s4+$0xFFFFFF10];
	[tilespmem:s25+$0xFFFFFF80] =	vst v26;
	v25 =	vmul.f32 v25, v22  }
0x2a7: {  	v26 =	vld [tilespmem:s4+$0xFFFFFF90];
	[tilespmem:s25+$0x90] =	vst v18  }
0x2a8: {  	[tilespmem:s25+$0x0] =	vst v25;
	v25 =	vld.idx.msk [tilespmem:v20+s21+$0x0], $0xffff;
	v18 =	vmul.f32 v30, v21  }
0x2a9: {  	v21 =	vld [tilespmem:s4+$0xA0];
	v29 =	vmul.f32 v29, v36  }
0x2aa: {  	v30 =	vld [tilespmem:s4+$0x10];
	[tilespmem:s3+$0xF0] =	vst v18  }
0x2ab: {  	v18 =	vmul.f32 v24, v33;
	v20 =	vld.idx.msk [tilespmem:v14+s21+$0x0], $0xffff;
	[tilespmem:s3+$0xFFFFFFC0] =	vst v29;
	v14 =	vmov v19  }
0x2ac: {  	v19 =	vmul.f32 v26, v32;
	v24 =	vld [tilespmem:s1+$0x40]  }
0x2ad: {  	[tilespmem:s25+$0xFFFFFF10] =	vst v18;
	v26 =	vld [tilespmem:s1+$0xFFFFFF40]  }
0x2ae: {  	v18 =	vld.idx.msk [tilespmem:v28+s21+$0x0], $0xffff;
	[tilespmem:s25+$0xFFFFFF90] =	vst v19;
	v21 =	vmul.f32 v21, v25  }
0x2af: {  	v19 =	vld.idx.msk [tilespmem:v40+s21+$0x0], $0xffff;
	v22 =	vmul.f32 v30, v22  }
0x2b0: {  	v28 =	vld [tilespmem:s4+$0xFFFFFFA0];
	[tilespmem:s25+$0xA0] =	vst v21  }
0x2b1: {  	[tilespmem:s25+$0x10] =	vst v22;
	v22 =	vld [tilespmem:s4+$0xB0];
	v24 =	vmul.f32 v24, v27  }
0x2b2: {  	v21 =	vld.idx.msk [tilespmem:v23+s21+$0x0], $0xffff;
	v23 =	vadd.s32 $0x6, v8;
	v26 =	vmul.f32 v26, v20  }
0x2b3: {  	v29 =	vld [tilespmem:s4+$0x20];
	v30 =	vbroadcast v23, $0x0;
	[tilespmem:s3+$0x40] =	vst v24  }
0x2b4: {  	v31 =	vld [tilespmem:s4+$0xFFFFFF20];
	[tilespmem:s3+$0xFFFFFF40] =	vst v26  }
0x2b5: {  	v23 =	vmul.f32 v28, v19;
	v28 =	vld [tilespmem:s1+$0xFFFFFFD0]  }
0x2b6: {  	v22 =	vmul.f32 v22, v25;
	v32 =	vld [tilespmem:s1+$0x50]  }
.Ltmp14:
0x2b7: {  	[tilespmem:s25+$0xFFFFFFA0] =	vst v23;
	v23 =	vld [tilespmem:s1+$0xFFFFFF50];
	(pc) =	sbr.rel @p0 .LBB2_17-.Ltmp14, $4  }
0x2b8: {  	v24 =	vld [tilespmem:s4+$0xFFFFFFB0];
	v25 =	vmul.f32 v29, v21;
	[tilespmem:s25+$0xB0] =	vst v22  }
0x2b9: {  	v29 =	vmul.f32 v31, v18;
	v22 =	vld.idx.msk [tilespmem:v30+s21+$0x0], $0xffff  }
0x2ba: {  	[tilespmem:s25+$0x20] =	vst v25;
	v26 =	vld [tilespmem:s4+$0xC0];
	v28 =	vmul.f32 v28, v36  }
0x2bb: {  	s13 =	sadd.s32 $0x10, s13;
	[tilespmem:s25+$0xFFFFFF20] =	vst v29;
	v25 =	vld [tilespmem:s4+$0x30];
	v27 =	vmul.f32 v32, v27  }
0x2bc: {  	_ = 	snop  }
0x2bd: {  	v29 =	vld [tilespmem:s4+$0xFFFFFF30]  }
0x2be: {  	v49 =	vld [tilespmem:s31+$0xFFFFFFF0];
	v19 =	vmul.f32 v24, v19  }
0x2bf: {  	[tilespmem:s3+$0xFFFFFFD0] =	vst v28;
	v50 =	vld [tilespmem:s31+$0x70]  }
0x2c0: {  	v11 =	vld.idx.msk [tilespmem:v11+s21+$0x0], $0xffff;
	[tilespmem:s25+$0xFFFFFFB0] =	vst v19;
	v21 =	vmul.f32 v25, v21  }
0x2c1: {  	v12 =	vld.idx.msk [tilespmem:v12+s21+$0x0], $0xffff  }
0x2c2: {  	v19 =	vld [tilespmem:s4+$0xFFFFFFC0];
	v18 =	vmul.f32 v29, v18;
	[tilespmem:s25+$0x30] =	vst v21  }
0x2c3: {  	v13 =	vld.idx.msk [tilespmem:v13+s21+$0x0], $0xffff  }
0x2c4: {  	[tilespmem:s25+$0xFFFFFF30] =	vst v18;
	v39 =	vld [tilespmem:s4+$0x40]  }
0x2c5: {  	v40 =	vmul.f32 v26, v22;
	v14 =	vld.idx.msk [tilespmem:v14+s21+$0x0], $0xffff  }
0x2c6: {  	v41 =	vld [tilespmem:s4+$0xFFFFFF40]  }
0x2c7: {  	v37 =	vld [tilespmem:s1+$0xFFFFFFE0];
	[tilespmem:s25+$0xC0] =	vst v40;
	v42 =	vmul.f32 v19, v12  }
0x2c8: {  	[tilespmem:s3+$0x50] =	vst v27;
	v43 =	vld [tilespmem:s4+$0xD0]  }
0x2c9: {  	v8 =	vadd.s32 $0x7, v8;
	v9 =	vld.idx.msk [tilespmem:v9+s21+$0x0], $0xffff;
	[tilespmem:s2+$0xFFFFFFC0] =	vst v42;
	v45 =	vmul.f32 v39, v13  }
0x2ca: {  	v38 =	vmul.f32 v23, v20;
	v8 =	vbroadcast v8, $0x0;
	v47 =	vld [tilespmem:s4+$0xFFFFFFD0]  }
0x2cb: {  	v44 =	vld [tilespmem:s1+$0x60];
	v46 =	vmul.f32 v41, v14;
	[tilespmem:s2+$0x40] =	vst v45  }
0x2cc: {  	[tilespmem:s3+$0xFFFFFF50] =	vst v38;
	v18 =	vld [tilespmem:s4+$0x50]  }
0x2cd: {  	v10 =	vld.idx.msk [tilespmem:v10+s21+$0x0], $0xffff;
	v19 =	vmul.f32 v43, v22;
	[tilespmem:s2+$0xFFFFFF40] =	vst v46  }
0x2ce: {  	v20 =	vld [tilespmem:s4+$0xFFFFFF50]  }
0x2cf: {  	v48 =	vld [tilespmem:s1+$0xFFFFFF60];
	[tilespmem:s25+$0xD0] =	vst v19;
	v12 =	vmul.f32 v47, v12  }
0x2d0: {  	v8 =	vld.idx.msk [tilespmem:v8+s21+$0x0], $0xffff  }
0x2d1: {  	v19 =	vld [tilespmem:s4+$0xE0];
	[tilespmem:s2+$0xFFFFFFD0] =	vst v12;
	v13 =	vmul.f32 v18, v13  }
0x2d2: {  	v52 =	vld.idx.msk [tilespmem:v17+s21+$0x0], $0xffff  }
0x2d3: {  	v53 =	vld [tilespmem:s4+$0xFFFFFFE0];
	v51 =	vmul.f32 v20, v14;
	[tilespmem:s2+$0x50] =	vst v13  }
0x2d4: {  	v5 =	vmul.f32 v49, v5;
	v55 =	vld.idx.msk [tilespmem:v15+s21+$0x0], $0xffff  }
0x2d5: {  	v7 =	vmul.f32 v50, v7;
	[tilespmem:s2+$0xFFFFFF50] =	vst v51;
	v58 =	vld [tilespmem:s4+$0x60]  }
0x2d6: {  	v54 =	vmul.f32 v37, v11;
	[tilespmem:s30+$0xFFFFFFF0] =	vst v5;
	v16 =	vld.idx.msk [tilespmem:v16+s21+$0x0], $0xffff  }
0x2d7: {  	v56 =	vmul.f32 v44, v9;
	[tilespmem:s30+$0x70] =	vst v7;
	v60 =	vld [tilespmem:s4+$0xFFFFFF60]  }
0x2d8: {  	v61 =	vld [tilespmem:s31+$0xFFFFFF70];
	[tilespmem:s3+$0xFFFFFFE0] =	vst v54;
	v59 =	vmul.f32 v48, v10  }
0x2d9: {  	[tilespmem:s3+$0x60] =	vst v56;
	v5 =	vld [tilespmem:s1+$0xFFFFFFF0];
	v57 =	vmul.f32 v19, v8  }
0x2da: {  	[tilespmem:s3+$0xFFFFFF60] =	vst v59;
	v7 =	vld [tilespmem:s1+$0x70];
	v13 =	vmul.f32 v53, v52  }
0x2db: {  	v19 =	vld [tilespmem:s1+$0xFFFFFF70];
	[tilespmem:s2+$0xE0] =	vst v57;
	v18 =	vmul.f32 v58, v55  }
0x2dc: {  	v17 =	vld [tilespmem:s4+$0xF0];
	[tilespmem:s2+$0xFFFFFFE0] =	vst v13;
	v15 =	vmul.f32 v60, v16  }
0x2dd: {  	v6 =	vmul.f32 v61, v6;
	v13 =	vld [tilespmem:s4+$0xFFFFFFF0];
	[tilespmem:s2+$0x60] =	vst v18  }
0x2de: {  	v5 =	vmul.f32 v5, v11;
	[tilespmem:s2+$0xFFFFFF60] =	vst v15;
	v62 =	vld [tilespmem:s4+$0x70]  }
0x2df: {  	[tilespmem:s30+$0xFFFFFF70] =	vst v6;
	v7 =	vmul.f32 v7, v9;
	v6 =	vld [tilespmem:s4+$0xFFFFFF70]  }
0x2e0: {  	[tilespmem:s3+$0xFFFFFFF0] =	vst v5;
	v63 =	vmul.f32 v19, v10  }
0x2e1: {  	[tilespmem:s3+$0x70] =	vst v7;
	v8 =	vmul.f32 v17, v8  }
0x2e2: {  	[tilespmem:s3+$0xFFFFFF70] =	vst v63;
	v5 =	vmul.f32 v13, v52  }
0x2e3: {  	[tilespmem:s2+$0xF0] =	vst v8;
	v7 =	vmul.f32 v62, v55  }
0x2e4: {  	[tilespmem:s2+$0xFFFFFFF0] =	vst v5;
	v6 =	vmul.f32 v6, v16  }
0x2e5: {  	[tilespmem:s2+$0x70] =	vst v7  }
0x2e6: {  	s31 =	simm.s32 $0x5780;
	s30 =	smul.u32 $0x50, s23;
	[tilespmem:s2+$0xFFFFFF70] =	vst v6  }
0x2e7: {  	[spmem:s7] =	stream.indirect.scatter.add.f32 [tilespmem:s31], [sflag:$0x4], $0x80, s0, s29, $0xb8;
	[tilespmem:$0x1FF80] =	vst v63  }
0x2e8: {  	s1 =	sadd.s32 s20, s30;
	_ =	swait.ge [sflag:s28], $0x2800  }
0x2e9: {  	s1 =	sshrl.u32 s1, $0x1;
	[sflag:s28] =	ssyncset.done $0x0  }
0x2ea: {  	s1 =	sadd.s32 s18, s1;
	[sflag:s28] =	ssyncadd.s32 $0xFFFFD800  }
0x2eb: {  	[hbm4b:s1+s5] =	stream.linear.scatter [tilespmem:s21], [sflag:$0x4], $0x140, $0x38;
	[tilespmem:$0x1FF80] =	vst v63  }
0x2ec: {  	_ =	swait.ge [sflag:s28], $0x140  }
0x2ed: {  	p0 =	sgt.u32 s26, $0x3C;
	s1 =	rddreg [dreg:$0x11]  }
0x2ee: {  	s1 =	sadd.s32 @!p0 s10, s1  }
0x2ef: {  	s4 =	simm.s32 @!p0 $0x0;
	[sflag:s28] =	ssyncset.done $0x0;
	s2 =	sshrl.u32 @!p0 s1, $0x3  }
0x2f0: {  	[sflag:s28] =	ssyncadd.s32 $0xFFFFFEC0;
	s10 =	simm.s32 @!p0 $0x29E0;
	s3 =	sadd.s32 @!p0 s8, s2  }
0x2f1: {  	[tilespmem:s10], [sflag:$0x4] =	stream.linear.gather @!p0 [hbm4b:s3+s4], $0x50, $0x38;
	[tilespmem:$0x1FF80] =	vst v63  }
0x2f2: {  	s3 =	simm.s32 @!p0 $0x4  }
0x2f3: {  	_ =	swait.ge @!p0 [sflag:s3], $0x50  }
0x2f4: {  	[sflag:s3] =	ssyncset.done @!p0 $0x0  }
0x2f5: {  	s2 =	sadd.s32 @!p0 s11, s2;
	s10 =	simm.s32 @!p0 $0x2A30;
	[sflag:s3] =	ssyncadd.s32 @!p0 $0xFFFFFFB0  }
0x2f6: {  	[tilespmem:s10], [sflag:$0x4] =	stream.linear.gather @!p0 [hbm4b:s2+s4], $0x50, $0x38;
	[tilespmem:$0x1FF80] =	vst v63  }
0x2f7: {  	_ =	swait.ge @!p0 [sflag:s3], $0x50  }
0x2f8: {  	s22 =	smov.u32 s7;
	s1 =	sshrl.u32 @!p0 s1, $0x1;
	[sflag:s3] =	ssyncset.done @!p0 $0x0  }
0x2f9: {  	s1 =	sadd.s32 @!p0 s17, s1;
	s2 =	simm.s32 @!p0 $0x5280;
	[sflag:s3] =	ssyncadd.s32 @!p0 $0xFFFFFFB0  }
0x2fa: {  	[tilespmem:s2], [sflag:$0x4] =	stream.linear.gather @!p0 [hbm4b:s1+s4], $0x140, $0x38;
	[tilespmem:$0x1FF80] =	vst v63  }
.Ltmp15:
0x2fb: {  	s24 =	smov.u32 s20;
	_ =	swait.ge @!p0 [sflag:s3], $0x140;
	(pc) =	sbr.rel .LBB2_19-.Ltmp15, $4  }
0x2fc: {  	s20 =	smov.u32 s6;
	s7 =	smov.u32 s8;
	[sflag:s3] =	ssyncset.done @!p0 $0x0  }
0x2fd: {  	s1 =	simm.s32 @!p0 $0x50;
	s2 =	simm.s32 @!p0 $0x2A80;
	[sflag:s3] =	ssyncadd.s32 @!p0 $0xFFFFFEC0  }
0x2fe: {  	[tilespmem:s2], [sflag:$0x2] =	stream.indirect.gather @!p0 [hbm4b:s6+s1], $0x80, s10, s1, $0xb8;
	[tilespmem:$0x1FF80] =	vst v63  }
0x2ff: {  	s8 =	smov.u32 s11;
	s11 =	rddreg [dreg:$0x10];
	s6 =	simm.s32 $0x28A0  }
.LBB2_21:
0x300: {  	_ =	sfence.sel $0x180000  }
0x301: {  	[bflag:$0x0] =	sbarrier.arrive $0xFFFF  }
0x302: {  	_ =	strace $0x9000004A  }
0x303: {  	s0 =	stileid.u32;
	[bflag:$0x2] =	sbarrier.arrive $0xFFFF  }
0x304: {  	p0 =	sne.s32 s0, $0x0;
	s0 =	rddreg [dreg:$0x4]  }
0x305: {  	s0 =	sadd.s32 @!p0 $0x100000, s0  }
0x306: {  	[sflag:s0] =	ssyncadd.tile.s32 @!p0 $0x1;
	_ =	shalt  }
.Lfunc_end2:
_tile_overlayer_lowered:
.L_overlay_start_2:
0x307: {  	(tag) =	ssettag $0x2  }
0x308: {  	s0 =	rddreg [dreg:$0x0];
	s2 =	stileid.u32  }
0x309: {  	s1 =	rddreg [dreg:$0x1];
	p0 =	sne.s32 s2, $0x0  }
0x30a: {  	s3 =	rddreg [dreg:$0x2];
	[bflag:$0x3] =	sbarrier.arrive $0xFFFF;
	s2 =	simm.s32 @!p0 $0x1C04  }
0x30b: {  	[timem:s3], [sflag:s2] =	dma.local @!p0 [hbm:s0], s1  }
0x30c: {  	s0 =	simm.s32 @!p0 $0x4  }
0x30d: {  	_ =	swait.ge @!p0 [sflag:s0], s1  }
0x30e: {  	s1 =	ssub.s32 @!p0 $0x0, s1;
	[sflag:s0] =	ssyncset.done @!p0 $0x0  }
0x30f: {  	[sflag:s0] =	ssyncadd.s32 @!p0 s1  }
0x310: {  	[bflag:$0x3] =	sbarrier.arrive $0xFFFF  }
0x311: {  	_ =	shalt  }

// kernel: kernel.7.cloned.1.call-start
scs
__scs_entry_jumppad:
0x0: {  	(pc) =	sbr.rel $0x88, $3  }
0x1: {  	(tag) =	ssettag $0x0;
	lr =	simm.s32 $0x1  }
0x2: {  	[smem:$0x3F9C] =	sst lr;
	_ =	strace $0xD0000000  }
0x3: {  	_ = 	snop  }
0x4: {  	_ = 	snop  }
0x5: {  	_ = 	snop  }
0x6: {  	_ = 	snop  }
0x7: {  	_ = 	snop  }
__scs_overlays_trampoline_lowered:
0x8: {  	[smem:$0x3FAB] =	sst s0  }
0x9: {  	[smem:$0x3FAC] =	sst s1  }
0xa: {  	[smem:$0x3FAD] =	sst s2  }
0xb: {  	[smem:$0x3FAE] =	sst s3  }
0xc: {  	[smem:$0x3FAF] =	sst s4  }
0xd: {  	[smem:$0x3FB0] =	sst s5  }
0xe: {  	[smem:$0x3FB1] =	sst s6  }
0xf: {  	[smem:$0x3FB2] =	sst s7  }
0x10: {  	[smem:$0x3FB3] =	sst s8  }
0x11: {  	[smem:$0x3FB4] =	sst s9;
	s0 =	simm.s32 @!p0 $0x0  }
0x12: {  	s1 =	sld [smem:$0x3F9A];
	s0 =	simm.s32 @p0 $0x1  }
0x13: {  	[smem:$0x3FB5] =	sst s0;
	s0 =	simm.s32 @!p1 $0x0  }
0x14: {  	s2 =	sld [smem:$0x3F99];
	s0 =	simm.s32 @p1 $0x1  }
0x15: {  	[smem:$0x3FB6] =	sst s0;
	s0 =	simm.s32 @!p2 $0x0  }
0x16: {  	s3 =	sld [smem:$0x3FDB];
	s0 =	simm.s32 @p2 $0x1  }
0x17: {  	s4 =	simm.s32 $0x1BF5;
	[smem:$0x3FB8] =	sst s0  }
0x18: {  	s0 =	sld [smem:$0x3F9B];
	_ =	swait.ge [sflag:s4], $0x0  }
0x19: {  	s7 =	sld [smem:$0x3F9C]  }
0x1a: {  	s8 =	sadd.s32 $0xFFFFE003, lr  }
0x1b: {  	s9 =	sadd.s32 $0xFFFFFEF7, lr;
	s5 =	simm.s32 $0xFFFFFFFF;
	p2 =	slt.u32 s8, $0xFFFFF086  }
0x1c: {  	p1 =	slt.u32 s9, $0xF7A;
	s5 =	simm.s32 @!p2 $0x0  }
0x1d: {  	s5 =	simm.s32 @p1 $0x1;
	p0 =	seq.s32 s7, s2  }
0x1e: {  	s7 =	smul.u32 @!p0 $0xF7A, s2;
	p2 =	seq.s32 @!p0 s5, $0x0  }
0x1f: {  	s9 =	smul.u32 $0xF7A, s1;
	s8 =	simm.s32 @!p0 $0x1BF5;
	p2 =	por !p2, p0  }
0x20: {  	[sflag:s8] =	ssyncset.s32 @!p0 $0xFFFFF086;
	s6 =	sadd.s32 @!p0 s3, s7;
	s7 =	simm.s32 @!p0 $0x108  }
0x21: {  	s3 =	sadd.s32 s3, s9;
	s6 =	sadd.s32 @!p0 $0x88, s6;
	s7 =	simm.s32 @p2 $0x1082  }
0x22: {  	[simem:s7], [sflag:s8] =	dma.local @!p0 [hbm:s6], $0xF7A  }
0x23: {  	s9 =	sor.u32 $0xD0000000, s2;
	s6 =	simm.s32 $0x108;
	_ =	swait.ge @!p0 [sflag:s8], $0x0  }
0x24: {  	s3 =	sadd.s32 $0x88, s3;
	s6 =	simm.s32 @!p1 $0x1082;
	[sflag:s4] =	ssyncset.s32 $0xFFFFF086  }
0x25: {  	[simem:s6], [sflag:s4] =	dma.local [hbm:s3], $0xF7A  }
0x26: {  	[smem:$0x3F9C] =	sst s1;
	(tag) =	ssettag s2;
	_ =	strace s9  }
0x27: {  	s1 =	sld [smem:$0x3FAC]  }
0x28: {  	s2 =	sld [smem:$0x3FAD]  }
0x29: {  	s4 =	sld [smem:$0x3FAF]  }
0x2a: {  	p0 =	seq.s32 s5, $0x0;
	s5 =	sld [smem:$0x3FB0]  }
0x2b: {  	s6 =	sld [smem:$0x3FB1]  }
0x2c: {  	s7 =	sld [smem:$0x3FB2]  }
0x2d: {  	s3 =	simm.s32 $0x108;
	s8 =	sld [smem:$0x3FB3]  }
0x2e: {  	s3 =	simm.s32 @!p0 $0x1082;
	s9 =	sld [smem:$0x3FB4]  }
0x2f: {  	lr =	sadd.s32 s0, s3;
	s0 =	sld [smem:$0x3FAB]  }
0x30: {  	s3 =	sld [smem:$0x3FAE]  }
0x31: {  	[smem:$0x3FB7] =	sst s10  }
0x32: {  	s10 =	sld [smem:$0x3FB5];
	_ =	sdelay $0x3  }
0x33: {  	p0 =	seq.s32 s10, $0x1;
	s10 =	sld [smem:$0x3FB7];
	_ =	sdelay $0x3  }
0x34: {  	[smem:$0x3FB7] =	sst s10  }
0x35: {  	s10 =	sld [smem:$0x3FB6];
	_ =	sdelay $0x3  }
0x36: {  	p1 =	seq.s32 s10, $0x1;
	s10 =	sld [smem:$0x3FB7];
	_ =	sdelay $0x3  }
0x37: {  	[smem:$0x3FB7] =	sst s10  }
0x38: {  	s10 =	sld [smem:$0x3FB8]  }
0x39: {  	_ = 	snop;
	(pc) =	sbr.ind lr, $3  }
0x3a: {  	_ = 	snop  }
0x3b: {  	_ = 	snop  }
0x3c: {  	p2 =	seq.s32 s10, $0x1;
	s10 =	sld [smem:$0x3FB7]  }
0x3d: {  	_ =	shalt  }
0x3e: {  	_ =	shalt  }
0x3f: {  	_ =	shalt  }
0x40: {  	_ =	shalt  }
0x41: {  	_ =	shalt  }
0x42: {  	_ =	shalt  }
0x43: {  	_ =	shalt  }
0x44: {  	_ =	shalt  }
0x45: {  	_ =	shalt  }
0x46: {  	_ =	shalt  }
0x47: {  	_ =	shalt  }
0x48: {  	_ =	shalt  }
0x49: {  	_ =	shalt  }
0x4a: {  	_ =	shalt  }
0x4b: {  	_ =	shalt  }
0x4c: {  	_ =	shalt  }
0x4d: {  	_ =	shalt  }
0x4e: {  	_ =	shalt  }
0x4f: {  	_ =	shalt  }
0x50: {  	_ =	shalt  }
0x51: {  	_ =	shalt  }
0x52: {  	_ =	shalt  }
0x53: {  	_ =	shalt  }
0x54: {  	_ =	shalt  }
0x55: {  	_ =	shalt  }
0x56: {  	_ =	shalt  }
0x57: {  	_ =	shalt  }
0x58: {  	_ =	shalt  }
0x59: {  	_ =	shalt  }
0x5a: {  	_ =	shalt  }
0x5b: {  	_ =	shalt  }
0x5c: {  	_ =	shalt  }
0x5d: {  	_ =	shalt  }
0x5e: {  	_ =	shalt  }
0x5f: {  	_ =	shalt  }
0x60: {  	_ =	shalt  }
0x61: {  	_ =	shalt  }
0x62: {  	_ =	shalt  }
0x63: {  	_ =	shalt  }
0x64: {  	_ =	shalt  }
0x65: {  	_ =	shalt  }
0x66: {  	_ =	shalt  }
0x67: {  	_ =	shalt  }
0x68: {  	_ =	shalt  }
0x69: {  	_ =	shalt  }
0x6a: {  	_ =	shalt  }
0x6b: {  	_ =	shalt  }
0x6c: {  	_ =	shalt  }
0x6d: {  	_ =	shalt  }
0x6e: {  	_ =	shalt  }
0x6f: {  	_ =	shalt  }
0x70: {  	_ =	shalt  }
0x71: {  	_ =	shalt  }
0x72: {  	_ =	shalt  }
0x73: {  	_ =	shalt  }
0x74: {  	_ =	shalt  }
0x75: {  	_ =	shalt  }
0x76: {  	_ =	shalt  }
0x77: {  	_ =	shalt  }
0x78: {  	_ =	shalt  }
0x79: {  	_ =	shalt  }
0x7a: {  	_ =	shalt  }
0x7b: {  	_ =	shalt  }
0x7c: {  	_ =	shalt  }
0x7d: {  	_ =	shalt  }
0x7e: {  	_ =	shalt  }
0x7f: {  	_ =	shalt  }
0x80: {  	_ =	shalt  }
0x81: {  	_ =	shalt  }
0x82: {  	_ =	shalt  }
0x83: {  	_ =	shalt  }
0x84: {  	_ =	shalt  }
0x85: {  	_ =	shalt  }
0x86: {  	_ =	shalt  }
0x87: {  	_ =	shalt  }
.Lfunc_end0:
.L_simem_size_0:
called_computation_lowered:
.L_overlay_start_0:
0x88: {  	s2 =	sld [smem:$0x3FD9]  }
0x89: {  	s3 =	sld [smem:$0x3FFE];
	_ =	sdelay $0x1  }
0x8a: {  	s1 =	srdreg.scid  }
0x8b: {  	s0 =	sand.u32 $0x1, s1  }
0x8c: {  	s14 =	sshll.u32 s0, $0xA;
	s2 =	sadd.s32 s3, s2  }
0x8d: {  	s2 =	sadd.s32 s2, s14  }
0x8e: {  	[smem:$0x3FC3] =	sst s2  }
0x8f: {  	_ = 	snop  }
0x90: {  	s2 =	sld [smem:$0x3FD0];
	_ =	sdelay $0x2  }
0x91: {  	s15 =	simm.s32 $0xA;
	s4 =	simm.s32 $0x10  }
0x92: {  	[smem:s4], [sflag:s15] =	dma.local [hbm:s2], $0x1  }
0x93: {  	_ =	swait.eq [sflag:s15], $0x1  }
0x94: {  	[sflag:s15] =	ssyncset.done $0x0  }
0x95: {  	s16 =	sld [smem:$0x10];
	[sflag:s15] =	ssyncadd.s32 $0xFFFFFFFF  }
0x96: {  	s17 =	sld [smem:$0x11];
	(tm) =	ssettm $0x1  }
0x97: {  	s18 =	sld [smem:$0x3FFB];
	_ =	sdelay $0x3  }
0x98: {  	_ =	strace s18  }
0x99: {  	s4 =	sld [smem:$0x3FFC];
	_ =	sdelay $0x3  }
0x9a: {  	_ =	strace s4  }
0x9b: {  	s4 =	sld [smem:$0x3FFD];
	_ =	sdelay $0x3  }
0x9c: {  	_ =	strace s4  }
0x9d: {  	_ =	strace $0x8FFFFFFF  }
0x9e: {  	s19 =	sld [smem:$0x3FDB];
	_ =	sdelay $0x1  }
0x9f: {  	s5 =	simm.s32 $_scs_section_size  }
0xa0: {  	s6 =	simm.s32 $_size__tile_overlayer_lowered;
	s7 =	simm.s32 $_tile_overlayer_lowered  }
0xa1: {  	s22 =	simm.s32 $0x1BFF;
	s21 =	sshll.u32 s7, $0x1;
	s4 =	sadd.s32 s5, s19  }
0xa2: {  	s8 =	simm.s32 $0x0;
	s20 =	sshll.u32 s6, $0x1;
	s6 =	sadd.s32 s21, s4  }
0xa3: {  	[timem:s8], [sflag:s22] =	dma.local [hbm:s6], s20  }
0xa4: {  	_ =	swait.ge [sflag:s22], s20  }
0xa5: {  	s5 =	ssub.s32 $0x0, s20;
	[sflag:s22] =	ssyncset.done $0x0  }
0xa6: {  	[sflag:s22] =	ssyncadd.s32 s5;
	_ =	sdelay $0x1  }
0xa7: {  	s23 =	simm.s32 $0x1B8B  }
0xa8: {  	_ =	swait.ge [sflag:s23], $0x1  }
0xa9: {  	[sflag:s23] =	ssyncset.done $0x0  }
0xaa: {  	s25 =	simm.s32 $0x1B8E;
	s24 =	sld [smem:$0x3FFE];
	[sflag:s23] =	ssyncadd.s32 $0xFFFFFFFF  }
0xab: {  	s26 =	simm.s32 $execute0_lowered;
	[smem:$0x3FD2] =	sst s25  }
0xac: {  	s6 =	sshll.u32 s26, $0x1;
	_ =	strace $0x80000046;
	[dreg:$0x1] =	wrdreg $0xFFFFFFFF  }
0xad: {  	s28 =	simm.s32 $_size_execute0_lowered;
	s4 =	sadd.s32 s4, s6;
	[dreg:$0x0] =	wrdreg $0x0  }
0xae: {  	s6 =	sshll.u32 s28, $0x1;
	[dreg:$0x2] =	wrdreg s4  }
0xaf: {  	[dreg:$0x3] =	wrdreg s6  }
0xb0: {  	[dreg:$0x4] =	wrdreg $0xC0  }
0xb1: {  	_ =	task [dreg:s8], $0x5FFFF  }
0xb2: {  	[dreg:$0x1] =	wrdreg $0xFFFFFFFF  }
0xb3: {  	[dreg:$0x0] =	wrdreg $0x60  }
0xb4: {  	[dreg:$0x2] =	wrdreg s24  }
0xb5: {  	[dreg:$0x3] =	wrdreg s16  }
0xb6: {  	[dreg:$0x4] =	wrdreg s17  }
0xb7: {  	[dreg:$0x5] =	wrdreg $0xB6800  }
0xb8: {  	[dreg:$0x6] =	wrdreg $0x9  }
0xb9: {  	_ =	task.clear_ibuf [dreg:s8], $0x7FFFF;
	_ =	strace $0x90000046  }
0xba: {  	s29 =	simm.s32 $0x9;
	_ =	strace $0x80000048  }
0xbb: {  	_ =	swait.ge [sflag:s29], $0x1  }
0xbc: {  	[sflag:s29] =	ssyncadd.s32 $0xFFFFFFFF  }
0xbd: {  	_ =	strace $0x90000048  }
0xbe: {  	_ =	sfence  }
0xbf: {  	s30 =	sld [smem:$0x0];
	_ =	sdelay $0x2  }
0xc0: {  	s31 =	sshll.u32 s1, $0xD;
	s1 =	sshrl.u32 s1, $0x2  }
0xc1: {  	s3 =	sand.u32 $0x4000, s31;
	s1 =	sadd.s32 s1, s30  }
0xc2: {  	s0 =	sor.u32 s3, s0;
	s1 =	sshll.u32 s1, $0x11  }
0xc3: {  	s0 =	sor.u32 s1, s0  }
0xc4: {  	s0 =	sadd.s32 $0x8F2B, s0  }
0xc5: {  	[sflag:s0] =	ssyncadd.remote.s32 $0x1  }
0xc6: {  	_ =	sfence.sel $0xFFFF  }
0xc7: {  	[dreg:$0x0] =	wrdreg $0xFFFFFFFF;
	(pc) =	sbr.abs _section_cstart, $3  }
0xc8: {  	[dreg:$0x1] =	wrdreg $0xFFFFFFFF  }
0xc9: {  	_ =	task.clear_ibuf [dreg:s8], $0x2FFFF;
	_ =	strace $0x9FFFFFFF  }
0xca: {  	(tm) =	ssettm $0x7FFFFFFF  }
0xcb: {  	_ =	shalt  }
tec
execute0_lowered:
.L_overlay_start_1:
0x0: {  	(tag) =	ssettag $0x1  }
0x1: {  	s0 =	rddreg [dreg:$0x0]  }
0x2: {  	s1 =	rddreg [dreg:$0x1]  }
0x3: {  	s4 =	rddreg [dreg:$0x2]  }
0x4: {  	s2 =	rddreg [dreg:$0x3]  }
0x5: {  	s3 =	simm.s32 $0x0;
	s5 =	srdreg.scid;
	s14 =	stileid.u32  }
0x6: {  	s19 =	simm.s32 $0xDE80;
	s20 =	simm.s32 $0x7;
	s21 =	simm.s32 $0x50  }
0x7: {  	s28 =	simm.s32 $0x28A0;
	s29 =	simm.s32 $0x1;
	s30 =	simm.s32 $0x2  }
0x8: {  	s31 =	simm.s32 $0xAB40;
	[smem:$0x7FF] =	sst s3;
	s10 =	sand.u32 $0x1, s5  }
0x9: {  	s5 =	sadd.s32 $0x15C00, s0;
	s6 =	sadd.s32 $0x3DC00, s0;
	s11 =	smul.u32 $0xA000, s14  }
0xa: {  	s9 =	sadd.s32 $0x2000, s0;
	_ =	strace $0x80000047;
	s7 =	sshll.u32 s10, $0x4  }
0xb: {  	s12 =	ssub.s32 $0x2, s10;
	s10 =	smul.u32 $0xA000, s10;
	s8 =	sor.u32 s14, s7  }
0xc: {  	s7 =	sadd.s32 $0xBE00, s0;
	s22 =	sshrl.u32 s12, $0x1;
	s11 =	sshrl.u32 s11, $0x2  }
0xd: {  	s8 =	smul.u32 $0x2710, s8;
	s0 =	ssub.s32 s12, s22;
	s12 =	sadd.s32 s11, s2  }
0xe: {  	s14 =	smul.u32 $0xA00, s14;
	s0 =	smax.u32 s0, $0x1;
	[dreg:$0x5] =	wrdreg s12  }
0xf: {  	s13 =	sshrl.u32 s8, $0x3;
	s26 =	sadd.s32 $0xF0, s8;
	[dreg:$0xc] =	wrdreg s0  }
0x10: {  	s10 =	sadd.s32 s14, s10;
	s23 =	sadd.s32 s7, s13;
	[dreg:$0xa] =	wrdreg s26  }
0x11: {  	s10 =	sshrl.u32 s10, $0x3;
	s24 =	sadd.s32 s9, s13;
	[dreg:$0x6] =	wrdreg s23  }
0x12: {  	s25 =	sadd.s32 $0xA, s13;
	s4 =	sadd.s32 s4, s10;
	[dreg:$0x7] =	wrdreg s24  }
0x13: {  	v0 =	vimm.f32 $0.0e+00;
	vm0 =	vcmask $0x3F0C;
	v1 =	vlaneseq.u32;
	s15 =	sadd.s32 $0xA0, s8;
	s13 =	sadd.s32 s7, s25;
	[dreg:$0xb] =	wrdreg s4  }
0x14: {  	vm1 =	vcmask $0x3F08;
	vm2 =	vmmov $0x1;
	v3 =	vshrl.u32 v1, $0x2;
	s10 =	simm.s32 $0x0;
	s11 =	sadd.s32 s9, s25;
	[dreg:$0x8] =	wrdreg s13  }
0x15: {  	v2 =	vand.u32 $0x7, v1;
	v4 =	vand.u32 $0x3, v1;
	v3 =	vmul.u32 $0x10, v3;
	s25 =	simm.s32 $0xA0;
	s4 =	simm.s32 $0x3;
	[dreg:$0x9] =	wrdreg s11  }
.LBB2_1:
0x16: {  	[dreg:$0xd] =	wrdreg s10;
	s0 =	simm.s32 $0x40;
	s10 =	simm.s32 $0x0  }
.LBB2_2:
0x17: {  	p0 =	sne.s32 s0, $0x9FC0;
	[tilespmem:s10+$0xDE80] =	vst v0;
	s10 =	smov.u32 s0;
	s0 =	sadd.s32 $0x40, s0  }
.Ltmp0:
0x18: {  	(pc) =	sbr.rel @p0 .LBB2_2-.Ltmp0, $2  }
0x19: {  	_ =	sdelay $0x2  }
0x1a: {  	s10 =	sshra.s32 s10, $0x2  }
0x1b: {  	[tilespmem:s10+$0xDE80] =	vst v0  }
0x1c: {  	[spmem:s12] =	stream.linear.scatter [tilespmem:s19], [sflag:$0x7], $0x2800, $0x38;
	[tilespmem:$0x10680] =	vst v63  }
0x1d: {  	_ =	swait.ge [sflag:s20], $0x2800  }
0x1e: {  	[sflag:s20] =	ssyncset.done $0x0  }
0x1f: {  	[sflag:s20] =	ssyncadd.s32 $0xFFFFD800  }
0x20: {  	[bflag:$0x0] =	sbarrier.arrive $0xFFFF  }
0x21: {  	s13 =	simm.s32 $0x0;
	s0 =	rddreg [dreg:$0x6]  }
0x22: {  	[tilespmem:s13], [sflag:$0x7] =	stream.linear.gather [hbm4b:s0+s13], $0x50, $0x38;
	[tilespmem:$0x10680] =	vst v63  }
0x23: {  	_ =	swait.ge [sflag:s20], $0x50  }
0x24: {  	[sflag:s20] =	ssyncset.done $0x0  }
0x25: {  	s17 =	rddreg [dreg:$0x7];
	[sflag:s20] =	ssyncadd.s32 $0xFFFFFFB0  }
0x26: {  	[tilespmem:s21], [sflag:$0x7] =	stream.linear.gather [hbm4b:s17+s13], $0x50, $0x38;
	[tilespmem:$0x10680] =	vst v63  }
0x27: {  	_ =	swait.ge [sflag:s20], $0x50  }
0x28: {  	[sflag:s20] =	ssyncset.done $0x0  }
0x29: {  	[sflag:s20] =	ssyncadd.s32 $0xFFFFFFB0  }
0x2a: {  	[tilespmem:s25], [sflag:$0x1] =	stream.indirect.gather [hbm4b:s5+s21], $0x80, s13, s21, $0xb8;
	[tilespmem:$0x10680] =	vst v63  }
0x2b: {  	_ = 	snop  }
0x2c: {  	[tilespmem:s28], [sflag:$0x2] =	stream.indirect.gather [hbm4b:s6+s21], $0x80, s21, s21, $0xb8;
	[tilespmem:$0x10680] =	vst v63  }
0x2d: {  	s22 =	simm.s32 $0x55A0;
	s18 =	rddreg [dreg:$0x8]  }
0x2e: {  	[tilespmem:s22], [sflag:$0x7] =	stream.linear.gather [hbm4b:s18+s13], $0x50, $0x38;
	[tilespmem:$0x10680] =	vst v63  }
0x2f: {  	_ =	swait.ge [sflag:s20], $0x50  }
0x30: {  	[sflag:s20] =	ssyncset.done $0x0  }
0x31: {  	s11 =	simm.s32 $0x55F0;
	s23 =	rddreg [dreg:$0x9];
	[sflag:s20] =	ssyncadd.s32 $0xFFFFFFB0  }
0x32: {  	[tilespmem:s11], [sflag:$0x7] =	stream.linear.gather [hbm4b:s23+s13], $0x50, $0x38;
	[tilespmem:$0x10680] =	vst v63  }
0x33: {  	_ =	swait.ge [sflag:s20], $0x50  }
.Ltmp1:
0x34: {  	[sflag:s20] =	ssyncset.done $0x0;
	(pc) =	sbr.rel .LBB2_4-.Ltmp1, $4  }
0x35: {  	s24 =	simm.s32 $0x5640;
	[sflag:s20] =	ssyncadd.s32 $0xFFFFFFB0  }
0x36: {  	[tilespmem:s24], [sflag:$0x4] =	stream.indirect.gather [hbm4b:s5+s21], $0x80, s22, s21, $0xb8;
	[tilespmem:$0x10680] =	vst v63  }
0x37: {  	s26 =	simm.s32 $0x7E40  }
0x38: {  	[tilespmem:s26], [sflag:$0x5] =	stream.indirect.gather [hbm4b:s6+s21], $0x80, s11, s21, $0xb8;
	[tilespmem:$0x10680] =	vst v63  }
.LBB2_11:
0x39: {  	s13 =	sadd.s32 $0x1, s13  }
0x3a: {  	p0 =	sne.s32 s13, $0x3F  }
.Ltmp2:
0x3b: {  	_ = 	snop;
	(pc) =	sbr.rel @!p0 .LBB2_12-.Ltmp2, $1  }
0x3c: {  	_ =	sdelay $0x3  }
.LBB2_4:
0x3d: {  	_ =	swait.ge [sflag:s29], $0x2800  }
0x3e: {  	[sflag:s29] =	ssyncset.done $0x0  }
0x3f: {  	[sflag:s29] =	ssyncadd.s32 $0xFFFFD800  }
0x40: {  	_ =	swait.ge [sflag:s30], $0x2800  }
0x41: {  	[sflag:s30] =	ssyncset.done $0x0  }
0x42: {  	s11 =	simm.s32 $0x2A0;
	[sflag:s30] =	ssyncadd.s32 $0xFFFFD800  }
0x43: {  	v5 =	vld [tilespmem:s11+$0x180]  }
0x44: {  	s14 =	simm.s32 $0x2AA0;
	v6 =	vld [tilespmem:s11+$0x190]  }
0x45: {  	v7 =	vld [tilespmem:s14+$0x180]  }
0x46: {  	v8 =	vld [tilespmem:s14+$0x190]  }
0x47: {  	v9 =	vld [tilespmem:s11+$0x1A0]  }
0x48: {  	v10 =	vld [tilespmem:s11+$0x1B0]  }
0x49: {  	v11 =	vld [tilespmem:s14+$0x1A0]  }
0x4a: {  	v12 =	vld [tilespmem:s14+$0x1B0]  }
0x4b: {  	v13 =	vld [tilespmem:s11+$0x1C0]  }
0x4c: {  	v14 =	vld [tilespmem:s11+$0x1D0]  }
0x4d: {  	v15 =	vld [tilespmem:s11+$0x1E0]  }
0x4e: {  	v16 =	vld [tilespmem:s14+$0x1C0]  }
0x4f: {  	v17 =	vld [tilespmem:s14+$0x1D0]  }
0x50: {  	v18 =	vld [tilespmem:s11+$0x1F0]  }
0x51: {  	v19 =	vld [tilespmem:s14+$0x1E0]  }
0x52: {  	v20 =	vld [tilespmem:s14+$0x1F0]  }
0x53: {  	v21 =	vld [tilespmem:s11+$0xFFFFFE40]  }
0x54: {  	v22 =	vld [tilespmem:s11+$0xFFFFFE50]  }
0x55: {  	v23 =	vld [tilespmem:s11+$0xFFFFFE60]  }
0x56: {  	v24 =	vld [tilespmem:s11+$0xFFFFFE70]  }
0x57: {  	v25 =	vld [tilespmem:s14+$0xFFFFFE40]  }
0x58: {  	v26 =	vld [tilespmem:s14+$0xFFFFFE50]  }
0x59: {  	v27 =	vld [tilespmem:s14+$0xFFFFFE60]  }
0x5a: {  	v28 =	vld [tilespmem:s14+$0xFFFFFE70]  }
0x5b: {  	v29 =	vld [tilespmem:s11+$0xFFFFFEC0]  }
0x5c: {  	v30 =	vld [tilespmem:s11+$0xFFFFFED0]  }
0x5d: {  	v31 =	vld [tilespmem:s11+$0xFFFFFEE0]  }
0x5e: {  	v32 =	vld [tilespmem:s11+$0xFFFFFEF0]  }
0x5f: {  	v33 =	vld [tilespmem:s14+$0xFFFFFEC0]  }
0x60: {  	v34 =	vld [tilespmem:s14+$0xFFFFFED0]  }
0x61: {  	v54 =	vld [tilespmem:s11+$0xD0]  }
0x62: {  	v5 =	vmul.f32 v7, v5;
	v6 =	vmul.f32 v8, v6;
	v7 =	vld [tilespmem:s14+$0xFFFFFEE0]  }
0x63: {  	v8 =	vmul.f32 v11, v9;
	v9 =	vmul.f32 v12, v10;
	v10 =	vld [tilespmem:s14+$0xFFFFFEF0]  }
0x64: {  	v12 =	vld [tilespmem:s11+$0xFFFFFF40]  }
0x65: {  	v11 =	vmul.f32 v17, v14;
	v14 =	vld [tilespmem:s14+$0xFFFFFF70];
	v5 =	vadd.f32 v6, v5  }
0x66: {  	v17 =	vld [tilespmem:s11+$0xFFFFFFE0];
	v6 =	vmul.f32 v16, v13;
	v8 =	vadd.f32 v9, v8  }
0x67: {  	v23 =	vmul.f32 v27, v23;
	v24 =	vmul.f32 v28, v24;
	v27 =	vld [tilespmem:s11+$0x60];
	(xrf2) =	vadd.scan.msk.f32 $0xffff, v5  }
0x68: {  	v28 =	vld [tilespmem:s11+$0x70];
	v5 =	vadd.f32 v11, v6;
	v6 =	vmul.f32 v19, v15;
	v11 =	vmul.f32 v20, v18;
	(xrf2) =	vadd.scan.msk.f32 $0xffff, v8  }
0x69: {  	v9 =	vld [tilespmem:s11+$0xFFFFFF50]  }
0x6a: {  	v13 =	vld [tilespmem:s11+$0xFFFFFF60];
	(xrf2) =	vadd.scan.msk.f32 $0xffff, v5;
	v5 =	vadd.f32 v11, v6  }
0x6b: {  	v16 =	vld [tilespmem:s11+$0xFFFFFFD0]  }
0x6c: {  	v15 =	vld [tilespmem:s11+$0xFFFFFFC0];
	(xrf2) =	vadd.scan.msk.f32 $0xffff, v5  }
0x6d: {  	v20 =	vld [tilespmem:s11+$0xFFFFFFF0]  }
0x6e: {  	v18 =	vmul.f32 v25, v21;
	v19 =	vmul.f32 v26, v22;
	v22 =	vld [tilespmem:s14+$0xFFFFFFC0]  }
0x6f: {  	v26 =	vmul.f32 v33, v29;
	v29 =	vld [tilespmem:s14+$0x50]  }
0x70: {  	v18 =	vadd.f32 v19, v18;
	v5 =	vld [tilespmem:s14+$0xFFFFFF60]  }
0x71: {  	v8 =	vld [tilespmem:s11+$0xFFFFFF70];
	v21, _, _ =	vpop (xrf2)  }
0x72: {  	v7 =	vmul.f32 v7, v31;
	v10 =	vmul.f32 v10, v32;
	v6 =	vld [tilespmem:s14+$0xFFFFFF40];
	v19, _, _ =	vpop (xrf2);
	(xrf2) =	vadd.scan.msk.f32 $0xffff, v18  }
0x73: {  	v23 =	vadd.f32 v24, v23;
	v11 =	vld [tilespmem:s14+$0xFFFFFF50];
	(v2sf) =	vpush v21, $0xF  }
0x74: {  	v7 =	vadd.f32 v10, v7;
	v10 =	vld [tilespmem:s11+$0xC0];
	v25, _, _ =	vpop (xrf2);
	(v2sf) =	vpush v19, $0xF  }
0x75: {  	v5 =	vmul.f32 v5, v13;
	v13 =	vld [tilespmem:s14+$0xE0];
	(xrf2) =	vadd.scan.msk.f32 $0xffff, v23;
	(v2sf) =	vpush v25, $0xF  }
0x76: {  	v8 =	vmul.f32 v14, v8;
	v21 =	vld [tilespmem:s14+$0xFFFFFFD0];
	v24, _, _ =	vpop (xrf2)  }
0x77: {  	v18 =	vld [tilespmem:s14+$0xFFFFFFF0];
	v23 =	vmul.f32 v34, v30;
	(v2sf) =	vpush v24, $0xF  }
0x78: {  	v5 =	vadd.f32 v8, v5;
	v8 =	vld [tilespmem:s14+$0xD0]  }
0x79: {  	v19 =	vld [tilespmem:s14+$0xFFFFFFE0];
	v23 =	vadd.f32 v23, v26  }
0x7a: {  	v30 =	vld [tilespmem:s14+$0x70]  }
0x7b: {  	v25 =	vld [tilespmem:s11+$0x40];
	(xrf2) =	vadd.scan.msk.f32 $0xffff, v23  }
0x7c: {  	v6 =	vmul.f32 v6, v12;
	v26 =	vld [tilespmem:s14+$0x40];
	(xrf2) =	vadd.scan.msk.f32 $0xffff, v7;
	v7 =	vmul.f32 v11, v9;
	v31, _, _ =	vpop (xrf2)  }
0x7d: {  	v24 =	vld [tilespmem:s11+$0x50];
	(v2sf) =	vpush v31, $0xF  }
0x7e: {  	v23 =	vld [tilespmem:s14+$0x60];
	v6 =	vadd.f32 v7, v6  }
0x7f: {  	v9 =	vld [tilespmem:s11+$0xE0];
	v12, _, _ =	vpop (xrf2)  }
0x80: {  	v11 =	vld [tilespmem:s11+$0xF0];
	(xrf2) =	vadd.scan.msk.f32 $0xffff, v6;
	v6 =	vmul.f32 v22, v15;
	(v2sf) =	vpush v12, $0xF;
	v12 =	vmul.f32 v21, v16  }
0x81: {  	(xrf2) =	vadd.scan.msk.f32 $0xffff, v5;
	v5 =	vld [tilespmem:s14+$0xF0]  }
0x82: {  	v7 =	vld [tilespmem:s14+$0xC0];
	v15 =	vmul.f32 v19, v17;
	v6 =	vadd.f32 v12, v6;
	v12 =	vmul.f32 v18, v20;
	s0 =	spop (v2sf)  }
0x83: {  	v17 =	vld [tilespmem:s11+$0x150];
	s10 =	spop (v2sf)  }
0x84: {  	v22 =	vmul.f32 v30, v28;
	v9 =	vmul.f32 v13, v9;
	v16 =	vld [tilespmem:s11+$0x140];
	v12 =	vadd.f32 v12, v15;
	s12 =	spop (v2sf)  }
0x85: {  	v18 =	vld [tilespmem:s11+$0x160];
	(xrf2) =	vadd.scan.msk.f32 $0xffff, v6;
	v6 =	vmul.f32 v26, v25;
	v15 =	vmul.f32 v29, v24;
	s12 =	smax.f32 s12, $-1.000000000e+01  }
0x86: {  	v20 =	vld [tilespmem:s11+$0x170];
	v14, _, _ =	vpop (xrf2);
	v5 =	vmul.f32 v5, v11;
	(xrf2) =	vadd.scan.msk.f32 $0xffff, v12;
	v12 =	vmul.f32 v23, v27;
	s16 =	spop (v2sf);
	s12 =	smin.f32 s12, $1.000000000e+01  }
0x87: {  	v21, _, _ =	vpop (xrf2);
	v11 =	vld [tilespmem:s11+$0xFFFFFE30];
	v6 =	vadd.f32 v15, v6;
	(v2sf) =	vpush v14, $0xF;
	s16 =	smax.f32 s16, $-1.000000000e+01;
	v14 =	vmov s12  }
0x88: {  	v15 =	vld [tilespmem:s14+$0x140];
	v5 =	vadd.f32 v5, v9;
	(v2sf) =	vpush v21, $0xF;
	s24 =	smin.f32 s16, $1.000000000e+01;
	v14 =	vmul.f32 $1.442695020e+00, v14  }
0x89: {  	s0 =	smax.f32 s0, $-1.000000000e+01;
	s10 =	smax.f32 s10, $-1.000000000e+01;
	v23 =	vld [tilespmem:s14+$0x150];
	(xrf2) =	vadd.scan.msk.f32 $0xffff, v6;
	v6 =	vmul.f32 v7, v10;
	v7 =	vmul.f32 v8, v54;
	v19 =	vmov s24  }
0x8a: {  	s0 =	smin.f32 s0, $1.000000000e+01;
	s10 =	smin.f32 s10, $1.000000000e+01;
	v9 =	vld [tilespmem:s14+$0xFFFFFE30];
	v12 =	vadd.f32 v22, v12;
	v19 =	vmul.f32 $1.442695020e+00, v19;
	v14 =	vbroadcast v14, $0x0  }
0x8b: {  	v21 =	vmov s10;
	v8 =	vld [tilespmem:s14+$0x160];
	v10 =	vmov s0  }
0x8c: {  	v22 =	vld [tilespmem:s14+$0x170];
	v24, _, _ =	vpop (xrf2);
	(xrf2) =	vadd.scan.msk.f32 $0xffff, v12;
	v6 =	vadd.f32 v7, v6;
	v19 =	vbroadcast v19, $0x0;
	(erf) = vpow2.f32 v14;
	s26 =	spop (v2sf)  }
0x8d: {  	v21 =	vmul.f32 $1.442695020e+00, v21;
	(v2sf) =	vpush v24, $0xF;
	v7 =	vld [tilespmem:s11+$0xFFFFFE20];
	v15 =	vmul.f32 v15, v16;
	s0 =	smax.f32 s26, $-1.000000000e+01  }
0x8e: {  	v16 =	vmul.f32 v23, v17;
	v17 =	vld [tilespmem:s11+$0xFFFFFEA0];
	v12, _, _ =	vpop (xrf2);
	(xrf2) =	vadd.scan.msk.f32 $0xffff, v6;
	(erf) = vpow2.f32 v19;
	s0 =	smin.f32 s0, $1.000000000e+01  }
0x8f: {  	v10 =	vmul.f32 $1.442695020e+00, v10;
	v6 =	vld [tilespmem:s14+$0xFFFFFE20];
	v13 =	vmov s0  }
0x90: {  	(v2sf) =	vpush v12, $0xF;
	v12 =	vbroadcast v21, $0x0;
	(xrf2) =	vadd.scan.msk.f32 $0xffff, v5;
	v5 =	vld [tilespmem:s11+$0xFFFFFEB0];
	v13 =	vmul.f32 $1.442695020e+00, v13  }
0x91: {  	v8 =	vmul.f32 v8, v18;
	v15 =	vadd.f32 v16, v15;
	v16 =	vmul.f32 v22, v20;
	v18 =	vld [tilespmem:s14+$0xFFFFFEA0];
	v14, _, _ =	vpop (xrf2)  }
0x92: {  	v10 =	vbroadcast v10, $0x0;
	v20 =	vld [tilespmem:s11+$0xFFFFFFA0];
	(v2sf) =	vpush v14, $0xF;
	v14, _, _ =	vpop (xrf2);
	v13 =	vbroadcast v13, $0x0  }
0x93: {  	s10 =	spop (v2sf);
	(erf) = vpow2.f32 v12;
	(v2sf) =	vpush v14, $0xF;
	v14 =	vld [tilespmem:s14+$0xFFFFFEB0]  }
0x94: {  	v8 =	vadd.f32 v16, v8;
	(xrf2) =	vadd.scan.msk.f32 $0xffff, v15;
	v15 =	vld [tilespmem:s11+$0xFFFFFF20];
	(erf) = vpow2.f32 v10;
	v19, _, _ =	vpop (xrf2)  }
0x95: {  	s0 =	smax.f32 s10, $-1.000000000e+01;
	v10 =	vld [tilespmem:s11+$0xFFFFFF30];
	v6 =	vmul.f32 v6, v7;
	v7 =	vmul.f32 v9, v11;
	v16 =	vpop (erf)  }
0x96: {  	(xrf2) =	vadd.scan.msk.f32 $0xffff, v8;
	v8 =	vld [tilespmem:s14+$0xFFFFFF20];
	s0 =	smin.f32 s0, $1.000000000e+01;
	(erf) = vpow2.f32 v13;
	v13, _, _ =	vpop (xrf2)  }
0x97: {  	v9 =	vld [tilespmem:s14+$0xFFFFFF30];
	v12 =	vmov s0;
	v6 =	vadd.f32 v7, v6;
	s12 =	spop (v2sf);
	(v2sf) =	vpush v19, $0xF;
	v21 =	vpop (erf)  }
0x98: {  	v7 =	vld [tilespmem:s11+$0xFFFFFFB0];
	v12 =	vmul.f32 $1.442695020e+00, v12;
	v5 =	vmul.f32 v14, v5;
	s16 =	spop (v2sf);
	(v2sf) =	vpush v13, $0xF;
	v13, _, _ =	vpop (xrf2)  }
0x99: {  	v14 =	vld [tilespmem:s14+$0xFFFFFFA0];
	s0 =	smax.f32 s12, $-1.000000000e+01;
	(v2sf) =	vpush v13, $0xF;
	v13 =	vsel vm0, v21, v16;
	v16 =	vmul.f32 v18, v17  }
0x9a: {  	v12 =	vbroadcast v12, $0x0;
	s0 =	smin.f32 s0, $1.000000000e+01;
	(xrf2) =	vadd.scan.msk.f32 $0xffff, v6;
	v6 =	vld [tilespmem:s14+$0xFFFFFFB0]  }
0x9b: {  	v8 =	vmul.f32 v8, v15;
	v11 =	vmov s0;
	s0 =	smax.f32 s16, $-1.000000000e+01;
	v5 =	vadd.f32 v5, v16  }
0x9c: {  	s22 =	simm.s32 $0x8;
	v9 =	vmul.f32 v9, v10;
	s18 =	spop (v2sf);
	v11 =	vmul.f32 $1.442695020e+00, v11;
	s0 =	smin.f32 s0, $1.000000000e+01  }
0x9d: {  	v15 =	vadd.s32 s22, v1;
	(erf) = vpow2.f32 v12;
	v17, _, _ =	vpop (xrf2);
	v12 =	vmov s0;
	s0 =	smax.f32 s18, $-1.000000000e+01  }
0x9e: {  	(v2sf) =	vpush v17, $0xF;
	v14 =	vmul.f32 v14, v20;
	v11 =	vbroadcast v11, $0x0;
	s0 =	smin.f32 s0, $1.000000000e+01  }
0x9f: {  	v10 =	vld [tilespmem:s11+$0x30];
	v12 =	vmul.f32 $1.442695020e+00, v12;
	v17 =	vmov s0;
	v6 =	vmul.f32 v6, v7;
	(xrf2) =	vadd.scan.msk.f32 $0xffff, v5;
	v5, _, _ =	vpop (xrf2)  }
0xa0: {  	v18 =	vpop (erf);
	v16 =	vld [tilespmem:s11+$0x20];
	s23 =	spop (v2sf);
	(erf) = vpow2.f32 v11;
	(v2sf) =	vpush v5, $0xF;
	v5 =	vadd.f32 v9, v8  }
0xa1: {  	v13 =	vsel vm1, v13, v18;
	v20 =	vpop (erf);
	s24 =	smax.f32 s23, $-1.000000000e+01;
	v11 =	vbroadcast v12, $0x0;
	v12 =	vld [tilespmem:s14+$0x20];
	v17 =	vmul.f32 $1.442695020e+00, v17;
	s10 =	spop (v2sf)  }
0xa2: {  	v21 =	vsel vm2, v20, v13;
	v13 =	vand.u32 $0x1F8, v15;
	v15 =	vld [tilespmem:s14+$0xB0];
	s26 =	smin.f32 s24, $1.000000000e+01;
	s12 =	spop (v2sf);
	(xrf2) =	vadd.scan.msk.f32 $0xffff, v5  }
0xa3: {  	v6 =	vadd.f32 v6, v14;
	s0 =	smax.f32 s10, $-1.000000000e+01;
	v14 =	vbroadcast v17, $0x0;
	v8 =	vld [tilespmem:s14+$0x30];
	v18, _, _ =	vpop (xrf2);
	s10 =	smax.f32 s12, $-1.000000000e+01  }
0xa4: {  	v7 =	vld [tilespmem:s11+$0xA0];
	(erf) = vpow2.f32 v11;
	v9 =	vmov s26;
	(v2sf) =	vpush v18, $0xF;
	s16 =	smin.f32 s10, $1.000000000e+01  }
0xa5: {  	v11 =	vld [tilespmem:s14+$0xA0];
	s0 =	smin.f32 s0, $1.000000000e+01;
	v9 =	vmul.f32 $1.442695020e+00, v9;
	(erf) = vpow2.f32 v14;
	v14 =	vmov s16  }
0xa6: {  	v17 =	vmov s0;
	v5 =	vld [tilespmem:s11+$0xB0];
	v12 =	vmul.f32 v12, v16;
	(xrf2) =	vadd.scan.msk.f32 $0xffff, v6;
	v14 =	vmul.f32 $1.442695020e+00, v14;
	s18 =	spop (v2sf)  }
0xa7: {  	v16, _, _ =	vpop (xrf2);
	v9 =	vbroadcast v9, $0x0;
	v6 =	vmul.f32 $1.442695020e+00, v17;
	s22 =	smax.f32 s18, $-1.000000000e+01  }
0xa8: {  	v24 =	vld [tilespmem:s14+$0xFFFFFE90];
	(v2sf) =	vpush v16, $0xF;
	v8 =	vmul.f32 v8, v10;
	v14 =	vbroadcast v14, $0x0;
	s0 =	smin.f32 s22, $1.000000000e+01  }
0xa9: {  	v18 =	vld [tilespmem:s11+$0x130];
	v6 =	vbroadcast v6, $0x0;
	(erf) = vpow2.f32 v9;
	v9 =	vmov s0  }
0xaa: {  	v16 =	vld [tilespmem:s14+$0x130];
	v11 =	vmul.f32 v11, v7;
	v8 =	vadd.f32 v8, v12;
	s24 =	spop (v2sf);
	v9 =	vmul.f32 $1.442695020e+00, v9  }
0xab: {  	v10 =	vld [tilespmem:s11+$0x120];
	v20, _, _ =	vpop (xrf2);
	(erf) = vpow2.f32 v6;
	v5 =	vmul.f32 v15, v5;
	s26 =	spop (v2sf)  }
0xac: {  	v12 =	vld [tilespmem:s14+$0x120];
	s0 =	smax.f32 s24, $-1.000000000e+01;
	(v2sf) =	vpush v20, $0xF;
	(erf) = vpow2.f32 v14;
	(xrf2) =	vadd.scan.msk.f32 $0xffff, v8;
	s10 =	smax.f32 s26, $-1.000000000e+01;
	v6 =	vbroadcast v9, $0x0;
	v14, _, _ =	vpop (xrf2)  }
0xad: {  	v23 =	vld [tilespmem:s11+$0xFFFFFE80];
	s12 =	spop (v2sf);
	s10 =	smin.f32 s10, $1.000000000e+01;
	(v2sf) =	vpush v14, $0xF  }
0xae: {  	v22 =	vld [tilespmem:s11+$0xFFFFFE10];
	s0 =	smin.f32 s0, $1.000000000e+01;
	v11 =	vadd.f32 v5, v11;
	v7 =	vmov s10  }
0xaf: {  	v20 =	vld [tilespmem:s14+$0xFFFFFE10];
	v16 =	vmul.f32 v16, v18;
	v9 =	vmov s0;
	v15 =	vmul.f32 $1.442695020e+00, v7  }
0xb0: {  	s0 =	smax.f32 s12, $-1.000000000e+01;
	v9 =	vmul.f32 $1.442695020e+00, v9;
	(xrf2) =	vadd.scan.msk.f32 $0xffff, v11;
	v7 =	vor.u32 v2, v13;
	(erf) = vpow2.f32 v6;
	v13 =	vld [tilespmem:s14+$0xFFFFFE80];
	v6, _, _ =	vpop (xrf2)  }
0xb1: {  	s23 =	simm.s32 $0x18;
	s0 =	smin.f32 s0, $1.000000000e+01;
	v10 =	vmul.f32 v12, v10;
	v14 =	vld [tilespmem:s11+$0xFFFFFE90];
	v15 =	vbroadcast v15, $0x0;
	(v2sf) =	vpush v6, $0xF  }
0xb2: {  	v29 =	vld [tilespmem:s14+$0xFFFFFF10];
	v25 =	vpop (erf);
	v17 =	vadd.s32 s23, v1;
	v5 =	vmov s0;
	v9 =	vbroadcast v9, $0x0;
	s16 =	spop (v2sf)  }
0xb3: {  	v8 =	vand.u32 $0x3F8, v17;
	v18 =	vld [tilespmem:s11+$0xFFFFFF10];
	v12 =	vpop (erf);
	v26 =	vmul.f32 $1.442695020e+00, v5;
	v10 =	vadd.f32 v16, v10;
	s0 =	smax.f32 s16, $-1.000000000e+01;
	s22 =	spop (v2sf)  }
0xb4: {  	v27 =	vld [tilespmem:s11+$0xFFFFFF00];
	v5 =	vor.u32 v2, v8;
	v28 =	vpop (erf);
	v20 =	vmul.f32 v20, v22;
	(erf) = vpow2.f32 v9;
	s0 =	smin.f32 s0, $1.000000000e+01;
	s23 =	smax.f32 s22, $-1.000000000e+01  }
0xb5: {  	v8 =	vbroadcast v26, $0x0;
	v26 =	vld [tilespmem:s14+$0xFFFFFF00];
	(erf) = vpow2.f32 v15;
	(xrf2) =	vadd.scan.msk.f32 $0xffff, v10;
	v9 =	vmov s0;
	s0 =	smin.f32 s23, $1.000000000e+01;
	v15 =	vpop (erf)  }
0xb6: {  	v13 =	vmul.f32 v13, v23;
	v14 =	vmul.f32 v24, v14;
	v11, _, _ =	vpop (xrf2);
	v16 =	vmov s0  }
0xb7: {  	v55 =	vld [tilespmem:s14+$0xFFFFFF80];
	s18 =	simm.s32 $0x0;
	v12 =	vsel vm0, v12, v25;
	v9 =	vmul.f32 $1.442695020e+00, v9;
	v30 =	vpop (erf);
	v16 =	vmul.f32 $1.442695020e+00, v16  }
0xb8: {  	v57 =	vld [tilespmem:s14+$0xFFFFFF90];
	v18 =	vmul.f32 v29, v18;
	v6 =	vor.u32 s18, v1;
	s12 =	spop (v2sf);
	(v2sf) =	vpush v11, $0xF;
	v25 =	vpop (erf)  }
0xb9: {  	v37 =	vld [tilespmem:s11+$0x10];
	s0 =	smax.f32 s12, $-1.000000000e+01;
	v14 =	vadd.f32 v14, v13;
	v31 =	vbroadcast v9, $0x0;
	v56 =	vpop (erf);
	v16 =	vbroadcast v16, $0x0  }
0xba: {  	v23 =	vld [tilespmem:s11+$0xFFFFFF80];
	(erf) = vpow2.f32 v8;
	v13 =	vsel vm0, v15, v28;
	v22 =	vmul.f32 v26, v27;
	s0 =	smin.f32 s0, $1.000000000e+01;
	v27, _, _ =	vpop (xrf2)  }
0xbb: {  	s17 =	simm.s32 $0x1C;
	v24 =	vld [tilespmem:s11+$0xFFFFFF90];
	v35 =	vpop (erf);
	(xrf2) =	vadd.scan.msk.f32 $0xffff, v14;
	v36 =	vmov s0;
	v14 =	vsel vm0, v25, v30;
	(erf) = vpow2.f32 v31;
	s22 =	spop (v2sf)  }
0xbc: {  	s18 =	simm.s32 $0x14;
	v26 =	vld [tilespmem:s14+$0x10];
	v28 =	vpop (erf);
	v25 =	vmul.f32 $1.442695020e+00, v36;
	(erf) = vpow2.f32 v16;
	s0 =	smax.f32 s22, $-1.000000000e+01;
	s23 =	spop (v2sf);
	(v2sf) =	vpush v27, $0xF  }
0xbd: {  	v19 =	vadd.s32 s17, v1;
	v8 =	vadd.s32 s18, v1;
	v30 =	vld [tilespmem:s14+$0x0];
	v59 =	vadd.f32 v18, v22;
	s0 =	smin.f32 s0, $1.000000000e+01;
	v16 =	vpop (erf)  }
0xbe: {  	s24 =	simm.s32 $0x4;
	v31 =	vld [tilespmem:s11+$0x0];
	v25 =	vbroadcast v25, $0x0;
	v16 =	vsel vm0, v16, v28;
	v28 =	vmov s0  }
0xbf: {  	v17 =	vld [tilespmem:s14+$0xFFFFFE00];
	v11 =	vadd.s32 s24, v1;
	v23 =	vmul.f32 v55, v23;
	v60, _, _ =	vpop (xrf2);
	v27 =	vmul.f32 $1.442695020e+00, v28  }
0xc0: {  	v29 =	vld [tilespmem:s11+$0x80];
	s18 =	simm.s32 $0x50E0;
	v24 =	vmul.f32 v57, v24;
	(xrf2) =	vadd.scan.msk.f32 $0xffff, v59;
	v58 =	vpop (erf);
	(erf) = vpow2.f32 v25;
	s24 =	spop (v2sf);
	(v2sf) =	vpush v60, $0xF  }
0xc1: {  	[tilespmem:s18+$0x30] =	vst v21;
	v25 =	vld [tilespmem:s14+$0x80];
	s0 =	smax.f32 s23, $-1.000000000e+01;
	v27 =	vbroadcast v27, $0x0  }
0xc2: {  	[tilespmem:v19+s31+$0x0] =	vst.idx.msk $0xf, v21;
	v26 =	vmul.f32 v26, v37;
	v19 =	vadd.f32 v24, v23;
	v28 =	vld [tilespmem:s11+$0x90];
	s0 =	smin.f32 s0, $1.000000000e+01  }
0xc3: {  	s26 =	simm.s32 $0xC;
	v18 =	vpop (erf);
	v30 =	vmul.f32 v30, v31;
	v31 =	vld [tilespmem:s14+$0x90];
	v22 =	vmov s0  }
0xc4: {  	s16 =	simm.s32 $0x10;
	v10 =	vadd.s32 s26, v1;
	v21 =	vld [tilespmem:s11+$0x110];
	(xrf2) =	vadd.scan.msk.f32 $0xffff, v19;
	s0 =	smax.f32 s24, $-1.000000000e+01;
	v61 =	vmul.f32 $1.442695020e+00, v22;
	v23 =	vpop (erf);
	(erf) = vpow2.f32 v27  }
0xc5: {  	v9 =	vor.u32 s16, v1;
	v15 =	vsel vm0, v35, v56;
	v24 =	vld [tilespmem:s14+$0x100];
	v30 =	vadd.f32 v26, v30;
	s0 =	smin.f32 s0, $1.000000000e+01;
	v27 =	vpop (erf)  }
0xc6: {  	v22 =	vld [tilespmem:s11+$0x100];
	v26, _, _ =	vpop (xrf2);
	v63 =	vmov s0;
	v62 =	vbroadcast v61, $0x0;
	v19 =	vsel vm0, v27, v23  }
0xc7: {  	v23 =	vmul.f32 $1.442695020e+00, v63;
	v27 =	vmul.f32 v25, v29;
	v25 =	vld [tilespmem:s14+$0x110];
	s26 =	spop (v2sf);
	(v2sf) =	vpush v26, $0xF  }
0xc8: {  	s10 =	simm.s32 $0x0;
	v18 =	vsel vm0, v18, v58;
	(xrf2) =	vadd.scan.msk.f32 $0xffff, v30;
	v28 =	vmul.f32 v31, v28;
	v26 =	vld [tilespmem:s11+$0xFFFFFE00];
	s11 =	simm.s32 $0x6A0;
	s0 =	smax.f32 s26, $-1.000000000e+01;
	(erf) = vpow2.f32 v62  }
.LBB2_5:
0xc9: {  	v29 =	vld [tilespmem:s11+$0x180];
	v23 =	vbroadcast v23, $0x0;
	s0 =	smin.f32 s0, $1.000000000e+01;
	v30 =	vpop (erf)  }
0xca: {  	s14 =	sadd.s32 $0x400, s14;
	v31 =	vld [tilespmem:s11+$0x190];
	v12 =	vsel vm1, v12, v30;
	v30 =	vmov s0;
	v27 =	vadd.f32 v28, v27;
	v28, _, _ =	vpop (xrf2)  }
0xcb: {  	v32 =	vld [tilespmem:s14+$0x180];
	v30 =	vmul.f32 $1.442695020e+00, v30;
	v33 =	vmul.f32 v24, v22;
	(v2sf) =	vpush v28, $0xF;
	s0 =	spop (v2sf)  }
0xcc: {  	v24 =	vld [tilespmem:s14+$0x190];
	s0 =	smax.f32 s0, $-1.000000000e+01;
	v21 =	vmul.f32 v25, v21;
	(erf) = vpow2.f32 v23;
	(xrf2) =	vadd.scan.msk.f32 $0xffff, v27  }
0xcd: {  	v23 =	vld [tilespmem:s11+$0x1A0];
	v25 =	vmul.f32 v17, v26;
	v26 =	vbroadcast v30, $0x0;
	s0 =	smin.f32 s0, $1.000000000e+01;
	v17 =	vpop (erf)  }
0xce: {  	v27 =	vld [tilespmem:s11+$0x1B0];
	v17 =	vsel vm1, v13, v17;
	v13 =	vmov s0;
	v21 =	vadd.f32 v21, v33;
	v22, _, _ =	vpop (xrf2)  }
0xcf: {  	v28 =	vld [tilespmem:s14+$0x1A0];
	v33 =	vadd.f32 v20, v25;
	v13 =	vmul.f32 $1.442695020e+00, v13;
	(v2sf) =	vpush v22, $0xF;
	s0 =	spop (v2sf)  }
0xd0: {  	v22 =	vld [tilespmem:s14+$0x1B0];
	s0 =	smax.f32 s0, $-1.000000000e+01;
	(erf) = vpow2.f32 v26  }
0xd1: {  	v25 =	vld [tilespmem:s11+$0x1C0];
	v13 =	vbroadcast v13, $0x0;
	s0 =	smin.f32 s0, $1.000000000e+01;
	(xrf2) =	vadd.scan.msk.f32 $0xffff, v33;
	v20 =	vpop (erf)  }
0xd2: {  	v26 =	vld [tilespmem:s11+$0x1D0];
	v20 =	vsel vm1, v14, v20;
	v14 =	vmov s0;
	v30, _, _ =	vpop (xrf2)  }
0xd3: {  	v33 =	vld [tilespmem:s11+$0x1E0];
	v14 =	vmul.f32 $1.442695020e+00, v14;
	(v2sf) =	vpush v30, $0xF;
	(erf) = vpow2.f32 v13  }
0xd4: {  	v32 =	vmul.f32 v32, v29;
	v24 =	vmul.f32 v24, v31;
	v13 =	vld [tilespmem:s14+$0x1C0];
	(xrf2) =	vadd.scan.msk.f32 $0xffff, v21  }
0xd5: {  	v21 =	vld [tilespmem:s14+$0x1D0];
	v14 =	vbroadcast v14, $0x0;
	v30 =	vpop (erf)  }
0xd6: {  	v24 =	vadd.f32 v24, v32;
	v31 =	vld [tilespmem:s11+$0x1F0];
	v15 =	vsel vm1, v15, v30;
	s0 =	spop (v2sf);
	v29, _, _ =	vpop (xrf2)  }
0xd7: {  	v23 =	vmul.f32 v28, v23;
	v22 =	vmul.f32 v22, v27;
	v30 =	vld [tilespmem:s14+$0x1E0];
	s0 =	smax.f32 s0, $-1.000000000e+01;
	(v2sf) =	vpush v29, $0xF  }
0xd8: {  	v27 =	vld [tilespmem:s14+$0x1F0];
	(xrf2) =	vadd.scan.msk.f32 $0xffff, v24;
	s0 =	smin.f32 s0, $1.000000000e+01;
	(erf) = vpow2.f32 v14  }
0xd9: {  	s10 =	sadd.s32 $0x8, s10;
	v29 =	vadd.f32 v22, v23;
	v24 =	vld [tilespmem:s11+$0xFFFFFE40];
	v23 =	vmov s0;
	v14 =	vpop (erf)  }
0xda: {  	p0 =	slt.u32 s10, $0x48;
	v13 =	vmul.f32 v13, v25;
	v28 =	vld [tilespmem:s11+$0xFFFFFE50];
	v26 =	vmul.f32 v21, v26;
	v14 =	vsel vm1, v16, v14;
	s0 =	spop (v2sf)  }
0xdb: {  	v16 =	vmul.f32 $1.442695020e+00, v23;
	v25 =	vld [tilespmem:s11+$0xFFFFFE60];
	(xrf2) =	vadd.scan.msk.f32 $0xffff, v29;
	s0 =	smax.f32 s0, $-1.000000000e+01;
	v22, _, _ =	vpop (xrf2)  }
0xdc: {  	v23 =	vld [tilespmem:s11+$0xFFFFFE70];
	v13 =	vadd.f32 v26, v13;
	s0 =	smin.f32 s0, $1.000000000e+01;
	(v2sf) =	vpush v22, $0xF;
	v21 =	vpop (erf)  }
0xdd: {  	v26 =	vmul.f32 v30, v33;
	v22 =	vld [tilespmem:s14+$0xFFFFFE40];
	v27 =	vmul.f32 v27, v31;
	v29 =	vmov s0  }
0xde: {  	v30 =	vld [tilespmem:s14+$0xFFFFFE50];
	(xrf2) =	vadd.scan.msk.f32 $0xffff, v13;
	v13 =	vbroadcast v16, $0x0;
	v29 =	vmul.f32 $1.442695020e+00, v29;
	v16 =	vsel vm1, v18, v21;
	s0 =	spop (v2sf);
	v18, _, _ =	vpop (xrf2)  }
0xdf: {  	v21 =	vld [tilespmem:s14+$0xFFFFFE60];
	v32 =	vadd.f32 v27, v26;
	s0 =	smax.f32 s0, $-1.000000000e+01;
	(v2sf) =	vpush v18, $0xF  }
0xe0: {  	v18 =	vld [tilespmem:s14+$0xFFFFFE70];
	v27 =	vbroadcast v29, $0x0;
	s0 =	smin.f32 s0, $1.000000000e+01;
	(erf) = vpow2.f32 v13  }
0xe1: {  	v29 =	vld [tilespmem:s11+$0xFFFFFEC0];
	(xrf2) =	vadd.scan.msk.f32 $0xffff, v32;
	v13 =	vmov s0;
	v26 =	vpop (erf)  }
0xe2: {  	v22 =	vmul.f32 v22, v24;
	v24 =	vld [tilespmem:s11+$0xFFFFFED0];
	v31, _, _ =	vpop (xrf2);
	v32 =	vmul.f32 $1.442695020e+00, v13;
	v13 =	vsel vm1, v19, v26;
	s0 =	spop (v2sf)  }
0xe3: {  	v19 =	vmul.f32 v30, v28;
	v26 =	vld [tilespmem:s11+$0xFFFFFEE0];
	s0 =	smax.f32 s0, $-1.000000000e+01;
	(erf) = vpow2.f32 v27  }
0xe4: {  	v21 =	vmul.f32 v21, v25;
	v25 =	vld [tilespmem:s11+$0xFFFFFEF0];
	v27 =	vbroadcast v32, $0x0;
	s0 =	smin.f32 s0, $1.000000000e+01  }
0xe5: {  	v19 =	vadd.f32 v19, v22;
	v18 =	vmul.f32 v18, v23;
	v22 =	vld [tilespmem:s14+$0xFFFFFEC0];
	v23, _, _ =	vpop (xrf2);
	v28 =	vmov s0  }
0xe6: {  	v30 =	vld [tilespmem:s14+$0xFFFFFED0];
	v28 =	vmul.f32 $1.442695020e+00, v28;
	(erf) = vpow2.f32 v27;
	s0 =	spop (v2sf)  }
0xe7: {  	v18 =	vadd.f32 v18, v21;
	v21 =	vld [tilespmem:s14+$0xFFFFFEE0];
	(xrf2) =	vadd.scan.msk.f32 $0xffff, v19;
	s0 =	smax.f32 s0, $-1.000000000e+01  }
0xe8: {  	v19 =	vld [tilespmem:s14+$0xFFFFFEF0];
	v27, _, _ =	vpop (xrf2);
	v28 =	vbroadcast v28, $0x0;
	s0 =	smin.f32 s0, $1.000000000e+01  }
0xe9: {  	v32 =	vld [tilespmem:s11+$0xFFFFFF40];
	(v2sf) =	vpush v31, $0xF;
	v31 =	vmov s0;
	v33 =	vpop (erf)  }
0xea: {  	v22 =	vmul.f32 v22, v29;
	v29 =	vld [tilespmem:s11+$0xFFFFFF50];
	(xrf2) =	vadd.scan.msk.f32 $0xffff, v18;
	(v2sf) =	vpush v23, $0xF;
	v18 =	vmul.f32 $1.442695020e+00, v31  }
0xeb: {  	v17 =	vsel vm2, v33, v17;
	v23 =	vmul.f32 v30, v24;
	v24 =	vld [tilespmem:s11+$0xFFFFFF60];
	(v2sf) =	vpush v27, $0xF;
	v27, _, _ =	vpop (xrf2);
	s0 =	spop (v2sf)  }
0xec: {  	v30 =	vmul.f32 v21, v26;
	v26 =	vld [tilespmem:s11+$0xFFFFFF70];
	(v2sf) =	vpush v27, $0xF;
	s0 =	smax.f32 s0, $-1.000000000e+01;
	[tilespmem:s18+$0xFFFFFFD0] =	vst v17;
	v18 =	vbroadcast v18, $0x0;
	v27 =	vpop (erf)  }
0xed: {  	v22 =	vadd.f32 v23, v22;
	v19 =	vmul.f32 v19, v25;
	v23 =	vld [tilespmem:s14+$0xFFFFFF40];
	s0 =	smin.f32 s0, $1.000000000e+01;
	[tilespmem:v11+s31+$0x0] =	vst.idx.msk $0xf, v17;
	(erf) = vpow2.f32 v28  }
0xee: {  	v20 =	vsel vm2, v27, v20;
	v11 =	vld [tilespmem:s14+$0xFFFFFF50];
	v17 =	vmov s0;
	(erf) = vpow2.f32 v18;
	s0 =	spop (v2sf)  }
0xef: {  	v18 =	vadd.f32 v19, v30;
	v19 =	vld [tilespmem:s14+$0xFFFFFF60];
	(xrf2) =	vadd.scan.msk.f32 $0xffff, v22;
	v17 =	vmul.f32 $1.442695020e+00, v17;
	[tilespmem:s18+$0xFFFFFFE0] =	vst v20;
	s0 =	smax.f32 s0, $-1.000000000e+01;
	v21 =	vpop (erf)  }
0xf0: {  	v22 =	vld [tilespmem:s14+$0xFFFFFF70];
	[tilespmem:v7+s31+$0x0] =	vst.idx.msk $0xf, v20;
	v7 =	vsel vm2, v21, v15;
	s0 =	smin.f32 s0, $1.000000000e+01  }
0xf1: {  	v15 =	vld [tilespmem:s11+$0xFFFFFFC0];
	v20, _, _ =	vpop (xrf2);
	v17 =	vbroadcast v17, $0x0;
	[tilespmem:s18+$0xFFFFFFF0] =	vst v7;
	v21 =	vmov s0  }
0xf2: {  	v23 =	vmul.f32 v23, v32;
	v25 =	vld [tilespmem:s11+$0xFFFFFFD0];
	(v2sf) =	vpush v20, $0xF;
	(xrf2) =	vadd.scan.msk.f32 $0xffff, v18;
	v18 =	vmul.f32 $1.442695020e+00, v21  }
0xf3: {  	v11 =	vmul.f32 v11, v29;
	v20 =	vld [tilespmem:s11+$0xFFFFFFE0];
	[tilespmem:v10+s31+$0x0] =	vst.idx.msk $0xf, v7  }
0xf4: {  	v7 =	vmul.f32 v19, v24;
	v10 =	vld [tilespmem:s11+$0xFFFFFFF0];
	v19, _, _ =	vpop (xrf2);
	v18 =	vbroadcast v18, $0x0  }
0xf5: {  	v11 =	vadd.f32 v11, v23;
	v21 =	vmul.f32 v22, v26;
	v22 =	vld [tilespmem:s14+$0xFFFFFFC0];
	(v2sf) =	vpush v19, $0xF  }
0xf6: {  	v19 =	vld [tilespmem:s14+$0xFFFFFFD0];
	(erf) = vpow2.f32 v17;
	v17 =	vpop (erf)  }
0xf7: {  	v7 =	vadd.f32 v21, v7;
	v21 =	vld [tilespmem:s14+$0xFFFFFFE0];
	(xrf2) =	vadd.scan.msk.f32 $0xffff, v11;
	v11 =	vsel vm2, v17, v14;
	v14 =	vpop (erf);
	(erf) = vpow2.f32 v18  }
0xf8: {  	v17 =	vld [tilespmem:s14+$0xFFFFFFF0];
	s0 =	spop (v2sf);
	[tilespmem:s18+$0x0] =	vst v11;
	v14 =	vsel vm2, v14, v16  }
0xf9: {  	v16 =	vld [tilespmem:s11+$0x40];
	v18, _, _ =	vpop (xrf2);
	s12 =	spop (v2sf);
	[tilespmem:v9+s31+$0x0] =	vst.idx.msk $0xf, v11  }
0xfa: {  	v9 =	vmul.f32 v22, v15;
	v11 =	vld [tilespmem:s11+$0x50];
	(v2sf) =	vpush v18, $0xF;
	(xrf2) =	vadd.scan.msk.f32 $0xffff, v7;
	s16 =	spop (v2sf);
	[tilespmem:s18+$0x10] =	vst v14  }
0xfb: {  	v7 =	vmul.f32 v19, v25;
	v15 =	vld [tilespmem:s11+$0x60];
	s16 =	smax.f32 s16, $-1.000000000e+01;
	s22 =	spop (v2sf);
	[tilespmem:v8+s31+$0x0] =	vst.idx.msk $0xf, v14  }
0xfc: {  	v8 =	vmul.f32 v21, v20;
	v14 =	vld [tilespmem:s11+$0x70];
	s16 =	smin.f32 s16, $1.000000000e+01;
	s22 =	smax.f32 s22, $-1.000000000e+01;
	v18, _, _ =	vpop (xrf2)  }
0xfd: {  	s12 =	smax.f32 s12, $-1.000000000e+01;
	v21 =	vadd.f32 v7, v9;
	v9 =	vmul.f32 v17, v10;
	v10 =	vld [tilespmem:s14+$0x40];
	v17 =	vmov s16;
	s16 =	smin.f32 s22, $1.000000000e+01  }
0xfe: {  	s0 =	smax.f32 s0, $-1.000000000e+01;
	s12 =	smin.f32 s12, $1.000000000e+01;
	v19 =	vld [tilespmem:s14+$0x50];
	v17 =	vmul.f32 $1.442695020e+00, v17;
	v20 =	vmov s16;
	(v2sf) =	vpush v18, $0xF  }
0xff: {  	s0 =	smin.f32 s0, $1.000000000e+01;
	v18 =	vmov s12;
	v8 =	vadd.f32 v9, v8;
	v9 =	vld [tilespmem:s14+$0x60];
	v20 =	vmul.f32 $1.442695020e+00, v20;
	(xrf2) =	vadd.scan.msk.f32 $0xffff, v21;
	v7 =	vpop (erf)  }
0x100: {  	v22 =	vmov s0;
	v18 =	vmul.f32 $1.442695020e+00, v18;
	v21 =	vld [tilespmem:s14+$0x70];
	v17 =	vbroadcast v17, $0x0;
	v23 =	vpop (erf)  }
0x101: {  	v22 =	vmul.f32 $1.442695020e+00, v22;
	v7 =	vsel vm2, v7, v12;
	v24 =	vld [tilespmem:s11+$0xC0];
	v20 =	vbroadcast v20, $0x0;
	s0 =	spop (v2sf);
	v25, _, _ =	vpop (xrf2)  }
0x102: {  	v18 =	vbroadcast v18, $0x0;
	s0 =	smax.f32 s0, $-1.000000000e+01;
	v12 =	vld [tilespmem:s11+$0xD0];
	(v2sf) =	vpush v25, $0xF;
	(erf) = vpow2.f32 v17;
	[tilespmem:s18+$0xFFFFFFC0] =	vst v7  }
0x103: {  	v22 =	vbroadcast v22, $0x0;
	s0 =	smin.f32 s0, $1.000000000e+01;
	v17 =	vld [tilespmem:s11+$0xE0];
	(erf) = vpow2.f32 v20;
	[tilespmem:v6+s31+$0x0] =	vst.idx.msk $0xf, v7;
	v6 =	vsel vm2, v23, v13  }
0x104: {  	v10 =	vmul.f32 v10, v16;
	v7 =	vmov s0;
	v13 =	vld [tilespmem:s11+$0xF0];
	s0 =	spop (v2sf);
	v16, _, _ =	vpop (xrf2);
	(erf) = vpow2.f32 v18;
	[tilespmem:s18+$0x20] =	vst v6  }
0x105: {  	v11 =	vmul.f32 v19, v11;
	s0 =	smax.f32 s0, $-1.000000000e+01;
	v18 =	vld [tilespmem:s14+$0xC0];
	(v2sf) =	vpush v16, $0xF;
	(xrf2) =	vadd.scan.msk.f32 $0xffff, v8;
	(erf) = vpow2.f32 v22  }
0x106: {  	v8 =	vmul.f32 v9, v15;
	v9 =	vmul.f32 v21, v14;
	s0 =	smin.f32 s0, $1.000000000e+01;
	v14 =	vld [tilespmem:s14+$0xD0];
	[tilespmem:v5+s31+$0x0] =	vst.idx.msk $0xf, v6  }
0x107: {  	v5 =	vmul.f32 $1.442695020e+00, v7;
	v7 =	vadd.f32 v11, v10;
	v6 =	vmov s0;
	v10 =	vld [tilespmem:s14+$0xE0]  }
0x108: {  	v8 =	vadd.f32 v9, v8;
	v6 =	vmul.f32 $1.442695020e+00, v6;
	v9 =	vld [tilespmem:s14+$0xF0]  }
0x109: {  	v19 =	vbroadcast v5, $0x0;
	v11 =	vld [tilespmem:s11+$0x140];
	s0 =	spop (v2sf);
	v15, _, _ =	vpop (xrf2);
	(xrf2) =	vadd.scan.msk.f32 $0xffff, v7  }
0x10a: {  	v6 =	vbroadcast v6, $0x0;
	s0 =	smax.f32 s0, $-1.000000000e+01;
	v7 =	vmul.f32 v18, v24;
	v16 =	vld [tilespmem:s11+$0x150];
	(v2sf) =	vpush v15, $0xF  }
0x10b: {  	s17 =	sadd.s32 $0x20, s17;
	s0 =	smin.f32 s0, $1.000000000e+01;
	v12 =	vmul.f32 v14, v12;
	v14 =	vld [tilespmem:s11+$0x160];
	(erf) = vpow2.f32 v19;
	v5 =	vpop (erf)  }
0x10c: {  	s23 =	sadd.s32 $0xFFFFFFFC, s17;
	s22 =	sadd.s32 $0xFFFFFFE4, s17;
	v18 =	vadd.s32 s17, v1;
	v15 =	vmov s0;
	s0 =	sadd.s32 $0xFFFFFFEC, s17;
	v10 =	vmul.f32 v10, v17;
	v17 =	vld [tilespmem:s11+$0x170];
	(xrf2) =	vadd.scan.msk.f32 $0xffff, v8;
	v8 =	vpop (erf)  }
0x10d: {  	s24 =	sadd.s32 $0xFFFFFFF0, s17;
	s16 =	sadd.s32 $0xFFFFFFE8, s17;
	v7 =	vadd.f32 v12, v7;
	v9 =	vmul.f32 v9, v13;
	v12 =	vld [tilespmem:s14+$0x140];
	v5 =	vsel vm0, v8, v5;
	s12 =	spop (v2sf);
	v8 =	vpop (erf)  }
0x10e: {  	v13 =	vmul.f32 $1.442695020e+00, v15;
	s26 =	smax.f32 s12, $-1.000000000e+01;
	s12 =	sadd.s32 $0xFFFFFFF4, s17;
	v15 =	vld [tilespmem:s14+$0x150];
	v5 =	vsel vm1, v5, v8;
	(erf) = vpow2.f32 v6;
	v6 =	vpop (erf)  }
0x10f: {  	s18 =	sadd.s32 $0x80, s18;
	v8 =	vadd.s32 s0, v1;
	s0 =	sadd.s32 $0xFFFFFFF8, s17;
	s26 =	smin.f32 s26, $1.000000000e+01;
	v9 =	vadd.f32 v9, v10;
	v10 =	vld [tilespmem:s14+$0x160];
	v5 =	vsel vm2, v6, v5;
	v6, _, _ =	vpop (xrf2);
	(xrf2) =	vadd.scan.msk.f32 $0xffff, v7  }
0x110: {  	v7 =	vbroadcast v13, $0x0;
	v13 =	vmov s26;
	v19 =	vld [tilespmem:s14+$0x170];
	[tilespmem:s18+$0x30] =	vst v5;
	(v2sf) =	vpush v6, $0xF  }
0x111: {  	v21 =	vand.u32 $0x1F8, v8;
	v20 =	vld [tilespmem:s11+$0xFFFFFE20];
	v6 =	vmul.f32 $1.442695020e+00, v13;
	v13 =	vadd.s32 s23, v1;
	[tilespmem:v18+s31+$0x0] =	vst.idx.msk $0xf, v5;
	s23 =	spop (v2sf)  }
0x112: {  	v18 =	vld [tilespmem:s11+$0xFFFFFE30];
	s23 =	smax.f32 s23, $-1.000000000e+01;
	v5 =	vmul.f32 v12, v11;
	v11 =	vand.u32 $0x3F8, v13;
	(erf) = vpow2.f32 v7;
	(xrf2) =	vadd.scan.msk.f32 $0xffff, v9  }
0x113: {  	v7 =	vor.u32 v2, v21;
	v9 =	vld [tilespmem:s14+$0xFFFFFE20];
	v12 =	vbroadcast v6, $0x0;
	s23 =	smin.f32 s23, $1.000000000e+01;
	v6 =	vmul.f32 v15, v16;
	v8, _, _ =	vpop (xrf2)  }
0x114: {  	v13 =	vld [tilespmem:s14+$0xFFFFFE30];
	v15 =	vmov s23;
	v23 =	vmul.f32 v10, v14;
	v14 =	vpop (erf);
	s23 =	spop (v2sf);
	(v2sf) =	vpush v8, $0xF  }
0x115: {  	v16 =	vld [tilespmem:s11+$0xFFFFFEA0];
	v8 =	vmul.f32 $1.442695020e+00, v15;
	s23 =	smax.f32 s23, $-1.000000000e+01;
	v15 =	vadd.f32 v6, v5;
	v17 =	vmul.f32 v19, v17  }
0x116: {  	v6 =	vor.u32 s22, v1;
	v5 =	vor.u32 v2, v11;
	v19 =	vld [tilespmem:s11+$0xFFFFFEB0];
	s22 =	smin.f32 s23, $1.000000000e+01;
	(erf) = vpow2.f32 v12;
	v11, _, _ =	vpop (xrf2)  }
0x117: {  	v21 =	vld [tilespmem:s14+$0xFFFFFEA0];
	v22 =	vmov s22;
	v17 =	vadd.f32 v17, v23;
	v10 =	vpop (erf);
	(v2sf) =	vpush v11, $0xF;
	(xrf2) =	vadd.scan.msk.f32 $0xffff, v15  }
0x118: {  	v9 =	vmul.f32 v9, v20;
	v12 =	vsel vm0, v10, v14;
	v14 =	vld [tilespmem:s14+$0xFFFFFEB0];
	v10 =	vmul.f32 $1.442695020e+00, v22  }
0x119: {  	v11 =	vadd.s32 s16, v1;
	v25 =	vbroadcast v8, $0x0;
	v13 =	vmul.f32 v13, v18;
	v15 =	vld [tilespmem:s11+$0xFFFFFF20];
	s16 =	spop (v2sf);
	v8, _, _ =	vpop (xrf2)  }
0x11a: {  	v20 =	vld [tilespmem:s11+$0xFFFFFF30];
	v22 =	vbroadcast v10, $0x0;
	s16 =	smax.f32 s16, $-1.000000000e+01;
	v10 =	vadd.s32 s24, v1;
	(v2sf) =	vpush v8, $0xF;
	(xrf2) =	vadd.scan.msk.f32 $0xffff, v17  }
0x11b: {  	v8 =	vadd.s32 s0, v1;
	v13 =	vadd.f32 v13, v9;
	v17 =	vld [tilespmem:s14+$0xFFFFFF20];
	s16 =	smin.f32 s16, $1.000000000e+01;
	v9 =	vor.u32 s12, v1;
	v23 =	vpop (erf)  }
0x11c: {  	v16 =	vmul.f32 v21, v16;
	v21 =	vld [tilespmem:s14+$0xFFFFFF30];
	v24 =	vmov s16;
	(erf) = vpow2.f32 v25;
	v18, _, _ =	vpop (xrf2)  }
0x11d: {  	v14 =	vmul.f32 v14, v19;
	v19 =	vld [tilespmem:s11+$0xFFFFFFA0];
	v24 =	vmul.f32 $1.442695020e+00, v24;
	(xrf2) =	vadd.scan.msk.f32 $0xffff, v13;
	(v2sf) =	vpush v18, $0xF  }
0x11e: {  	v18 =	vld [tilespmem:s11+$0xFFFFFFB0]  }
0x11f: {  	v25 =	vadd.f32 v14, v16;
	v16 =	vld [tilespmem:s14+$0xFFFFFFA0];
	v24 =	vbroadcast v24, $0x0;
	v13 =	vpop (erf);
	(erf) = vpow2.f32 v22;
	s0 =	spop (v2sf)  }
0x120: {  	v13 =	vsel vm0, v13, v23;
	v15 =	vmul.f32 v17, v15;
	v17 =	vld [tilespmem:s14+$0xFFFFFFB0];
	s0 =	smax.f32 s0, $-1.000000000e+01  }
0x121: {  	v20 =	vmul.f32 v21, v20;
	s0 =	smin.f32 s0, $1.000000000e+01;
	v21 =	vld [tilespmem:s11+$0x20];
	(xrf2) =	vadd.scan.msk.f32 $0xffff, v25;
	(erf) = vpow2.f32 v24;
	v14, _, _ =	vpop (xrf2)  }
0x122: {  	v24 =	vmov s0;
	v23 =	vld [tilespmem:s11+$0x30];
	(v2sf) =	vpush v14, $0xF  }
0x123: {  	v25 =	vadd.f32 v20, v15;
	v15 =	vmul.f32 $1.442695020e+00, v24;
	v20 =	vld [tilespmem:s14+$0x20];
	s0 =	spop (v2sf)  }
0x124: {  	v16 =	vmul.f32 v16, v19;
	v19 =	vld [tilespmem:s14+$0x30];
	s0 =	smax.f32 s0, $-1.000000000e+01;
	v22, _, _ =	vpop (xrf2)  }
0x125: {  	v17 =	vmul.f32 v17, v18;
	v15 =	vbroadcast v15, $0x0;
	s0 =	smin.f32 s0, $1.000000000e+01;
	v18 =	vld [tilespmem:s11+$0xA0];
	(xrf2) =	vadd.scan.msk.f32 $0xffff, v25;
	v14 =	vpop (erf);
	(v2sf) =	vpush v22, $0xF  }
0x126: {  	v22 =	vmov s0;
	v24 =	vld [tilespmem:s11+$0xB0];
	s0 =	spop (v2sf)  }
0x127: {  	v16 =	vadd.f32 v17, v16;
	v17 =	vmul.f32 $1.442695020e+00, v22;
	s0 =	smax.f32 s0, $-1.000000000e+01;
	v22 =	vld [tilespmem:s14+$0xA0];
	v25, _, _ =	vpop (xrf2);
	(erf) = vpow2.f32 v15  }
0x128: {  	v15 =	vmul.f32 v20, v21;
	s0 =	smin.f32 s0, $1.000000000e+01;
	v20 =	vld [tilespmem:s14+$0xB0];
	(v2sf) =	vpush v25, $0xF;
	v21 =	vpop (erf)  }
0x129: {  	v19 =	vmul.f32 v19, v23;
	v17 =	vbroadcast v17, $0x0;
	v27 =	vmov s0;
	v25 =	vld [tilespmem:s11+$0x120];
	(xrf2) =	vadd.scan.msk.f32 $0xffff, v16;
	s0 =	spop (v2sf)  }
0x12a: {  	v14 =	vsel vm0, v21, v14;
	v16 =	vmul.f32 $1.442695020e+00, v27;
	s0 =	smax.f32 s0, $-1.000000000e+01;
	v21 =	vld [tilespmem:s11+$0x130];
	v23 =	vpop (erf)  }
0x12b: {  	v15 =	vadd.f32 v19, v15;
	s0 =	smin.f32 s0, $1.000000000e+01;
	v19 =	vld [tilespmem:s14+$0x120];
	v26, _, _ =	vpop (xrf2);
	(erf) = vpow2.f32 v17  }
0x12c: {  	v18 =	vmul.f32 v22, v18;
	v17 =	vmov s0;
	v22 =	vld [tilespmem:s14+$0x130];
	(v2sf) =	vpush v26, $0xF;
	s0 =	spop (v2sf)  }
0x12d: {  	v26 =	vld [tilespmem:s11+$0xFFFFFE10];
	v20 =	vmul.f32 v20, v24;
	v28 =	vmul.f32 $1.442695020e+00, v17;
	s0 =	smax.f32 s0, $-1.000000000e+01;
	(xrf2) =	vadd.scan.msk.f32 $0xffff, v15  }
0x12e: {  	v16 =	vbroadcast v16, $0x0;
	v17 =	vld [tilespmem:s14+$0xFFFFFE00];
	s0 =	smin.f32 s0, $1.000000000e+01  }
0x12f: {  	v27 =	vld [tilespmem:s14+$0xFFFFFE10];
	v18 =	vadd.f32 v20, v18;
	v20 =	vbroadcast v28, $0x0;
	v30 =	vmov s0;
	v24, _, _ =	vpop (xrf2)  }
0x130: {  	v28 =	vld [tilespmem:s11+$0xFFFFFE80];
	v29 =	vmul.f32 $1.442695020e+00, v30;
	v19 =	vmul.f32 v19, v25;
	(v2sf) =	vpush v24, $0xF;
	v15 =	vpop (erf)  }
0x131: {  	v24 =	vld [tilespmem:s11+$0xFFFFFE90];
	v15 =	vsel vm0, v15, v23;
	v23 =	vmul.f32 v22, v21;
	(erf) = vpow2.f32 v16;
	(xrf2) =	vadd.scan.msk.f32 $0xffff, v18;
	s0 =	spop (v2sf)  }
0x132: {  	v16 =	vld [tilespmem:s14+$0xFFFFFE80];
	v18 =	vbroadcast v29, $0x0;
	s0 =	smax.f32 s0, $-1.000000000e+01  }
0x133: {  	v22 =	vld [tilespmem:s14+$0xFFFFFE90];
	v19 =	vadd.f32 v23, v19;
	s0 =	smin.f32 s0, $1.000000000e+01;
	v21, _, _ =	vpop (xrf2);
	(erf) = vpow2.f32 v20  }
0x134: {  	v20 =	vmul.f32 v27, v26;
	v23 =	vld [tilespmem:s11+$0xFFFFFF00];
	v25 =	vmov s0;
	(v2sf) =	vpush v21, $0xF;
	v21 =	vpop (erf);
	s0 =	spop (v2sf)  }
0x135: {  	v26 =	vld [tilespmem:s11+$0xFFFFFF10];
	v25 =	vmul.f32 $1.442695020e+00, v25;
	s0 =	smax.f32 s0, $-1.000000000e+01;
	(erf) = vpow2.f32 v18;
	(xrf2) =	vadd.scan.msk.f32 $0xffff, v19  }
0x136: {  	v18 =	vld [tilespmem:s14+$0xFFFFFF00];
	s0 =	smin.f32 s0, $1.000000000e+01  }
0x137: {  	v30 =	vmul.f32 v16, v28;
	v19 =	vld [tilespmem:s14+$0xFFFFFF10];
	v25 =	vbroadcast v25, $0x0;
	v27 =	vmov s0;
	s0 =	spop (v2sf);
	v28, _, _ =	vpop (xrf2)  }
0x138: {  	s0 =	smax.f32 s0, $-1.000000000e+01;
	v22 =	vmul.f32 v22, v24;
	v24 =	vld [tilespmem:s11+$0xFFFFFF80];
	v27 =	vmul.f32 $1.442695020e+00, v27;
	(v2sf) =	vpush v28, $0xF  }
0x139: {  	s0 =	smin.f32 s0, $1.000000000e+01;
	v28 =	vld [tilespmem:s11+$0xFFFFFF90];
	(erf) = vpow2.f32 v25  }
0x13a: {  	v25 =	vmov s0;
	v22 =	vadd.f32 v22, v30;
	v29 =	vld [tilespmem:s14+$0xFFFFFF80];
	v27 =	vbroadcast v27, $0x0;
	v16 =	vpop (erf)  }
0x13b: {  	v25 =	vmul.f32 $1.442695020e+00, v25;
	v31 =	vmul.f32 v18, v23;
	v23 =	vld [tilespmem:s14+$0xFFFFFF90];
	v16 =	vsel vm0, v16, v21;
	s0 =	spop (v2sf);
	v21, _, _ =	vpop (xrf2)  }
0x13c: {  	s0 =	smax.f32 s0, $-1.000000000e+01;
	v19 =	vmul.f32 v19, v26;
	v26 =	vld [tilespmem:s11+$0x0];
	(xrf2) =	vadd.scan.msk.f32 $0xffff, v22;
	(v2sf) =	vpush v21, $0xF;
	v21 =	vpop (erf);
	(erf) = vpow2.f32 v27  }
0x13d: {  	v22 =	vbroadcast v25, $0x0;
	s0 =	smin.f32 s0, $1.000000000e+01;
	v25 =	vld [tilespmem:s11+$0x10]  }
0x13e: {  	v27 =	vmov s0;
	v19 =	vadd.f32 v19, v31;
	v30 =	vld [tilespmem:s14+$0x0];
	v18 =	vpop (erf)  }
0x13f: {  	v27 =	vmul.f32 $1.442695020e+00, v27;
	v24 =	vmul.f32 v29, v24;
	v29 =	vld [tilespmem:s14+$0x10];
	v18 =	vsel vm0, v18, v21;
	s0 =	spop (v2sf);
	v21, _, _ =	vpop (xrf2)  }
0x140: {  	s0 =	smax.f32 s0, $-1.000000000e+01;
	v23 =	vmul.f32 v23, v28;
	v28 =	vld [tilespmem:s11+$0x80];
	(erf) = vpow2.f32 v22;
	(xrf2) =	vadd.scan.msk.f32 $0xffff, v19;
	(v2sf) =	vpush v21, $0xF  }
0x141: {  	v19 =	vbroadcast v27, $0x0;
	s0 =	smin.f32 s0, $1.000000000e+01;
	v31 =	vld [tilespmem:s11+$0x90]  }
0x142: {  	v21 =	vmov s0;
	v23 =	vadd.f32 v23, v24;
	v27 =	vld [tilespmem:s14+$0x80];
	v32 =	vpop (erf)  }
0x143: {  	v21 =	vmul.f32 $1.442695020e+00, v21;
	v24 =	vmul.f32 v30, v26;
	v30 =	vld [tilespmem:s14+$0x90];
	s0 =	spop (v2sf)  }
.Ltmp3:
0x144: {  	s0 =	smax.f32 s0, $-1.000000000e+01;
	v25 =	vmul.f32 v29, v25;
	v22 =	vld [tilespmem:s11+$0x100];
	(erf) = vpow2.f32 v19;
	(xrf2) =	vadd.scan.msk.f32 $0xffff, v23;
	(pc) =	sbr.rel @p0 .LBB2_5-.Ltmp3, $4  }
0x145: {  	v29 =	vbroadcast v21, $0x0;
	s0 =	smin.f32 s0, $1.000000000e+01;
	v21 =	vld [tilespmem:s11+$0x110];
	v19 =	vpop (erf)  }
0x146: {  	v23 =	vmov s0;
	v33 =	vadd.f32 v25, v24;
	v24 =	vld [tilespmem:s14+$0x100];
	v19 =	vsel vm0, v19, v32;
	v26, _, _ =	vpop (xrf2)  }
0x147: {  	v23 =	vmul.f32 $1.442695020e+00, v23;
	v27 =	vmul.f32 v27, v28;
	v25 =	vld [tilespmem:s14+$0x110];
	(v2sf) =	vpush v26, $0xF;
	s0 =	spop (v2sf)  }
0x148: {  	v26 =	vld [tilespmem:s11+$0xFFFFFE00];
	s0 =	smax.f32 s0, $-1.000000000e+01;
	v28 =	vmul.f32 v30, v31;
	s11 =	sadd.s32 $0x400, s11;
	(erf) = vpow2.f32 v29;
	(xrf2) =	vadd.scan.msk.f32 $0xffff, v33  }
0x149: {  	_ =	sdelay $0x2  }
0x14a: {  	v27 =	vadd.f32 v28, v27  }
0x14b: {  	v17 =	vmul.f32 v17, v26  }
0x14c: {  	(xrf2) =	vadd.scan.msk.f32 $0xffff, v27  }
0x14d: {  	v22 =	vmul.f32 v24, v22;
	v21 =	vmul.f32 v25, v21;
	v17 =	vadd.f32 v20, v17;
	_ =	sdelay $0x1  }
0x14e: {  	v62, _, _ =	vpop (xrf2);
	v63 =	vadd.f32 v21, v22;
	(xrf2) =	vadd.scan.msk.f32 $0xffff, v17;
	_ =	sdelay $0x1  }
0x14f: {  	(v2sf) =	vpush v62, $0xF;
	(xrf2) =	vadd.scan.msk.f32 $0xffff, v63;
	_ =	sdelay $0x1  }
0x150: {  	v22, _, _ =	vpop (xrf2)  }
0x151: {  	(v2sf) =	vpush v22, $0xF  }
0x152: {  	v24, _, _ =	vpop (xrf2)  }
0x153: {  	(v2sf) =	vpush v24, $0xF;
	v25, _, _ =	vpop (xrf2)  }
0x154: {  	(v2sf) =	vpush v25, $0xF;
	_ =	sdelay $0x1  }
0x155: {  	v26, _, _ =	vpop (xrf2)  }
0x156: {  	(v2sf) =	vpush v26, $0xF  }
0x157: {  	v27, _, _ =	vpop (xrf2)  }
0x158: {  	s0 =	smin.f32 s0, $1.000000000e+01;
	s10 =	spop (v2sf);
	(v2sf) =	vpush v27, $0xF  }
0x159: {  	s10 =	smax.f32 s10, $-1.000000000e+01;
	s11 =	spop (v2sf)  }
0x15a: {  	v28 =	vmov s0;
	s10 =	smin.f32 s10, $1.000000000e+01;
	s11 =	smax.f32 s11, $-1.000000000e+01  }
0x15b: {  	v29 =	vbroadcast v23, $0x0;
	v30 =	vmov s10;
	v17 =	vmul.f32 $1.442695020e+00, v28;
	s22 =	smin.f32 s11, $1.000000000e+01;
	s12 =	spop (v2sf)  }
0x15c: {  	v32 =	vmul.f32 $1.442695020e+00, v30;
	s23 =	smax.f32 s12, $-1.000000000e+01;
	s17 =	spop (v2sf)  }
0x15d: {  	(erf) = vpow2.f32 v29;
	v31 =	vmov s22;
	v17 =	vbroadcast v17, $0x0;
	s24 =	smin.f32 s23, $1.000000000e+01;
	s0 =	smax.f32 s17, $-1.000000000e+01  }
0x15e: {  	v20 =	vbroadcast v32, $0x0;
	v33 =	vmul.f32 $1.442695020e+00, v31;
	v34 =	vmov s24;
	s0 =	smin.f32 s0, $1.000000000e+01  }
0x15f: {  	(erf) = vpow2.f32 v17;
	v21 =	vmul.f32 $1.442695020e+00, v34;
	v35 =	vmov s0;
	s26 =	spop (v2sf)  }
0x160: {  	v17 =	vbroadcast v33, $0x0;
	v22 =	vmul.f32 $1.442695020e+00, v35;
	s10 =	smax.f32 s26, $-1.000000000e+01  }
0x161: {  	(erf) = vpow2.f32 v20;
	v36 =	vbroadcast v21, $0x0;
	s0 =	smin.f32 s10, $1.000000000e+01;
	s11 =	spop (v2sf)  }
0x162: {  	(erf) = vpow2.f32 v17;
	v37 =	vbroadcast v22, $0x0;
	v38 =	vmov s0;
	s12 =	smax.f32 s11, $-1.000000000e+01;
	s14 =	spop (v2sf)  }
0x163: {  	(erf) = vpow2.f32 v36;
	v39 =	vmul.f32 $1.442695020e+00, v38;
	s0 =	smin.f32 s12, $1.000000000e+01;
	s10 =	smax.f32 s14, $-1.000000000e+01  }
0x164: {  	(erf) = vpow2.f32 v37;
	v40 =	vmov s0;
	s16 =	smin.f32 s10, $1.000000000e+01  }
0x165: {  	v41 =	vpop (erf);
	v20 =	vbroadcast v39, $0x0;
	v17 =	vmul.f32 $1.442695020e+00, v40;
	v42 =	vmov s16;
	s17 =	spop (v2sf)  }
0x166: {  	v43 =	vpop (erf);
	v22 =	vmul.f32 $1.442695020e+00, v42;
	s0 =	smax.f32 s17, $-1.000000000e+01  }
0x167: {  	v44 =	vpop (erf);
	(erf) = vpow2.f32 v20;
	v17 =	vbroadcast v17, $0x0;
	s22 =	spop (v2sf);
	s0 =	smin.f32 s0, $1.000000000e+01  }
0x168: {  	v46 =	vpop (erf);
	v22 =	vbroadcast v22, $0x0;
	s23 =	smax.f32 s22, $-1.000000000e+01;
	v45 =	vmov s0  }
0x169: {  	v47 =	vpop (erf);
	(erf) = vpow2.f32 v17;
	s0 =	smin.f32 s23, $1.000000000e+01;
	v48 =	vmul.f32 $1.442695020e+00, v45  }
0x16a: {  	v49 =	vpop (erf);
	(erf) = vpow2.f32 v22;
	v50 =	vmov s0  }
0x16b: {  	v51 =	vpop (erf);
	v22 =	vmul.f32 $1.442695020e+00, v50;
	v17 =	vbroadcast v48, $0x0  }
0x16c: {  	v13 =	vsel vm1, v13, v43;
	v52 =	vpop (erf)  }
0x16d: {  	v13 =	vsel vm2, v52, v13;
	v22 =	vbroadcast v22, $0x0;
	(erf) = vpow2.f32 v17  }
0x16e: {  	v14 =	vsel vm1, v14, v44;
	[tilespmem:s18+$0xFFFFFFD0] =	vst v13;
	v53 =	vpop (erf)  }
0x16f: {  	[tilespmem:v11+s31+$0x0] =	vst.idx.msk $0xf, v13;
	v54 =	vsel vm2, v53, v14;
	(erf) = vpow2.f32 v22  }
0x170: {  	v56 =	vsel vm1, v15, v46;
	[tilespmem:s18+$0xFFFFFFE0] =	vst v54;
	v55 =	vpop (erf)  }
0x171: {  	[tilespmem:v7+s31+$0x0] =	vst.idx.msk $0xf, v54;
	v7 =	vsel vm2, v55, v56  }
0x172: {  	v58 =	vsel vm1, v16, v47;
	[tilespmem:s18+$0xFFFFFFF0] =	vst v7;
	v57 =	vpop (erf)  }
0x173: {  	[tilespmem:v10+s31+$0x0] =	vst.idx.msk $0xf, v7;
	v7 =	vsel vm2, v57, v58  }
0x174: {  	v59 =	vsel vm1, v18, v49;
	[tilespmem:s18+$0x0] =	vst v7;
	v60 =	vpop (erf)  }
0x175: {  	[tilespmem:v9+s31+$0x0] =	vst.idx.msk $0xf, v7;
	v10 =	vsel vm2, v60, v59  }
0x176: {  	v7 =	vsel vm1, v12, v41;
	[tilespmem:s18+$0x10] =	vst v10;
	v61 =	vpop (erf)  }
0x177: {  	[tilespmem:v8+s31+$0x0] =	vst.idx.msk $0xf, v10;
	v7 =	vsel vm2, v61, v7  }
0x178: {  	v62 =	vsel vm1, v19, v51;
	s14 =	smul.u32 $0xA0, s13;
	v63 =	vpop (erf);
	[tilespmem:s18+$0xFFFFFFC0] =	vst v7  }
0x179: {  	[tilespmem:v6+s31+$0x0] =	vst.idx.msk $0xf, v7;
	v6 =	vsel vm2, v63, v62  }
0x17a: {  	s26 =	sadd.s32 s8, s14;
	[tilespmem:s18+$0x20] =	vst v6  }
0x17b: {  	p0 =	seq.s32 s13, $0x3E;
	s24 =	simm.s32 $0x50A0;
	s0 =	sshrl.u32 s26, $0x1;
	[tilespmem:v5+s31+$0x0] =	vst.idx.msk $0xf, v6  }
0x17c: {  	[spmem:s2] =	stream.indirect.scatter.add.f32 [tilespmem:s24], [sflag:$0x3], $0x10, s3, s21, $0xb8;
	[tilespmem:$0x10680] =	vst v63  }
.Ltmp4:
0x17d: {  	s0 =	sadd.s32 s1, s0;
	(pc) =	sbr.rel @p0 .LBB2_12-.Ltmp4, $4  }
0x17e: {  	[hbm4b:s0+s3] =	stream.linear.scatter [tilespmem:s31], [sflag:$0x7], $0x140, $0x38;
	[tilespmem:$0x10680] =	vst v63  }
0x17f: {  	_ =	swait.ge [sflag:s20], $0x140  }
0x180: {  	[sflag:s20] =	ssyncset.done $0x0  }
0x181: {  	[sflag:s20] =	ssyncadd.s32 $0xFFFFFEC0  }
0x182: {  	_ =	swait.ge [sflag:s4], $0x500;
	s0 =	sadd.s32 s14, s15  }
0x183: {  	[sflag:s4] =	ssyncset.done $0x0;
	s0 =	sshrl.u32 s0, $0x3  }
0x184: {  	[sflag:s4] =	ssyncadd.s32 $0xFFFFFB00;
	s10 =	sadd.s32 s7, s0  }
0x185: {  	[tilespmem:s3], [sflag:$0x7] =	stream.linear.gather [hbm4b:s10+s3], $0x50, $0x38;
	[tilespmem:$0x10680] =	vst v63  }
0x186: {  	_ =	swait.ge [sflag:s20], $0x50  }
0x187: {  	[sflag:s20] =	ssyncset.done $0x0  }
0x188: {  	s17 =	sshllo.u32 s13, $0x1;
	s0 =	sadd.s32 s9, s0;
	[sflag:s20] =	ssyncadd.s32 $0xFFFFFFB0  }
0x189: {  	[tilespmem:s21], [sflag:$0x7] =	stream.linear.gather [hbm4b:s0+s3], $0x50, $0x38;
	[tilespmem:$0x10680] =	vst v63  }
0x18a: {  	p0 =	sgt.u32 s17, $0x7C;
	_ =	swait.ge [sflag:s20], $0x50  }
.Ltmp5:
0x18b: {  	[sflag:s20] =	ssyncset.done $0x0;
	(pc) =	sbr.rel @p0 .LBB2_11-.Ltmp5, $4  }
0x18c: {  	[sflag:s20] =	ssyncadd.s32 $0xFFFFFFB0  }
0x18d: {  	[tilespmem:s25], [sflag:$0x1] =	stream.indirect.gather [hbm4b:s5+s21], $0x80, s3, s21, $0xb8;
	[tilespmem:$0x10680] =	vst v63  }
0x18e: {  	_ = 	snop  }
0x18f: {  	[tilespmem:s28], [sflag:$0x2] =	stream.indirect.gather [hbm4b:s6+s21], $0x80, s21, s21, $0xb8;
	[tilespmem:$0x10680] =	vst v63  }
0x190: {  	s0 =	simm.s32 $0x4  }
0x191: {  	_ =	swait.ge [sflag:s0], $0x2800  }
0x192: {  	[sflag:s0] =	ssyncset.done $0x0  }
0x193: {  	s24 =	simm.s32 $0x5;
	[sflag:s0] =	ssyncadd.s32 $0xFFFFD800  }
0x194: {  	_ =	swait.ge [sflag:s24], $0x2800  }
0x195: {  	[sflag:s24] =	ssyncset.done $0x0  }
0x196: {  	[sflag:s24] =	ssyncadd.s32 $0xFFFFD800;
	s24 =	simm.s32 $0x5840  }
0x197: {  	v5 =	vld [tilespmem:s24+$0x180]  }
0x198: {  	s18 =	simm.s32 $0x8040;
	v6 =	vld [tilespmem:s24+$0x190]  }
0x199: {  	v7 =	vld [tilespmem:s18+$0x180]  }
0x19a: {  	v8 =	vld [tilespmem:s18+$0x190]  }
0x19b: {  	v9 =	vld [tilespmem:s24+$0x1A0]  }
0x19c: {  	v10 =	vld [tilespmem:s24+$0x1B0]  }
0x19d: {  	v11 =	vld [tilespmem:s18+$0x1A0]  }
0x19e: {  	v12 =	vld [tilespmem:s18+$0x1B0]  }
0x19f: {  	v13 =	vld [tilespmem:s24+$0x1C0]  }
0x1a0: {  	v14 =	vld [tilespmem:s24+$0x1D0]  }
0x1a1: {  	v15 =	vld [tilespmem:s24+$0x1E0]  }
0x1a2: {  	v16 =	vld [tilespmem:s18+$0x1C0]  }
0x1a3: {  	v17 =	vld [tilespmem:s18+$0x1D0]  }
0x1a4: {  	v18 =	vld [tilespmem:s24+$0x1F0]  }
0x1a5: {  	v19 =	vld [tilespmem:s18+$0x1E0]  }
0x1a6: {  	v20 =	vld [tilespmem:s18+$0x1F0]  }
0x1a7: {  	v21 =	vld [tilespmem:s24+$0xFFFFFE40]  }
0x1a8: {  	v22 =	vld [tilespmem:s24+$0xFFFFFE50]  }
0x1a9: {  	v23 =	vld [tilespmem:s24+$0xFFFFFE60]  }
0x1aa: {  	v24 =	vld [tilespmem:s24+$0xFFFFFE70]  }
0x1ab: {  	v25 =	vld [tilespmem:s18+$0xFFFFFE40]  }
0x1ac: {  	v26 =	vld [tilespmem:s18+$0xFFFFFE50]  }
0x1ad: {  	v27 =	vld [tilespmem:s18+$0xFFFFFE60]  }
0x1ae: {  	v28 =	vld [tilespmem:s18+$0xFFFFFE70]  }
0x1af: {  	v29 =	vld [tilespmem:s24+$0xFFFFFEC0]  }
0x1b0: {  	v30 =	vld [tilespmem:s24+$0xFFFFFED0]  }
0x1b1: {  	v31 =	vld [tilespmem:s24+$0xFFFFFEE0]  }
0x1b2: {  	v32 =	vld [tilespmem:s24+$0xFFFFFEF0]  }
0x1b3: {  	v33 =	vld [tilespmem:s18+$0xFFFFFEC0]  }
0x1b4: {  	v34 =	vld [tilespmem:s18+$0xFFFFFED0]  }
0x1b5: {  	v54 =	vld [tilespmem:s24+$0xD0]  }
0x1b6: {  	v5 =	vmul.f32 v7, v5;
	v6 =	vmul.f32 v8, v6;
	v7 =	vld [tilespmem:s18+$0xFFFFFEE0]  }
0x1b7: {  	v8 =	vmul.f32 v11, v9;
	v9 =	vmul.f32 v12, v10;
	v10 =	vld [tilespmem:s18+$0xFFFFFEF0]  }
0x1b8: {  	v12 =	vld [tilespmem:s24+$0xFFFFFF40]  }
0x1b9: {  	v11 =	vmul.f32 v17, v14;
	v14 =	vld [tilespmem:s18+$0xFFFFFF70];
	v5 =	vadd.f32 v6, v5  }
0x1ba: {  	v17 =	vld [tilespmem:s24+$0xFFFFFFE0];
	v6 =	vmul.f32 v16, v13;
	v8 =	vadd.f32 v9, v8  }
0x1bb: {  	v23 =	vmul.f32 v27, v23;
	v24 =	vmul.f32 v28, v24;
	v27 =	vld [tilespmem:s24+$0x60];
	(xrf2) =	vadd.scan.msk.f32 $0xffff, v5  }
0x1bc: {  	v28 =	vld [tilespmem:s24+$0x70];
	v5 =	vadd.f32 v11, v6;
	v6 =	vmul.f32 v19, v15;
	v11 =	vmul.f32 v20, v18;
	(xrf2) =	vadd.scan.msk.f32 $0xffff, v8  }
0x1bd: {  	v9 =	vld [tilespmem:s24+$0xFFFFFF50]  }
0x1be: {  	v13 =	vld [tilespmem:s24+$0xFFFFFF60];
	(xrf2) =	vadd.scan.msk.f32 $0xffff, v5;
	v5 =	vadd.f32 v11, v6  }
0x1bf: {  	v16 =	vld [tilespmem:s24+$0xFFFFFFD0]  }
0x1c0: {  	v15 =	vld [tilespmem:s24+$0xFFFFFFC0];
	(xrf2) =	vadd.scan.msk.f32 $0xffff, v5  }
0x1c1: {  	v20 =	vld [tilespmem:s24+$0xFFFFFFF0]  }
0x1c2: {  	v18 =	vmul.f32 v25, v21;
	v19 =	vmul.f32 v26, v22;
	v22 =	vld [tilespmem:s18+$0xFFFFFFC0]  }
0x1c3: {  	v26 =	vmul.f32 v33, v29;
	v29 =	vld [tilespmem:s18+$0x50]  }
0x1c4: {  	v18 =	vadd.f32 v19, v18;
	v5 =	vld [tilespmem:s18+$0xFFFFFF60]  }
0x1c5: {  	v8 =	vld [tilespmem:s24+$0xFFFFFF70];
	v21, _, _ =	vpop (xrf2)  }
0x1c6: {  	v7 =	vmul.f32 v7, v31;
	v10 =	vmul.f32 v10, v32;
	v6 =	vld [tilespmem:s18+$0xFFFFFF40];
	v19, _, _ =	vpop (xrf2);
	(xrf2) =	vadd.scan.msk.f32 $0xffff, v18  }
0x1c7: {  	v23 =	vadd.f32 v24, v23;
	v11 =	vld [tilespmem:s18+$0xFFFFFF50];
	(v2sf) =	vpush v21, $0xF  }
0x1c8: {  	v7 =	vadd.f32 v10, v7;
	v10 =	vld [tilespmem:s24+$0xC0];
	v25, _, _ =	vpop (xrf2);
	(v2sf) =	vpush v19, $0xF  }
0x1c9: {  	v5 =	vmul.f32 v5, v13;
	v13 =	vld [tilespmem:s18+$0xE0];
	(xrf2) =	vadd.scan.msk.f32 $0xffff, v23;
	(v2sf) =	vpush v25, $0xF  }
0x1ca: {  	v8 =	vmul.f32 v14, v8;
	v21 =	vld [tilespmem:s18+$0xFFFFFFD0];
	v24, _, _ =	vpop (xrf2)  }
0x1cb: {  	v18 =	vld [tilespmem:s18+$0xFFFFFFF0];
	v23 =	vmul.f32 v34, v30;
	(v2sf) =	vpush v24, $0xF  }
0x1cc: {  	v5 =	vadd.f32 v8, v5;
	v8 =	vld [tilespmem:s18+$0xD0]  }
0x1cd: {  	v19 =	vld [tilespmem:s18+$0xFFFFFFE0];
	v23 =	vadd.f32 v23, v26  }
0x1ce: {  	v30 =	vld [tilespmem:s18+$0x70]  }
0x1cf: {  	v25 =	vld [tilespmem:s24+$0x40];
	(xrf2) =	vadd.scan.msk.f32 $0xffff, v23  }
0x1d0: {  	v6 =	vmul.f32 v6, v12;
	v26 =	vld [tilespmem:s18+$0x40];
	(xrf2) =	vadd.scan.msk.f32 $0xffff, v7;
	v7 =	vmul.f32 v11, v9;
	v31, _, _ =	vpop (xrf2)  }
0x1d1: {  	v24 =	vld [tilespmem:s24+$0x50];
	(v2sf) =	vpush v31, $0xF  }
0x1d2: {  	v23 =	vld [tilespmem:s18+$0x60];
	v6 =	vadd.f32 v7, v6  }
0x1d3: {  	v9 =	vld [tilespmem:s24+$0xE0];
	v12, _, _ =	vpop (xrf2)  }
0x1d4: {  	v11 =	vld [tilespmem:s24+$0xF0];
	(xrf2) =	vadd.scan.msk.f32 $0xffff, v6;
	v6 =	vmul.f32 v22, v15;
	(v2sf) =	vpush v12, $0xF;
	v12 =	vmul.f32 v21, v16  }
0x1d5: {  	(xrf2) =	vadd.scan.msk.f32 $0xffff, v5;
	v5 =	vld [tilespmem:s18+$0xF0]  }
0x1d6: {  	v7 =	vld [tilespmem:s18+$0xC0];
	v15 =	vmul.f32 v19, v17;
	v6 =	vadd.f32 v12, v6;
	v12 =	vmul.f32 v18, v20;
	s25 =	spop (v2sf)  }
0x1d7: {  	v17 =	vld [tilespmem:s24+$0x150];
	s10 =	spop (v2sf)  }
0x1d8: {  	v22 =	vmul.f32 v30, v28;
	v9 =	vmul.f32 v13, v9;
	v16 =	vld [tilespmem:s24+$0x140];
	v12 =	vadd.f32 v12, v15;
	s11 =	spop (v2sf)  }
0x1d9: {  	v18 =	vld [tilespmem:s24+$0x160];
	(xrf2) =	vadd.scan.msk.f32 $0xffff, v6;
	v6 =	vmul.f32 v26, v25;
	v15 =	vmul.f32 v29, v24;
	s11 =	smax.f32 s11, $-1.000000000e+01  }
0x1da: {  	v20 =	vld [tilespmem:s24+$0x170];
	v14, _, _ =	vpop (xrf2);
	v5 =	vmul.f32 v5, v11;
	(xrf2) =	vadd.scan.msk.f32 $0xffff, v12;
	v12 =	vmul.f32 v23, v27;
	s12 =	spop (v2sf);
	s11 =	smin.f32 s11, $1.000000000e+01  }
0x1db: {  	v21, _, _ =	vpop (xrf2);
	v11 =	vld [tilespmem:s24+$0xFFFFFE30];
	v6 =	vadd.f32 v15, v6;
	(v2sf) =	vpush v14, $0xF;
	s12 =	smax.f32 s12, $-1.000000000e+01;
	v14 =	vmov s11  }
0x1dc: {  	v15 =	vld [tilespmem:s18+$0x140];
	v5 =	vadd.f32 v5, v9;
	(v2sf) =	vpush v21, $0xF;
	s26 =	smin.f32 s12, $1.000000000e+01;
	v14 =	vmul.f32 $1.442695020e+00, v14  }
0x1dd: {  	s0 =	smax.f32 s25, $-1.000000000e+01;
	s10 =	smax.f32 s10, $-1.000000000e+01;
	v23 =	vld [tilespmem:s18+$0x150];
	(xrf2) =	vadd.scan.msk.f32 $0xffff, v6;
	v6 =	vmul.f32 v7, v10;
	v7 =	vmul.f32 v8, v54;
	v19 =	vmov s26  }
0x1de: {  	s0 =	smin.f32 s0, $1.000000000e+01;
	s10 =	smin.f32 s10, $1.000000000e+01;
	v9 =	vld [tilespmem:s18+$0xFFFFFE30];
	v12 =	vadd.f32 v22, v12;
	v19 =	vmul.f32 $1.442695020e+00, v19;
	v14 =	vbroadcast v14, $0x0  }
0x1df: {  	v21 =	vmov s10;
	v8 =	vld [tilespmem:s18+$0x160];
	v10 =	vmov s0  }
0x1e0: {  	v22 =	vld [tilespmem:s18+$0x170];
	v24, _, _ =	vpop (xrf2);
	(xrf2) =	vadd.scan.msk.f32 $0xffff, v12;
	v6 =	vadd.f32 v7, v6;
	v19 =	vbroadcast v19, $0x0;
	(erf) = vpow2.f32 v14;
	s28 =	spop (v2sf)  }
0x1e1: {  	v21 =	vmul.f32 $1.442695020e+00, v21;
	(v2sf) =	vpush v24, $0xF;
	v7 =	vld [tilespmem:s24+$0xFFFFFE20];
	v15 =	vmul.f32 v15, v16;
	s0 =	smax.f32 s28, $-1.000000000e+01  }
0x1e2: {  	v16 =	vmul.f32 v23, v17;
	v17 =	vld [tilespmem:s24+$0xFFFFFEA0];
	v12, _, _ =	vpop (xrf2);
	(xrf2) =	vadd.scan.msk.f32 $0xffff, v6;
	(erf) = vpow2.f32 v19;
	s0 =	smin.f32 s0, $1.000000000e+01  }
0x1e3: {  	v10 =	vmul.f32 $1.442695020e+00, v10;
	v6 =	vld [tilespmem:s18+$0xFFFFFE20];
	v13 =	vmov s0  }
0x1e4: {  	(v2sf) =	vpush v12, $0xF;
	v12 =	vbroadcast v21, $0x0;
	(xrf2) =	vadd.scan.msk.f32 $0xffff, v5;
	v5 =	vld [tilespmem:s24+$0xFFFFFEB0];
	v13 =	vmul.f32 $1.442695020e+00, v13  }
0x1e5: {  	v8 =	vmul.f32 v8, v18;
	v15 =	vadd.f32 v16, v15;
	v16 =	vmul.f32 v22, v20;
	v18 =	vld [tilespmem:s18+$0xFFFFFEA0];
	v14, _, _ =	vpop (xrf2)  }
0x1e6: {  	v10 =	vbroadcast v10, $0x0;
	v20 =	vld [tilespmem:s24+$0xFFFFFFA0];
	(v2sf) =	vpush v14, $0xF;
	v14, _, _ =	vpop (xrf2);
	v13 =	vbroadcast v13, $0x0  }
0x1e7: {  	s10 =	spop (v2sf);
	(erf) = vpow2.f32 v12;
	(v2sf) =	vpush v14, $0xF;
	v14 =	vld [tilespmem:s18+$0xFFFFFEB0]  }
0x1e8: {  	v8 =	vadd.f32 v16, v8;
	(xrf2) =	vadd.scan.msk.f32 $0xffff, v15;
	v15 =	vld [tilespmem:s24+$0xFFFFFF20];
	(erf) = vpow2.f32 v10;
	v19, _, _ =	vpop (xrf2)  }
0x1e9: {  	s0 =	smax.f32 s10, $-1.000000000e+01;
	v10 =	vld [tilespmem:s24+$0xFFFFFF30];
	v6 =	vmul.f32 v6, v7;
	v7 =	vmul.f32 v9, v11;
	v16 =	vpop (erf)  }
0x1ea: {  	(xrf2) =	vadd.scan.msk.f32 $0xffff, v8;
	v8 =	vld [tilespmem:s18+$0xFFFFFF20];
	s0 =	smin.f32 s0, $1.000000000e+01;
	(erf) = vpow2.f32 v13;
	v13, _, _ =	vpop (xrf2)  }
0x1eb: {  	v9 =	vld [tilespmem:s18+$0xFFFFFF30];
	v12 =	vmov s0;
	v6 =	vadd.f32 v7, v6;
	s11 =	spop (v2sf);
	(v2sf) =	vpush v19, $0xF;
	v21 =	vpop (erf)  }
0x1ec: {  	v7 =	vld [tilespmem:s24+$0xFFFFFFB0];
	v12 =	vmul.f32 $1.442695020e+00, v12;
	v5 =	vmul.f32 v14, v5;
	s12 =	spop (v2sf);
	(v2sf) =	vpush v13, $0xF;
	v13, _, _ =	vpop (xrf2)  }
0x1ed: {  	v14 =	vld [tilespmem:s18+$0xFFFFFFA0];
	s0 =	smax.f32 s11, $-1.000000000e+01;
	(v2sf) =	vpush v13, $0xF;
	v13 =	vsel vm0, v21, v16;
	v16 =	vmul.f32 v18, v17  }
0x1ee: {  	v12 =	vbroadcast v12, $0x0;
	s0 =	smin.f32 s0, $1.000000000e+01;
	(xrf2) =	vadd.scan.msk.f32 $0xffff, v6;
	v6 =	vld [tilespmem:s18+$0xFFFFFFB0]  }
0x1ef: {  	v8 =	vmul.f32 v8, v15;
	v11 =	vmov s0;
	s0 =	smax.f32 s12, $-1.000000000e+01;
	v5 =	vadd.f32 v5, v16  }
0x1f0: {  	s22 =	simm.s32 $0x8;
	v9 =	vmul.f32 v9, v10;
	s16 =	spop (v2sf);
	v11 =	vmul.f32 $1.442695020e+00, v11;
	s0 =	smin.f32 s0, $1.000000000e+01  }
0x1f1: {  	v15 =	vadd.s32 s22, v1;
	(erf) = vpow2.f32 v12;
	v17, _, _ =	vpop (xrf2);
	v12 =	vmov s0;
	s0 =	smax.f32 s16, $-1.000000000e+01  }
0x1f2: {  	(v2sf) =	vpush v17, $0xF;
	v14 =	vmul.f32 v14, v20;
	v11 =	vbroadcast v11, $0x0;
	s0 =	smin.f32 s0, $1.000000000e+01  }
0x1f3: {  	v10 =	vld [tilespmem:s24+$0x30];
	v12 =	vmul.f32 $1.442695020e+00, v12;
	v17 =	vmov s0;
	v6 =	vmul.f32 v6, v7;
	(xrf2) =	vadd.scan.msk.f32 $0xffff, v5;
	v5, _, _ =	vpop (xrf2)  }
0x1f4: {  	v18 =	vpop (erf);
	v16 =	vld [tilespmem:s24+$0x20];
	s23 =	spop (v2sf);
	(erf) = vpow2.f32 v11;
	(v2sf) =	vpush v5, $0xF;
	v5 =	vadd.f32 v9, v8  }
0x1f5: {  	v13 =	vsel vm1, v13, v18;
	v20 =	vpop (erf);
	s25 =	smax.f32 s23, $-1.000000000e+01;
	v11 =	vbroadcast v12, $0x0;
	v12 =	vld [tilespmem:s18+$0x20];
	v17 =	vmul.f32 $1.442695020e+00, v17;
	s10 =	spop (v2sf)  }
0x1f6: {  	v21 =	vsel vm2, v20, v13;
	v13 =	vand.u32 $0x1F8, v15;
	v15 =	vld [tilespmem:s18+$0xB0];
	s28 =	smin.f32 s25, $1.000000000e+01;
	s11 =	spop (v2sf);
	(xrf2) =	vadd.scan.msk.f32 $0xffff, v5  }
0x1f7: {  	v6 =	vadd.f32 v6, v14;
	s0 =	smax.f32 s10, $-1.000000000e+01;
	v14 =	vbroadcast v17, $0x0;
	v8 =	vld [tilespmem:s18+$0x30];
	v18, _, _ =	vpop (xrf2);
	s10 =	smax.f32 s11, $-1.000000000e+01  }
0x1f8: {  	v7 =	vld [tilespmem:s24+$0xA0];
	(erf) = vpow2.f32 v11;
	v9 =	vmov s28;
	(v2sf) =	vpush v18, $0xF;
	s12 =	smin.f32 s10, $1.000000000e+01  }
0x1f9: {  	v11 =	vld [tilespmem:s18+$0xA0];
	s0 =	smin.f32 s0, $1.000000000e+01;
	v9 =	vmul.f32 $1.442695020e+00, v9;
	(erf) = vpow2.f32 v14;
	v14 =	vmov s12  }
0x1fa: {  	v17 =	vmov s0;
	v5 =	vld [tilespmem:s24+$0xB0];
	v12 =	vmul.f32 v12, v16;
	(xrf2) =	vadd.scan.msk.f32 $0xffff, v6;
	v14 =	vmul.f32 $1.442695020e+00, v14;
	s16 =	spop (v2sf)  }
0x1fb: {  	v16, _, _ =	vpop (xrf2);
	v9 =	vbroadcast v9, $0x0;
	v6 =	vmul.f32 $1.442695020e+00, v17;
	s22 =	smax.f32 s16, $-1.000000000e+01  }
0x1fc: {  	v29 =	vld [tilespmem:s18+$0xFFFFFF10];
	(v2sf) =	vpush v16, $0xF;
	v8 =	vmul.f32 v8, v10;
	v14 =	vbroadcast v14, $0x0;
	s0 =	smin.f32 s22, $1.000000000e+01  }
0x1fd: {  	v18 =	vld [tilespmem:s24+$0x130];
	v6 =	vbroadcast v6, $0x0;
	(erf) = vpow2.f32 v9;
	v9 =	vmov s0  }
0x1fe: {  	v16 =	vld [tilespmem:s18+$0x130];
	v11 =	vmul.f32 v11, v7;
	v8 =	vadd.f32 v8, v12;
	s25 =	spop (v2sf);
	v9 =	vmul.f32 $1.442695020e+00, v9  }
0x1ff: {  	v10 =	vld [tilespmem:s24+$0x120];
	v20, _, _ =	vpop (xrf2);
	(erf) = vpow2.f32 v6;
	v5 =	vmul.f32 v15, v5;
	s28 =	spop (v2sf)  }
0x200: {  	v12 =	vld [tilespmem:s18+$0x120];
	s0 =	smax.f32 s25, $-1.000000000e+01;
	(v2sf) =	vpush v20, $0xF;
	(erf) = vpow2.f32 v14;
	(xrf2) =	vadd.scan.msk.f32 $0xffff, v8;
	s10 =	smax.f32 s28, $-1.000000000e+01;
	v6 =	vbroadcast v9, $0x0;
	v14, _, _ =	vpop (xrf2)  }
0x201: {  	v24 =	vld [tilespmem:s18+$0xFFFFFE90];
	s11 =	spop (v2sf);
	s10 =	smin.f32 s10, $1.000000000e+01;
	(v2sf) =	vpush v14, $0xF  }
0x202: {  	v23 =	vld [tilespmem:s24+$0xFFFFFE80];
	s0 =	smin.f32 s0, $1.000000000e+01;
	v11 =	vadd.f32 v5, v11;
	v7 =	vmov s10  }
0x203: {  	v22 =	vld [tilespmem:s24+$0xFFFFFE10];
	v16 =	vmul.f32 v16, v18;
	v9 =	vmov s0;
	v15 =	vmul.f32 $1.442695020e+00, v7  }
0x204: {  	s0 =	smax.f32 s11, $-1.000000000e+01;
	v9 =	vmul.f32 $1.442695020e+00, v9;
	(xrf2) =	vadd.scan.msk.f32 $0xffff, v11;
	v7 =	vor.u32 v2, v13;
	(erf) = vpow2.f32 v6;
	v13 =	vld [tilespmem:s18+$0xFFFFFE80];
	v6, _, _ =	vpop (xrf2)  }
0x205: {  	s23 =	simm.s32 $0x18;
	s0 =	smin.f32 s0, $1.000000000e+01;
	v10 =	vmul.f32 v12, v10;
	v14 =	vld [tilespmem:s24+$0xFFFFFE90];
	v15 =	vbroadcast v15, $0x0;
	(v2sf) =	vpush v6, $0xF  }
0x206: {  	v25 =	vpop (erf);
	v17 =	vadd.s32 s23, v1;
	v20 =	vld [tilespmem:s18+$0xFFFFFE10];
	v5 =	vmov s0;
	v9 =	vbroadcast v9, $0x0;
	s12 =	spop (v2sf)  }
0x207: {  	v8 =	vand.u32 $0x3F8, v17;
	v18 =	vld [tilespmem:s24+$0xFFFFFF10];
	v12 =	vpop (erf);
	v26 =	vmul.f32 $1.442695020e+00, v5;
	v10 =	vadd.f32 v16, v10;
	s0 =	smax.f32 s12, $-1.000000000e+01;
	s22 =	spop (v2sf)  }
0x208: {  	v27 =	vld [tilespmem:s24+$0xFFFFFF00];
	v5 =	vor.u32 v2, v8;
	v28 =	vpop (erf);
	(erf) = vpow2.f32 v9;
	s0 =	smin.f32 s0, $1.000000000e+01;
	s23 =	smax.f32 s22, $-1.000000000e+01  }
0x209: {  	v8 =	vbroadcast v26, $0x0;
	v26 =	vld [tilespmem:s18+$0xFFFFFF00];
	(erf) = vpow2.f32 v15;
	(xrf2) =	vadd.scan.msk.f32 $0xffff, v10;
	v9 =	vmov s0;
	s0 =	smin.f32 s23, $1.000000000e+01;
	v15 =	vpop (erf)  }
0x20a: {  	v13 =	vmul.f32 v13, v23;
	v14 =	vmul.f32 v24, v14;
	v11, _, _ =	vpop (xrf2);
	v16 =	vmov s0  }
0x20b: {  	v55 =	vld [tilespmem:s18+$0xFFFFFF80];
	v12 =	vsel vm0, v12, v25;
	v9 =	vmul.f32 $1.442695020e+00, v9;
	v30 =	vpop (erf);
	v16 =	vmul.f32 $1.442695020e+00, v16  }
0x20c: {  	v57 =	vld [tilespmem:s18+$0xFFFFFF90];
	v20 =	vmul.f32 v20, v22;
	v18 =	vmul.f32 v29, v18;
	s11 =	spop (v2sf);
	(v2sf) =	vpush v11, $0xF;
	v25 =	vpop (erf)  }
0x20d: {  	v37 =	vld [tilespmem:s24+$0x10];
	s0 =	smax.f32 s11, $-1.000000000e+01;
	v14 =	vadd.f32 v14, v13;
	v31 =	vbroadcast v9, $0x0;
	v56 =	vpop (erf);
	v16 =	vbroadcast v16, $0x0  }
0x20e: {  	v23 =	vld [tilespmem:s24+$0xFFFFFF80];
	(erf) = vpow2.f32 v8;
	v13 =	vsel vm0, v15, v28;
	v22 =	vmul.f32 v26, v27;
	s0 =	smin.f32 s0, $1.000000000e+01;
	v27, _, _ =	vpop (xrf2)  }
0x20f: {  	v24 =	vld [tilespmem:s24+$0xFFFFFF90];
	v35 =	vpop (erf);
	(xrf2) =	vadd.scan.msk.f32 $0xffff, v14;
	v36 =	vmov s0;
	v14 =	vsel vm0, v25, v30;
	(erf) = vpow2.f32 v31;
	s22 =	spop (v2sf)  }
0x210: {  	s26 =	simm.s32 $0x1C;
	v26 =	vld [tilespmem:s18+$0x10];
	v28 =	vpop (erf);
	v25 =	vmul.f32 $1.442695020e+00, v36;
	(erf) = vpow2.f32 v16;
	s0 =	smax.f32 s22, $-1.000000000e+01;
	s23 =	spop (v2sf);
	(v2sf) =	vpush v27, $0xF  }
0x211: {  	v19 =	vadd.s32 s26, v1;
	v30 =	vld [tilespmem:s18+$0x0];
	v59 =	vadd.f32 v18, v22;
	s0 =	smin.f32 s0, $1.000000000e+01;
	v16 =	vpop (erf)  }
0x212: {  	s25 =	simm.s32 $0x4;
	v31 =	vld [tilespmem:s24+$0x0];
	v25 =	vbroadcast v25, $0x0;
	v16 =	vsel vm0, v16, v28;
	v28 =	vmov s0  }
0x213: {  	v17 =	vld [tilespmem:s18+$0xFFFFFE00];
	v11 =	vadd.s32 s25, v1;
	v23 =	vmul.f32 v55, v23;
	v60, _, _ =	vpop (xrf2);
	v27 =	vmul.f32 $1.442695020e+00, v28  }
0x214: {  	s10 =	simm.s32 $0xA680;
	v29 =	vld [tilespmem:s24+$0x80];
	v24 =	vmul.f32 v57, v24;
	(xrf2) =	vadd.scan.msk.f32 $0xffff, v59;
	v58 =	vpop (erf);
	(erf) = vpow2.f32 v25;
	s25 =	spop (v2sf);
	(v2sf) =	vpush v60, $0xF  }
0x215: {  	s16 =	simm.s32 $0x0;
	[tilespmem:s10+$0x30] =	vst v21;
	v25 =	vld [tilespmem:s18+$0x80];
	s0 =	smax.f32 s23, $-1.000000000e+01;
	v27 =	vbroadcast v27, $0x0  }
0x216: {  	s28 =	simm.s32 $0xC;
	[tilespmem:v19+s31+$0x0] =	vst.idx.msk $0xf, v21;
	v6 =	vor.u32 s16, v1;
	v26 =	vmul.f32 v26, v37;
	v19 =	vadd.f32 v24, v23;
	v28 =	vld [tilespmem:s24+$0x90];
	s0 =	smin.f32 s0, $1.000000000e+01  }
0x217: {  	s16 =	simm.s32 $0x14;
	v10 =	vadd.s32 s28, v1;
	v18 =	vpop (erf);
	v30 =	vmul.f32 v30, v31;
	v31 =	vld [tilespmem:s18+$0x90];
	v22 =	vmov s0  }
0x218: {  	v21 =	vld [tilespmem:s24+$0x110];
	s12 =	simm.s32 $0x10;
	v8 =	vadd.s32 s16, v1;
	(xrf2) =	vadd.scan.msk.f32 $0xffff, v19;
	s0 =	smax.f32 s25, $-1.000000000e+01;
	v61 =	vmul.f32 $1.442695020e+00, v22;
	v23 =	vpop (erf);
	(erf) = vpow2.f32 v27  }
0x219: {  	v9 =	vor.u32 s12, v1;
	v15 =	vsel vm0, v35, v56;
	v24 =	vld [tilespmem:s18+$0x100];
	v30 =	vadd.f32 v26, v30;
	s0 =	smin.f32 s0, $1.000000000e+01;
	v27 =	vpop (erf)  }
0x21a: {  	v22 =	vld [tilespmem:s24+$0x100];
	v26, _, _ =	vpop (xrf2);
	v63 =	vmov s0;
	v62 =	vbroadcast v61, $0x0;
	v19 =	vsel vm0, v27, v23  }
0x21b: {  	v23 =	vmul.f32 $1.442695020e+00, v63;
	v27 =	vmul.f32 v25, v29;
	v25 =	vld [tilespmem:s18+$0x110];
	s28 =	spop (v2sf);
	(v2sf) =	vpush v26, $0xF  }
0x21c: {  	s11 =	simm.s32 $0x0;
	v18 =	vsel vm0, v18, v58;
	(xrf2) =	vadd.scan.msk.f32 $0xffff, v30;
	v28 =	vmul.f32 v31, v28;
	v26 =	vld [tilespmem:s24+$0xFFFFFE00];
	s24 =	simm.s32 $0x5C40;
	s0 =	smax.f32 s28, $-1.000000000e+01;
	(erf) = vpow2.f32 v62  }
.LBB2_9:
0x21d: {  	v29 =	vld [tilespmem:s24+$0x180];
	v23 =	vbroadcast v23, $0x0;
	s0 =	smin.f32 s0, $1.000000000e+01;
	v30 =	vpop (erf)  }
0x21e: {  	s18 =	sadd.s32 $0x400, s18;
	v31 =	vld [tilespmem:s24+$0x190];
	v12 =	vsel vm1, v12, v30;
	v30 =	vmov s0;
	v27 =	vadd.f32 v28, v27;
	v28, _, _ =	vpop (xrf2)  }
0x21f: {  	v32 =	vld [tilespmem:s18+$0x180];
	v30 =	vmul.f32 $1.442695020e+00, v30;
	v33 =	vmul.f32 v24, v22;
	(v2sf) =	vpush v28, $0xF;
	s0 =	spop (v2sf)  }
0x220: {  	v24 =	vld [tilespmem:s18+$0x190];
	s0 =	smax.f32 s0, $-1.000000000e+01;
	v21 =	vmul.f32 v25, v21;
	(erf) = vpow2.f32 v23;
	(xrf2) =	vadd.scan.msk.f32 $0xffff, v27  }
0x221: {  	v23 =	vld [tilespmem:s24+$0x1A0];
	v25 =	vmul.f32 v17, v26;
	v26 =	vbroadcast v30, $0x0;
	s0 =	smin.f32 s0, $1.000000000e+01;
	v17 =	vpop (erf)  }
0x222: {  	v27 =	vld [tilespmem:s24+$0x1B0];
	v17 =	vsel vm1, v13, v17;
	v13 =	vmov s0;
	v21 =	vadd.f32 v21, v33;
	v22, _, _ =	vpop (xrf2)  }
0x223: {  	v28 =	vld [tilespmem:s18+$0x1A0];
	v33 =	vadd.f32 v20, v25;
	v13 =	vmul.f32 $1.442695020e+00, v13;
	(v2sf) =	vpush v22, $0xF;
	s0 =	spop (v2sf)  }
0x224: {  	v22 =	vld [tilespmem:s18+$0x1B0];
	s0 =	smax.f32 s0, $-1.000000000e+01;
	(erf) = vpow2.f32 v26  }
0x225: {  	v25 =	vld [tilespmem:s24+$0x1C0];
	v13 =	vbroadcast v13, $0x0;
	s0 =	smin.f32 s0, $1.000000000e+01;
	(xrf2) =	vadd.scan.msk.f32 $0xffff, v33;
	v20 =	vpop (erf)  }
0x226: {  	v26 =	vld [tilespmem:s24+$0x1D0];
	v20 =	vsel vm1, v14, v20;
	v14 =	vmov s0;
	v30, _, _ =	vpop (xrf2)  }
0x227: {  	v33 =	vld [tilespmem:s24+$0x1E0];
	v14 =	vmul.f32 $1.442695020e+00, v14;
	(v2sf) =	vpush v30, $0xF;
	(erf) = vpow2.f32 v13  }
0x228: {  	v32 =	vmul.f32 v32, v29;
	v24 =	vmul.f32 v24, v31;
	v13 =	vld [tilespmem:s18+$0x1C0];
	(xrf2) =	vadd.scan.msk.f32 $0xffff, v21  }
0x229: {  	v21 =	vld [tilespmem:s18+$0x1D0];
	v14 =	vbroadcast v14, $0x0;
	v30 =	vpop (erf)  }
0x22a: {  	v24 =	vadd.f32 v24, v32;
	v31 =	vld [tilespmem:s24+$0x1F0];
	v15 =	vsel vm1, v15, v30;
	s0 =	spop (v2sf);
	v29, _, _ =	vpop (xrf2)  }
0x22b: {  	v23 =	vmul.f32 v28, v23;
	v22 =	vmul.f32 v22, v27;
	v30 =	vld [tilespmem:s18+$0x1E0];
	s0 =	smax.f32 s0, $-1.000000000e+01;
	(v2sf) =	vpush v29, $0xF  }
0x22c: {  	v27 =	vld [tilespmem:s18+$0x1F0];
	(xrf2) =	vadd.scan.msk.f32 $0xffff, v24;
	s0 =	smin.f32 s0, $1.000000000e+01;
	(erf) = vpow2.f32 v14  }
0x22d: {  	s11 =	sadd.s32 $0x8, s11;
	v29 =	vadd.f32 v22, v23;
	v24 =	vld [tilespmem:s24+$0xFFFFFE40];
	v23 =	vmov s0;
	v14 =	vpop (erf)  }
0x22e: {  	p0 =	slt.u32 s11, $0x48;
	v13 =	vmul.f32 v13, v25;
	v28 =	vld [tilespmem:s24+$0xFFFFFE50];
	v26 =	vmul.f32 v21, v26;
	v14 =	vsel vm1, v16, v14;
	s0 =	spop (v2sf)  }
0x22f: {  	v16 =	vmul.f32 $1.442695020e+00, v23;
	v25 =	vld [tilespmem:s24+$0xFFFFFE60];
	(xrf2) =	vadd.scan.msk.f32 $0xffff, v29;
	s0 =	smax.f32 s0, $-1.000000000e+01;
	v22, _, _ =	vpop (xrf2)  }
0x230: {  	v23 =	vld [tilespmem:s24+$0xFFFFFE70];
	v13 =	vadd.f32 v26, v13;
	s0 =	smin.f32 s0, $1.000000000e+01;
	(v2sf) =	vpush v22, $0xF;
	v21 =	vpop (erf)  }
0x231: {  	v26 =	vmul.f32 v30, v33;
	v22 =	vld [tilespmem:s18+$0xFFFFFE40];
	v27 =	vmul.f32 v27, v31;
	v29 =	vmov s0  }
0x232: {  	v30 =	vld [tilespmem:s18+$0xFFFFFE50];
	(xrf2) =	vadd.scan.msk.f32 $0xffff, v13;
	v13 =	vbroadcast v16, $0x0;
	v29 =	vmul.f32 $1.442695020e+00, v29;
	v16 =	vsel vm1, v18, v21;
	s0 =	spop (v2sf);
	v18, _, _ =	vpop (xrf2)  }
0x233: {  	v21 =	vld [tilespmem:s18+$0xFFFFFE60];
	v32 =	vadd.f32 v27, v26;
	s0 =	smax.f32 s0, $-1.000000000e+01;
	(v2sf) =	vpush v18, $0xF  }
0x234: {  	v18 =	vld [tilespmem:s18+$0xFFFFFE70];
	v27 =	vbroadcast v29, $0x0;
	s0 =	smin.f32 s0, $1.000000000e+01;
	(erf) = vpow2.f32 v13  }
0x235: {  	v29 =	vld [tilespmem:s24+$0xFFFFFEC0];
	(xrf2) =	vadd.scan.msk.f32 $0xffff, v32;
	v13 =	vmov s0;
	v26 =	vpop (erf)  }
0x236: {  	v22 =	vmul.f32 v22, v24;
	v24 =	vld [tilespmem:s24+$0xFFFFFED0];
	v31, _, _ =	vpop (xrf2);
	v32 =	vmul.f32 $1.442695020e+00, v13;
	v13 =	vsel vm1, v19, v26;
	s0 =	spop (v2sf)  }
0x237: {  	v19 =	vmul.f32 v30, v28;
	v26 =	vld [tilespmem:s24+$0xFFFFFEE0];
	s0 =	smax.f32 s0, $-1.000000000e+01;
	(erf) = vpow2.f32 v27  }
0x238: {  	v21 =	vmul.f32 v21, v25;
	v25 =	vld [tilespmem:s24+$0xFFFFFEF0];
	v27 =	vbroadcast v32, $0x0;
	s0 =	smin.f32 s0, $1.000000000e+01  }
0x239: {  	v19 =	vadd.f32 v19, v22;
	v18 =	vmul.f32 v18, v23;
	v22 =	vld [tilespmem:s18+$0xFFFFFEC0];
	v23, _, _ =	vpop (xrf2);
	v28 =	vmov s0  }
0x23a: {  	v30 =	vld [tilespmem:s18+$0xFFFFFED0];
	v28 =	vmul.f32 $1.442695020e+00, v28;
	(erf) = vpow2.f32 v27;
	s0 =	spop (v2sf)  }
0x23b: {  	v18 =	vadd.f32 v18, v21;
	v21 =	vld [tilespmem:s18+$0xFFFFFEE0];
	(xrf2) =	vadd.scan.msk.f32 $0xffff, v19;
	s0 =	smax.f32 s0, $-1.000000000e+01  }
0x23c: {  	v19 =	vld [tilespmem:s18+$0xFFFFFEF0];
	v27, _, _ =	vpop (xrf2);
	v28 =	vbroadcast v28, $0x0;
	s0 =	smin.f32 s0, $1.000000000e+01  }
0x23d: {  	v32 =	vld [tilespmem:s24+$0xFFFFFF40];
	(v2sf) =	vpush v31, $0xF;
	v31 =	vmov s0;
	v33 =	vpop (erf)  }
0x23e: {  	v22 =	vmul.f32 v22, v29;
	v29 =	vld [tilespmem:s24+$0xFFFFFF50];
	(xrf2) =	vadd.scan.msk.f32 $0xffff, v18;
	(v2sf) =	vpush v23, $0xF;
	v18 =	vmul.f32 $1.442695020e+00, v31  }
0x23f: {  	v17 =	vsel vm2, v33, v17;
	v23 =	vmul.f32 v30, v24;
	v24 =	vld [tilespmem:s24+$0xFFFFFF60];
	(v2sf) =	vpush v27, $0xF;
	v27, _, _ =	vpop (xrf2);
	s0 =	spop (v2sf)  }
0x240: {  	v30 =	vmul.f32 v21, v26;
	v26 =	vld [tilespmem:s24+$0xFFFFFF70];
	(v2sf) =	vpush v27, $0xF;
	s0 =	smax.f32 s0, $-1.000000000e+01;
	[tilespmem:s10+$0xFFFFFFD0] =	vst v17;
	v18 =	vbroadcast v18, $0x0;
	v27 =	vpop (erf)  }
0x241: {  	v22 =	vadd.f32 v23, v22;
	v19 =	vmul.f32 v19, v25;
	v23 =	vld [tilespmem:s18+$0xFFFFFF40];
	s0 =	smin.f32 s0, $1.000000000e+01;
	[tilespmem:v11+s31+$0x0] =	vst.idx.msk $0xf, v17;
	(erf) = vpow2.f32 v28  }
0x242: {  	v20 =	vsel vm2, v27, v20;
	v11 =	vld [tilespmem:s18+$0xFFFFFF50];
	v17 =	vmov s0;
	(erf) = vpow2.f32 v18;
	s0 =	spop (v2sf)  }
0x243: {  	v18 =	vadd.f32 v19, v30;
	v19 =	vld [tilespmem:s18+$0xFFFFFF60];
	(xrf2) =	vadd.scan.msk.f32 $0xffff, v22;
	v17 =	vmul.f32 $1.442695020e+00, v17;
	[tilespmem:s10+$0xFFFFFFE0] =	vst v20;
	s0 =	smax.f32 s0, $-1.000000000e+01;
	v21 =	vpop (erf)  }
0x244: {  	v22 =	vld [tilespmem:s18+$0xFFFFFF70];
	[tilespmem:v7+s31+$0x0] =	vst.idx.msk $0xf, v20;
	v7 =	vsel vm2, v21, v15;
	s0 =	smin.f32 s0, $1.000000000e+01  }
0x245: {  	v15 =	vld [tilespmem:s24+$0xFFFFFFC0];
	v20, _, _ =	vpop (xrf2);
	v17 =	vbroadcast v17, $0x0;
	[tilespmem:s10+$0xFFFFFFF0] =	vst v7;
	v21 =	vmov s0  }
0x246: {  	v23 =	vmul.f32 v23, v32;
	v25 =	vld [tilespmem:s24+$0xFFFFFFD0];
	(v2sf) =	vpush v20, $0xF;
	(xrf2) =	vadd.scan.msk.f32 $0xffff, v18;
	v18 =	vmul.f32 $1.442695020e+00, v21  }
0x247: {  	v11 =	vmul.f32 v11, v29;
	v20 =	vld [tilespmem:s24+$0xFFFFFFE0];
	[tilespmem:v10+s31+$0x0] =	vst.idx.msk $0xf, v7  }
0x248: {  	v7 =	vmul.f32 v19, v24;
	v10 =	vld [tilespmem:s24+$0xFFFFFFF0];
	v19, _, _ =	vpop (xrf2);
	v18 =	vbroadcast v18, $0x0  }
0x249: {  	v11 =	vadd.f32 v11, v23;
	v21 =	vmul.f32 v22, v26;
	v22 =	vld [tilespmem:s18+$0xFFFFFFC0];
	(v2sf) =	vpush v19, $0xF  }
0x24a: {  	v19 =	vld [tilespmem:s18+$0xFFFFFFD0];
	(erf) = vpow2.f32 v17;
	v17 =	vpop (erf)  }
0x24b: {  	v7 =	vadd.f32 v21, v7;
	v21 =	vld [tilespmem:s18+$0xFFFFFFE0];
	(xrf2) =	vadd.scan.msk.f32 $0xffff, v11;
	v11 =	vsel vm2, v17, v14;
	v14 =	vpop (erf);
	(erf) = vpow2.f32 v18  }
0x24c: {  	v17 =	vld [tilespmem:s18+$0xFFFFFFF0];
	s0 =	spop (v2sf);
	[tilespmem:s10+$0x0] =	vst v11;
	v14 =	vsel vm2, v14, v16  }
0x24d: {  	v16 =	vld [tilespmem:s24+$0x40];
	v18, _, _ =	vpop (xrf2);
	s12 =	spop (v2sf);
	[tilespmem:v9+s31+$0x0] =	vst.idx.msk $0xf, v11  }
0x24e: {  	v9 =	vmul.f32 v22, v15;
	v11 =	vld [tilespmem:s24+$0x50];
	(v2sf) =	vpush v18, $0xF;
	(xrf2) =	vadd.scan.msk.f32 $0xffff, v7;
	s16 =	spop (v2sf);
	[tilespmem:s10+$0x10] =	vst v14  }
0x24f: {  	v7 =	vmul.f32 v19, v25;
	v15 =	vld [tilespmem:s24+$0x60];
	s16 =	smax.f32 s16, $-1.000000000e+01;
	s22 =	spop (v2sf);
	[tilespmem:v8+s31+$0x0] =	vst.idx.msk $0xf, v14  }
0x250: {  	v8 =	vmul.f32 v21, v20;
	v14 =	vld [tilespmem:s24+$0x70];
	s16 =	smin.f32 s16, $1.000000000e+01;
	s22 =	smax.f32 s22, $-1.000000000e+01;
	v18, _, _ =	vpop (xrf2)  }
0x251: {  	s12 =	smax.f32 s12, $-1.000000000e+01;
	v21 =	vadd.f32 v7, v9;
	v9 =	vmul.f32 v17, v10;
	v10 =	vld [tilespmem:s18+$0x40];
	v17 =	vmov s16;
	s16 =	smin.f32 s22, $1.000000000e+01  }
0x252: {  	s0 =	smax.f32 s0, $-1.000000000e+01;
	s12 =	smin.f32 s12, $1.000000000e+01;
	v19 =	vld [tilespmem:s18+$0x50];
	v17 =	vmul.f32 $1.442695020e+00, v17;
	v20 =	vmov s16;
	(v2sf) =	vpush v18, $0xF  }
0x253: {  	s0 =	smin.f32 s0, $1.000000000e+01;
	v18 =	vmov s12;
	v8 =	vadd.f32 v9, v8;
	v9 =	vld [tilespmem:s18+$0x60];
	v20 =	vmul.f32 $1.442695020e+00, v20;
	(xrf2) =	vadd.scan.msk.f32 $0xffff, v21;
	v7 =	vpop (erf)  }
0x254: {  	v22 =	vmov s0;
	v18 =	vmul.f32 $1.442695020e+00, v18;
	v21 =	vld [tilespmem:s18+$0x70];
	v17 =	vbroadcast v17, $0x0;
	v23 =	vpop (erf)  }
0x255: {  	v22 =	vmul.f32 $1.442695020e+00, v22;
	v7 =	vsel vm2, v7, v12;
	v24 =	vld [tilespmem:s24+$0xC0];
	v20 =	vbroadcast v20, $0x0;
	s0 =	spop (v2sf);
	v25, _, _ =	vpop (xrf2)  }
0x256: {  	v18 =	vbroadcast v18, $0x0;
	s0 =	smax.f32 s0, $-1.000000000e+01;
	v12 =	vld [tilespmem:s24+$0xD0];
	(v2sf) =	vpush v25, $0xF;
	(erf) = vpow2.f32 v17;
	[tilespmem:s10+$0xFFFFFFC0] =	vst v7  }
0x257: {  	v22 =	vbroadcast v22, $0x0;
	s0 =	smin.f32 s0, $1.000000000e+01;
	v17 =	vld [tilespmem:s24+$0xE0];
	(erf) = vpow2.f32 v20;
	[tilespmem:v6+s31+$0x0] =	vst.idx.msk $0xf, v7;
	v6 =	vsel vm2, v23, v13  }
0x258: {  	v10 =	vmul.f32 v10, v16;
	v7 =	vmov s0;
	v13 =	vld [tilespmem:s24+$0xF0];
	s0 =	spop (v2sf);
	v16, _, _ =	vpop (xrf2);
	(erf) = vpow2.f32 v18;
	[tilespmem:s10+$0x20] =	vst v6  }
0x259: {  	v11 =	vmul.f32 v19, v11;
	s0 =	smax.f32 s0, $-1.000000000e+01;
	v18 =	vld [tilespmem:s18+$0xC0];
	(v2sf) =	vpush v16, $0xF;
	(xrf2) =	vadd.scan.msk.f32 $0xffff, v8;
	(erf) = vpow2.f32 v22  }
0x25a: {  	v8 =	vmul.f32 v9, v15;
	v9 =	vmul.f32 v21, v14;
	s0 =	smin.f32 s0, $1.000000000e+01;
	v14 =	vld [tilespmem:s18+$0xD0];
	[tilespmem:v5+s31+$0x0] =	vst.idx.msk $0xf, v6  }
0x25b: {  	v5 =	vmul.f32 $1.442695020e+00, v7;
	v7 =	vadd.f32 v11, v10;
	v6 =	vmov s0;
	v10 =	vld [tilespmem:s18+$0xE0]  }
0x25c: {  	v8 =	vadd.f32 v9, v8;
	v6 =	vmul.f32 $1.442695020e+00, v6;
	v9 =	vld [tilespmem:s18+$0xF0]  }
0x25d: {  	v19 =	vbroadcast v5, $0x0;
	v11 =	vld [tilespmem:s24+$0x140];
	s0 =	spop (v2sf);
	v15, _, _ =	vpop (xrf2);
	(xrf2) =	vadd.scan.msk.f32 $0xffff, v7  }
0x25e: {  	v6 =	vbroadcast v6, $0x0;
	s0 =	smax.f32 s0, $-1.000000000e+01;
	v7 =	vmul.f32 v18, v24;
	v16 =	vld [tilespmem:s24+$0x150];
	(v2sf) =	vpush v15, $0xF  }
0x25f: {  	s26 =	sadd.s32 $0x20, s26;
	s0 =	smin.f32 s0, $1.000000000e+01;
	v12 =	vmul.f32 v14, v12;
	v14 =	vld [tilespmem:s24+$0x160];
	(erf) = vpow2.f32 v19;
	v5 =	vpop (erf)  }
0x260: {  	s23 =	sadd.s32 $0xFFFFFFE4, s26;
	s28 =	sadd.s32 $0xFFFFFFFC, s26;
	s22 =	sadd.s32 $0xFFFFFFEC, s26;
	v18 =	vadd.s32 s26, v1;
	v15 =	vmov s0;
	v10 =	vmul.f32 v10, v17;
	v17 =	vld [tilespmem:s24+$0x170];
	(xrf2) =	vadd.scan.msk.f32 $0xffff, v8;
	v8 =	vpop (erf)  }
0x261: {  	s12 =	sadd.s32 $0xFFFFFFF0, s26;
	s0 =	sadd.s32 $0xFFFFFFE8, s26;
	v7 =	vadd.f32 v12, v7;
	v9 =	vmul.f32 v9, v13;
	v12 =	vld [tilespmem:s18+$0x140];
	v5 =	vsel vm0, v8, v5;
	s16 =	spop (v2sf);
	v8 =	vpop (erf)  }
0x262: {  	v13 =	vmul.f32 $1.442695020e+00, v15;
	s25 =	smax.f32 s16, $-1.000000000e+01;
	s16 =	sadd.s32 $0xFFFFFFF4, s26;
	v15 =	vld [tilespmem:s18+$0x150];
	v5 =	vsel vm1, v5, v8;
	(erf) = vpow2.f32 v6;
	v6 =	vpop (erf)  }
0x263: {  	s10 =	sadd.s32 $0x80, s10;
	v8 =	vadd.s32 s22, v1;
	s22 =	sadd.s32 $0xFFFFFFF8, s26;
	s25 =	smin.f32 s25, $1.000000000e+01;
	v9 =	vadd.f32 v9, v10;
	v10 =	vld [tilespmem:s18+$0x160];
	v5 =	vsel vm2, v6, v5;
	v6, _, _ =	vpop (xrf2);
	(xrf2) =	vadd.scan.msk.f32 $0xffff, v7  }
0x264: {  	v7 =	vbroadcast v13, $0x0;
	v13 =	vmov s25;
	v19 =	vld [tilespmem:s18+$0x170];
	[tilespmem:s10+$0x30] =	vst v5;
	(v2sf) =	vpush v6, $0xF  }
0x265: {  	v21 =	vand.u32 $0x1F8, v8;
	v20 =	vld [tilespmem:s24+$0xFFFFFE20];
	v6 =	vmul.f32 $1.442695020e+00, v13;
	v13 =	vadd.s32 s28, v1;
	[tilespmem:v18+s31+$0x0] =	vst.idx.msk $0xf, v5;
	s25 =	spop (v2sf)  }
0x266: {  	v18 =	vld [tilespmem:s24+$0xFFFFFE30];
	s25 =	smax.f32 s25, $-1.000000000e+01;
	v5 =	vmul.f32 v12, v11;
	v11 =	vand.u32 $0x3F8, v13;
	(erf) = vpow2.f32 v7;
	(xrf2) =	vadd.scan.msk.f32 $0xffff, v9  }
0x267: {  	v7 =	vor.u32 v2, v21;
	v9 =	vld [tilespmem:s18+$0xFFFFFE20];
	v12 =	vbroadcast v6, $0x0;
	s25 =	smin.f32 s25, $1.000000000e+01;
	v6 =	vmul.f32 v15, v16;
	v8, _, _ =	vpop (xrf2)  }
0x268: {  	v13 =	vld [tilespmem:s18+$0xFFFFFE30];
	v15 =	vmov s25;
	v23 =	vmul.f32 v10, v14;
	v14 =	vpop (erf);
	s25 =	spop (v2sf);
	(v2sf) =	vpush v8, $0xF  }
0x269: {  	v16 =	vld [tilespmem:s24+$0xFFFFFEA0];
	v8 =	vmul.f32 $1.442695020e+00, v15;
	s25 =	smax.f32 s25, $-1.000000000e+01;
	v15 =	vadd.f32 v6, v5;
	v17 =	vmul.f32 v19, v17  }
0x26a: {  	v6 =	vor.u32 s23, v1;
	v5 =	vor.u32 v2, v11;
	v19 =	vld [tilespmem:s24+$0xFFFFFEB0];
	s23 =	smin.f32 s25, $1.000000000e+01;
	(erf) = vpow2.f32 v12;
	v11, _, _ =	vpop (xrf2)  }
0x26b: {  	v21 =	vld [tilespmem:s18+$0xFFFFFEA0];
	v22 =	vmov s23;
	v17 =	vadd.f32 v17, v23;
	v10 =	vpop (erf);
	(v2sf) =	vpush v11, $0xF;
	(xrf2) =	vadd.scan.msk.f32 $0xffff, v15  }
0x26c: {  	v9 =	vmul.f32 v9, v20;
	v12 =	vsel vm0, v10, v14;
	v14 =	vld [tilespmem:s18+$0xFFFFFEB0];
	v10 =	vmul.f32 $1.442695020e+00, v22  }
0x26d: {  	v11 =	vadd.s32 s0, v1;
	v25 =	vbroadcast v8, $0x0;
	v13 =	vmul.f32 v13, v18;
	v15 =	vld [tilespmem:s24+$0xFFFFFF20];
	s0 =	spop (v2sf);
	v8, _, _ =	vpop (xrf2)  }
0x26e: {  	v20 =	vld [tilespmem:s24+$0xFFFFFF30];
	v22 =	vbroadcast v10, $0x0;
	s0 =	smax.f32 s0, $-1.000000000e+01;
	v10 =	vadd.s32 s12, v1;
	(v2sf) =	vpush v8, $0xF;
	(xrf2) =	vadd.scan.msk.f32 $0xffff, v17  }
0x26f: {  	v8 =	vadd.s32 s22, v1;
	v13 =	vadd.f32 v13, v9;
	v17 =	vld [tilespmem:s18+$0xFFFFFF20];
	s0 =	smin.f32 s0, $1.000000000e+01;
	v9 =	vor.u32 s16, v1;
	v23 =	vpop (erf)  }
0x270: {  	v16 =	vmul.f32 v21, v16;
	v21 =	vld [tilespmem:s18+$0xFFFFFF30];
	v24 =	vmov s0;
	(erf) = vpow2.f32 v25;
	v18, _, _ =	vpop (xrf2)  }
0x271: {  	v14 =	vmul.f32 v14, v19;
	v19 =	vld [tilespmem:s24+$0xFFFFFFA0];
	v24 =	vmul.f32 $1.442695020e+00, v24;
	(xrf2) =	vadd.scan.msk.f32 $0xffff, v13;
	(v2sf) =	vpush v18, $0xF  }
0x272: {  	v18 =	vld [tilespmem:s24+$0xFFFFFFB0]  }
0x273: {  	v25 =	vadd.f32 v14, v16;
	v16 =	vld [tilespmem:s18+$0xFFFFFFA0];
	v24 =	vbroadcast v24, $0x0;
	v13 =	vpop (erf);
	(erf) = vpow2.f32 v22;
	s0 =	spop (v2sf)  }
0x274: {  	v13 =	vsel vm0, v13, v23;
	v15 =	vmul.f32 v17, v15;
	v17 =	vld [tilespmem:s18+$0xFFFFFFB0];
	s0 =	smax.f32 s0, $-1.000000000e+01  }
0x275: {  	v20 =	vmul.f32 v21, v20;
	s0 =	smin.f32 s0, $1.000000000e+01;
	v21 =	vld [tilespmem:s24+$0x20];
	(xrf2) =	vadd.scan.msk.f32 $0xffff, v25;
	(erf) = vpow2.f32 v24;
	v14, _, _ =	vpop (xrf2)  }
0x276: {  	v24 =	vmov s0;
	v23 =	vld [tilespmem:s24+$0x30];
	(v2sf) =	vpush v14, $0xF  }
0x277: {  	v25 =	vadd.f32 v20, v15;
	v15 =	vmul.f32 $1.442695020e+00, v24;
	v20 =	vld [tilespmem:s18+$0x20];
	s0 =	spop (v2sf)  }
0x278: {  	v16 =	vmul.f32 v16, v19;
	v19 =	vld [tilespmem:s18+$0x30];
	s0 =	smax.f32 s0, $-1.000000000e+01;
	v22, _, _ =	vpop (xrf2)  }
0x279: {  	v17 =	vmul.f32 v17, v18;
	v15 =	vbroadcast v15, $0x0;
	s0 =	smin.f32 s0, $1.000000000e+01;
	v18 =	vld [tilespmem:s24+$0xA0];
	(xrf2) =	vadd.scan.msk.f32 $0xffff, v25;
	v14 =	vpop (erf);
	(v2sf) =	vpush v22, $0xF  }
0x27a: {  	v22 =	vmov s0;
	v24 =	vld [tilespmem:s24+$0xB0];
	s0 =	spop (v2sf)  }
0x27b: {  	v16 =	vadd.f32 v17, v16;
	v17 =	vmul.f32 $1.442695020e+00, v22;
	s0 =	smax.f32 s0, $-1.000000000e+01;
	v22 =	vld [tilespmem:s18+$0xA0];
	v25, _, _ =	vpop (xrf2);
	(erf) = vpow2.f32 v15  }
0x27c: {  	v15 =	vmul.f32 v20, v21;
	s0 =	smin.f32 s0, $1.000000000e+01;
	v20 =	vld [tilespmem:s18+$0xB0];
	(v2sf) =	vpush v25, $0xF;
	v21 =	vpop (erf)  }
0x27d: {  	v19 =	vmul.f32 v19, v23;
	v17 =	vbroadcast v17, $0x0;
	v27 =	vmov s0;
	v25 =	vld [tilespmem:s24+$0x120];
	(xrf2) =	vadd.scan.msk.f32 $0xffff, v16;
	s0 =	spop (v2sf)  }
0x27e: {  	v14 =	vsel vm0, v21, v14;
	v16 =	vmul.f32 $1.442695020e+00, v27;
	s0 =	smax.f32 s0, $-1.000000000e+01;
	v21 =	vld [tilespmem:s24+$0x130];
	v23 =	vpop (erf)  }
0x27f: {  	v15 =	vadd.f32 v19, v15;
	s0 =	smin.f32 s0, $1.000000000e+01;
	v19 =	vld [tilespmem:s18+$0x120];
	v26, _, _ =	vpop (xrf2);
	(erf) = vpow2.f32 v17  }
0x280: {  	v18 =	vmul.f32 v22, v18;
	v17 =	vmov s0;
	v22 =	vld [tilespmem:s18+$0x130];
	(v2sf) =	vpush v26, $0xF;
	s0 =	spop (v2sf)  }
0x281: {  	v26 =	vld [tilespmem:s24+$0xFFFFFE10];
	v20 =	vmul.f32 v20, v24;
	v28 =	vmul.f32 $1.442695020e+00, v17;
	s0 =	smax.f32 s0, $-1.000000000e+01;
	(xrf2) =	vadd.scan.msk.f32 $0xffff, v15  }
0x282: {  	v16 =	vbroadcast v16, $0x0;
	v17 =	vld [tilespmem:s18+$0xFFFFFE00];
	s0 =	smin.f32 s0, $1.000000000e+01  }
0x283: {  	v27 =	vld [tilespmem:s18+$0xFFFFFE10];
	v18 =	vadd.f32 v20, v18;
	v20 =	vbroadcast v28, $0x0;
	v30 =	vmov s0;
	v24, _, _ =	vpop (xrf2)  }
0x284: {  	v28 =	vld [tilespmem:s24+$0xFFFFFE80];
	v29 =	vmul.f32 $1.442695020e+00, v30;
	v19 =	vmul.f32 v19, v25;
	(v2sf) =	vpush v24, $0xF;
	v15 =	vpop (erf)  }
0x285: {  	v24 =	vld [tilespmem:s24+$0xFFFFFE90];
	v15 =	vsel vm0, v15, v23;
	v23 =	vmul.f32 v22, v21;
	(erf) = vpow2.f32 v16;
	(xrf2) =	vadd.scan.msk.f32 $0xffff, v18;
	s0 =	spop (v2sf)  }
0x286: {  	v16 =	vld [tilespmem:s18+$0xFFFFFE80];
	v18 =	vbroadcast v29, $0x0;
	s0 =	smax.f32 s0, $-1.000000000e+01  }
0x287: {  	v22 =	vld [tilespmem:s18+$0xFFFFFE90];
	v19 =	vadd.f32 v23, v19;
	s0 =	smin.f32 s0, $1.000000000e+01;
	v21, _, _ =	vpop (xrf2);
	(erf) = vpow2.f32 v20  }
0x288: {  	v20 =	vmul.f32 v27, v26;
	v23 =	vld [tilespmem:s24+$0xFFFFFF00];
	v25 =	vmov s0;
	(v2sf) =	vpush v21, $0xF;
	v21 =	vpop (erf);
	s0 =	spop (v2sf)  }
0x289: {  	v26 =	vld [tilespmem:s24+$0xFFFFFF10];
	v25 =	vmul.f32 $1.442695020e+00, v25;
	s0 =	smax.f32 s0, $-1.000000000e+01;
	(erf) = vpow2.f32 v18;
	(xrf2) =	vadd.scan.msk.f32 $0xffff, v19  }
0x28a: {  	v18 =	vld [tilespmem:s18+$0xFFFFFF00];
	s0 =	smin.f32 s0, $1.000000000e+01  }
0x28b: {  	v30 =	vmul.f32 v16, v28;
	v19 =	vld [tilespmem:s18+$0xFFFFFF10];
	v25 =	vbroadcast v25, $0x0;
	v27 =	vmov s0;
	s0 =	spop (v2sf);
	v28, _, _ =	vpop (xrf2)  }
0x28c: {  	s0 =	smax.f32 s0, $-1.000000000e+01;
	v22 =	vmul.f32 v22, v24;
	v24 =	vld [tilespmem:s24+$0xFFFFFF80];
	v27 =	vmul.f32 $1.442695020e+00, v27;
	(v2sf) =	vpush v28, $0xF  }
0x28d: {  	s0 =	smin.f32 s0, $1.000000000e+01;
	v28 =	vld [tilespmem:s24+$0xFFFFFF90];
	(erf) = vpow2.f32 v25  }
0x28e: {  	v25 =	vmov s0;
	v22 =	vadd.f32 v22, v30;
	v29 =	vld [tilespmem:s18+$0xFFFFFF80];
	v27 =	vbroadcast v27, $0x0;
	v16 =	vpop (erf)  }
0x28f: {  	v25 =	vmul.f32 $1.442695020e+00, v25;
	v31 =	vmul.f32 v18, v23;
	v23 =	vld [tilespmem:s18+$0xFFFFFF90];
	v16 =	vsel vm0, v16, v21;
	s0 =	spop (v2sf);
	v21, _, _ =	vpop (xrf2)  }
0x290: {  	s0 =	smax.f32 s0, $-1.000000000e+01;
	v19 =	vmul.f32 v19, v26;
	v26 =	vld [tilespmem:s24+$0x0];
	(xrf2) =	vadd.scan.msk.f32 $0xffff, v22;
	(v2sf) =	vpush v21, $0xF;
	v21 =	vpop (erf);
	(erf) = vpow2.f32 v27  }
0x291: {  	v22 =	vbroadcast v25, $0x0;
	s0 =	smin.f32 s0, $1.000000000e+01;
	v25 =	vld [tilespmem:s24+$0x10]  }
0x292: {  	v27 =	vmov s0;
	v19 =	vadd.f32 v19, v31;
	v30 =	vld [tilespmem:s18+$0x0];
	v18 =	vpop (erf)  }
0x293: {  	v27 =	vmul.f32 $1.442695020e+00, v27;
	v24 =	vmul.f32 v29, v24;
	v29 =	vld [tilespmem:s18+$0x10];
	v18 =	vsel vm0, v18, v21;
	s0 =	spop (v2sf);
	v21, _, _ =	vpop (xrf2)  }
0x294: {  	s0 =	smax.f32 s0, $-1.000000000e+01;
	v23 =	vmul.f32 v23, v28;
	v28 =	vld [tilespmem:s24+$0x80];
	(erf) = vpow2.f32 v22;
	(xrf2) =	vadd.scan.msk.f32 $0xffff, v19;
	(v2sf) =	vpush v21, $0xF  }
0x295: {  	v19 =	vbroadcast v27, $0x0;
	s0 =	smin.f32 s0, $1.000000000e+01;
	v31 =	vld [tilespmem:s24+$0x90]  }
0x296: {  	v21 =	vmov s0;
	v23 =	vadd.f32 v23, v24;
	v27 =	vld [tilespmem:s18+$0x80];
	v32 =	vpop (erf)  }
0x297: {  	v21 =	vmul.f32 $1.442695020e+00, v21;
	v24 =	vmul.f32 v30, v26;
	v30 =	vld [tilespmem:s18+$0x90];
	s0 =	spop (v2sf)  }
.Ltmp6:
0x298: {  	s0 =	smax.f32 s0, $-1.000000000e+01;
	v25 =	vmul.f32 v29, v25;
	v22 =	vld [tilespmem:s24+$0x100];
	(erf) = vpow2.f32 v19;
	(xrf2) =	vadd.scan.msk.f32 $0xffff, v23;
	(pc) =	sbr.rel @p0 .LBB2_9-.Ltmp6, $4  }
0x299: {  	v29 =	vbroadcast v21, $0x0;
	s0 =	smin.f32 s0, $1.000000000e+01;
	v21 =	vld [tilespmem:s24+$0x110];
	v19 =	vpop (erf)  }
0x29a: {  	v23 =	vmov s0;
	v33 =	vadd.f32 v25, v24;
	v24 =	vld [tilespmem:s18+$0x100];
	v19 =	vsel vm0, v19, v32;
	v26, _, _ =	vpop (xrf2)  }
0x29b: {  	v23 =	vmul.f32 $1.442695020e+00, v23;
	v27 =	vmul.f32 v27, v28;
	v25 =	vld [tilespmem:s18+$0x110];
	(v2sf) =	vpush v26, $0xF;
	s0 =	spop (v2sf)  }
0x29c: {  	v26 =	vld [tilespmem:s24+$0xFFFFFE00];
	s0 =	smax.f32 s0, $-1.000000000e+01;
	v28 =	vmul.f32 v30, v31;
	s24 =	sadd.s32 $0x400, s24;
	(erf) = vpow2.f32 v29;
	(xrf2) =	vadd.scan.msk.f32 $0xffff, v33  }
0x29d: {  	_ =	sdelay $0x2  }
0x29e: {  	v27 =	vadd.f32 v28, v27  }
0x29f: {  	v17 =	vmul.f32 v17, v26  }
0x2a0: {  	(xrf2) =	vadd.scan.msk.f32 $0xffff, v27  }
0x2a1: {  	v22 =	vmul.f32 v24, v22;
	v21 =	vmul.f32 v25, v21;
	v17 =	vadd.f32 v20, v17;
	_ =	sdelay $0x1  }
0x2a2: {  	v62, _, _ =	vpop (xrf2);
	v63 =	vadd.f32 v21, v22;
	(xrf2) =	vadd.scan.msk.f32 $0xffff, v17;
	_ =	sdelay $0x1  }
0x2a3: {  	(v2sf) =	vpush v62, $0xF;
	(xrf2) =	vadd.scan.msk.f32 $0xffff, v63;
	_ =	sdelay $0x1  }
0x2a4: {  	v22, _, _ =	vpop (xrf2)  }
0x2a5: {  	(v2sf) =	vpush v22, $0xF  }
0x2a6: {  	v24, _, _ =	vpop (xrf2)  }
0x2a7: {  	(v2sf) =	vpush v24, $0xF;
	v25, _, _ =	vpop (xrf2)  }
0x2a8: {  	(v2sf) =	vpush v25, $0xF;
	_ =	sdelay $0x1  }
0x2a9: {  	v26, _, _ =	vpop (xrf2)  }
0x2aa: {  	(v2sf) =	vpush v26, $0xF  }
0x2ab: {  	v27, _, _ =	vpop (xrf2)  }
0x2ac: {  	s0 =	smin.f32 s0, $1.000000000e+01;
	s11 =	spop (v2sf);
	(v2sf) =	vpush v27, $0xF  }
0x2ad: {  	s11 =	smax.f32 s11, $-1.000000000e+01;
	s12 =	spop (v2sf)  }
0x2ae: {  	v28 =	vmov s0;
	s11 =	smin.f32 s11, $1.000000000e+01;
	s12 =	smax.f32 s12, $-1.000000000e+01  }
0x2af: {  	v29 =	vbroadcast v23, $0x0;
	v30 =	vmov s11;
	v17 =	vmul.f32 $1.442695020e+00, v28;
	s18 =	smin.f32 s12, $1.000000000e+01;
	s16 =	spop (v2sf)  }
0x2b0: {  	v32 =	vmul.f32 $1.442695020e+00, v30;
	s22 =	smax.f32 s16, $-1.000000000e+01;
	s26 =	spop (v2sf)  }
0x2b1: {  	(erf) = vpow2.f32 v29;
	v31 =	vmov s18;
	v17 =	vbroadcast v17, $0x0;
	s23 =	smin.f32 s22, $1.000000000e+01;
	s0 =	smax.f32 s26, $-1.000000000e+01  }
0x2b2: {  	v20 =	vbroadcast v32, $0x0;
	v33 =	vmul.f32 $1.442695020e+00, v31;
	v34 =	vmov s23;
	s0 =	smin.f32 s0, $1.000000000e+01  }
0x2b3: {  	(erf) = vpow2.f32 v17;
	v21 =	vmul.f32 $1.442695020e+00, v34;
	v35 =	vmov s0;
	s24 =	spop (v2sf)  }
0x2b4: {  	v17 =	vbroadcast v33, $0x0;
	v22 =	vmul.f32 $1.442695020e+00, v35;
	s25 =	smax.f32 s24, $-1.000000000e+01  }
0x2b5: {  	(erf) = vpow2.f32 v20;
	v36 =	vbroadcast v21, $0x0;
	s0 =	smin.f32 s25, $1.000000000e+01;
	s26 =	spop (v2sf)  }
0x2b6: {  	(erf) = vpow2.f32 v17;
	v37 =	vbroadcast v22, $0x0;
	v38 =	vmov s0;
	s11 =	smax.f32 s26, $-1.000000000e+01;
	s12 =	spop (v2sf)  }
0x2b7: {  	(erf) = vpow2.f32 v36;
	v39 =	vmul.f32 $1.442695020e+00, v38;
	s0 =	smin.f32 s11, $1.000000000e+01;
	s11 =	smax.f32 s12, $-1.000000000e+01  }
0x2b8: {  	(erf) = vpow2.f32 v37;
	v40 =	vmov s0;
	s16 =	smin.f32 s11, $1.000000000e+01  }
0x2b9: {  	v41 =	vpop (erf);
	v20 =	vbroadcast v39, $0x0;
	v17 =	vmul.f32 $1.442695020e+00, v40;
	v42 =	vmov s16;
	s18 =	spop (v2sf)  }
0x2ba: {  	v43 =	vpop (erf);
	v22 =	vmul.f32 $1.442695020e+00, v42;
	s0 =	smax.f32 s18, $-1.000000000e+01  }
0x2bb: {  	v44 =	vpop (erf);
	(erf) = vpow2.f32 v20;
	v17 =	vbroadcast v17, $0x0;
	s22 =	spop (v2sf);
	s0 =	smin.f32 s0, $1.000000000e+01  }
0x2bc: {  	v45 =	vpop (erf);
	v22 =	vbroadcast v22, $0x0;
	s23 =	smax.f32 s22, $-1.000000000e+01;
	v46 =	vmov s0  }
0x2bd: {  	v47 =	vpop (erf);
	(erf) = vpow2.f32 v17;
	s0 =	smin.f32 s23, $1.000000000e+01;
	v48 =	vmul.f32 $1.442695020e+00, v46  }
0x2be: {  	v49 =	vpop (erf);
	(erf) = vpow2.f32 v22;
	v50 =	vmov s0  }
0x2bf: {  	v51 =	vpop (erf);
	v22 =	vmul.f32 $1.442695020e+00, v50;
	v17 =	vbroadcast v48, $0x0  }
0x2c0: {  	v13 =	vsel vm1, v13, v43;
	v52 =	vpop (erf)  }
0x2c1: {  	v13 =	vsel vm2, v52, v13;
	v22 =	vbroadcast v22, $0x0;
	(erf) = vpow2.f32 v17  }
0x2c2: {  	v14 =	vsel vm1, v14, v44;
	[tilespmem:s10+$0xFFFFFFD0] =	vst v13;
	v53 =	vpop (erf)  }
0x2c3: {  	[tilespmem:v11+s31+$0x0] =	vst.idx.msk $0xf, v13;
	v54 =	vsel vm2, v53, v14;
	(erf) = vpow2.f32 v22  }
0x2c4: {  	v56 =	vsel vm1, v15, v45;
	[tilespmem:s10+$0xFFFFFFE0] =	vst v54;
	v55 =	vpop (erf)  }
0x2c5: {  	[tilespmem:v7+s31+$0x0] =	vst.idx.msk $0xf, v54;
	v7 =	vsel vm2, v55, v56  }
0x2c6: {  	v58 =	vsel vm1, v16, v47;
	[tilespmem:s10+$0xFFFFFFF0] =	vst v7;
	v57 =	vpop (erf)  }
0x2c7: {  	[tilespmem:v10+s31+$0x0] =	vst.idx.msk $0xf, v7;
	v7 =	vsel vm2, v57, v58  }
0x2c8: {  	v59 =	vsel vm1, v18, v49;
	[tilespmem:s10+$0x0] =	vst v7;
	v60 =	vpop (erf)  }
0x2c9: {  	[tilespmem:v9+s31+$0x0] =	vst.idx.msk $0xf, v7;
	v10 =	vsel vm2, v60, v59  }
0x2ca: {  	v7 =	vsel vm1, v12, v41;
	[tilespmem:s10+$0x10] =	vst v10;
	v61 =	vpop (erf)  }
0x2cb: {  	[tilespmem:v8+s31+$0x0] =	vst.idx.msk $0xf, v10;
	v7 =	vsel vm2, v61, v7  }
0x2cc: {  	s24 =	smul.u32 $0x50, s17;
	v62 =	vsel vm1, v19, v51;
	v63 =	vpop (erf);
	[tilespmem:s10+$0xFFFFFFC0] =	vst v7  }
0x2cd: {  	[tilespmem:v6+s31+$0x0] =	vst.idx.msk $0xf, v7;
	v6 =	vsel vm2, v63, v62  }
0x2ce: {  	s0 =	sadd.s32 s8, s24;
	[tilespmem:s10+$0x20] =	vst v6  }
0x2cf: {  	s25 =	simm.s32 $0x55A0;
	s26 =	simm.s32 $0xA640;
	s0 =	sshrl.u32 s0, $0x1;
	[tilespmem:v5+s31+$0x0] =	vst.idx.msk $0xf, v6  }
0x2d0: {  	[spmem:s2] =	stream.indirect.scatter.add.f32 [tilespmem:s26], [sflag:$0x6], $0x10, s25, s21, $0xb8;
	[tilespmem:$0x10680] =	vst v63  }
0x2d1: {  	s0 =	sadd.s32 s1, s0  }
0x2d2: {  	[hbm4b:s0+s3] =	stream.linear.scatter [tilespmem:s31], [sflag:$0x7], $0x140, $0x38;
	[tilespmem:$0x10680] =	vst v63  }
0x2d3: {  	_ =	swait.ge [sflag:s20], $0x140  }
0x2d4: {  	p0 =	sgt.u32 s13, $0x3C;
	[sflag:s20] =	ssyncset.done $0x0  }
0x2d5: {  	s0 =	simm.s32 @!p0 $0x6;
	[sflag:s20] =	ssyncadd.s32 $0xFFFFFEC0  }
0x2d6: {  	_ =	swait.ge @!p0 [sflag:s0], $0x500  }
0x2d7: {  	s10 =	rddreg [dreg:$0xa]  }
0x2d8: {  	[sflag:s0] =	ssyncset.done @!p0 $0x0;
	s10 =	sadd.s32 @!p0 s14, s10  }
0x2d9: {  	[sflag:s0] =	ssyncadd.s32 @!p0 $0xFFFFFB00;
	s0 =	sshrl.u32 @!p0 s10, $0x3  }
0x2da: {  	s12 =	simm.s32 @!p0 $0x55A0;
	s11 =	simm.s32 @!p0 $0x0;
	s10 =	sadd.s32 @!p0 s7, s0  }
0x2db: {  	[tilespmem:s12], [sflag:$0x7] =	stream.linear.gather @!p0 [hbm4b:s10+s11], $0x50, $0x38;
	[tilespmem:$0x10680] =	vst v63  }
0x2dc: {  	s10 =	simm.s32 @!p0 $0x7  }
0x2dd: {  	_ =	swait.ge @!p0 [sflag:s10], $0x50  }
0x2de: {  	[sflag:s10] =	ssyncset.done @!p0 $0x0  }
0x2df: {  	s14 =	simm.s32 @!p0 $0x55F0;
	s0 =	sadd.s32 @!p0 s9, s0;
	[sflag:s10] =	ssyncadd.s32 @!p0 $0xFFFFFFB0  }
0x2e0: {  	[tilespmem:s14], [sflag:$0x7] =	stream.linear.gather @!p0 [hbm4b:s0+s11], $0x50, $0x38;
	[tilespmem:$0x10680] =	vst v63  }
0x2e1: {  	_ =	swait.ge @!p0 [sflag:s10], $0x50  }
.Ltmp7:
0x2e2: {  	[sflag:s10] =	ssyncset.done @!p0 $0x0;
	(pc) =	sbr.rel .LBB2_11-.Ltmp7, $4  }
0x2e3: {  	s0 =	simm.s32 @!p0 $0x50;
	[sflag:s10] =	ssyncadd.s32 @!p0 $0xFFFFFFB0;
	s10 =	simm.s32 @!p0 $0x5640  }
0x2e4: {  	[tilespmem:s10], [sflag:$0x4] =	stream.indirect.gather @!p0 [hbm4b:s5+s0], $0x80, s12, s0, $0xb8;
	[tilespmem:$0x10680] =	vst v63  }
0x2e5: {  	s28 =	simm.s32 $0x28A0;
	s25 =	simm.s32 $0xA0;
	s10 =	simm.s32 @!p0 $0x7E40  }
0x2e6: {  	[tilespmem:s10], [sflag:$0x5] =	stream.indirect.gather @!p0 [hbm4b:s6+s0], $0x80, s14, s0, $0xb8;
	[tilespmem:$0x10680] =	vst v63  }
.LBB2_12:
0x2e7: {  	_ =	swait.ge [sflag:s4], $0x500  }
0x2e8: {  	[sflag:s4] =	ssyncset.done $0x0  }
0x2e9: {  	s10 =	simm.s32 $0x6;
	[sflag:s4] =	ssyncadd.s32 $0xFFFFFB00  }
0x2ea: {  	s0 =	simm.s32 $0x0;
	_ =	swait.ge [sflag:s10], $0x500  }
0x2eb: {  	v5 =	vmov s0;
	[sflag:s10] =	ssyncset.done $0x0  }
0x2ec: {  	v5 =	vshll.u32 v5, $0x4;
	[sflag:s10] =	ssyncadd.s32 $0xFFFFFB00  }
0x2ed: {  	v5 =	vor.u32 v3, v5;
	[bflag:$0x0] =	sbarrier.arrive $0xFFFF  }
0x2ee: {  	v5 =	vor.u32 v4, v5;
	s12 =	rddreg [dreg:$0x5]  }
0x2ef: {  	[tilespmem:s19], [sflag:$0x7] =	stream.linear.gather [spmem:s12], $0x2800, $0x38;
	[tilespmem:$0x10680] =	vst v63  }
0x2f0: {  	_ =	swait.ge [sflag:s20], $0x2800  }
0x2f1: {  	[sflag:s20] =	ssyncset.done $0x0  }
0x2f2: {  	s24 =	simm.s32 $0x4;
	[sflag:s20] =	ssyncadd.s32 $0xFFFFD800  }
0x2f3: {  	v7 =	vld.idx.msk [tilespmem:v5+s19+$0x0], $0xffff;
	v5 =	vmov s24  }
0x2f4: {  	v5 =	vshll.u32 v5, $0x4  }
0x2f5: {  	v5 =	vor.u32 v3, v5  }
0x2f6: {  	v5 =	vor.u32 v4, v5;
	_ =	sdelay $0x2  }
0x2f7: {  	s26 =	simm.s32 $0x8;
	s0 =	simm.s32 $0xAC80  }
0x2f8: {  	v6 =	vmov s26;
	s10 =	simm.s32 $0xC;
	[tilespmem:s0+$0x0] =	vst v7  }
.LBB2_13:
0x2f9: {  	p0 =	sne.s32 s10, $0x27C;
	v6 =	vshll.u32 v6, $0x4;
	v7 =	vld.idx.msk [tilespmem:v5+s19+$0x0], $0xffff  }
0x2fa: {  	v5 =	vor.u32 v3, v6  }
.Ltmp8:
0x2fb: {  	v5 =	vor.u32 v4, v5;
	(pc) =	sbr.rel @p0 .LBB2_13-.Ltmp8, $3  }
0x2fc: {  	_ =	sdelay $0x1  }
0x2fd: {  	s0 =	sadd.s32 $0x10, s0  }
0x2fe: {  	v6 =	vmov s10;
	s10 =	sadd.s32 $0x4, s10;
	[tilespmem:s0+$0x0] =	vst v7  }
0x2ff: {  	_ =	sdelay $0x2  }
0x300: {  	v6 =	vshll.u32 v6, $0x4  }
0x301: {  	v5 =	vld.idx.msk [tilespmem:v5+s19+$0x0], $0xffff;
	v6 =	vor.u32 v3, v6  }
0x302: {  	v6 =	vor.u32 v4, v6;
	_ =	sdelay $0x2  }
0x303: {  	s0 =	sadd.s32 $0x10, s0  }
0x304: {  	[tilespmem:s0+$0x0] =	vst v5  }
0x305: {  	v5 =	vld.idx.msk [tilespmem:v6+s19+$0x0], $0xffff;
	_ =	sdelay $0x3  }
0x306: {  	s0 =	sadd.s32 $0x10, s0  }
0x307: {  	s23 =	rddreg [dreg:$0xb];
	s10 =	simm.s32 $0xAC80;
	[tilespmem:s0+$0x0] =	vst v5  }
0x308: {  	[hbm4b:s23+s3] =	stream.linear.scatter [tilespmem:s10], [sflag:$0x7], $0xA00, $0x38;
	[tilespmem:$0x10680] =	vst v63  }
0x309: {  	_ =	swait.ge [sflag:s20], $0xA00  }
0x30a: {  	s24 =	rddreg [dreg:$0xd]  }
0x30b: {  	s26 =	rddreg [dreg:$0xc];
	s10 =	sadd.s32 $0x1, s24  }
0x30c: {  	p0 =	sne.s32 s10, s26  }
.Ltmp9:
0x30d: {  	_ = 	snop;
	(pc) =	sbr.rel @p0 .LBB2_1-.Ltmp9, $3  }
0x30e: {  	_ =	sdelay $0x1  }
0x30f: {  	[sflag:s20] =	ssyncset.done $0x0  }
0x310: {  	[sflag:s20] =	ssyncadd.s32 $0xFFFFF600  }
0x311: {  	_ =	sfence.sel $0x180000  }
0x312: {  	[bflag:$0x0] =	sbarrier.arrive $0xFFFF  }
0x313: {  	_ =	strace $0x90000047  }
0x314: {  	s0 =	stileid.u32;
	[bflag:$0x2] =	sbarrier.arrive $0xFFFF  }
0x315: {  	p0 =	sne.s32 s0, $0x0;
	s0 =	rddreg [dreg:$0x4]  }
0x316: {  	s0 =	sadd.s32 @!p0 $0x100000, s0  }
0x317: {  	[sflag:s0] =	ssyncadd.tile.s32 @!p0 $0x1;
	_ =	shalt  }
.Lfunc_end2:
_tile_overlayer_lowered:
.L_overlay_start_2:
0x318: {  	(tag) =	ssettag $0x2  }
0x319: {  	s0 =	rddreg [dreg:$0x0];
	s2 =	stileid.u32  }
0x31a: {  	s1 =	rddreg [dreg:$0x1];
	p0 =	sne.s32 s2, $0x0  }
0x31b: {  	s3 =	rddreg [dreg:$0x2];
	[bflag:$0x3] =	sbarrier.arrive $0xFFFF;
	s2 =	simm.s32 @!p0 $0x1C07  }
0x31c: {  	[timem:s3], [sflag:s2] =	dma.local @!p0 [hbm:s0], s1  }
0x31d: {  	s0 =	simm.s32 @!p0 $0x7  }
0x31e: {  	_ =	swait.ge @!p0 [sflag:s0], s1  }
0x31f: {  	s1 =	ssub.s32 @!p0 $0x0, s1;
	[sflag:s0] =	ssyncset.done @!p0 $0x0  }
0x320: {  	[sflag:s0] =	ssyncadd.s32 @!p0 s1  }
0x321: {  	[bflag:$0x3] =	sbarrier.arrive $0xFFFF  }
0x322: {  	_ =	shalt  }

</sc_bundles>
